<compile_context>
chip_gen: v7x
topology: tpu7x:2x2x1
jax: 0.10.2.dev20260603
libtpu: 0.0.44.dev20260713+nightly
codegen_flags: <defaults>
</compile_context>

<pallas_src>
import functools

import jax
import jax.numpy as jnp
from jax import lax
from jax.experimental import pallas as pl
from jax.experimental.pallas import tpu as pltpu
from jax.experimental.pallas import tpu_sc as plsc

FEAT = 128
GATE3 = 3 * FEAT
DEG_P = 4
DEG_C = 20
N_ITER = 2
P_PAD = 10240
C_PAD = 2048
CHUNK = 128

_info = plsc.get_sparse_core_info()
_GDEPTH = 3
_NC = _info.num_cores
_NS = _info.num_subcores
_NW = _NC * _NS


def _make_sc_gather(n_rows_table, n_idx, d):
    per_w = n_idx // _NW
    n_chunks = per_w // CHUNK
    mesh = plsc.VectorSubcoreMesh(core_axis_name="c", subcore_axis_name="s")

    rpt = (-(-n_rows_table // _NS) + 7) // 8 * 8
    stage = True
    nbuf = 6 if n_rows_table * d <= 4096 * FEAT else 2
    gdepth = min(_GDEPTH, nbuf - 1)

    scratch = [pltpu.VMEM((per_w,), jnp.int32)]
    scratch += [pltpu.VMEM((CHUNK, d), jnp.float32) for _ in range(nbuf)]
    if stage:
        scratch += [pltpu.VMEM_SHARED((n_rows_table, d), jnp.float32)]
    scratch += [pltpu.SemaphoreType.DMA for _ in range(2 * nbuf)]

    @functools.partial(
        pl.kernel,
        mesh=mesh,
        out_type=jax.ShapeDtypeStruct((n_idx, d), jnp.float32),
        scratch_types=scratch,
    )
    def gather_kernel(table_hbm, idx_hbm, out_hbm, idx_v, *bufs_sems):
        bufs = bufs_sems[:nbuf]
        rest = bufs_sems[nbuf:]
        if stage:
            shared, rest = rest[0], rest[1:]
        gsems = rest[:nbuf]
        ssems = rest[nbuf:]
        sid = lax.axis_index("s")
        wid = sid * _NC + lax.axis_index("c")
        base = wid * per_w
        if stage:
            row0 = jnp.minimum(sid * rpt, n_rows_table - rpt)
            pltpu.sync_copy(table_hbm.at[pl.ds(row0, rpt)],
                            shared.at[pl.ds(row0, rpt)])
        pltpu.sync_copy(idx_hbm.at[pl.ds(base, per_w)], idx_v)
        if stage:
            plsc.subcore_barrier()
            table_src = shared
        else:
            table_src = table_hbm
        gh = [None] * nbuf
        sh = [None] * nbuf
        for c in range(n_chunks):
            b = c % nbuf
            if c >= nbuf:
                sh[b].wait()
            gh[b] = pltpu.async_copy(
                table_src.at[idx_v.at[pl.ds(c * CHUNK, CHUNK)]], bufs[b], gsems[b])
            if c >= gdepth:
                pb = (c - gdepth) % nbuf
                gh[pb].wait()
                sh[pb] = pltpu.async_copy(
                    bufs[pb], out_hbm.at[pl.ds(base + (c - gdepth) * CHUNK, CHUNK)],
                    ssems[pb])
        for c in range(max(0, n_chunks - gdepth), n_chunks):
            b = c % nbuf
            gh[b].wait()
            sh[b] = pltpu.async_copy(
                bufs[b], out_hbm.at[pl.ds(base + c * CHUNK, CHUNK)], ssems[b])
        for c in range(max(0, n_chunks - nbuf), n_chunks):
            sh[c % nbuf].wait()

    return gather_kernel


_GATHER_CACHE = {}


def _sc_gather(table, idx):
    key = (table.shape[0], idx.shape[0], table.shape[1])
    if key not in _GATHER_CACHE:
        _GATHER_CACHE[key] = _make_sc_gather(*key)
    return _GATHER_CACHE[key](table, idx)


def _gru_gates(gi, gh, h):
    r = jax.nn.sigmoid(gi[:, 0:FEAT] + gh[:, 0:FEAT])
    z = jax.nn.sigmoid(gi[:, FEAT:2 * FEAT] + gh[:, FEAT:2 * FEAT])
    n = jnp.tanh(gi[:, 2 * FEAT:] + r * gh[:, 2 * FEAT:])
    return (1.0 - z) * n + z * h


def _path_body(x_ref, h_ref, wih_ref, whh_ref, bih_ref, bhh_ref, out_ref):
    h = h_ref[...]
    wih = wih_ref[...].astype(jnp.bfloat16)
    whh = whh_ref[...].astype(jnp.bfloat16)
    bih = bih_ref[...]
    bhh = bhh_ref[...]
    for s in range(DEG_P):
        gi = jnp.dot(x_ref[s].astype(jnp.bfloat16), wih,
                     preferred_element_type=jnp.float32) + bih
        gh = jnp.dot(h.astype(jnp.bfloat16), whh,
                     preferred_element_type=jnp.float32) + bhh
        h = _gru_gates(gi, gh, h)
    out_ref[...] = h


def _tc_path(x, h, wih, whh, bih, bhh, block, n_out=P_PAD):
    grid = (n_out // block,)
    return pl.pallas_call(
        _path_body,
        grid=grid,
        in_specs=[
            pl.BlockSpec((DEG_P, block, FEAT), lambda i: (0, i, 0)),
            pl.BlockSpec((block, FEAT), lambda i: (i, 0)),
            pl.BlockSpec((FEAT, GATE3), lambda i: (0, 0)),
            pl.BlockSpec((FEAT, GATE3), lambda i: (0, 0)),
            pl.BlockSpec((1, GATE3), lambda i: (0, 0)),
            pl.BlockSpec((1, GATE3), lambda i: (0, 0)),
        ],
        out_specs=pl.BlockSpec((block, FEAT), lambda i: (i, 0)),
        out_shape=jax.ShapeDtypeStruct((n_out, FEAT), jnp.float32),
    )(x, h, wih, whh, bih, bhh)


def _chan_body(pg_ref, h_ref, wih_ref, whh_ref, bih_ref, bhh_ref, out_ref):
    agg = pg_ref[0]
    for k in range(1, DEG_C):
        agg = agg + pg_ref[k]
    h = h_ref[...]
    gi = jnp.dot(agg.astype(jnp.bfloat16), wih_ref[...].astype(jnp.bfloat16),
                 preferred_element_type=jnp.float32) + bih_ref[...]
    gh = jnp.dot(h.astype(jnp.bfloat16), whh_ref[...].astype(jnp.bfloat16),
                 preferred_element_type=jnp.float32) + bhh_ref[...]
    out_ref[...] = _gru_gates(gi, gh, h)


def _tc_chan(pg, h, wih, whh, bih, bhh, block, n_out=C_PAD):
    grid = (n_out // block,)
    return pl.pallas_call(
        _chan_body,
        grid=grid,
        in_specs=[
            pl.BlockSpec((DEG_C, block, FEAT), lambda i: (0, i, 0)),
            pl.BlockSpec((block, FEAT), lambda i: (i, 0)),
            pl.BlockSpec((FEAT, GATE3), lambda i: (0, 0)),
            pl.BlockSpec((FEAT, GATE3), lambda i: (0, 0)),
            pl.BlockSpec((1, GATE3), lambda i: (0, 0)),
            pl.BlockSpec((1, GATE3), lambda i: (0, 0)),
        ],
        out_specs=pl.BlockSpec((block, FEAT), lambda i: (i, 0)),
        out_shape=jax.ShapeDtypeStruct((n_out, FEAT), jnp.float32),
    )(pg, h, wih, whh, bih, bhh)


def kernel(paths, channels, path_to_channel, channel_to_path,
           W_ih1, W_hh1, b_ih1, b_hh1, W_ih2, W_hh2, b_ih2, b_hh2):
    n_paths, feat = paths.shape
    n_chan = channels.shape[0]

    hp = jnp.pad(paths.astype(jnp.float32), ((0, P_PAD - n_paths), (0, 0)))
    hc = jnp.pad(channels.astype(jnp.float32), ((0, C_PAD - n_chan), (0, 0)))

    ptc = jnp.pad(path_to_channel.astype(jnp.int32), ((0, P_PAD - n_paths), (0, 0)))
    ctp = jnp.pad(channel_to_path.astype(jnp.int32), ((0, C_PAD - n_chan), (0, 0)))
    ptc_flat = ptc.T.reshape(-1)
    ctp_flat = ctp.T.reshape(-1)

    wih1 = W_ih1.T
    whh1 = W_hh1.T
    wih2 = W_ih2.T
    whh2 = W_hh2.T
    bih1 = b_ih1.reshape(1, -1)
    bhh1 = b_hh1.reshape(1, -1)
    bih2 = b_ih2.reshape(1, -1)
    bhh2 = b_hh2.reshape(1, -1)

    for it in range(N_ITER):
        last = it == N_ITER - 1
        xc = _sc_gather(hc, ptc_flat)
        hp = _tc_path(xc.reshape(DEG_P, P_PAD, FEAT), hp,
                      wih1, whh1, bih1, bhh1, block=1024)
        pg = _sc_gather(hp, ctp_flat)
        hc = _tc_chan(pg.reshape(DEG_C, C_PAD, FEAT), hc,
                      wih2, whh2, bih2, bhh2,
                      block=400 if last else 512,
                      n_out=n_chan if last else C_PAD)

    return hp[:n_paths], hc

# --- scband reference (transcript-rebuilt; emitter-appended) ---
"""Pipeline reference for scband-drlpcr-gnn-25546465477020 (READ-ONLY COPY).

The authoritative reference and input builder live on the scoring server;
editing this copy changes nothing except your own understanding.
"""

import jax, jax.numpy as jnp
import numpy as np

FEAT_DIM = 128
NUM_ITERATIONS = 2
NUM_PATHS = 10000
NUM_CHANNELS = 2000
DEG_P = 4
DEG_C = 20


def gru_cell(x, h, W_ih, W_hh, b_ih, b_hh):
    gi = x @ W_ih.T + b_ih
    gh = h @ W_hh.T + b_hh
    i_r, i_z, i_n = jnp.split(gi, 3, axis=-1)
    h_r, h_z, h_n = jnp.split(gh, 3, axis=-1)
    r = jax.nn.sigmoid(i_r + h_r)
    z = jax.nn.sigmoid(i_z + h_z)
    n = jnp.tanh(i_n + r * h_n)
    return (1.0 - z) * n + z * h


def setup_inputs(seed: int = 0) -> dict:
    key = jax.random.key(seed)
    ks = jax.random.split(key, 12)
    bound = 1.0 / np.sqrt(FEAT_DIM)
    paths = jax.random.normal(ks[0], (NUM_PATHS, FEAT_DIM), dtype=jnp.float32)
    channels = jax.random.normal(ks[1], (NUM_CHANNELS, FEAT_DIM), dtype=jnp.float32)
    path_to_channel = jax.random.randint(ks[2], (NUM_PATHS, DEG_P), 0, NUM_CHANNELS, dtype=jnp.int64 if jax.config.jax_enable_x64 else jnp.int32)
    channel_to_path = jax.random.randint(ks[3], (NUM_CHANNELS, DEG_C), 0, NUM_PATHS, dtype=jnp.int64 if jax.config.jax_enable_x64 else jnp.int32)
    def u(k, shape):
        return jax.random.uniform(k, shape, dtype=jnp.float32, minval=-bound, maxval=bound)
    W_ih1 = u(ks[4], (3 * FEAT_DIM, FEAT_DIM))
    W_hh1 = u(ks[5], (3 * FEAT_DIM, FEAT_DIM))
    b_ih1 = u(ks[6], (3 * FEAT_DIM,))
    b_hh1 = u(ks[7], (3 * FEAT_DIM,))
    W_ih2 = u(ks[8], (3 * FEAT_DIM, FEAT_DIM))
    W_hh2 = u(ks[9], (3 * FEAT_DIM, FEAT_DIM))
    b_ih2 = u(ks[10], (3 * FEAT_DIM,))
    b_hh2 = u(ks[11], (3 * FEAT_DIM,))
    return {
        "paths": paths,
        "channels": channels,
        "path_to_channel": path_to_channel,
        "channel_to_path": channel_to_path,
        "W_ih1": W_ih1, "W_hh1": W_hh1, "b_ih1": b_ih1, "b_hh1": b_hh1,
        "W_ih2": W_ih2, "W_hh2": W_hh2, "b_ih2": b_ih2, "b_hh2": b_hh2,
    }


def reference(paths, channels, path_to_channel, channel_to_path,
              W_ih1, W_hh1, b_ih1, b_hh1, W_ih2, W_hh2, b_ih2, b_hh2):
    h_paths = paths
    h_channels = channels
    for _ in range(NUM_ITERATIONS):
        # Path update: each path runs a sequential GRU over its incident channels
        for d in range(path_to_channel.shape[1]):
            gru_in = jnp.take(h_channels, path_to_channel[:, d], axis=0)
            h_paths = gru_cell(gru_in, h_paths, W_ih1, W_hh1, b_ih1, b_hh1)
        # Channel update: sum-aggregate incident path states, one GRU step
        aggregated = jnp.take(h_paths, channel_to_path, axis=0).sum(axis=1)
        h_channels = gru_cell(aggregated, h_channels, W_ih2, W_hh2, b_ih2, b_hh2)
    return (h_paths, h_channels)

if __name__ == "__main__":
    import jax
    _d = setup_inputs()
    print(jax.jit(kernel)(*tuple(_d.values())))

</pallas_src>

<mosaic_0001>
#map = affine_map<(d0, d1) -> (0, 0)>
#map1 = affine_map<(d0, d1) -> (0)>
module attributes {stable_mosaic.version = 14 : i64} {
  func.func @gather_kernel(%arg0: i32, %arg1: i32, %arg2: memref<2048x128xf32, #tpu.memory_space<hbm>>, %arg3: memref<40960xi32, #tpu.memory_space<hbm>>, %arg4: memref<40960x128xf32, #tpu.memory_space<hbm>>, %arg5: memref<1280xi32, #tpu.memory_space<vmem>>, %arg6: memref<128x128xf32, #tpu.memory_space<vmem>>, %arg7: memref<128x128xf32, #tpu.memory_space<vmem>>, %arg8: memref<128x128xf32, #tpu.memory_space<vmem>>, %arg9: memref<128x128xf32, #tpu.memory_space<vmem>>, %arg10: memref<128x128xf32, #tpu.memory_space<vmem>>, %arg11: memref<128x128xf32, #tpu.memory_space<vmem>>, %arg12: memref<2048x128xf32, #tpu.memory_space<vmem_shared>>, %arg13: memref<!tpu.dma_semaphore, #tpu.memory_space<semaphore_mem>>, %arg14: memref<!tpu.dma_semaphore, #tpu.memory_space<semaphore_mem>>, %arg15: memref<!tpu.dma_semaphore, #tpu.memory_space<semaphore_mem>>, %arg16: memref<!tpu.dma_semaphore, #tpu.memory_space<semaphore_mem>>, %arg17: memref<!tpu.dma_semaphore, #tpu.memory_space<semaphore_mem>>, %arg18: memref<!tpu.dma_semaphore, #tpu.memory_space<semaphore_mem>>, %arg19: memref<!tpu.dma_semaphore, #tpu.memory_space<semaphore_mem>>, %arg20: memref<!tpu.dma_semaphore, #tpu.memory_space<semaphore_mem>>, %arg21: memref<!tpu.dma_semaphore, #tpu.memory_space<semaphore_mem>>, %arg22: memref<!tpu.dma_semaphore, #tpu.memory_space<semaphore_mem>>, %arg23: memref<!tpu.dma_semaphore, #tpu.memory_space<semaphore_mem>>, %arg24: memref<!tpu.dma_semaphore, #tpu.memory_space<semaphore_mem>>) attributes {dimension_semantics = [#tpu.dimension_semantics<core_parallel>, #tpu.dimension_semantics<subcore_parallel>], iteration_bounds = array<i64: 2, 16>, scalar_prefetch = 0 : i64, scratch_operands = 20 : i64, tpu.core_type = #tpu.core_type<sc_vector_subcore>, window_params = [{transform_indices = #map}, {transform_indices = #map1}, {transform_indices = #map}]} {
    %mul3A = arith.constant 2 : i32
    %mul3A_0 = arith.muli %arg1, %mul3A : i32
    %add3A = arith.addi %mul3A_0, %arg0 : i32
    %mul3A_1 = arith.constant 1280 : i32
    %mul3A_2 = arith.muli %add3A, %mul3A_1 : i32
    %mul3A_3 = arith.constant 128 : i32
    %mul3A_4 = arith.muli %arg1, %mul3A_3 : i32
    %min3A = arith.constant 1920 : i32
    %min3A_5 = arith.minsi %mul3A_4, %min3A : i32
    "tpu.region"() ({
      %run_scoped3A = tpu.sem_alloc : memref<!tpu.dma_semaphore, #tpu.memory_space<semaphore_mem>>
      %dma_start3A_204 = arith.constant 0 : i32
      %dma_start3A_205 = tpu.memref_slice %arg12[%min3A_5, %dma_start3A_204] : memref<2048x128xf32, #tpu.memory_space<vmem_shared>> -> memref<128x128xf32, #tpu.memory_space<vmem_shared>>
      %dma_start3A_206 = arith.constant 0 : i32
      %dma_start3A_207 = tpu.memref_slice %arg2[%min3A_5, %dma_start3A_206] : memref<2048x128xf32, #tpu.memory_space<hbm>> -> memref<128x128xf32, #tpu.memory_space<hbm>>
      tpu.enqueue_dma source(%dma_start3A_207 : memref<128x128xf32, #tpu.memory_space<hbm>>) target(%dma_start3A_205 : memref<128x128xf32, #tpu.memory_space<vmem_shared>>) target_semaphore(%run_scoped3A : memref<!tpu.dma_semaphore, #tpu.memory_space<semaphore_mem>>)
      %dma_wait3A_208 = arith.constant 0 : i32
      %dma_wait3A_209 = tpu.memref_slice %arg12[%min3A_5, %dma_wait3A_208] : memref<2048x128xf32, #tpu.memory_space<vmem_shared>> -> memref<128x128xf32, #tpu.memory_space<vmem_shared>>
      %dma_wait3A_210 = arith.constant 0 : i32
      %dma_wait3A_211 = tpu.memref_slice %arg2[%min3A_5, %dma_wait3A_210] : memref<2048x128xf32, #tpu.memory_space<hbm>> -> memref<128x128xf32, #tpu.memory_space<hbm>>
      tpu.wait_dma2 semaphore(%run_scoped3A : memref<!tpu.dma_semaphore, #tpu.memory_space<semaphore_mem>>) src(%dma_wait3A_211 : memref<128x128xf32, #tpu.memory_space<hbm>>) dst(%dma_wait3A_209 : memref<128x128xf32, #tpu.memory_space<vmem_shared>>)
      tpu.yield
    }) : () -> ()
    "tpu.region"() ({
      %run_scoped3A = tpu.sem_alloc : memref<!tpu.dma_semaphore, #tpu.memory_space<semaphore_mem>>
      %dma_start3A_204 = tpu.memref_slice %arg3[%mul3A_2] : memref<40960xi32, #tpu.memory_space<hbm>> -> memref<1280xi32, #tpu.memory_space<hbm>>
      %dma_start3A_205 = tpu.memref_slice %arg3[%mul3A_2] : memref<40960xi32, #tpu.memory_space<hbm>> -> memref<1280xi32, #tpu.memory_space<hbm>>
      tpu.enqueue_dma source(%dma_start3A_205 : memref<1280xi32, #tpu.memory_space<hbm>>) target(%arg5 : memref<1280xi32, #tpu.memory_space<vmem>>) target_semaphore(%run_scoped3A : memref<!tpu.dma_semaphore, #tpu.memory_space<semaphore_mem>>)
      %dma_wait3A_206 = tpu.memref_slice %arg3[%mul3A_2] : memref<40960xi32, #tpu.memory_space<hbm>> -> memref<1280xi32, #tpu.memory_space<hbm>>
      %dma_wait3A_207 = tpu.memref_slice %arg3[%mul3A_2] : memref<40960xi32, #tpu.memory_space<hbm>> -> memref<1280xi32, #tpu.memory_space<hbm>>
      tpu.wait_dma2 semaphore(%run_scoped3A : memref<!tpu.dma_semaphore, #tpu.memory_space<semaphore_mem>>) src(%dma_wait3A_207 : memref<1280xi32, #tpu.memory_space<hbm>>) dst(%arg5 : memref<1280xi32, #tpu.memory_space<vmem>>)
      tpu.yield
    }) : () -> ()
    %barrier3A = arith.constant 0 : index
    tpu.barrier barrier_id(%barrier3A)
    %dma_start3A = arith.constant 0 : i32
    %dma_start3A_6 = tpu.memref_slice %arg5[%dma_start3A] : memref<1280xi32, #tpu.memory_space<vmem>> -> memref<128xi32, #tpu.memory_space<vmem>>
    %dma_start3A_7 = arith.constant 0 : i32
    %dma_start3A_8 = arith.constant 0 : i32
    %dma_start3A_9 = tpu.memref_slice %arg12[%dma_start3A_7, %dma_start3A_8] : memref<2048x128xf32, #tpu.memory_space<vmem_shared>> -> memref<2048x128xf32, #tpu.memory_space<vmem_shared>>
    tpu.enqueue_indirect_dma source(%dma_start3A_9 : memref<2048x128xf32, #tpu.memory_space<vmem_shared>>) target(%arg6 : memref<128x128xf32, #tpu.memory_space<vmem>>) offsets(%dma_start3A_6 : memref<128xi32, #tpu.memory_space<vmem>>) semaphore(%arg13 : memref<!tpu.dma_semaphore, #tpu.memory_space<semaphore_mem>>)
    %dma_start3A_10 = arith.constant 128 : i32
    %dma_start3A_11 = tpu.memref_slice %arg5[%dma_start3A_10] : memref<1280xi32, #tpu.memory_space<vmem>> -> memref<128xi32, #tpu.memory_space<vmem>>
    %dma_start3A_12 = arith.constant 0 : i32
    %dma_start3A_13 = arith.constant 0 : i32
    %dma_start3A_14 = tpu.memref_slice %arg12[%dma_start3A_12, %dma_start3A_13] : memref<2048x128xf32, #tpu.memory_space<vmem_shared>> -> memref<2048x128xf32, #tpu.memory_space<vmem_shared>>
    tpu.enqueue_indirect_dma source(%dma_start3A_14 : memref<2048x128xf32, #tpu.memory_space<vmem_shared>>) target(%arg7 : memref<128x128xf32, #tpu.memory_space<vmem>>) offsets(%dma_start3A_11 : memref<128xi32, #tpu.memory_space<vmem>>) semaphore(%arg14 : memref<!tpu.dma_semaphore, #tpu.memory_space<semaphore_mem>>)
    %dma_start3A_15 = arith.constant 256 : i32
    %dma_start3A_16 = tpu.memref_slice %arg5[%dma_start3A_15] : memref<1280xi32, #tpu.memory_space<vmem>> -> memref<128xi32, #tpu.memory_space<vmem>>
    %dma_start3A_17 = arith.constant 0 : i32
    %dma_start3A_18 = arith.constant 0 : i32
    %dma_start3A_19 = tpu.memref_slice %arg12[%dma_start3A_17, %dma_start3A_18] : memref<2048x128xf32, #tpu.memory_space<vmem_shared>> -> memref<2048x128xf32, #tpu.memory_space<vmem_shared>>
    tpu.enqueue_indirect_dma source(%dma_start3A_19 : memref<2048x128xf32, #tpu.memory_space<vmem_shared>>) target(%arg8 : memref<128x128xf32, #tpu.memory_space<vmem>>) offsets(%dma_start3A_16 : memref<128xi32, #tpu.memory_space<vmem>>) semaphore(%arg15 : memref<!tpu.dma_semaphore, #tpu.memory_space<semaphore_mem>>)
    %dma_start3A_20 = arith.constant 384 : i32
    %dma_start3A_21 = tpu.memref_slice %arg5[%dma_start3A_20] : memref<1280xi32, #tpu.memory_space<vmem>> -> memref<128xi32, #tpu.memory_space<vmem>>
    %dma_start3A_22 = arith.constant 0 : i32
    %dma_start3A_23 = arith.constant 0 : i32
    %dma_start3A_24 = tpu.memref_slice %arg12[%dma_start3A_22, %dma_start3A_23] : memref<2048x128xf32, #tpu.memory_space<vmem_shared>> -> memref<2048x128xf32, #tpu.memory_space<vmem_shared>>
    tpu.enqueue_indirect_dma source(%dma_start3A_24 : memref<2048x128xf32, #tpu.memory_space<vmem_shared>>) target(%arg9 : memref<128x128xf32, #tpu.memory_space<vmem>>) offsets(%dma_start3A_21 : memref<128xi32, #tpu.memory_space<vmem>>) semaphore(%arg16 : memref<!tpu.dma_semaphore, #tpu.memory_space<semaphore_mem>>)
    %dma_wait3A = arith.constant 0 : i32
    %dma_wait3A_25 = tpu.memref_slice %arg5[%dma_wait3A] : memref<1280xi32, #tpu.memory_space<vmem>> -> memref<128xi32, #tpu.memory_space<vmem>>
    %dma_wait3A_26 = arith.constant 0 : i32
    %dma_wait3A_27 = arith.constant 0 : i32
    %dma_wait3A_28 = tpu.memref_slice %arg12[%dma_wait3A_26, %dma_wait3A_27] : memref<2048x128xf32, #tpu.memory_space<vmem_shared>> -> memref<2048x128xf32, #tpu.memory_space<vmem_shared>>
    tpu.wait_indirect_dma semaphore(%arg13 : memref<!tpu.dma_semaphore, #tpu.memory_space<semaphore_mem>>) src(%dma_wait3A_28 : memref<2048x128xf32, #tpu.memory_space<vmem_shared>>) dst(%arg6 : memref<128x128xf32, #tpu.memory_space<vmem>>)
    %add3A_29 = arith.constant 0 : i32
    %add3A_30 = arith.addi %mul3A_2, %add3A_29 : i32
    %dma_start3A_31 = arith.constant 0 : i32
    %dma_start3A_32 = tpu.memref_slice %arg4[%add3A_30, %dma_start3A_31] : memref<40960x128xf32, #tpu.memory_space<hbm>> -> memref<128x128xf32, #tpu.memory_space<hbm>>
    %dma_start3A_33 = arith.constant 0 : i32
    %dma_start3A_34 = tpu.memref_slice %arg4[%add3A_30, %dma_start3A_33] : memref<40960x128xf32, #tpu.memory_space<hbm>> -> memref<128x128xf32, #tpu.memory_space<hbm>>
    tpu.enqueue_dma source(%arg6 : memref<128x128xf32, #tpu.memory_space<vmem>>) target(%dma_start3A_34 : memref<128x128xf32, #tpu.memory_space<hbm>>) target_semaphore(%arg19 : memref<!tpu.dma_semaphore, #tpu.memory_space<semaphore_mem>>)
    %dma_start3A_35 = arith.constant 512 : i32
    %dma_start3A_36 = tpu.memref_slice %arg5[%dma_start3A_35] : memref<1280xi32, #tpu.memory_space<vmem>> -> memref<128xi32, #tpu.memory_space<vmem>>
    %dma_start3A_37 = arith.constant 0 : i32
    %dma_start3A_38 = arith.constant 0 : i32
    %dma_start3A_39 = tpu.memref_slice %arg12[%dma_start3A_37, %dma_start3A_38] : memref<2048x128xf32, #tpu.memory_space<vmem_shared>> -> memref<2048x128xf32, #tpu.memory_space<vmem_shared>>
    tpu.enqueue_indirect_dma source(%dma_start3A_39 : memref<2048x128xf32, #tpu.memory_space<vmem_shared>>) target(%arg10 : memref<128x128xf32, #tpu.memory_space<vmem>>) offsets(%dma_start3A_36 : memref<128xi32, #tpu.memory_space<vmem>>) semaphore(%arg17 : memref<!tpu.dma_semaphore, #tpu.memory_space<semaphore_mem>>)
    %dma_wait3A_40 = arith.constant 128 : i32
    %dma_wait3A_41 = tpu.memref_slice %arg5[%dma_wait3A_40] : memref<1280xi32, #tpu.memory_space<vmem>> -> memref<128xi32, #tpu.memory_space<vmem>>
    %dma_wait3A_42 = arith.constant 0 : i32
    %dma_wait3A_43 = arith.constant 0 : i32
    %dma_wait3A_44 = tpu.memref_slice %arg12[%dma_wait3A_42, %dma_wait3A_43] : memref<2048x128xf32, #tpu.memory_space<vmem_shared>> -> memref<2048x128xf32, #tpu.memory_space<vmem_shared>>
    tpu.wait_indirect_dma semaphore(%arg14 : memref<!tpu.dma_semaphore, #tpu.memory_space<semaphore_mem>>) src(%dma_wait3A_44 : memref<2048x128xf32, #tpu.memory_space<vmem_shared>>) dst(%arg7 : memref<128x128xf32, #tpu.memory_space<vmem>>)
    %add3A_45 = arith.constant 128 : i32
    %add3A_46 = arith.addi %mul3A_2, %add3A_45 : i32
    %dma_start3A_47 = arith.constant 0 : i32
    %dma_start3A_48 = tpu.memref_slice %arg4[%add3A_46, %dma_start3A_47] : memref<40960x128xf32, #tpu.memory_space<hbm>> -> memref<128x128xf32, #tpu.memory_space<hbm>>
    %dma_start3A_49 = arith.constant 0 : i32
    %dma_start3A_50 = tpu.memref_slice %arg4[%add3A_46, %dma_start3A_49] : memref<40960x128xf32, #tpu.memory_space<hbm>> -> memref<128x128xf32, #tpu.memory_space<hbm>>
    tpu.enqueue_dma source(%arg7 : memref<128x128xf32, #tpu.memory_space<vmem>>) target(%dma_start3A_50 : memref<128x128xf32, #tpu.memory_space<hbm>>) target_semaphore(%arg20 : memref<!tpu.dma_semaphore, #tpu.memory_space<semaphore_mem>>)
    %dma_start3A_51 = arith.constant 640 : i32
    %dma_start3A_52 = tpu.memref_slice %arg5[%dma_start3A_51] : memref<1280xi32, #tpu.memory_space<vmem>> -> memref<128xi32, #tpu.memory_space<vmem>>
    %dma_start3A_53 = arith.constant 0 : i32
    %dma_start3A_54 = arith.constant 0 : i32
    %dma_start3A_55 = tpu.memref_slice %arg12[%dma_start3A_53, %dma_start3A_54] : memref<2048x128xf32, #tpu.memory_space<vmem_shared>> -> memref<2048x128xf32, #tpu.memory_space<vmem_shared>>
    tpu.enqueue_indirect_dma source(%dma_start3A_55 : memref<2048x128xf32, #tpu.memory_space<vmem_shared>>) target(%arg11 : memref<128x128xf32, #tpu.memory_space<vmem>>) offsets(%dma_start3A_52 : memref<128xi32, #tpu.memory_space<vmem>>) semaphore(%arg18 : memref<!tpu.dma_semaphore, #tpu.memory_space<semaphore_mem>>)
    %dma_wait3A_56 = arith.constant 256 : i32
    %dma_wait3A_57 = tpu.memref_slice %arg5[%dma_wait3A_56] : memref<1280xi32, #tpu.memory_space<vmem>> -> memref<128xi32, #tpu.memory_space<vmem>>
    %dma_wait3A_58 = arith.constant 0 : i32
    %dma_wait3A_59 = arith.constant 0 : i32
    %dma_wait3A_60 = tpu.memref_slice %arg12[%dma_wait3A_58, %dma_wait3A_59] : memref<2048x128xf32, #tpu.memory_space<vmem_shared>> -> memref<2048x128xf32, #tpu.memory_space<vmem_shared>>
    tpu.wait_indirect_dma semaphore(%arg15 : memref<!tpu.dma_semaphore, #tpu.memory_space<semaphore_mem>>) src(%dma_wait3A_60 : memref<2048x128xf32, #tpu.memory_space<vmem_shared>>) dst(%arg8 : memref<128x128xf32, #tpu.memory_space<vmem>>)
    %add3A_61 = arith.constant 256 : i32
    %add3A_62 = arith.addi %mul3A_2, %add3A_61 : i32
    %dma_start3A_63 = arith.constant 0 : i32
    %dma_start3A_64 = tpu.memref_slice %arg4[%add3A_62, %dma_start3A_63] : memref<40960x128xf32, #tpu.memory_space<hbm>> -> memref<128x128xf32, #tpu.memory_space<hbm>>
    %dma_start3A_65 = arith.constant 0 : i32
    %dma_start3A_66 = tpu.memref_slice %arg4[%add3A_62, %dma_start3A_65] : memref<40960x128xf32, #tpu.memory_space<hbm>> -> memref<128x128xf32, #tpu.memory_space<hbm>>
    tpu.enqueue_dma source(%arg8 : memref<128x128xf32, #tpu.memory_space<vmem>>) target(%dma_start3A_66 : memref<128x128xf32, #tpu.memory_space<hbm>>) target_semaphore(%arg21 : memref<!tpu.dma_semaphore, #tpu.memory_space<semaphore_mem>>)
    %dma_wait3A_67 = arith.constant 0 : i32
    %dma_wait3A_68 = tpu.memref_slice %arg4[%add3A_30, %dma_wait3A_67] : memref<40960x128xf32, #tpu.memory_space<hbm>> -> memref<128x128xf32, #tpu.memory_space<hbm>>
    %dma_wait3A_69 = arith.constant 0 : i32
    %dma_wait3A_70 = tpu.memref_slice %arg4[%add3A_30, %dma_wait3A_69] : memref<40960x128xf32, #tpu.memory_space<hbm>> -> memref<128x128xf32, #tpu.memory_space<hbm>>
    tpu.wait_dma2 semaphore(%arg19 : memref<!tpu.dma_semaphore, #tpu.memory_space<semaphore_mem>>) src(%arg6 : memref<128x128xf32, #tpu.memory_space<vmem>>) dst(%dma_wait3A_70 : memref<128x128xf32, #tpu.memory_space<hbm>>)
    %dma_start3A_71 = arith.constant 768 : i32
    %dma_start3A_72 = tpu.memref_slice %arg5[%dma_start3A_71] : memref<1280xi32, #tpu.memory_space<vmem>> -> memref<128xi32, #tpu.memory_space<vmem>>
    %dma_start3A_73 = arith.constant 0 : i32
    %dma_start3A_74 = arith.constant 0 : i32
    %dma_start3A_75 = tpu.memref_slice %arg12[%dma_start3A_73, %dma_start3A_74] : memref<2048x128xf32, #tpu.memory_space<vmem_shared>> -> memref<2048x128xf32, #tpu.memory_space<vmem_shared>>
    tpu.enqueue_indirect_dma source(%dma_start3A_75 : memref<2048x128xf32, #tpu.memory_space<vmem_shared>>) target(%arg6 : memref<128x128xf32, #tpu.memory_space<vmem>>) offsets(%dma_start3A_72 : memref<128xi32, #tpu.memory_space<vmem>>) semaphore(%arg13 : memref<!tpu.dma_semaphore, #tpu.memory_space<semaphore_mem>>)
    %dma_wait3A_76 = arith.constant 384 : i32
    %dma_wait3A_77 = tpu.memref_slice %arg5[%dma_wait3A_76] : memref<1280xi32, #tpu.memory_space<vmem>> -> memref<128xi32, #tpu.memory_space<vmem>>
    %dma_wait3A_78 = arith.constant 0 : i32
    %dma_wait3A_79 = arith.constant 0 : i32
    %dma_wait3A_80 = tpu.memref_slice %arg12[%dma_wait3A_78, %dma_wait3A_79] : memref<2048x128xf32, #tpu.memory_space<vmem_shared>> -> memref<2048x128xf32, #tpu.memory_space<vmem_shared>>
    tpu.wait_indirect_dma semaphore(%arg16 : memref<!tpu.dma_semaphore, #tpu.memory_space<semaphore_mem>>) src(%dma_wait3A_80 : memref<2048x128xf32, #tpu.memory_space<vmem_shared>>) dst(%arg9 : memref<128x128xf32, #tpu.memory_space<vmem>>)
    %add3A_81 = arith.constant 384 : i32
    %add3A_82 = arith.addi %mul3A_2, %add3A_81 : i32
    %dma_start3A_83 = arith.constant 0 : i32
    %dma_start3A_84 = tpu.memref_slice %arg4[%add3A_82, %dma_start3A_83] : memref<40960x128xf32, #tpu.memory_space<hbm>> -> memref<128x128xf32, #tpu.memory_space<hbm>>
    %dma_start3A_85 = arith.constant 0 : i32
    %dma_start3A_86 = tpu.memref_slice %arg4[%add3A_82, %dma_start3A_85] : memref<40960x128xf32, #tpu.memory_space<hbm>> -> memref<128x128xf32, #tpu.memory_space<hbm>>
    tpu.enqueue_dma source(%arg9 : memref<128x128xf32, #tpu.memory_space<vmem>>) target(%dma_start3A_86 : memref<128x128xf32, #tpu.memory_space<hbm>>) target_semaphore(%arg22 : memref<!tpu.dma_semaphore, #tpu.memory_space<semaphore_mem>>)
    %dma_wait3A_87 = arith.constant 0 : i32
    %dma_wait3A_88 = tpu.memref_slice %arg4[%add3A_46, %dma_wait3A_87] : memref<40960x128xf32, #tpu.memory_space<hbm>> -> memref<128x128xf32, #tpu.memory_space<hbm>>
    %dma_wait3A_89 = arith.constant 0 : i32
    %dma_wait3A_90 = tpu.memref_slice %arg4[%add3A_46, %dma_wait3A_89] : memref<40960x128xf32, #tpu.memory_space<hbm>> -> memref<128x128xf32, #tpu.memory_space<hbm>>
    tpu.wait_dma2 semaphore(%arg20 : memref<!tpu.dma_semaphore, #tpu.memory_space<semaphore_mem>>) src(%arg7 : memref<128x128xf32, #tpu.memory_space<vmem>>) dst(%dma_wait3A_90 : memref<128x128xf32, #tpu.memory_space<hbm>>)
    %dma_start3A_91 = arith.constant 896 : i32
    %dma_start3A_92 = tpu.memref_slice %arg5[%dma_start3A_91] : memref<1280xi32, #tpu.memory_space<vmem>> -> memref<128xi32, #tpu.memory_space<vmem>>
    %dma_start3A_93 = arith.constant 0 : i32
    %dma_start3A_94 = arith.constant 0 : i32
    %dma_start3A_95 = tpu.memref_slice %arg12[%dma_start3A_93, %dma_start3A_94] : memref<2048x128xf32, #tpu.memory_space<vmem_shared>> -> memref<2048x128xf32, #tpu.memory_space<vmem_shared>>
    tpu.enqueue_indirect_dma source(%dma_start3A_95 : memref<2048x128xf32, #tpu.memory_space<vmem_shared>>) target(%arg7 : memref<128x128xf32, #tpu.memory_space<vmem>>) offsets(%dma_start3A_92 : memref<128xi32, #tpu.memory_space<vmem>>) semaphore(%arg14 : memref<!tpu.dma_semaphore, #tpu.memory_space<semaphore_mem>>)
    %dma_wait3A_96 = arith.constant 512 : i32
    %dma_wait3A_97 = tpu.memref_slice %arg5[%dma_wait3A_96] : memref<1280xi32, #tpu.memory_space<vmem>> -> memref<128xi32, #tpu.memory_space<vmem>>
    %dma_wait3A_98 = arith.constant 0 : i32
    %dma_wait3A_99 = arith.constant 0 : i32
    %dma_wait3A_100 = tpu.memref_slice %arg12[%dma_wait3A_98, %dma_wait3A_99] : memref<2048x128xf32, #tpu.memory_space<vmem_shared>> -> memref<2048x128xf32, #tpu.memory_space<vmem_shared>>
    tpu.wait_indirect_dma semaphore(%arg17 : memref<!tpu.dma_semaphore, #tpu.memory_space<semaphore_mem>>) src(%dma_wait3A_100 : memref<2048x128xf32, #tpu.memory_space<vmem_shared>>) dst(%arg10 : memref<128x128xf32, #tpu.memory_space<vmem>>)
    %add3A_101 = arith.constant 512 : i32
    %add3A_102 = arith.addi %mul3A_2, %add3A_101 : i32
    %dma_start3A_103 = arith.constant 0 : i32
    %dma_start3A_104 = tpu.memref_slice %arg4[%add3A_102, %dma_start3A_103] : memref<40960x128xf32, #tpu.memory_space<hbm>> -> memref<128x128xf32, #tpu.memory_space<hbm>>
    %dma_start3A_105 = arith.constant 0 : i32
    %dma_start3A_106 = tpu.memref_slice %arg4[%add3A_102, %dma_start3A_105] : memref<40960x128xf32, #tpu.memory_space<hbm>> -> memref<128x128xf32, #tpu.memory_space<hbm>>
    tpu.enqueue_dma source(%arg10 : memref<128x128xf32, #tpu.memory_space<vmem>>) target(%dma_start3A_106 : memref<128x128xf32, #tpu.memory_space<hbm>>) target_semaphore(%arg23 : memref<!tpu.dma_semaphore, #tpu.memory_space<semaphore_mem>>)
    %dma_wait3A_107 = arith.constant 0 : i32
    %dma_wait3A_108 = tpu.memref_slice %arg4[%add3A_62, %dma_wait3A_107] : memref<40960x128xf32, #tpu.memory_space<hbm>> -> memref<128x128xf32, #tpu.memory_space<hbm>>
    %dma_wait3A_109 = arith.constant 0 : i32
    %dma_wait3A_110 = tpu.memref_slice %arg4[%add3A_62, %dma_wait3A_109] : memref<40960x128xf32, #tpu.memory_space<hbm>> -> memref<128x128xf32, #tpu.memory_space<hbm>>
    tpu.wait_dma2 semaphore(%arg21 : memref<!tpu.dma_semaphore, #tpu.memory_space<semaphore_mem>>) src(%arg8 : memref<128x128xf32, #tpu.memory_space<vmem>>) dst(%dma_wait3A_110 : memref<128x128xf32, #tpu.memory_space<hbm>>)
    %dma_start3A_111 = arith.constant 1024 : i32
    %dma_start3A_112 = tpu.memref_slice %arg5[%dma_start3A_111] : memref<1280xi32, #tpu.memory_space<vmem>> -> memref<128xi32, #tpu.memory_space<vmem>>
    %dma_start3A_113 = arith.constant 0 : i32
    %dma_start3A_114 = arith.constant 0 : i32
    %dma_start3A_115 = tpu.memref_slice %arg12[%dma_start3A_113, %dma_start3A_114] : memref<2048x128xf32, #tpu.memory_space<vmem_shared>> -> memref<2048x128xf32, #tpu.memory_space<vmem_shared>>
    tpu.enqueue_indirect_dma source(%dma_start3A_115 : memref<2048x128xf32, #tpu.memory_space<vmem_shared>>) target(%arg8 : memref<128x128xf32, #tpu.memory_space<vmem>>) offsets(%dma_start3A_112 : memref<128xi32, #tpu.memory_space<vmem>>) semaphore(%arg15 : memref<!tpu.dma_semaphore, #tpu.memory_space<semaphore_mem>>)
    %dma_wait3A_116 = arith.constant 640 : i32
    %dma_wait3A_117 = tpu.memref_slice %arg5[%dma_wait3A_116] : memref<1280xi32, #tpu.memory_space<vmem>> -> memref<128xi32, #tpu.memory_space<vmem>>
    %dma_wait3A_118 = arith.constant 0 : i32
    %dma_wait3A_119 = arith.constant 0 : i32
    %dma_wait3A_120 = tpu.memref_slice %arg12[%dma_wait3A_118, %dma_wait3A_119] : memref<2048x128xf32, #tpu.memory_space<vmem_shared>> -> memref<2048x128xf32, #tpu.memory_space<vmem_shared>>
    tpu.wait_indirect_dma semaphore(%arg18 : memref<!tpu.dma_semaphore, #tpu.memory_space<semaphore_mem>>) src(%dma_wait3A_120 : memref<2048x128xf32, #tpu.memory_space<vmem_shared>>) dst(%arg11 : memref<128x128xf32, #tpu.memory_space<vmem>>)
    %add3A_121 = arith.constant 640 : i32
    %add3A_122 = arith.addi %mul3A_2, %add3A_121 : i32
    %dma_start3A_123 = arith.constant 0 : i32
    %dma_start3A_124 = tpu.memref_slice %arg4[%add3A_122, %dma_start3A_123] : memref<40960x128xf32, #tpu.memory_space<hbm>> -> memref<128x128xf32, #tpu.memory_space<hbm>>
    %dma_start3A_125 = arith.constant 0 : i32
    %dma_start3A_126 = tpu.memref_slice %arg4[%add3A_122, %dma_start3A_125] : memref<40960x128xf32, #tpu.memory_space<hbm>> -> memref<128x128xf32, #tpu.memory_space<hbm>>
    tpu.enqueue_dma source(%arg11 : memref<128x128xf32, #tpu.memory_space<vmem>>) target(%dma_start3A_126 : memref<128x128xf32, #tpu.memory_space<hbm>>) target_semaphore(%arg24 : memref<!tpu.dma_semaphore, #tpu.memory_space<semaphore_mem>>)
    %dma_wait3A_127 = arith.constant 0 : i32
    %dma_wait3A_128 = tpu.memref_slice %arg4[%add3A_82, %dma_wait3A_127] : memref<40960x128xf32, #tpu.memory_space<hbm>> -> memref<128x128xf32, #tpu.memory_space<hbm>>
    %dma_wait3A_129 = arith.constant 0 : i32
    %dma_wait3A_130 = tpu.memref_slice %arg4[%add3A_82, %dma_wait3A_129] : memref<40960x128xf32, #tpu.memory_space<hbm>> -> memref<128x128xf32, #tpu.memory_space<hbm>>
    tpu.wait_dma2 semaphore(%arg22 : memref<!tpu.dma_semaphore, #tpu.memory_space<semaphore_mem>>) src(%arg9 : memref<128x128xf32, #tpu.memory_space<vmem>>) dst(%dma_wait3A_130 : memref<128x128xf32, #tpu.memory_space<hbm>>)
    %dma_start3A_131 = arith.constant 1152 : i32
    %dma_start3A_132 = tpu.memref_slice %arg5[%dma_start3A_131] : memref<1280xi32, #tpu.memory_space<vmem>> -> memref<128xi32, #tpu.memory_space<vmem>>
    %dma_start3A_133 = arith.constant 0 : i32
    %dma_start3A_134 = arith.constant 0 : i32
    %dma_start3A_135 = tpu.memref_slice %arg12[%dma_start3A_133, %dma_start3A_134] : memref<2048x128xf32, #tpu.memory_space<vmem_shared>> -> memref<2048x128xf32, #tpu.memory_space<vmem_shared>>
    tpu.enqueue_indirect_dma source(%dma_start3A_135 : memref<2048x128xf32, #tpu.memory_space<vmem_shared>>) target(%arg9 : memref<128x128xf32, #tpu.memory_space<vmem>>) offsets(%dma_start3A_132 : memref<128xi32, #tpu.memory_space<vmem>>) semaphore(%arg16 : memref<!tpu.dma_semaphore, #tpu.memory_space<semaphore_mem>>)
    %dma_wait3A_136 = arith.constant 768 : i32
    %dma_wait3A_137 = tpu.memref_slice %arg5[%dma_wait3A_136] : memref<1280xi32, #tpu.memory_space<vmem>> -> memref<128xi32, #tpu.memory_space<vmem>>
    %dma_wait3A_138 = arith.constant 0 : i32
    %dma_wait3A_139 = arith.constant 0 : i32
    %dma_wait3A_140 = tpu.memref_slice %arg12[%dma_wait3A_138, %dma_wait3A_139] : memref<2048x128xf32, #tpu.memory_space<vmem_shared>> -> memref<2048x128xf32, #tpu.memory_space<vmem_shared>>
    tpu.wait_indirect_dma semaphore(%arg13 : memref<!tpu.dma_semaphore, #tpu.memory_space<semaphore_mem>>) src(%dma_wait3A_140 : memref<2048x128xf32, #tpu.memory_space<vmem_shared>>) dst(%arg6 : memref<128x128xf32, #tpu.memory_space<vmem>>)
    %add3A_141 = arith.constant 768 : i32
    %add3A_142 = arith.addi %mul3A_2, %add3A_141 : i32
    %dma_start3A_143 = arith.constant 0 : i32
    %dma_start3A_144 = tpu.memref_slice %arg4[%add3A_142, %dma_start3A_143] : memref<40960x128xf32, #tpu.memory_space<hbm>> -> memref<128x128xf32, #tpu.memory_space<hbm>>
    %dma_start3A_145 = arith.constant 0 : i32
    %dma_start3A_146 = tpu.memref_slice %arg4[%add3A_142, %dma_start3A_145] : memref<40960x128xf32, #tpu.memory_space<hbm>> -> memref<128x128xf32, #tpu.memory_space<hbm>>
    tpu.enqueue_dma source(%arg6 : memref<128x128xf32, #tpu.memory_space<vmem>>) target(%dma_start3A_146 : memref<128x128xf32, #tpu.memory_space<hbm>>) target_semaphore(%arg19 : memref<!tpu.dma_semaphore, #tpu.memory_space<semaphore_mem>>)
    %dma_wait3A_147 = arith.constant 896 : i32
    %dma_wait3A_148 = tpu.memref_slice %arg5[%dma_wait3A_147] : memref<1280xi32, #tpu.memory_space<vmem>> -> memref<128xi32, #tpu.memory_space<vmem>>
    %dma_wait3A_149 = arith.constant 0 : i32
    %dma_wait3A_150 = arith.constant 0 : i32
    %dma_wait3A_151 = tpu.memref_slice %arg12[%dma_wait3A_149, %dma_wait3A_150] : memref<2048x128xf32, #tpu.memory_space<vmem_shared>> -> memref<2048x128xf32, #tpu.memory_space<vmem_shared>>
    tpu.wait_indirect_dma semaphore(%arg14 : memref<!tpu.dma_semaphore, #tpu.memory_space<semaphore_mem>>) src(%dma_wait3A_151 : memref<2048x128xf32, #tpu.memory_space<vmem_shared>>) dst(%arg7 : memref<128x128xf32, #tpu.memory_space<vmem>>)
    %add3A_152 = arith.constant 896 : i32
    %add3A_153 = arith.addi %mul3A_2, %add3A_152 : i32
    %dma_start3A_154 = arith.constant 0 : i32
    %dma_start3A_155 = tpu.memref_slice %arg4[%add3A_153, %dma_start3A_154] : memref<40960x128xf32, #tpu.memory_space<hbm>> -> memref<128x128xf32, #tpu.memory_space<hbm>>
    %dma_start3A_156 = arith.constant 0 : i32
    %dma_start3A_157 = tpu.memref_slice %arg4[%add3A_153, %dma_start3A_156] : memref<40960x128xf32, #tpu.memory_space<hbm>> -> memref<128x128xf32, #tpu.memory_space<hbm>>
    tpu.enqueue_dma source(%arg7 : memref<128x128xf32, #tpu.memory_space<vmem>>) target(%dma_start3A_157 : memref<128x128xf32, #tpu.memory_space<hbm>>) target_semaphore(%arg20 : memref<!tpu.dma_semaphore, #tpu.memory_space<semaphore_mem>>)
    %dma_wait3A_158 = arith.constant 1024 : i32
    %dma_wait3A_159 = tpu.memref_slice %arg5[%dma_wait3A_158] : memref<1280xi32, #tpu.memory_space<vmem>> -> memref<128xi32, #tpu.memory_space<vmem>>
    %dma_wait3A_160 = arith.constant 0 : i32
    %dma_wait3A_161 = arith.constant 0 : i32
    %dma_wait3A_162 = tpu.memref_slice %arg12[%dma_wait3A_160, %dma_wait3A_161] : memref<2048x128xf32, #tpu.memory_space<vmem_shared>> -> memref<2048x128xf32, #tpu.memory_space<vmem_shared>>
    tpu.wait_indirect_dma semaphore(%arg15 : memref<!tpu.dma_semaphore, #tpu.memory_space<semaphore_mem>>) src(%dma_wait3A_162 : memref<2048x128xf32, #tpu.memory_space<vmem_shared>>) dst(%arg8 : memref<128x128xf32, #tpu.memory_space<vmem>>)
    %add3A_163 = arith.constant 1024 : i32
    %add3A_164 = arith.addi %mul3A_2, %add3A_163 : i32
    %dma_start3A_165 = arith.constant 0 : i32
    %dma_start3A_166 = tpu.memref_slice %arg4[%add3A_164, %dma_start3A_165] : memref<40960x128xf32, #tpu.memory_space<hbm>> -> memref<128x128xf32, #tpu.memory_space<hbm>>
    %dma_start3A_167 = arith.constant 0 : i32
    %dma_start3A_168 = tpu.memref_slice %arg4[%add3A_164, %dma_start3A_167] : memref<40960x128xf32, #tpu.memory_space<hbm>> -> memref<128x128xf32, #tpu.memory_space<hbm>>
    tpu.enqueue_dma source(%arg8 : memref<128x128xf32, #tpu.memory_space<vmem>>) target(%dma_start3A_168 : memref<128x128xf32, #tpu.memory_space<hbm>>) target_semaphore(%arg21 : memref<!tpu.dma_semaphore, #tpu.memory_space<semaphore_mem>>)
    %dma_wait3A_169 = arith.constant 1152 : i32
    %dma_wait3A_170 = tpu.memref_slice %arg5[%dma_wait3A_169] : memref<1280xi32, #tpu.memory_space<vmem>> -> memref<128xi32, #tpu.memory_space<vmem>>
    %dma_wait3A_171 = arith.constant 0 : i32
    %dma_wait3A_172 = arith.constant 0 : i32
    %dma_wait3A_173 = tpu.memref_slice %arg12[%dma_wait3A_171, %dma_wait3A_172] : memref<2048x128xf32, #tpu.memory_space<vmem_shared>> -> memref<2048x128xf32, #tpu.memory_space<vmem_shared>>
    tpu.wait_indirect_dma semaphore(%arg16 : memref<!tpu.dma_semaphore, #tpu.memory_space<semaphore_mem>>) src(%dma_wait3A_173 : memref<2048x128xf32, #tpu.memory_space<vmem_shared>>) dst(%arg9 : memref<128x128xf32, #tpu.memory_space<vmem>>)
    %add3A_174 = arith.constant 1152 : i32
    %add3A_175 = arith.addi %mul3A_2, %add3A_174 : i32
    %dma_start3A_176 = arith.constant 0 : i32
    %dma_start3A_177 = tpu.memref_slice %arg4[%add3A_175, %dma_start3A_176] : memref<40960x128xf32, #tpu.memory_space<hbm>> -> memref<128x128xf32, #tpu.memory_space<hbm>>
    %dma_start3A_178 = arith.constant 0 : i32
    %dma_start3A_179 = tpu.memref_slice %arg4[%add3A_175, %dma_start3A_178] : memref<40960x128xf32, #tpu.memory_space<hbm>> -> memref<128x128xf32, #tpu.memory_space<hbm>>
    tpu.enqueue_dma source(%arg9 : memref<128x128xf32, #tpu.memory_space<vmem>>) target(%dma_start3A_179 : memref<128x128xf32, #tpu.memory_space<hbm>>) target_semaphore(%arg22 : memref<!tpu.dma_semaphore, #tpu.memory_space<semaphore_mem>>)
    %dma_wait3A_180 = arith.constant 0 : i32
    %dma_wait3A_181 = tpu.memref_slice %arg4[%add3A_102, %dma_wait3A_180] : memref<40960x128xf32, #tpu.memory_space<hbm>> -> memref<128x128xf32, #tpu.memory_space<hbm>>
    %dma_wait3A_182 = arith.constant 0 : i32
    %dma_wait3A_183 = tpu.memref_slice %arg4[%add3A_102, %dma_wait3A_182] : memref<40960x128xf32, #tpu.memory_space<hbm>> -> memref<128x128xf32, #tpu.memory_space<hbm>>
    tpu.wait_dma2 semaphore(%arg23 : memref<!tpu.dma_semaphore, #tpu.memory_space<semaphore_mem>>) src(%arg10 : memref<128x128xf32, #tpu.memory_space<vmem>>) dst(%dma_wait3A_183 : memref<128x128xf32, #tpu.memory_space<hbm>>)
    %dma_wait3A_184 = arith.constant 0 : i32
    %dma_wait3A_185 = tpu.memref_slice %arg4[%add3A_122, %dma_wait3A_184] : memref<40960x128xf32, #tpu.memory_space<hbm>> -> memref<128x128xf32, #tpu.memory_space<hbm>>
    %dma_wait3A_186 = arith.constant 0 : i32
    %dma_wait3A_187 = tpu.memref_slice %arg4[%add3A_122, %dma_wait3A_186] : memref<40960x128xf32, #tpu.memory_space<hbm>> -> memref<128x128xf32, #tpu.memory_space<hbm>>
    tpu.wait_dma2 semaphore(%arg24 : memref<!tpu.dma_semaphore, #tpu.memory_space<semaphore_mem>>) src(%arg11 : memref<128x128xf32, #tpu.memory_space<vmem>>) dst(%dma_wait3A_187 : memref<128x128xf32, #tpu.memory_space<hbm>>)
    %dma_wait3A_188 = arith.constant 0 : i32
    %dma_wait3A_189 = tpu.memref_slice %arg4[%add3A_142, %dma_wait3A_188] : memref<40960x128xf32, #tpu.memory_space<hbm>> -> memref<128x128xf32, #tpu.memory_space<hbm>>
    %dma_wait3A_190 = arith.constant 0 : i32
    %dma_wait3A_191 = tpu.memref_slice %arg4[%add3A_142, %dma_wait3A_190] : memref<40960x128xf32, #tpu.memory_space<hbm>> -> memref<128x128xf32, #tpu.memory_space<hbm>>
    tpu.wait_dma2 semaphore(%arg19 : memref<!tpu.dma_semaphore, #tpu.memory_space<semaphore_mem>>) src(%arg6 : memref<128x128xf32, #tpu.memory_space<vmem>>) dst(%dma_wait3A_191 : memref<128x128xf32, #tpu.memory_space<hbm>>)
    %dma_wait3A_192 = arith.constant 0 : i32
    %dma_wait3A_193 = tpu.memref_slice %arg4[%add3A_153, %dma_wait3A_192] : memref<40960x128xf32, #tpu.memory_space<hbm>> -> memref<128x128xf32, #tpu.memory_space<hbm>>
    %dma_wait3A_194 = arith.constant 0 : i32
    %dma_wait3A_195 = tpu.memref_slice %arg4[%add3A_153, %dma_wait3A_194] : memref<40960x128xf32, #tpu.memory_space<hbm>> -> memref<128x128xf32, #tpu.memory_space<hbm>>
    tpu.wait_dma2 semaphore(%arg20 : memref<!tpu.dma_semaphore, #tpu.memory_space<semaphore_mem>>) src(%arg7 : memref<128x128xf32, #tpu.memory_space<vmem>>) dst(%dma_wait3A_195 : memref<128x128xf32, #tpu.memory_space<hbm>>)
    %dma_wait3A_196 = arith.constant 0 : i32
    %dma_wait3A_197 = tpu.memref_slice %arg4[%add3A_164, %dma_wait3A_196] : memref<40960x128xf32, #tpu.memory_space<hbm>> -> memref<128x128xf32, #tpu.memory_space<hbm>>
    %dma_wait3A_198 = arith.constant 0 : i32
    %dma_wait3A_199 = tpu.memref_slice %arg4[%add3A_164, %dma_wait3A_198] : memref<40960x128xf32, #tpu.memory_space<hbm>> -> memref<128x128xf32, #tpu.memory_space<hbm>>
    tpu.wait_dma2 semaphore(%arg21 : memref<!tpu.dma_semaphore, #tpu.memory_space<semaphore_mem>>) src(%arg8 : memref<128x128xf32, #tpu.memory_space<vmem>>) dst(%dma_wait3A_199 : memref<128x128xf32, #tpu.memory_space<hbm>>)
    %dma_wait3A_200 = arith.constant 0 : i32
    %dma_wait3A_201 = tpu.memref_slice %arg4[%add3A_175, %dma_wait3A_200] : memref<40960x128xf32, #tpu.memory_space<hbm>> -> memref<128x128xf32, #tpu.memory_space<hbm>>
    %dma_wait3A_202 = arith.constant 0 : i32
    %dma_wait3A_203 = tpu.memref_slice %arg4[%add3A_175, %dma_wait3A_202] : memref<40960x128xf32, #tpu.memory_space<hbm>> -> memref<128x128xf32, #tpu.memory_space<hbm>>
    tpu.wait_dma2 semaphore(%arg22 : memref<!tpu.dma_semaphore, #tpu.memory_space<semaphore_mem>>) src(%arg9 : memref<128x128xf32, #tpu.memory_space<vmem>>) dst(%dma_wait3A_203 : memref<128x128xf32, #tpu.memory_space<hbm>>)
    return
  }
}

#map = affine_map<(d0, d1) -> (0, 0)>
#map1 = affine_map<(d0, d1) -> (0)>
module attributes {stable_mosaic.version = 14 : i64} {
  func.func @gather_kernel(%arg0: i32, %arg1: i32, %arg2: memref<10240x128xf32, #tpu.memory_space<hbm>>, %arg3: memref<40960xi32, #tpu.memory_space<hbm>>, %arg4: memref<40960x128xf32, #tpu.memory_space<hbm>>, %arg5: memref<1280xi32, #tpu.memory_space<vmem>>, %arg6: memref<128x128xf32, #tpu.memory_space<vmem>>, %arg7: memref<128x128xf32, #tpu.memory_space<vmem>>, %arg8: memref<10240x128xf32, #tpu.memory_space<vmem_shared>>, %arg9: memref<!tpu.dma_semaphore, #tpu.memory_space<semaphore_mem>>, %arg10: memref<!tpu.dma_semaphore, #tpu.memory_space<semaphore_mem>>, %arg11: memref<!tpu.dma_semaphore, #tpu.memory_space<semaphore_mem>>, %arg12: memref<!tpu.dma_semaphore, #tpu.memory_space<semaphore_mem>>) attributes {dimension_semantics = [#tpu.dimension_semantics<core_parallel>, #tpu.dimension_semantics<subcore_parallel>], iteration_bounds = array<i64: 2, 16>, scalar_prefetch = 0 : i64, scratch_operands = 8 : i64, tpu.core_type = #tpu.core_type<sc_vector_subcore>, window_params = [{transform_indices = #map}, {transform_indices = #map1}, {transform_indices = #map}]} {
    %mul3A = arith.constant 2 : i32
    %mul3A_0 = arith.muli %arg1, %mul3A : i32
    %add3A = arith.addi %mul3A_0, %arg0 : i32
    %mul3A_1 = arith.constant 1280 : i32
    %mul3A_2 = arith.muli %add3A, %mul3A_1 : i32
    %mul3A_3 = arith.constant 640 : i32
    %mul3A_4 = arith.muli %arg1, %mul3A_3 : i32
    %min3A = arith.constant 9600 : i32
    %min3A_5 = arith.minsi %mul3A_4, %min3A : i32
    "tpu.region"() ({
      %run_scoped3A = tpu.sem_alloc : memref<!tpu.dma_semaphore, #tpu.memory_space<semaphore_mem>>
      %dma_start3A_204 = arith.constant 0 : i32
      %dma_start3A_205 = tpu.memref_slice %arg8[%min3A_5, %dma_start3A_204] : memref<10240x128xf32, #tpu.memory_space<vmem_shared>> -> memref<640x128xf32, #tpu.memory_space<vmem_shared>>
      %dma_start3A_206 = arith.constant 0 : i32
      %dma_start3A_207 = tpu.memref_slice %arg2[%min3A_5, %dma_start3A_206] : memref<10240x128xf32, #tpu.memory_space<hbm>> -> memref<640x128xf32, #tpu.memory_space<hbm>>
      tpu.enqueue_dma source(%dma_start3A_207 : memref<640x128xf32, #tpu.memory_space<hbm>>) target(%dma_start3A_205 : memref<640x128xf32, #tpu.memory_space<vmem_shared>>) target_semaphore(%run_scoped3A : memref<!tpu.dma_semaphore, #tpu.memory_space<semaphore_mem>>)
      %dma_wait3A_208 = arith.constant 0 : i32
      %dma_wait3A_209 = tpu.memref_slice %arg8[%min3A_5, %dma_wait3A_208] : memref<10240x128xf32, #tpu.memory_space<vmem_shared>> -> memref<640x128xf32, #tpu.memory_space<vmem_shared>>
      %dma_wait3A_210 = arith.constant 0 : i32
      %dma_wait3A_211 = tpu.memref_slice %arg2[%min3A_5, %dma_wait3A_210] : memref<10240x128xf32, #tpu.memory_space<hbm>> -> memref<640x128xf32, #tpu.memory_space<hbm>>
      tpu.wait_dma2 semaphore(%run_scoped3A : memref<!tpu.dma_semaphore, #tpu.memory_space<semaphore_mem>>) src(%dma_wait3A_211 : memref<640x128xf32, #tpu.memory_space<hbm>>) dst(%dma_wait3A_209 : memref<640x128xf32, #tpu.memory_space<vmem_shared>>)
      tpu.yield
    }) : () -> ()
    "tpu.region"() ({
      %run_scoped3A = tpu.sem_alloc : memref<!tpu.dma_semaphore, #tpu.memory_space<semaphore_mem>>
      %dma_start3A_204 = tpu.memref_slice %arg3[%mul3A_2] : memref<40960xi32, #tpu.memory_space<hbm>> -> memref<1280xi32, #tpu.memory_space<hbm>>
      %dma_start3A_205 = tpu.memref_slice %arg3[%mul3A_2] : memref<40960xi32, #tpu.memory_space<hbm>> -> memref<1280xi32, #tpu.memory_space<hbm>>
      tpu.enqueue_dma source(%dma_start3A_205 : memref<1280xi32, #tpu.memory_space<hbm>>) target(%arg5 : memref<1280xi32, #tpu.memory_space<vmem>>) target_semaphore(%run_scoped3A : memref<!tpu.dma_semaphore, #tpu.memory_space<semaphore_mem>>)
      %dma_wait3A_206 = tpu.memref_slice %arg3[%mul3A_2] : memref<40960xi32, #tpu.memory_space<hbm>> -> memref<1280xi32, #tpu.memory_space<hbm>>
      %dma_wait3A_207 = tpu.memref_slice %arg3[%mul3A_2] : memref<40960xi32, #tpu.memory_space<hbm>> -> memref<1280xi32, #tpu.memory_space<hbm>>
      tpu.wait_dma2 semaphore(%run_scoped3A : memref<!tpu.dma_semaphore, #tpu.memory_space<semaphore_mem>>) src(%dma_wait3A_207 : memref<1280xi32, #tpu.memory_space<hbm>>) dst(%arg5 : memref<1280xi32, #tpu.memory_space<vmem>>)
      tpu.yield
    }) : () -> ()
    %barrier3A = arith.constant 0 : index
    tpu.barrier barrier_id(%barrier3A)
    %dma_start3A = arith.constant 0 : i32
    %dma_start3A_6 = tpu.memref_slice %arg5[%dma_start3A] : memref<1280xi32, #tpu.memory_space<vmem>> -> memref<128xi32, #tpu.memory_space<vmem>>
    %dma_start3A_7 = arith.constant 0 : i32
    %dma_start3A_8 = arith.constant 0 : i32
    %dma_start3A_9 = tpu.memref_slice %arg8[%dma_start3A_7, %dma_start3A_8] : memref<10240x128xf32, #tpu.memory_space<vmem_shared>> -> memref<10240x128xf32, #tpu.memory_space<vmem_shared>>
    tpu.enqueue_indirect_dma source(%dma_start3A_9 : memref<10240x128xf32, #tpu.memory_space<vmem_shared>>) target(%arg6 : memref<128x128xf32, #tpu.memory_space<vmem>>) offsets(%dma_start3A_6 : memref<128xi32, #tpu.memory_space<vmem>>) semaphore(%arg9 : memref<!tpu.dma_semaphore, #tpu.memory_space<semaphore_mem>>)
    %dma_start3A_10 = arith.constant 128 : i32
    %dma_start3A_11 = tpu.memref_slice %arg5[%dma_start3A_10] : memref<1280xi32, #tpu.memory_space<vmem>> -> memref<128xi32, #tpu.memory_space<vmem>>
    %dma_start3A_12 = arith.constant 0 : i32
    %dma_start3A_13 = arith.constant 0 : i32
    %dma_start3A_14 = tpu.memref_slice %arg8[%dma_start3A_12, %dma_start3A_13] : memref<10240x128xf32, #tpu.memory_space<vmem_shared>> -> memref<10240x128xf32, #tpu.memory_space<vmem_shared>>
    tpu.enqueue_indirect_dma source(%dma_start3A_14 : memref<10240x128xf32, #tpu.memory_space<vmem_shared>>) target(%arg7 : memref<128x128xf32, #tpu.memory_space<vmem>>) offsets(%dma_start3A_11 : memref<128xi32, #tpu.memory_space<vmem>>) semaphore(%arg10 : memref<!tpu.dma_semaphore, #tpu.memory_space<semaphore_mem>>)
    %dma_wait3A = arith.constant 0 : i32
    %dma_wait3A_15 = tpu.memref_slice %arg5[%dma_wait3A] : memref<1280xi32, #tpu.memory_space<vmem>> -> memref<128xi32, #tpu.memory_space<vmem>>
    %dma_wait3A_16 = arith.constant 0 : i32
    %dma_wait3A_17 = arith.constant 0 : i32
    %dma_wait3A_18 = tpu.memref_slice %arg8[%dma_wait3A_16, %dma_wait3A_17] : memref<10240x128xf32, #tpu.memory_space<vmem_shared>> -> memref<10240x128xf32, #tpu.memory_space<vmem_shared>>
    tpu.wait_indirect_dma semaphore(%arg9 : memref<!tpu.dma_semaphore, #tpu.memory_space<semaphore_mem>>) src(%dma_wait3A_18 : memref<10240x128xf32, #tpu.memory_space<vmem_shared>>) dst(%arg6 : memref<128x128xf32, #tpu.memory_space<vmem>>)
    %add3A_19 = arith.constant 0 : i32
    %add3A_20 = arith.addi %mul3A_2, %add3A_19 : i32
    %dma_start3A_21 = arith.constant 0 : i32
    %dma_start3A_22 = tpu.memref_slice %arg4[%add3A_20, %dma_start3A_21] : memref<40960x128xf32, #tpu.memory_space<hbm>> -> memref<128x128xf32, #tpu.memory_space<hbm>>
    %dma_start3A_23 = arith.constant 0 : i32
    %dma_start3A_24 = tpu.memref_slice %arg4[%add3A_20, %dma_start3A_23] : memref<40960x128xf32, #tpu.memory_space<hbm>> -> memref<128x128xf32, #tpu.memory_space<hbm>>
    tpu.enqueue_dma source(%arg6 : memref<128x128xf32, #tpu.memory_space<vmem>>) target(%dma_start3A_24 : memref<128x128xf32, #tpu.memory_space<hbm>>) target_semaphore(%arg11 : memref<!tpu.dma_semaphore, #tpu.memory_space<semaphore_mem>>)
    %dma_wait3A_25 = arith.constant 0 : i32
    %dma_wait3A_26 = tpu.memref_slice %arg4[%add3A_20, %dma_wait3A_25] : memref<40960x128xf32, #tpu.memory_space<hbm>> -> memref<128x128xf32, #tpu.memory_space<hbm>>
    %dma_wait3A_27 = arith.constant 0 : i32
    %dma_wait3A_28 = tpu.memref_slice %arg4[%add3A_20, %dma_wait3A_27] : memref<40960x128xf32, #tpu.memory_space<hbm>> -> memref<128x128xf32, #tpu.memory_space<hbm>>
    tpu.wait_dma2 semaphore(%arg11 : memref<!tpu.dma_semaphore, #tpu.memory_space<semaphore_mem>>) src(%arg6 : memref<128x128xf32, #tpu.memory_space<vmem>>) dst(%dma_wait3A_28 : memref<128x128xf32, #tpu.memory_space<hbm>>)
    %dma_start3A_29 = arith.constant 256 : i32
    %dma_start3A_30 = tpu.memref_slice %arg5[%dma_start3A_29] : memref<1280xi32, #tpu.memory_space<vmem>> -> memref<128xi32, #tpu.memory_space<vmem>>
    %dma_start3A_31 = arith.constant 0 : i32
    %dma_start3A_32 = arith.constant 0 : i32
    %dma_start3A_33 = tpu.memref_slice %arg8[%dma_start3A_31, %dma_start3A_32] : memref<10240x128xf32, #tpu.memory_space<vmem_shared>> -> memref<10240x128xf32, #tpu.memory_space<vmem_shared>>
    tpu.enqueue_indirect_dma source(%dma_start3A_33 : memref<10240x128xf32, #tpu.memory_space<vmem_shared>>) target(%arg6 : memref<128x128xf32, #tpu.memory_space<vmem>>) offsets(%dma_start3A_30 : memref<128xi32, #tpu.memory_space<vmem>>) semaphore(%arg9 : memref<!tpu.dma_semaphore, #tpu.memory_space<semaphore_mem>>)
    %dma_wait3A_34 = arith.constant 128 : i32
    %dma_wait3A_35 = tpu.memref_slice %arg5[%dma_wait3A_34] : memref<1280xi32, #tpu.memory_space<vmem>> -> memref<128xi32, #tpu.memory_space<vmem>>
    %dma_wait3A_36 = arith.constant 0 : i32
    %dma_wait3A_37 = arith.constant 0 : i32
    %dma_wait3A_38 = tpu.memref_slice %arg8[%dma_wait3A_36, %dma_wait3A_37] : memref<10240x128xf32, #tpu.memory_space<vmem_shared>> -> memref<10240x128xf32, #tpu.memory_space<vmem_shared>>
    tpu.wait_indirect_dma semaphore(%arg10 : memref<!tpu.dma_semaphore, #tpu.memory_space<semaphore_mem>>) src(%dma_wait3A_38 : memref<10240x128xf32, #tpu.memory_space<vmem_shared>>) dst(%arg7 : memref<128x128xf32, #tpu.memory_space<vmem>>)
    %add3A_39 = arith.constant 128 : i32
    %add3A_40 = arith.addi %mul3A_2, %add3A_39 : i32
    %dma_start3A_41 = arith.constant 0 : i32
    %dma_start3A_42 = tpu.memref_slice %arg4[%add3A_40, %dma_start3A_41] : memref<40960x128xf32, #tpu.memory_space<hbm>> -> memref<128x128xf32, #tpu.memory_space<hbm>>
    %dma_start3A_43 = arith.constant 0 : i32
    %dma_start3A_44 = tpu.memref_slice %arg4[%add3A_40, %dma_start3A_43] : memref<40960x128xf32, #tpu.memory_space<hbm>> -> memref<128x128xf32, #tpu.memory_space<hbm>>
    tpu.enqueue_dma source(%arg7 : memref<128x128xf32, #tpu.memory_space<vmem>>) target(%dma_start3A_44 : memref<128x128xf32, #tpu.memory_space<hbm>>) target_semaphore(%arg12 : memref<!tpu.dma_semaphore, #tpu.memory_space<semaphore_mem>>)
    %dma_wait3A_45 = arith.constant 0 : i32
    %dma_wait3A_46 = tpu.memref_slice %arg4[%add3A_40, %dma_wait3A_45] : memref<40960x128xf32, #tpu.memory_space<hbm>> -> memref<128x128xf32, #tpu.memory_space<hbm>>
    %dma_wait3A_47 = arith.constant 0 : i32
    %dma_wait3A_48 = tpu.memref_slice %arg4[%add3A_40, %dma_wait3A_47] : memref<40960x128xf32, #tpu.memory_space<hbm>> -> memref<128x128xf32, #tpu.memory_space<hbm>>
    tpu.wait_dma2 semaphore(%arg12 : memref<!tpu.dma_semaphore, #tpu.memory_space<semaphore_mem>>) src(%arg7 : memref<128x128xf32, #tpu.memory_space<vmem>>) dst(%dma_wait3A_48 : memref<128x128xf32, #tpu.memory_space<hbm>>)
    %dma_start3A_49 = arith.constant 384 : i32
    %dma_start3A_50 = tpu.memref_slice %arg5[%dma_start3A_49] : memref<1280xi32, #tpu.memory_space<vmem>> -> memref<128xi32, #tpu.memory_space<vmem>>
    %dma_start3A_51 = arith.constant 0 : i32
    %dma_start3A_52 = arith.constant 0 : i32
    %dma_start3A_53 = tpu.memref_slice %arg8[%dma_start3A_51, %dma_start3A_52] : memref<10240x128xf32, #tpu.memory_space<vmem_shared>> -> memref<10240x128xf32, #tpu.memory_space<vmem_shared>>
    tpu.enqueue_indirect_dma source(%dma_start3A_53 : memref<10240x128xf32, #tpu.memory_space<vmem_shared>>) target(%arg7 : memref<128x128xf32, #tpu.memory_space<vmem>>) offsets(%dma_start3A_50 : memref<128xi32, #tpu.memory_space<vmem>>) semaphore(%arg10 : memref<!tpu.dma_semaphore, #tpu.memory_space<semaphore_mem>>)
    %dma_wait3A_54 = arith.constant 256 : i32
    %dma_wait3A_55 = tpu.memref_slice %arg5[%dma_wait3A_54] : memref<1280xi32, #tpu.memory_space<vmem>> -> memref<128xi32, #tpu.memory_space<vmem>>
    %dma_wait3A_56 = arith.constant 0 : i32
    %dma_wait3A_57 = arith.constant 0 : i32
    %dma_wait3A_58 = tpu.memref_slice %arg8[%dma_wait3A_56, %dma_wait3A_57] : memref<10240x128xf32, #tpu.memory_space<vmem_shared>> -> memref<10240x128xf32, #tpu.memory_space<vmem_shared>>
    tpu.wait_indirect_dma semaphore(%arg9 : memref<!tpu.dma_semaphore, #tpu.memory_space<semaphore_mem>>) src(%dma_wait3A_58 : memref<10240x128xf32, #tpu.memory_space<vmem_shared>>) dst(%arg6 : memref<128x128xf32, #tpu.memory_space<vmem>>)
    %add3A_59 = arith.constant 256 : i32
    %add3A_60 = arith.addi %mul3A_2, %add3A_59 : i32
    %dma_start3A_61 = arith.constant 0 : i32
    %dma_start3A_62 = tpu.memref_slice %arg4[%add3A_60, %dma_start3A_61] : memref<40960x128xf32, #tpu.memory_space<hbm>> -> memref<128x128xf32, #tpu.memory_space<hbm>>
    %dma_start3A_63 = arith.constant 0 : i32
    %dma_start3A_64 = tpu.memref_slice %arg4[%add3A_60, %dma_start3A_63] : memref<40960x128xf32, #tpu.memory_space<hbm>> -> memref<128x128xf32, #tpu.memory_space<hbm>>
    tpu.enqueue_dma source(%arg6 : memref<128x128xf32, #tpu.memory_space<vmem>>) target(%dma_start3A_64 : memref<128x128xf32, #tpu.memory_space<hbm>>) target_semaphore(%arg11 : memref<!tpu.dma_semaphore, #tpu.memory_space<semaphore_mem>>)
    %dma_wait3A_65 = arith.constant 0 : i32
    %dma_wait3A_66 = tpu.memref_slice %arg4[%add3A_60, %dma_wait3A_65] : memref<40960x128xf32, #tpu.memory_space<hbm>> -> memref<128x128xf32, #tpu.memory_space<hbm>>
    %dma_wait3A_67 = arith.constant 0 : i32
    %dma_wait3A_68 = tpu.memref_slice %arg4[%add3A_60, %dma_wait3A_67] : memref<40960x128xf32, #tpu.memory_space<hbm>> -> memref<128x128xf32, #tpu.memory_space<hbm>>
    tpu.wait_dma2 semaphore(%arg11 : memref<!tpu.dma_semaphore, #tpu.memory_space<semaphore_mem>>) src(%arg6 : memref<128x128xf32, #tpu.memory_space<vmem>>) dst(%dma_wait3A_68 : memref<128x128xf32, #tpu.memory_space<hbm>>)
    %dma_start3A_69 = arith.constant 512 : i32
    %dma_start3A_70 = tpu.memref_slice %arg5[%dma_start3A_69] : memref<1280xi32, #tpu.memory_space<vmem>> -> memref<128xi32, #tpu.memory_space<vmem>>
    %dma_start3A_71 = arith.constant 0 : i32
    %dma_start3A_72 = arith.constant 0 : i32
    %dma_start3A_73 = tpu.memref_slice %arg8[%dma_start3A_71, %dma_start3A_72] : memref<10240x128xf32, #tpu.memory_space<vmem_shared>> -> memref<10240x128xf32, #tpu.memory_space<vmem_shared>>
    tpu.enqueue_indirect_dma source(%dma_start3A_73 : memref<10240x128xf32, #tpu.memory_space<vmem_shared>>) target(%arg6 : memref<128x128xf32, #tpu.memory_space<vmem>>) offsets(%dma_start3A_70 : memref<128xi32, #tpu.memory_space<vmem>>) semaphore(%arg9 : memref<!tpu.dma_semaphore, #tpu.memory_space<semaphore_mem>>)
    %dma_wait3A_74 = arith.constant 384 : i32
    %dma_wait3A_75 = tpu.memref_slice %arg5[%dma_wait3A_74] : memref<1280xi32, #tpu.memory_space<vmem>> -> memref<128xi32, #tpu.memory_space<vmem>>
    %dma_wait3A_76 = arith.constant 0 : i32
    %dma_wait3A_77 = arith.constant 0 : i32
    %dma_wait3A_78 = tpu.memref_slice %arg8[%dma_wait3A_76, %dma_wait3A_77] : memref<10240x128xf32, #tpu.memory_space<vmem_shared>> -> memref<10240x128xf32, #tpu.memory_space<vmem_shared>>
    tpu.wait_indirect_dma semaphore(%arg10 : memref<!tpu.dma_semaphore, #tpu.memory_space<semaphore_mem>>) src(%dma_wait3A_78 : memref<10240x128xf32, #tpu.memory_space<vmem_shared>>) dst(%arg7 : memref<128x128xf32, #tpu.memory_space<vmem>>)
    %add3A_79 = arith.constant 384 : i32
    %add3A_80 = arith.addi %mul3A_2, %add3A_79 : i32
    %dma_start3A_81 = arith.constant 0 : i32
    %dma_start3A_82 = tpu.memref_slice %arg4[%add3A_80, %dma_start3A_81] : memref<40960x128xf32, #tpu.memory_space<hbm>> -> memref<128x128xf32, #tpu.memory_space<hbm>>
    %dma_start3A_83 = arith.constant 0 : i32
    %dma_start3A_84 = tpu.memref_slice %arg4[%add3A_80, %dma_start3A_83] : memref<40960x128xf32, #tpu.memory_space<hbm>> -> memref<128x128xf32, #tpu.memory_space<hbm>>
    tpu.enqueue_dma source(%arg7 : memref<128x128xf32, #tpu.memory_space<vmem>>) target(%dma_start3A_84 : memref<128x128xf32, #tpu.memory_space<hbm>>) target_semaphore(%arg12 : memref<!tpu.dma_semaphore, #tpu.memory_space<semaphore_mem>>)
    %dma_wait3A_85 = arith.constant 0 : i32
    %dma_wait3A_86 = tpu.memref_slice %arg4[%add3A_80, %dma_wait3A_85] : memref<40960x128xf32, #tpu.memory_space<hbm>> -> memref<128x128xf32, #tpu.memory_space<hbm>>
    %dma_wait3A_87 = arith.constant 0 : i32
    %dma_wait3A_88 = tpu.memref_slice %arg4[%add3A_80, %dma_wait3A_87] : memref<40960x128xf32, #tpu.memory_space<hbm>> -> memref<128x128xf32, #tpu.memory_space<hbm>>
    tpu.wait_dma2 semaphore(%arg12 : memref<!tpu.dma_semaphore, #tpu.memory_space<semaphore_mem>>) src(%arg7 : memref<128x128xf32, #tpu.memory_space<vmem>>) dst(%dma_wait3A_88 : memref<128x128xf32, #tpu.memory_space<hbm>>)
    %dma_start3A_89 = arith.constant 640 : i32
    %dma_start3A_90 = tpu.memref_slice %arg5[%dma_start3A_89] : memref<1280xi32, #tpu.memory_space<vmem>> -> memref<128xi32, #tpu.memory_space<vmem>>
    %dma_start3A_91 = arith.constant 0 : i32
    %dma_start3A_92 = arith.constant 0 : i32
    %dma_start3A_93 = tpu.memref_slice %arg8[%dma_start3A_91, %dma_start3A_92] : memref<10240x128xf32, #tpu.memory_space<vmem_shared>> -> memref<10240x128xf32, #tpu.memory_space<vmem_shared>>
    tpu.enqueue_indirect_dma source(%dma_start3A_93 : memref<10240x128xf32, #tpu.memory_space<vmem_shared>>) target(%arg7 : memref<128x128xf32, #tpu.memory_space<vmem>>) offsets(%dma_start3A_90 : memref<128xi32, #tpu.memory_space<vmem>>) semaphore(%arg10 : memref<!tpu.dma_semaphore, #tpu.memory_space<semaphore_mem>>)
    %dma_wait3A_94 = arith.constant 512 : i32
    %dma_wait3A_95 = tpu.memref_slice %arg5[%dma_wait3A_94] : memref<1280xi32, #tpu.memory_space<vmem>> -> memref<128xi32, #tpu.memory_space<vmem>>
    %dma_wait3A_96 = arith.constant 0 : i32
    %dma_wait3A_97 = arith.constant 0 : i32
    %dma_wait3A_98 = tpu.memref_slice %arg8[%dma_wait3A_96, %dma_wait3A_97] : memref<10240x128xf32, #tpu.memory_space<vmem_shared>> -> memref<10240x128xf32, #tpu.memory_space<vmem_shared>>
    tpu.wait_indirect_dma semaphore(%arg9 : memref<!tpu.dma_semaphore, #tpu.memory_space<semaphore_mem>>) src(%dma_wait3A_98 : memref<10240x128xf32, #tpu.memory_space<vmem_shared>>) dst(%arg6 : memref<128x128xf32, #tpu.memory_space<vmem>>)
    %add3A_99 = arith.constant 512 : i32
    %add3A_100 = arith.addi %mul3A_2, %add3A_99 : i32
    %dma_start3A_101 = arith.constant 0 : i32
    %dma_start3A_102 = tpu.memref_slice %arg4[%add3A_100, %dma_start3A_101] : memref<40960x128xf32, #tpu.memory_space<hbm>> -> memref<128x128xf32, #tpu.memory_space<hbm>>
    %dma_start3A_103 = arith.constant 0 : i32
    %dma_start3A_104 = tpu.memref_slice %arg4[%add3A_100, %dma_start3A_103] : memref<40960x128xf32, #tpu.memory_space<hbm>> -> memref<128x128xf32, #tpu.memory_space<hbm>>
    tpu.enqueue_dma source(%arg6 : memref<128x128xf32, #tpu.memory_space<vmem>>) target(%dma_start3A_104 : memref<128x128xf32, #tpu.memory_space<hbm>>) target_semaphore(%arg11 : memref<!tpu.dma_semaphore, #tpu.memory_space<semaphore_mem>>)
    %dma_wait3A_105 = arith.constant 0 : i32
    %dma_wait3A_106 = tpu.memref_slice %arg4[%add3A_100, %dma_wait3A_105] : memref<40960x128xf32, #tpu.memory_space<hbm>> -> memref<128x128xf32, #tpu.memory_space<hbm>>
    %dma_wait3A_107 = arith.constant 0 : i32
    %dma_wait3A_108 = tpu.memref_slice %arg4[%add3A_100, %dma_wait3A_107] : memref<40960x128xf32, #tpu.memory_space<hbm>> -> memref<128x128xf32, #tpu.memory_space<hbm>>
    tpu.wait_dma2 semaphore(%arg11 : memref<!tpu.dma_semaphore, #tpu.memory_space<semaphore_mem>>) src(%arg6 : memref<128x128xf32, #tpu.memory_space<vmem>>) dst(%dma_wait3A_108 : memref<128x128xf32, #tpu.memory_space<hbm>>)
    %dma_start3A_109 = arith.constant 768 : i32
    %dma_start3A_110 = tpu.memref_slice %arg5[%dma_start3A_109] : memref<1280xi32, #tpu.memory_space<vmem>> -> memref<128xi32, #tpu.memory_space<vmem>>
    %dma_start3A_111 = arith.constant 0 : i32
    %dma_start3A_112 = arith.constant 0 : i32
    %dma_start3A_113 = tpu.memref_slice %arg8[%dma_start3A_111, %dma_start3A_112] : memref<10240x128xf32, #tpu.memory_space<vmem_shared>> -> memref<10240x128xf32, #tpu.memory_space<vmem_shared>>
    tpu.enqueue_indirect_dma source(%dma_start3A_113 : memref<10240x128xf32, #tpu.memory_space<vmem_shared>>) target(%arg6 : memref<128x128xf32, #tpu.memory_space<vmem>>) offsets(%dma_start3A_110 : memref<128xi32, #tpu.memory_space<vmem>>) semaphore(%arg9 : memref<!tpu.dma_semaphore, #tpu.memory_space<semaphore_mem>>)
    %dma_wait3A_114 = arith.constant 640 : i32
    %dma_wait3A_115 = tpu.memref_slice %arg5[%dma_wait3A_114] : memref<1280xi32, #tpu.memory_space<vmem>> -> memref<128xi32, #tpu.memory_space<vmem>>
    %dma_wait3A_116 = arith.constant 0 : i32
    %dma_wait3A_117 = arith.constant 0 : i32
    %dma_wait3A_118 = tpu.memref_slice %arg8[%dma_wait3A_116, %dma_wait3A_117] : memref<10240x128xf32, #tpu.memory_space<vmem_shared>> -> memref<10240x128xf32, #tpu.memory_space<vmem_shared>>
    tpu.wait_indirect_dma semaphore(%arg10 : memref<!tpu.dma_semaphore, #tpu.memory_space<semaphore_mem>>) src(%dma_wait3A_118 : memref<10240x128xf32, #tpu.memory_space<vmem_shared>>) dst(%arg7 : memref<128x128xf32, #tpu.memory_space<vmem>>)
    %add3A_119 = arith.constant 640 : i32
    %add3A_120 = arith.addi %mul3A_2, %add3A_119 : i32
    %dma_start3A_121 = arith.constant 0 : i32
    %dma_start3A_122 = tpu.memref_slice %arg4[%add3A_120, %dma_start3A_121] : memref<40960x128xf32, #tpu.memory_space<hbm>> -> memref<128x128xf32, #tpu.memory_space<hbm>>
    %dma_start3A_123 = arith.constant 0 : i32
    %dma_start3A_124 = tpu.memref_slice %arg4[%add3A_120, %dma_start3A_123] : memref<40960x128xf32, #tpu.memory_space<hbm>> -> memref<128x128xf32, #tpu.memory_space<hbm>>
    tpu.enqueue_dma source(%arg7 : memref<128x128xf32, #tpu.memory_space<vmem>>) target(%dma_start3A_124 : memref<128x128xf32, #tpu.memory_space<hbm>>) target_semaphore(%arg12 : memref<!tpu.dma_semaphore, #tpu.memory_space<semaphore_mem>>)
    %dma_wait3A_125 = arith.constant 0 : i32
    %dma_wait3A_126 = tpu.memref_slice %arg4[%add3A_120, %dma_wait3A_125] : memref<40960x128xf32, #tpu.memory_space<hbm>> -> memref<128x128xf32, #tpu.memory_space<hbm>>
    %dma_wait3A_127 = arith.constant 0 : i32
    %dma_wait3A_128 = tpu.memref_slice %arg4[%add3A_120, %dma_wait3A_127] : memref<40960x128xf32, #tpu.memory_space<hbm>> -> memref<128x128xf32, #tpu.memory_space<hbm>>
    tpu.wait_dma2 semaphore(%arg12 : memref<!tpu.dma_semaphore, #tpu.memory_space<semaphore_mem>>) src(%arg7 : memref<128x128xf32, #tpu.memory_space<vmem>>) dst(%dma_wait3A_128 : memref<128x128xf32, #tpu.memory_space<hbm>>)
    %dma_start3A_129 = arith.constant 896 : i32
    %dma_start3A_130 = tpu.memref_slice %arg5[%dma_start3A_129] : memref<1280xi32, #tpu.memory_space<vmem>> -> memref<128xi32, #tpu.memory_space<vmem>>
    %dma_start3A_131 = arith.constant 0 : i32
    %dma_start3A_132 = arith.constant 0 : i32
    %dma_start3A_133 = tpu.memref_slice %arg8[%dma_start3A_131, %dma_start3A_132] : memref<10240x128xf32, #tpu.memory_space<vmem_shared>> -> memref<10240x128xf32, #tpu.memory_space<vmem_shared>>
    tpu.enqueue_indirect_dma source(%dma_start3A_133 : memref<10240x128xf32, #tpu.memory_space<vmem_shared>>) target(%arg7 : memref<128x128xf32, #tpu.memory_space<vmem>>) offsets(%dma_start3A_130 : memref<128xi32, #tpu.memory_space<vmem>>) semaphore(%arg10 : memref<!tpu.dma_semaphore, #tpu.memory_space<semaphore_mem>>)
    %dma_wait3A_134 = arith.constant 768 : i32
    %dma_wait3A_135 = tpu.memref_slice %arg5[%dma_wait3A_134] : memref<1280xi32, #tpu.memory_space<vmem>> -> memref<128xi32, #tpu.memory_space<vmem>>
    %dma_wait3A_136 = arith.constant 0 : i32
    %dma_wait3A_137 = arith.constant 0 : i32
    %dma_wait3A_138 = tpu.memref_slice %arg8[%dma_wait3A_136, %dma_wait3A_137] : memref<10240x128xf32, #tpu.memory_space<vmem_shared>> -> memref<10240x128xf32, #tpu.memory_space<vmem_shared>>
    tpu.wait_indirect_dma semaphore(%arg9 : memref<!tpu.dma_semaphore, #tpu.memory_space<semaphore_mem>>) src(%dma_wait3A_138 : memref<10240x128xf32, #tpu.memory_space<vmem_shared>>) dst(%arg6 : memref<128x128xf32, #tpu.memory_space<vmem>>)
    %add3A_139 = arith.constant 768 : i32
    %add3A_140 = arith.addi %mul3A_2, %add3A_139 : i32
    %dma_start3A_141 = arith.constant 0 : i32
    %dma_start3A_142 = tpu.memref_slice %arg4[%add3A_140, %dma_start3A_141] : memref<40960x128xf32, #tpu.memory_space<hbm>> -> memref<128x128xf32, #tpu.memory_space<hbm>>
    %dma_start3A_143 = arith.constant 0 : i32
    %dma_start3A_144 = tpu.memref_slice %arg4[%add3A_140, %dma_start3A_143] : memref<40960x128xf32, #tpu.memory_space<hbm>> -> memref<128x128xf32, #tpu.memory_space<hbm>>
    tpu.enqueue_dma source(%arg6 : memref<128x128xf32, #tpu.memory_space<vmem>>) target(%dma_start3A_144 : memref<128x128xf32, #tpu.memory_space<hbm>>) target_semaphore(%arg11 : memref<!tpu.dma_semaphore, #tpu.memory_space<semaphore_mem>>)
    %dma_wait3A_145 = arith.constant 0 : i32
    %dma_wait3A_146 = tpu.memref_slice %arg4[%add3A_140, %dma_wait3A_145] : memref<40960x128xf32, #tpu.memory_space<hbm>> -> memref<128x128xf32, #tpu.memory_space<hbm>>
    %dma_wait3A_147 = arith.constant 0 : i32
    %dma_wait3A_148 = tpu.memref_slice %arg4[%add3A_140, %dma_wait3A_147] : memref<40960x128xf32, #tpu.memory_space<hbm>> -> memref<128x128xf32, #tpu.memory_space<hbm>>
    tpu.wait_dma2 semaphore(%arg11 : memref<!tpu.dma_semaphore, #tpu.memory_space<semaphore_mem>>) src(%arg6 : memref<128x128xf32, #tpu.memory_space<vmem>>) dst(%dma_wait3A_148 : memref<128x128xf32, #tpu.memory_space<hbm>>)
    %dma_start3A_149 = arith.constant 1024 : i32
    %dma_start3A_150 = tpu.memref_slice %arg5[%dma_start3A_149] : memref<1280xi32, #tpu.memory_space<vmem>> -> memref<128xi32, #tpu.memory_space<vmem>>
    %dma_start3A_151 = arith.constant 0 : i32
    %dma_start3A_152 = arith.constant 0 : i32
    %dma_start3A_153 = tpu.memref_slice %arg8[%dma_start3A_151, %dma_start3A_152] : memref<10240x128xf32, #tpu.memory_space<vmem_shared>> -> memref<10240x128xf32, #tpu.memory_space<vmem_shared>>
    tpu.enqueue_indirect_dma source(%dma_start3A_153 : memref<10240x128xf32, #tpu.memory_space<vmem_shared>>) target(%arg6 : memref<128x128xf32, #tpu.memory_space<vmem>>) offsets(%dma_start3A_150 : memref<128xi32, #tpu.memory_space<vmem>>) semaphore(%arg9 : memref<!tpu.dma_semaphore, #tpu.memory_space<semaphore_mem>>)
    %dma_wait3A_154 = arith.constant 896 : i32
    %dma_wait3A_155 = tpu.memref_slice %arg5[%dma_wait3A_154] : memref<1280xi32, #tpu.memory_space<vmem>> -> memref<128xi32, #tpu.memory_space<vmem>>
    %dma_wait3A_156 = arith.constant 0 : i32
    %dma_wait3A_157 = arith.constant 0 : i32
    %dma_wait3A_158 = tpu.memref_slice %arg8[%dma_wait3A_156, %dma_wait3A_157] : memref<10240x128xf32, #tpu.memory_space<vmem_shared>> -> memref<10240x128xf32, #tpu.memory_space<vmem_shared>>
    tpu.wait_indirect_dma semaphore(%arg10 : memref<!tpu.dma_semaphore, #tpu.memory_space<semaphore_mem>>) src(%dma_wait3A_158 : memref<10240x128xf32, #tpu.memory_space<vmem_shared>>) dst(%arg7 : memref<128x128xf32, #tpu.memory_space<vmem>>)
    %add3A_159 = arith.constant 896 : i32
    %add3A_160 = arith.addi %mul3A_2, %add3A_159 : i32
    %dma_start3A_161 = arith.constant 0 : i32
    %dma_start3A_162 = tpu.memref_slice %arg4[%add3A_160, %dma_start3A_161] : memref<40960x128xf32, #tpu.memory_space<hbm>> -> memref<128x128xf32, #tpu.memory_space<hbm>>
    %dma_start3A_163 = arith.constant 0 : i32
    %dma_start3A_164 = tpu.memref_slice %arg4[%add3A_160, %dma_start3A_163] : memref<40960x128xf32, #tpu.memory_space<hbm>> -> memref<128x128xf32, #tpu.memory_space<hbm>>
    tpu.enqueue_dma source(%arg7 : memref<128x128xf32, #tpu.memory_space<vmem>>) target(%dma_start3A_164 : memref<128x128xf32, #tpu.memory_space<hbm>>) target_semaphore(%arg12 : memref<!tpu.dma_semaphore, #tpu.memory_space<semaphore_mem>>)
    %dma_wait3A_165 = arith.constant 0 : i32
    %dma_wait3A_166 = tpu.memref_slice %arg4[%add3A_160, %dma_wait3A_165] : memref<40960x128xf32, #tpu.memory_space<hbm>> -> memref<128x128xf32, #tpu.memory_space<hbm>>
    %dma_wait3A_167 = arith.constant 0 : i32
    %dma_wait3A_168 = tpu.memref_slice %arg4[%add3A_160, %dma_wait3A_167] : memref<40960x128xf32, #tpu.memory_space<hbm>> -> memref<128x128xf32, #tpu.memory_space<hbm>>
    tpu.wait_dma2 semaphore(%arg12 : memref<!tpu.dma_semaphore, #tpu.memory_space<semaphore_mem>>) src(%arg7 : memref<128x128xf32, #tpu.memory_space<vmem>>) dst(%dma_wait3A_168 : memref<128x128xf32, #tpu.memory_space<hbm>>)
    %dma_start3A_169 = arith.constant 1152 : i32
    %dma_start3A_170 = tpu.memref_slice %arg5[%dma_start3A_169] : memref<1280xi32, #tpu.memory_space<vmem>> -> memref<128xi32, #tpu.memory_space<vmem>>
    %dma_start3A_171 = arith.constant 0 : i32
    %dma_start3A_172 = arith.constant 0 : i32
    %dma_start3A_173 = tpu.memref_slice %arg8[%dma_start3A_171, %dma_start3A_172] : memref<10240x128xf32, #tpu.memory_space<vmem_shared>> -> memref<10240x128xf32, #tpu.memory_space<vmem_shared>>
    tpu.enqueue_indirect_dma source(%dma_start3A_173 : memref<10240x128xf32, #tpu.memory_space<vmem_shared>>) target(%arg7 : memref<128x128xf32, #tpu.memory_space<vmem>>) offsets(%dma_start3A_170 : memref<128xi32, #tpu.memory_space<vmem>>) semaphore(%arg10 : memref<!tpu.dma_semaphore, #tpu.memory_space<semaphore_mem>>)
    %dma_wait3A_174 = arith.constant 1024 : i32
    %dma_wait3A_175 = tpu.memref_slice %arg5[%dma_wait3A_174] : memref<1280xi32, #tpu.memory_space<vmem>> -> memref<128xi32, #tpu.memory_space<vmem>>
    %dma_wait3A_176 = arith.constant 0 : i32
    %dma_wait3A_177 = arith.constant 0 : i32
    %dma_wait3A_178 = tpu.memref_slice %arg8[%dma_wait3A_176, %dma_wait3A_177] : memref<10240x128xf32, #tpu.memory_space<vmem_shared>> -> memref<10240x128xf32, #tpu.memory_space<vmem_shared>>
    tpu.wait_indirect_dma semaphore(%arg9 : memref<!tpu.dma_semaphore, #tpu.memory_space<semaphore_mem>>) src(%dma_wait3A_178 : memref<10240x128xf32, #tpu.memory_space<vmem_shared>>) dst(%arg6 : memref<128x128xf32, #tpu.memory_space<vmem>>)
    %add3A_179 = arith.constant 1024 : i32
    %add3A_180 = arith.addi %mul3A_2, %add3A_179 : i32
    %dma_start3A_181 = arith.constant 0 : i32
    %dma_start3A_182 = tpu.memref_slice %arg4[%add3A_180, %dma_start3A_181] : memref<40960x128xf32, #tpu.memory_space<hbm>> -> memref<128x128xf32, #tpu.memory_space<hbm>>
    %dma_start3A_183 = arith.constant 0 : i32
    %dma_start3A_184 = tpu.memref_slice %arg4[%add3A_180, %dma_start3A_183] : memref<40960x128xf32, #tpu.memory_space<hbm>> -> memref<128x128xf32, #tpu.memory_space<hbm>>
    tpu.enqueue_dma source(%arg6 : memref<128x128xf32, #tpu.memory_space<vmem>>) target(%dma_start3A_184 : memref<128x128xf32, #tpu.memory_space<hbm>>) target_semaphore(%arg11 : memref<!tpu.dma_semaphore, #tpu.memory_space<semaphore_mem>>)
    %dma_wait3A_185 = arith.constant 1152 : i32
    %dma_wait3A_186 = tpu.memref_slice %arg5[%dma_wait3A_185] : memref<1280xi32, #tpu.memory_space<vmem>> -> memref<128xi32, #tpu.memory_space<vmem>>
    %dma_wait3A_187 = arith.constant 0 : i32
    %dma_wait3A_188 = arith.constant 0 : i32
    %dma_wait3A_189 = tpu.memref_slice %arg8[%dma_wait3A_187, %dma_wait3A_188] : memref<10240x128xf32, #tpu.memory_space<vmem_shared>> -> memref<10240x128xf32, #tpu.memory_space<vmem_shared>>
    tpu.wait_indirect_dma semaphore(%arg10 : memref<!tpu.dma_semaphore, #tpu.memory_space<semaphore_mem>>) src(%dma_wait3A_189 : memref<10240x128xf32, #tpu.memory_space<vmem_shared>>) dst(%arg7 : memref<128x128xf32, #tpu.memory_space<vmem>>)
    %add3A_190 = arith.constant 1152 : i32
    %add3A_191 = arith.addi %mul3A_2, %add3A_190 : i32
    %dma_start3A_192 = arith.constant 0 : i32
    %dma_start3A_193 = tpu.memref_slice %arg4[%add3A_191, %dma_start3A_192] : memref<40960x128xf32, #tpu.memory_space<hbm>> -> memref<128x128xf32, #tpu.memory_space<hbm>>
    %dma_start3A_194 = arith.constant 0 : i32
    %dma_start3A_195 = tpu.memref_slice %arg4[%add3A_191, %dma_start3A_194] : memref<40960x128xf32, #tpu.memory_space<hbm>> -> memref<128x128xf32, #tpu.memory_space<hbm>>
    tpu.enqueue_dma source(%arg7 : memref<128x128xf32, #tpu.memory_space<vmem>>) target(%dma_start3A_195 : memref<128x128xf32, #tpu.memory_space<hbm>>) target_semaphore(%arg12 : memref<!tpu.dma_semaphore, #tpu.memory_space<semaphore_mem>>)
    %dma_wait3A_196 = arith.constant 0 : i32
    %dma_wait3A_197 = tpu.memref_slice %arg4[%add3A_180, %dma_wait3A_196] : memref<40960x128xf32, #tpu.memory_space<hbm>> -> memref<128x128xf32, #tpu.memory_space<hbm>>
    %dma_wait3A_198 = arith.constant 0 : i32
    %dma_wait3A_199 = tpu.memref_slice %arg4[%add3A_180, %dma_wait3A_198] : memref<40960x128xf32, #tpu.memory_space<hbm>> -> memref<128x128xf32, #tpu.memory_space<hbm>>
    tpu.wait_dma2 semaphore(%arg11 : memref<!tpu.dma_semaphore, #tpu.memory_space<semaphore_mem>>) src(%arg6 : memref<128x128xf32, #tpu.memory_space<vmem>>) dst(%dma_wait3A_199 : memref<128x128xf32, #tpu.memory_space<hbm>>)
    %dma_wait3A_200 = arith.constant 0 : i32
    %dma_wait3A_201 = tpu.memref_slice %arg4[%add3A_191, %dma_wait3A_200] : memref<40960x128xf32, #tpu.memory_space<hbm>> -> memref<128x128xf32, #tpu.memory_space<hbm>>
    %dma_wait3A_202 = arith.constant 0 : i32
    %dma_wait3A_203 = tpu.memref_slice %arg4[%add3A_191, %dma_wait3A_202] : memref<40960x128xf32, #tpu.memory_space<hbm>> -> memref<128x128xf32, #tpu.memory_space<hbm>>
    tpu.wait_dma2 semaphore(%arg12 : memref<!tpu.dma_semaphore, #tpu.memory_space<semaphore_mem>>) src(%arg7 : memref<128x128xf32, #tpu.memory_space<vmem>>) dst(%dma_wait3A_203 : memref<128x128xf32, #tpu.memory_space<hbm>>)
    return
  }
}

#map = affine_map<(d0, d1) -> (0, 0)>
#map1 = affine_map<(d0, d1) -> (0)>
module attributes {stable_mosaic.version = 14 : i64} {
  func.func @gather_kernel(%arg0: i32, %arg1: i32, %arg2: memref<2048x128xf32, #tpu.memory_space<hbm>>, %arg3: memref<40960xi32, #tpu.memory_space<hbm>>, %arg4: memref<40960x128xf32, #tpu.memory_space<hbm>>, %arg5: memref<1280xi32, #tpu.memory_space<vmem>>, %arg6: memref<128x128xf32, #tpu.memory_space<vmem>>, %arg7: memref<128x128xf32, #tpu.memory_space<vmem>>, %arg8: memref<128x128xf32, #tpu.memory_space<vmem>>, %arg9: memref<128x128xf32, #tpu.memory_space<vmem>>, %arg10: memref<128x128xf32, #tpu.memory_space<vmem>>, %arg11: memref<128x128xf32, #tpu.memory_space<vmem>>, %arg12: memref<2048x128xf32, #tpu.memory_space<vmem_shared>>, %arg13: memref<!tpu.dma_semaphore, #tpu.memory_space<semaphore_mem>>, %arg14: memref<!tpu.dma_semaphore, #tpu.memory_space<semaphore_mem>>, %arg15: memref<!tpu.dma_semaphore, #tpu.memory_space<semaphore_mem>>, %arg16: memref<!tpu.dma_semaphore, #tpu.memory_space<semaphore_mem>>, %arg17: memref<!tpu.dma_semaphore, #tpu.memory_space<semaphore_mem>>, %arg18: memref<!tpu.dma_semaphore, #tpu.memory_space<semaphore_mem>>, %arg19: memref<!tpu.dma_semaphore, #tpu.memory_space<semaphore_mem>>, %arg20: memref<!tpu.dma_semaphore, #tpu.memory_space<semaphore_mem>>, %arg21: memref<!tpu.dma_semaphore, #tpu.memory_space<semaphore_mem>>, %arg22: memref<!tpu.dma_semaphore, #tpu.memory_space<semaphore_mem>>, %arg23: memref<!tpu.dma_semaphore, #tpu.memory_space<semaphore_mem>>, %arg24: memref<!tpu.dma_semaphore, #tpu.memory_space<semaphore_mem>>) attributes {dimension_semantics = [#tpu.dimension_semantics<core_parallel>, #tpu.dimension_semantics<subcore_parallel>], iteration_bounds = array<i64: 2, 16>, scalar_prefetch = 0 : i64, scratch_operands = 20 : i64, tpu.core_type = #tpu.core_type<sc_vector_subcore>, window_params = [{transform_indices = #map}, {transform_indices = #map1}, {transform_indices = #map}]} {
    %mul3A = arith.constant 2 : i32
    %mul3A_0 = arith.muli %arg1, %mul3A : i32
    %add3A = arith.addi %mul3A_0, %arg0 : i32
    %mul3A_1 = arith.constant 1280 : i32
    %mul3A_2 = arith.muli %add3A, %mul3A_1 : i32
    %mul3A_3 = arith.constant 128 : i32
    %mul3A_4 = arith.muli %arg1, %mul3A_3 : i32
    %min3A = arith.constant 1920 : i32
    %min3A_5 = arith.minsi %mul3A_4, %min3A : i32
    "tpu.region"() ({
      %run_scoped3A = tpu.sem_alloc : memref<!tpu.dma_semaphore, #tpu.memory_space<semaphore_mem>>
      %dma_start3A_204 = arith.constant 0 : i32
      %dma_start3A_205 = tpu.memref_slice %arg12[%min3A_5, %dma_start3A_204] : memref<2048x128xf32, #tpu.memory_space<vmem_shared>> -> memref<128x128xf32, #tpu.memory_space<vmem_shared>>
      %dma_start3A_206 = arith.constant 0 : i32
      %dma_start3A_207 = tpu.memref_slice %arg2[%min3A_5, %dma_start3A_206] : memref<2048x128xf32, #tpu.memory_space<hbm>> -> memref<128x128xf32, #tpu.memory_space<hbm>>
      tpu.enqueue_dma source(%dma_start3A_207 : memref<128x128xf32, #tpu.memory_space<hbm>>) target(%dma_start3A_205 : memref<128x128xf32, #tpu.memory_space<vmem_shared>>) target_semaphore(%run_scoped3A : memref<!tpu.dma_semaphore, #tpu.memory_space<semaphore_mem>>)
      %dma_wait3A_208 = arith.constant 0 : i32
      %dma_wait3A_209 = tpu.memref_slice %arg12[%min3A_5, %dma_wait3A_208] : memref<2048x128xf32, #tpu.memory_space<vmem_shared>> -> memref<128x128xf32, #tpu.memory_space<vmem_shared>>
      %dma_wait3A_210 = arith.constant 0 : i32
      %dma_wait3A_211 = tpu.memref_slice %arg2[%min3A_5, %dma_wait3A_210] : memref<2048x128xf32, #tpu.memory_space<hbm>> -> memref<128x128xf32, #tpu.memory_space<hbm>>
      tpu.wait_dma2 semaphore(%run_scoped3A : memref<!tpu.dma_semaphore, #tpu.memory_space<semaphore_mem>>) src(%dma_wait3A_211 : memref<128x128xf32, #tpu.memory_space<hbm>>) dst(%dma_wait3A_209 : memref<128x128xf32, #tpu.memory_space<vmem_shared>>)
      tpu.yield
    }) : () -> ()
    "tpu.region"() ({
      %run_scoped3A = tpu.sem_alloc : memref<!tpu.dma_semaphore, #tpu.memory_space<semaphore_mem>>
      %dma_start3A_204 = tpu.memref_slice %arg3[%mul3A_2] : memref<40960xi32, #tpu.memory_space<hbm>> -> memref<1280xi32, #tpu.memory_space<hbm>>
      %dma_start3A_205 = tpu.memref_slice %arg3[%mul3A_2] : memref<40960xi32, #tpu.memory_space<hbm>> -> memref<1280xi32, #tpu.memory_space<hbm>>
      tpu.enqueue_dma source(%dma_start3A_205 : memref<1280xi32, #tpu.memory_space<hbm>>) target(%arg5 : memref<1280xi32, #tpu.memory_space<vmem>>) target_semaphore(%run_scoped3A : memref<!tpu.dma_semaphore, #tpu.memory_space<semaphore_mem>>)
      %dma_wait3A_206 = tpu.memref_slice %arg3[%mul3A_2] : memref<40960xi32, #tpu.memory_space<hbm>> -> memref<1280xi32, #tpu.memory_space<hbm>>
      %dma_wait3A_207 = tpu.memref_slice %arg3[%mul3A_2] : memref<40960xi32, #tpu.memory_space<hbm>> -> memref<1280xi32, #tpu.memory_space<hbm>>
      tpu.wait_dma2 semaphore(%run_scoped3A : memref<!tpu.dma_semaphore, #tpu.memory_space<semaphore_mem>>) src(%dma_wait3A_207 : memref<1280xi32, #tpu.memory_space<hbm>>) dst(%arg5 : memref<1280xi32, #tpu.memory_space<vmem>>)
      tpu.yield
    }) : () -> ()
    %barrier3A = arith.constant 0 : index
    tpu.barrier barrier_id(%barrier3A)
    %dma_start3A = arith.constant 0 : i32
    %dma_start3A_6 = tpu.memref_slice %arg5[%dma_start3A] : memref<1280xi32, #tpu.memory_space<vmem>> -> memref<128xi32, #tpu.memory_space<vmem>>
    %dma_start3A_7 = arith.constant 0 : i32
    %dma_start3A_8 = arith.constant 0 : i32
    %dma_start3A_9 = tpu.memref_slice %arg12[%dma_start3A_7, %dma_start3A_8] : memref<2048x128xf32, #tpu.memory_space<vmem_shared>> -> memref<2048x128xf32, #tpu.memory_space<vmem_shared>>
    tpu.enqueue_indirect_dma source(%dma_start3A_9 : memref<2048x128xf32, #tpu.memory_space<vmem_shared>>) target(%arg6 : memref<128x128xf32, #tpu.memory_space<vmem>>) offsets(%dma_start3A_6 : memref<128xi32, #tpu.memory_space<vmem>>) semaphore(%arg13 : memref<!tpu.dma_semaphore, #tpu.memory_space<semaphore_mem>>)
    %dma_start3A_10 = arith.constant 128 : i32
    %dma_start3A_11 = tpu.memref_slice %arg5[%dma_start3A_10] : memref<1280xi32, #tpu.memory_space<vmem>> -> memref<128xi32, #tpu.memory_space<vmem>>
    %dma_start3A_12 = arith.constant 0 : i32
    %dma_start3A_13 = arith.constant 0 : i32
    %dma_start3A_14 = tpu.memref_slice %arg12[%dma_start3A_12, %dma_start3A_13] : memref<2048x128xf32, #tpu.memory_space<vmem_shared>> -> memref<2048x128xf32, #tpu.memory_space<vmem_shared>>
    tpu.enqueue_indirect_dma source(%dma_start3A_14 : memref<2048x128xf32, #tpu.memory_space<vmem_shared>>) target(%arg7 : memref<128x128xf32, #tpu.memory_space<vmem>>) offsets(%dma_start3A_11 : memref<128xi32, #tpu.memory_space<vmem>>) semaphore(%arg14 : memref<!tpu.dma_semaphore, #tpu.memory_space<semaphore_mem>>)
    %dma_start3A_15 = arith.constant 256 : i32
    %dma_start3A_16 = tpu.memref_slice %arg5[%dma_start3A_15] : memref<1280xi32, #tpu.memory_space<vmem>> -> memref<128xi32, #tpu.memory_space<vmem>>
    %dma_start3A_17 = arith.constant 0 : i32
    %dma_start3A_18 = arith.constant 0 : i32
    %dma_start3A_19 = tpu.memref_slice %arg12[%dma_start3A_17, %dma_start3A_18] : memref<2048x128xf32, #tpu.memory_space<vmem_shared>> -> memref<2048x128xf32, #tpu.memory_space<vmem_shared>>
    tpu.enqueue_indirect_dma source(%dma_start3A_19 : memref<2048x128xf32, #tpu.memory_space<vmem_shared>>) target(%arg8 : memref<128x128xf32, #tpu.memory_space<vmem>>) offsets(%dma_start3A_16 : memref<128xi32, #tpu.memory_space<vmem>>) semaphore(%arg15 : memref<!tpu.dma_semaphore, #tpu.memory_space<semaphore_mem>>)
    %dma_start3A_20 = arith.constant 384 : i32
    %dma_start3A_21 = tpu.memref_slice %arg5[%dma_start3A_20] : memref<1280xi32, #tpu.memory_space<vmem>> -> memref<128xi32, #tpu.memory_space<vmem>>
    %dma_start3A_22 = arith.constant 0 : i32
    %dma_start3A_23 = arith.constant 0 : i32
    %dma_start3A_24 = tpu.memref_slice %arg12[%dma_start3A_22, %dma_start3A_23] : memref<2048x128xf32, #tpu.memory_space<vmem_shared>> -> memref<2048x128xf32, #tpu.memory_space<vmem_shared>>
    tpu.enqueue_indirect_dma source(%dma_start3A_24 : memref<2048x128xf32, #tpu.memory_space<vmem_shared>>) target(%arg9 : memref<128x128xf32, #tpu.memory_space<vmem>>) offsets(%dma_start3A_21 : memref<128xi32, #tpu.memory_space<vmem>>) semaphore(%arg16 : memref<!tpu.dma_semaphore, #tpu.memory_space<semaphore_mem>>)
    %dma_wait3A = arith.constant 0 : i32
    %dma_wait3A_25 = tpu.memref_slice %arg5[%dma_wait3A] : memref<1280xi32, #tpu.memory_space<vmem>> -> memref<128xi32, #tpu.memory_space<vmem>>
    %dma_wait3A_26 = arith.constant 0 : i32
    %dma_wait3A_27 = arith.constant 0 : i32
    %dma_wait3A_28 = tpu.memref_slice %arg12[%dma_wait3A_26, %dma_wait3A_27] : memref<2048x128xf32, #tpu.memory_space<vmem_shared>> -> memref<2048x128xf32, #tpu.memory_space<vmem_shared>>
    tpu.wait_indirect_dma semaphore(%arg13 : memref<!tpu.dma_semaphore, #tpu.memory_space<semaphore_mem>>) src(%dma_wait3A_28 : memref<2048x128xf32, #tpu.memory_space<vmem_shared>>) dst(%arg6 : memref<128x128xf32, #tpu.memory_space<vmem>>)
    %add3A_29 = arith.constant 0 : i32
    %add3A_30 = arith.addi %mul3A_2, %add3A_29 : i32
    %dma_start3A_31 = arith.constant 0 : i32
    %dma_start3A_32 = tpu.memref_slice %arg4[%add3A_30, %dma_start3A_31] : memref<40960x128xf32, #tpu.memory_space<hbm>> -> memref<128x128xf32, #tpu.memory_space<hbm>>
    %dma_start3A_33 = arith.constant 0 : i32
    %dma_start3A_34 = tpu.memref_slice %arg4[%add3A_30, %dma_start3A_33] : memref<40960x128xf32, #tpu.memory_space<hbm>> -> memref<128x128xf32, #tpu.memory_space<hbm>>
    tpu.enqueue_dma source(%arg6 : memref<128x128xf32, #tpu.memory_space<vmem>>) target(%dma_start3A_34 : memref<128x128xf32, #tpu.memory_space<hbm>>) target_semaphore(%arg19 : memref<!tpu.dma_semaphore, #tpu.memory_space<semaphore_mem>>)
    %dma_start3A_35 = arith.constant 512 : i32
    %dma_start3A_36 = tpu.memref_slice %arg5[%dma_start3A_35] : memref<1280xi32, #tpu.memory_space<vmem>> -> memref<128xi32, #tpu.memory_space<vmem>>
    %dma_start3A_37 = arith.constant 0 : i32
    %dma_start3A_38 = arith.constant 0 : i32
    %dma_start3A_39 = tpu.memref_slice %arg12[%dma_start3A_37, %dma_start3A_38] : memref<2048x128xf32, #tpu.memory_space<vmem_shared>> -> memref<2048x128xf32, #tpu.memory_space<vmem_shared>>
    tpu.enqueue_indirect_dma source(%dma_start3A_39 : memref<2048x128xf32, #tpu.memory_space<vmem_shared>>) target(%arg10 : memref<128x128xf32, #tpu.memory_space<vmem>>) offsets(%dma_start3A_36 : memref<128xi32, #tpu.memory_space<vmem>>) semaphore(%arg17 : memref<!tpu.dma_semaphore, #tpu.memory_space<semaphore_mem>>)
    %dma_wait3A_40 = arith.constant 128 : i32
    %dma_wait3A_41 = tpu.memref_slice %arg5[%dma_wait3A_40] : memref<1280xi32, #tpu.memory_space<vmem>> -> memref<128xi32, #tpu.memory_space<vmem>>
    %dma_wait3A_42 = arith.constant 0 : i32
    %dma_wait3A_43 = arith.constant 0 : i32
    %dma_wait3A_44 = tpu.memref_slice %arg12[%dma_wait3A_42, %dma_wait3A_43] : memref<2048x128xf32, #tpu.memory_space<vmem_shared>> -> memref<2048x128xf32, #tpu.memory_space<vmem_shared>>
    tpu.wait_indirect_dma semaphore(%arg14 : memref<!tpu.dma_semaphore, #tpu.memory_space<semaphore_mem>>) src(%dma_wait3A_44 : memref<2048x128xf32, #tpu.memory_space<vmem_shared>>) dst(%arg7 : memref<128x128xf32, #tpu.memory_space<vmem>>)
    %add3A_45 = arith.constant 128 : i32
    %add3A_46 = arith.addi %mul3A_2, %add3A_45 : i32
    %dma_start3A_47 = arith.constant 0 : i32
    %dma_start3A_48 = tpu.memref_slice %arg4[%add3A_46, %dma_start3A_47] : memref<40960x128xf32, #tpu.memory_space<hbm>> -> memref<128x128xf32, #tpu.memory_space<hbm>>
    %dma_start3A_49 = arith.constant 0 : i32
    %dma_start3A_50 = tpu.memref_slice %arg4[%add3A_46, %dma_start3A_49] : memref<40960x128xf32, #tpu.memory_space<hbm>> -> memref<128x128xf32, #tpu.memory_space<hbm>>
    tpu.enqueue_dma source(%arg7 : memref<128x128xf32, #tpu.memory_space<vmem>>) target(%dma_start3A_50 : memref<128x128xf32, #tpu.memory_space<hbm>>) target_semaphore(%arg20 : memref<!tpu.dma_semaphore, #tpu.memory_space<semaphore_mem>>)
    %dma_start3A_51 = arith.constant 640 : i32
    %dma_start3A_52 = tpu.memref_slice %arg5[%dma_start3A_51] : memref<1280xi32, #tpu.memory_space<vmem>> -> memref<128xi32, #tpu.memory_space<vmem>>
    %dma_start3A_53 = arith.constant 0 : i32
    %dma_start3A_54 = arith.constant 0 : i32
    %dma_start3A_55 = tpu.memref_slice %arg12[%dma_start3A_53, %dma_start3A_54] : memref<2048x128xf32, #tpu.memory_space<vmem_shared>> -> memref<2048x128xf32, #tpu.memory_space<vmem_shared>>
    tpu.enqueue_indirect_dma source(%dma_start3A_55 : memref<2048x128xf32, #tpu.memory_space<vmem_shared>>) target(%arg11 : memref<128x128xf32, #tpu.memory_space<vmem>>) offsets(%dma_start3A_52 : memref<128xi32, #tpu.memory_space<vmem>>) semaphore(%arg18 : memref<!tpu.dma_semaphore, #tpu.memory_space<semaphore_mem>>)
    %dma_wait3A_56 = arith.constant 256 : i32
    %dma_wait3A_57 = tpu.memref_slice %arg5[%dma_wait3A_56] : memref<1280xi32, #tpu.memory_space<vmem>> -> memref<128xi32, #tpu.memory_space<vmem>>
    %dma_wait3A_58 = arith.constant 0 : i32
    %dma_wait3A_59 = arith.constant 0 : i32
    %dma_wait3A_60 = tpu.memref_slice %arg12[%dma_wait3A_58, %dma_wait3A_59] : memref<2048x128xf32, #tpu.memory_space<vmem_shared>> -> memref<2048x128xf32, #tpu.memory_space<vmem_shared>>
    tpu.wait_indirect_dma semaphore(%arg15 : memref<!tpu.dma_semaphore, #tpu.memory_space<semaphore_mem>>) src(%dma_wait3A_60 : memref<2048x128xf32, #tpu.memory_space<vmem_shared>>) dst(%arg8 : memref<128x128xf32, #tpu.memory_space<vmem>>)
    %add3A_61 = arith.constant 256 : i32
    %add3A_62 = arith.addi %mul3A_2, %add3A_61 : i32
    %dma_start3A_63 = arith.constant 0 : i32
    %dma_start3A_64 = tpu.memref_slice %arg4[%add3A_62, %dma_start3A_63] : memref<40960x128xf32, #tpu.memory_space<hbm>> -> memref<128x128xf32, #tpu.memory_space<hbm>>
    %dma_start3A_65 = arith.constant 0 : i32
    %dma_start3A_66 = tpu.memref_slice %arg4[%add3A_62, %dma_start3A_65] : memref<40960x128xf32, #tpu.memory_space<hbm>> -> memref<128x128xf32, #tpu.memory_space<hbm>>
    tpu.enqueue_dma source(%arg8 : memref<128x128xf32, #tpu.memory_space<vmem>>) target(%dma_start3A_66 : memref<128x128xf32, #tpu.memory_space<hbm>>) target_semaphore(%arg21 : memref<!tpu.dma_semaphore, #tpu.memory_space<semaphore_mem>>)
    %dma_wait3A_67 = arith.constant 0 : i32
    %dma_wait3A_68 = tpu.memref_slice %arg4[%add3A_30, %dma_wait3A_67] : memref<40960x128xf32, #tpu.memory_space<hbm>> -> memref<128x128xf32, #tpu.memory_space<hbm>>
    %dma_wait3A_69 = arith.constant 0 : i32
    %dma_wait3A_70 = tpu.memref_slice %arg4[%add3A_30, %dma_wait3A_69] : memref<40960x128xf32, #tpu.memory_space<hbm>> -> memref<128x128xf32, #tpu.memory_space<hbm>>
    tpu.wait_dma2 semaphore(%arg19 : memref<!tpu.dma_semaphore, #tpu.memory_space<semaphore_mem>>) src(%arg6 : memref<128x128xf32, #tpu.memory_space<vmem>>) dst(%dma_wait3A_70 : memref<128x128xf32, #tpu.memory_space<hbm>>)
    %dma_start3A_71 = arith.constant 768 : i32
    %dma_start3A_72 = tpu.memref_slice %arg5[%dma_start3A_71] : memref<1280xi32, #tpu.memory_space<vmem>> -> memref<128xi32, #tpu.memory_space<vmem>>
    %dma_start3A_73 = arith.constant 0 : i32
    %dma_start3A_74 = arith.constant 0 : i32
    %dma_start3A_75 = tpu.memref_slice %arg12[%dma_start3A_73, %dma_start3A_74] : memref<2048x128xf32, #tpu.memory_space<vmem_shared>> -> memref<2048x128xf32, #tpu.memory_space<vmem_shared>>
    tpu.enqueue_indirect_dma source(%dma_start3A_75 : memref<2048x128xf32, #tpu.memory_space<vmem_shared>>) target(%arg6 : memref<128x128xf32, #tpu.memory_space<vmem>>) offsets(%dma_start3A_72 : memref<128xi32, #tpu.memory_space<vmem>>) semaphore(%arg13 : memref<!tpu.dma_semaphore, #tpu.memory_space<semaphore_mem>>)
    %dma_wait3A_76 = arith.constant 384 : i32
    %dma_wait3A_77 = tpu.memref_slice %arg5[%dma_wait3A_76] : memref<1280xi32, #tpu.memory_space<vmem>> -> memref<128xi32, #tpu.memory_space<vmem>>
    %dma_wait3A_78 = arith.constant 0 : i32
    %dma_wait3A_79 = arith.constant 0 : i32
    %dma_wait3A_80 = tpu.memref_slice %arg12[%dma_wait3A_78, %dma_wait3A_79] : memref<2048x128xf32, #tpu.memory_space<vmem_shared>> -> memref<2048x128xf32, #tpu.memory_space<vmem_shared>>
    tpu.wait_indirect_dma semaphore(%arg16 : memref<!tpu.dma_semaphore, #tpu.memory_space<semaphore_mem>>) src(%dma_wait3A_80 : memref<2048x128xf32, #tpu.memory_space<vmem_shared>>) dst(%arg9 : memref<128x128xf32, #tpu.memory_space<vmem>>)
    %add3A_81 = arith.constant 384 : i32
    %add3A_82 = arith.addi %mul3A_2, %add3A_81 : i32
    %dma_start3A_83 = arith.constant 0 : i32
    %dma_start3A_84 = tpu.memref_slice %arg4[%add3A_82, %dma_start3A_83] : memref<40960x128xf32, #tpu.memory_space<hbm>> -> memref<128x128xf32, #tpu.memory_space<hbm>>
    %dma_start3A_85 = arith.constant 0 : i32
    %dma_start3A_86 = tpu.memref_slice %arg4[%add3A_82, %dma_start3A_85] : memref<40960x128xf32, #tpu.memory_space<hbm>> -> memref<128x128xf32, #tpu.memory_space<hbm>>
    tpu.enqueue_dma source(%arg9 : memref<128x128xf32, #tpu.memory_space<vmem>>) target(%dma_start3A_86 : memref<128x128xf32, #tpu.memory_space<hbm>>) target_semaphore(%arg22 : memref<!tpu.dma_semaphore, #tpu.memory_space<semaphore_mem>>)
    %dma_wait3A_87 = arith.constant 0 : i32
    %dma_wait3A_88 = tpu.memref_slice %arg4[%add3A_46, %dma_wait3A_87] : memref<40960x128xf32, #tpu.memory_space<hbm>> -> memref<128x128xf32, #tpu.memory_space<hbm>>
    %dma_wait3A_89 = arith.constant 0 : i32
    %dma_wait3A_90 = tpu.memref_slice %arg4[%add3A_46, %dma_wait3A_89] : memref<40960x128xf32, #tpu.memory_space<hbm>> -> memref<128x128xf32, #tpu.memory_space<hbm>>
    tpu.wait_dma2 semaphore(%arg20 : memref<!tpu.dma_semaphore, #tpu.memory_space<semaphore_mem>>) src(%arg7 : memref<128x128xf32, #tpu.memory_space<vmem>>) dst(%dma_wait3A_90 : memref<128x128xf32, #tpu.memory_space<hbm>>)
    %dma_start3A_91 = arith.constant 896 : i32
    %dma_start3A_92 = tpu.memref_slice %arg5[%dma_start3A_91] : memref<1280xi32, #tpu.memory_space<vmem>> -> memref<128xi32, #tpu.memory_space<vmem>>
    %dma_start3A_93 = arith.constant 0 : i32
    %dma_start3A_94 = arith.constant 0 : i32
    %dma_start3A_95 = tpu.memref_slice %arg12[%dma_start3A_93, %dma_start3A_94] : memref<2048x128xf32, #tpu.memory_space<vmem_shared>> -> memref<2048x128xf32, #tpu.memory_space<vmem_shared>>
    tpu.enqueue_indirect_dma source(%dma_start3A_95 : memref<2048x128xf32, #tpu.memory_space<vmem_shared>>) target(%arg7 : memref<128x128xf32, #tpu.memory_space<vmem>>) offsets(%dma_start3A_92 : memref<128xi32, #tpu.memory_space<vmem>>) semaphore(%arg14 : memref<!tpu.dma_semaphore, #tpu.memory_space<semaphore_mem>>)
    %dma_wait3A_96 = arith.constant 512 : i32
    %dma_wait3A_97 = tpu.memref_slice %arg5[%dma_wait3A_96] : memref<1280xi32, #tpu.memory_space<vmem>> -> memref<128xi32, #tpu.memory_space<vmem>>
    %dma_wait3A_98 = arith.constant 0 : i32
    %dma_wait3A_99 = arith.constant 0 : i32
    %dma_wait3A_100 = tpu.memref_slice %arg12[%dma_wait3A_98, %dma_wait3A_99] : memref<2048x128xf32, #tpu.memory_space<vmem_shared>> -> memref<2048x128xf32, #tpu.memory_space<vmem_shared>>
    tpu.wait_indirect_dma semaphore(%arg17 : memref<!tpu.dma_semaphore, #tpu.memory_space<semaphore_mem>>) src(%dma_wait3A_100 : memref<2048x128xf32, #tpu.memory_space<vmem_shared>>) dst(%arg10 : memref<128x128xf32, #tpu.memory_space<vmem>>)
    %add3A_101 = arith.constant 512 : i32
    %add3A_102 = arith.addi %mul3A_2, %add3A_101 : i32
    %dma_start3A_103 = arith.constant 0 : i32
    %dma_start3A_104 = tpu.memref_slice %arg4[%add3A_102, %dma_start3A_103] : memref<40960x128xf32, #tpu.memory_space<hbm>> -> memref<128x128xf32, #tpu.memory_space<hbm>>
    %dma_start3A_105 = arith.constant 0 : i32
    %dma_start3A_106 = tpu.memref_slice %arg4[%add3A_102, %dma_start3A_105] : memref<40960x128xf32, #tpu.memory_space<hbm>> -> memref<128x128xf32, #tpu.memory_space<hbm>>
    tpu.enqueue_dma source(%arg10 : memref<128x128xf32, #tpu.memory_space<vmem>>) target(%dma_start3A_106 : memref<128x128xf32, #tpu.memory_space<hbm>>) target_semaphore(%arg23 : memref<!tpu.dma_semaphore, #tpu.memory_space<semaphore_mem>>)
    %dma_wait3A_107 = arith.constant 0 : i32
    %dma_wait3A_108 = tpu.memref_slice %arg4[%add3A_62, %dma_wait3A_107] : memref<40960x128xf32, #tpu.memory_space<hbm>> -> memref<128x128xf32, #tpu.memory_space<hbm>>
    %dma_wait3A_109 = arith.constant 0 : i32
    %dma_wait3A_110 = tpu.memref_slice %arg4[%add3A_62, %dma_wait3A_109] : memref<40960x128xf32, #tpu.memory_space<hbm>> -> memref<128x128xf32, #tpu.memory_space<hbm>>
    tpu.wait_dma2 semaphore(%arg21 : memref<!tpu.dma_semaphore, #tpu.memory_space<semaphore_mem>>) src(%arg8 : memref<128x128xf32, #tpu.memory_space<vmem>>) dst(%dma_wait3A_110 : memref<128x128xf32, #tpu.memory_space<hbm>>)
    %dma_start3A_111 = arith.constant 1024 : i32
    %dma_start3A_112 = tpu.memref_slice %arg5[%dma_start3A_111] : memref<1280xi32, #tpu.memory_space<vmem>> -> memref<128xi32, #tpu.memory_space<vmem>>
    %dma_start3A_113 = arith.constant 0 : i32
    %dma_start3A_114 = arith.constant 0 : i32
    %dma_start3A_115 = tpu.memref_slice %arg12[%dma_start3A_113, %dma_start3A_114] : memref<2048x128xf32, #tpu.memory_space<vmem_shared>> -> memref<2048x128xf32, #tpu.memory_space<vmem_shared>>
    tpu.enqueue_indirect_dma source(%dma_start3A_115 : memref<2048x128xf32, #tpu.memory_space<vmem_shared>>) target(%arg8 : memref<128x128xf32, #tpu.memory_space<vmem>>) offsets(%dma_start3A_112 : memref<128xi32, #tpu.memory_space<vmem>>) semaphore(%arg15 : memref<!tpu.dma_semaphore, #tpu.memory_space<semaphore_mem>>)
    %dma_wait3A_116 = arith.constant 640 : i32
    %dma_wait3A_117 = tpu.memref_slice %arg5[%dma_wait3A_116] : memref<1280xi32, #tpu.memory_space<vmem>> -> memref<128xi32, #tpu.memory_space<vmem>>
    %dma_wait3A_118 = arith.constant 0 : i32
    %dma_wait3A_119 = arith.constant 0 : i32
    %dma_wait3A_120 = tpu.memref_slice %arg12[%dma_wait3A_118, %dma_wait3A_119] : memref<2048x128xf32, #tpu.memory_space<vmem_shared>> -> memref<2048x128xf32, #tpu.memory_space<vmem_shared>>
    tpu.wait_indirect_dma semaphore(%arg18 : memref<!tpu.dma_semaphore, #tpu.memory_space<semaphore_mem>>) src(%dma_wait3A_120 : memref<2048x128xf32, #tpu.memory_space<vmem_shared>>) dst(%arg11 : memref<128x128xf32, #tpu.memory_space<vmem>>)
    %add3A_121 = arith.constant 640 : i32
    %add3A_122 = arith.addi %mul3A_2, %add3A_121 : i32
    %dma_start3A_123 = arith.constant 0 : i32
    %dma_start3A_124 = tpu.memref_slice %arg4[%add3A_122, %dma_start3A_123] : memref<40960x128xf32, #tpu.memory_space<hbm>> -> memref<128x128xf32, #tpu.memory_space<hbm>>
    %dma_start3A_125 = arith.constant 0 : i32
    %dma_start3A_126 = tpu.memref_slice %arg4[%add3A_122, %dma_start3A_125] : memref<40960x128xf32, #tpu.memory_space<hbm>> -> memref<128x128xf32, #tpu.memory_space<hbm>>
    tpu.enqueue_dma source(%arg11 : memref<128x128xf32, #tpu.memory_space<vmem>>) target(%dma_start3A_126 : memref<128x128xf32, #tpu.memory_space<hbm>>) target_semaphore(%arg24 : memref<!tpu.dma_semaphore, #tpu.memory_space<semaphore_mem>>)
    %dma_wait3A_127 = arith.constant 0 : i32
    %dma_wait3A_128 = tpu.memref_slice %arg4[%add3A_82, %dma_wait3A_127] : memref<40960x128xf32, #tpu.memory_space<hbm>> -> memref<128x128xf32, #tpu.memory_space<hbm>>
    %dma_wait3A_129 = arith.constant 0 : i32
    %dma_wait3A_130 = tpu.memref_slice %arg4[%add3A_82, %dma_wait3A_129] : memref<40960x128xf32, #tpu.memory_space<hbm>> -> memref<128x128xf32, #tpu.memory_space<hbm>>
    tpu.wait_dma2 semaphore(%arg22 : memref<!tpu.dma_semaphore, #tpu.memory_space<semaphore_mem>>) src(%arg9 : memref<128x128xf32, #tpu.memory_space<vmem>>) dst(%dma_wait3A_130 : memref<128x128xf32, #tpu.memory_space<hbm>>)
    %dma_start3A_131 = arith.constant 1152 : i32
    %dma_start3A_132 = tpu.memref_slice %arg5[%dma_start3A_131] : memref<1280xi32, #tpu.memory_space<vmem>> -> memref<128xi32, #tpu.memory_space<vmem>>
    %dma_start3A_133 = arith.constant 0 : i32
    %dma_start3A_134 = arith.constant 0 : i32
    %dma_start3A_135 = tpu.memref_slice %arg12[%dma_start3A_133, %dma_start3A_134] : memref<2048x128xf32, #tpu.memory_space<vmem_shared>> -> memref<2048x128xf32, #tpu.memory_space<vmem_shared>>
    tpu.enqueue_indirect_dma source(%dma_start3A_135 : memref<2048x128xf32, #tpu.memory_space<vmem_shared>>) target(%arg9 : memref<128x128xf32, #tpu.memory_space<vmem>>) offsets(%dma_start3A_132 : memref<128xi32, #tpu.memory_space<vmem>>) semaphore(%arg16 : memref<!tpu.dma_semaphore, #tpu.memory_space<semaphore_mem>>)
    %dma_wait3A_136 = arith.constant 768 : i32
    %dma_wait3A_137 = tpu.memref_slice %arg5[%dma_wait3A_136] : memref<1280xi32, #tpu.memory_space<vmem>> -> memref<128xi32, #tpu.memory_space<vmem>>
    %dma_wait3A_138 = arith.constant 0 : i32
    %dma_wait3A_139 = arith.constant 0 : i32
    %dma_wait3A_140 = tpu.memref_slice %arg12[%dma_wait3A_138, %dma_wait3A_139] : memref<2048x128xf32, #tpu.memory_space<vmem_shared>> -> memref<2048x128xf32, #tpu.memory_space<vmem_shared>>
    tpu.wait_indirect_dma semaphore(%arg13 : memref<!tpu.dma_semaphore, #tpu.memory_space<semaphore_mem>>) src(%dma_wait3A_140 : memref<2048x128xf32, #tpu.memory_space<vmem_shared>>) dst(%arg6 : memref<128x128xf32, #tpu.memory_space<vmem>>)
    %add3A_141 = arith.constant 768 : i32
    %add3A_142 = arith.addi %mul3A_2, %add3A_141 : i32
    %dma_start3A_143 = arith.constant 0 : i32
    %dma_start3A_144 = tpu.memref_slice %arg4[%add3A_142, %dma_start3A_143] : memref<40960x128xf32, #tpu.memory_space<hbm>> -> memref<128x128xf32, #tpu.memory_space<hbm>>
    %dma_start3A_145 = arith.constant 0 : i32
    %dma_start3A_146 = tpu.memref_slice %arg4[%add3A_142, %dma_start3A_145] : memref<40960x128xf32, #tpu.memory_space<hbm>> -> memref<128x128xf32, #tpu.memory_space<hbm>>
    tpu.enqueue_dma source(%arg6 : memref<128x128xf32, #tpu.memory_space<vmem>>) target(%dma_start3A_146 : memref<128x128xf32, #tpu.memory_space<hbm>>) target_semaphore(%arg19 : memref<!tpu.dma_semaphore, #tpu.memory_space<semaphore_mem>>)
    %dma_wait3A_147 = arith.constant 896 : i32
    %dma_wait3A_148 = tpu.memref_slice %arg5[%dma_wait3A_147] : memref<1280xi32, #tpu.memory_space<vmem>> -> memref<128xi32, #tpu.memory_space<vmem>>
    %dma_wait3A_149 = arith.constant 0 : i32
    %dma_wait3A_150 = arith.constant 0 : i32
    %dma_wait3A_151 = tpu.memref_slice %arg12[%dma_wait3A_149, %dma_wait3A_150] : memref<2048x128xf32, #tpu.memory_space<vmem_shared>> -> memref<2048x128xf32, #tpu.memory_space<vmem_shared>>
    tpu.wait_indirect_dma semaphore(%arg14 : memref<!tpu.dma_semaphore, #tpu.memory_space<semaphore_mem>>) src(%dma_wait3A_151 : memref<2048x128xf32, #tpu.memory_space<vmem_shared>>) dst(%arg7 : memref<128x128xf32, #tpu.memory_space<vmem>>)
    %add3A_152 = arith.constant 896 : i32
    %add3A_153 = arith.addi %mul3A_2, %add3A_152 : i32
    %dma_start3A_154 = arith.constant 0 : i32
    %dma_start3A_155 = tpu.memref_slice %arg4[%add3A_153, %dma_start3A_154] : memref<40960x128xf32, #tpu.memory_space<hbm>> -> memref<128x128xf32, #tpu.memory_space<hbm>>
    %dma_start3A_156 = arith.constant 0 : i32
    %dma_start3A_157 = tpu.memref_slice %arg4[%add3A_153, %dma_start3A_156] : memref<40960x128xf32, #tpu.memory_space<hbm>> -> memref<128x128xf32, #tpu.memory_space<hbm>>
    tpu.enqueue_dma source(%arg7 : memref<128x128xf32, #tpu.memory_space<vmem>>) target(%dma_start3A_157 : memref<128x128xf32, #tpu.memory_space<hbm>>) target_semaphore(%arg20 : memref<!tpu.dma_semaphore, #tpu.memory_space<semaphore_mem>>)
    %dma_wait3A_158 = arith.constant 1024 : i32
    %dma_wait3A_159 = tpu.memref_slice %arg5[%dma_wait3A_158] : memref<1280xi32, #tpu.memory_space<vmem>> -> memref<128xi32, #tpu.memory_space<vmem>>
    %dma_wait3A_160 = arith.constant 0 : i32
    %dma_wait3A_161 = arith.constant 0 : i32
    %dma_wait3A_162 = tpu.memref_slice %arg12[%dma_wait3A_160, %dma_wait3A_161] : memref<2048x128xf32, #tpu.memory_space<vmem_shared>> -> memref<2048x128xf32, #tpu.memory_space<vmem_shared>>
    tpu.wait_indirect_dma semaphore(%arg15 : memref<!tpu.dma_semaphore, #tpu.memory_space<semaphore_mem>>) src(%dma_wait3A_162 : memref<2048x128xf32, #tpu.memory_space<vmem_shared>>) dst(%arg8 : memref<128x128xf32, #tpu.memory_space<vmem>>)
    %add3A_163 = arith.constant 1024 : i32
    %add3A_164 = arith.addi %mul3A_2, %add3A_163 : i32
    %dma_start3A_165 = arith.constant 0 : i32
    %dma_start3A_166 = tpu.memref_slice %arg4[%add3A_164, %dma_start3A_165] : memref<40960x128xf32, #tpu.memory_space<hbm>> -> memref<128x128xf32, #tpu.memory_space<hbm>>
    %dma_start3A_167 = arith.constant 0 : i32
    %dma_start3A_168 = tpu.memref_slice %arg4[%add3A_164, %dma_start3A_167] : memref<40960x128xf32, #tpu.memory_space<hbm>> -> memref<128x128xf32, #tpu.memory_space<hbm>>
    tpu.enqueue_dma source(%arg8 : memref<128x128xf32, #tpu.memory_space<vmem>>) target(%dma_start3A_168 : memref<128x128xf32, #tpu.memory_space<hbm>>) target_semaphore(%arg21 : memref<!tpu.dma_semaphore, #tpu.memory_space<semaphore_mem>>)
    %dma_wait3A_169 = arith.constant 1152 : i32
    %dma_wait3A_170 = tpu.memref_slice %arg5[%dma_wait3A_169] : memref<1280xi32, #tpu.memory_space<vmem>> -> memref<128xi32, #tpu.memory_space<vmem>>
    %dma_wait3A_171 = arith.constant 0 : i32
    %dma_wait3A_172 = arith.constant 0 : i32
    %dma_wait3A_173 = tpu.memref_slice %arg12[%dma_wait3A_171, %dma_wait3A_172] : memref<2048x128xf32, #tpu.memory_space<vmem_shared>> -> memref<2048x128xf32, #tpu.memory_space<vmem_shared>>
    tpu.wait_indirect_dma semaphore(%arg16 : memref<!tpu.dma_semaphore, #tpu.memory_space<semaphore_mem>>) src(%dma_wait3A_173 : memref<2048x128xf32, #tpu.memory_space<vmem_shared>>) dst(%arg9 : memref<128x128xf32, #tpu.memory_space<vmem>>)
    %add3A_174 = arith.constant 1152 : i32
    %add3A_175 = arith.addi %mul3A_2, %add3A_174 : i32
    %dma_start3A_176 = arith.constant 0 : i32
    %dma_start3A_177 = tpu.memref_slice %arg4[%add3A_175, %dma_start3A_176] : memref<40960x128xf32, #tpu.memory_space<hbm>> -> memref<128x128xf32, #tpu.memory_space<hbm>>
    %dma_start3A_178 = arith.constant 0 : i32
    %dma_start3A_179 = tpu.memref_slice %arg4[%add3A_175, %dma_start3A_178] : memref<40960x128xf32, #tpu.memory_space<hbm>> -> memref<128x128xf32, #tpu.memory_space<hbm>>
    tpu.enqueue_dma source(%arg9 : memref<128x128xf32, #tpu.memory_space<vmem>>) target(%dma_start3A_179 : memref<128x128xf32, #tpu.memory_space<hbm>>) target_semaphore(%arg22 : memref<!tpu.dma_semaphore, #tpu.memory_space<semaphore_mem>>)
    %dma_wait3A_180 = arith.constant 0 : i32
    %dma_wait3A_181 = tpu.memref_slice %arg4[%add3A_102, %dma_wait3A_180] : memref<40960x128xf32, #tpu.memory_space<hbm>> -> memref<128x128xf32, #tpu.memory_space<hbm>>
    %dma_wait3A_182 = arith.constant 0 : i32
    %dma_wait3A_183 = tpu.memref_slice %arg4[%add3A_102, %dma_wait3A_182] : memref<40960x128xf32, #tpu.memory_space<hbm>> -> memref<128x128xf32, #tpu.memory_space<hbm>>
    tpu.wait_dma2 semaphore(%arg23 : memref<!tpu.dma_semaphore, #tpu.memory_space<semaphore_mem>>) src(%arg10 : memref<128x128xf32, #tpu.memory_space<vmem>>) dst(%dma_wait3A_183 : memref<128x128xf32, #tpu.memory_space<hbm>>)
    %dma_wait3A_184 = arith.constant 0 : i32
    %dma_wait3A_185 = tpu.memref_slice %arg4[%add3A_122, %dma_wait3A_184] : memref<40960x128xf32, #tpu.memory_space<hbm>> -> memref<128x128xf32, #tpu.memory_space<hbm>>
    %dma_wait3A_186 = arith.constant 0 : i32
    %dma_wait3A_187 = tpu.memref_slice %arg4[%add3A_122, %dma_wait3A_186] : memref<40960x128xf32, #tpu.memory_space<hbm>> -> memref<128x128xf32, #tpu.memory_space<hbm>>
    tpu.wait_dma2 semaphore(%arg24 : memref<!tpu.dma_semaphore, #tpu.memory_space<semaphore_mem>>) src(%arg11 : memref<128x128xf32, #tpu.memory_space<vmem>>) dst(%dma_wait3A_187 : memref<128x128xf32, #tpu.memory_space<hbm>>)
    %dma_wait3A_188 = arith.constant 0 : i32
    %dma_wait3A_189 = tpu.memref_slice %arg4[%add3A_142, %dma_wait3A_188] : memref<40960x128xf32, #tpu.memory_space<hbm>> -> memref<128x128xf32, #tpu.memory_space<hbm>>
    %dma_wait3A_190 = arith.constant 0 : i32
    %dma_wait3A_191 = tpu.memref_slice %arg4[%add3A_142, %dma_wait3A_190] : memref<40960x128xf32, #tpu.memory_space<hbm>> -> memref<128x128xf32, #tpu.memory_space<hbm>>
    tpu.wait_dma2 semaphore(%arg19 : memref<!tpu.dma_semaphore, #tpu.memory_space<semaphore_mem>>) src(%arg6 : memref<128x128xf32, #tpu.memory_space<vmem>>) dst(%dma_wait3A_191 : memref<128x128xf32, #tpu.memory_space<hbm>>)
    %dma_wait3A_192 = arith.constant 0 : i32
    %dma_wait3A_193 = tpu.memref_slice %arg4[%add3A_153, %dma_wait3A_192] : memref<40960x128xf32, #tpu.memory_space<hbm>> -> memref<128x128xf32, #tpu.memory_space<hbm>>
    %dma_wait3A_194 = arith.constant 0 : i32
    %dma_wait3A_195 = tpu.memref_slice %arg4[%add3A_153, %dma_wait3A_194] : memref<40960x128xf32, #tpu.memory_space<hbm>> -> memref<128x128xf32, #tpu.memory_space<hbm>>
    tpu.wait_dma2 semaphore(%arg20 : memref<!tpu.dma_semaphore, #tpu.memory_space<semaphore_mem>>) src(%arg7 : memref<128x128xf32, #tpu.memory_space<vmem>>) dst(%dma_wait3A_195 : memref<128x128xf32, #tpu.memory_space<hbm>>)
    %dma_wait3A_196 = arith.constant 0 : i32
    %dma_wait3A_197 = tpu.memref_slice %arg4[%add3A_164, %dma_wait3A_196] : memref<40960x128xf32, #tpu.memory_space<hbm>> -> memref<128x128xf32, #tpu.memory_space<hbm>>
    %dma_wait3A_198 = arith.constant 0 : i32
    %dma_wait3A_199 = tpu.memref_slice %arg4[%add3A_164, %dma_wait3A_198] : memref<40960x128xf32, #tpu.memory_space<hbm>> -> memref<128x128xf32, #tpu.memory_space<hbm>>
    tpu.wait_dma2 semaphore(%arg21 : memref<!tpu.dma_semaphore, #tpu.memory_space<semaphore_mem>>) src(%arg8 : memref<128x128xf32, #tpu.memory_space<vmem>>) dst(%dma_wait3A_199 : memref<128x128xf32, #tpu.memory_space<hbm>>)
    %dma_wait3A_200 = arith.constant 0 : i32
    %dma_wait3A_201 = tpu.memref_slice %arg4[%add3A_175, %dma_wait3A_200] : memref<40960x128xf32, #tpu.memory_space<hbm>> -> memref<128x128xf32, #tpu.memory_space<hbm>>
    %dma_wait3A_202 = arith.constant 0 : i32
    %dma_wait3A_203 = tpu.memref_slice %arg4[%add3A_175, %dma_wait3A_202] : memref<40960x128xf32, #tpu.memory_space<hbm>> -> memref<128x128xf32, #tpu.memory_space<hbm>>
    tpu.wait_dma2 semaphore(%arg22 : memref<!tpu.dma_semaphore, #tpu.memory_space<semaphore_mem>>) src(%arg9 : memref<128x128xf32, #tpu.memory_space<vmem>>) dst(%dma_wait3A_203 : memref<128x128xf32, #tpu.memory_space<hbm>>)
    return
  }
}

#map = affine_map<(d0, d1) -> (0, 0)>
#map1 = affine_map<(d0, d1) -> (0)>
module attributes {stable_mosaic.version = 14 : i64} {
  func.func @gather_kernel(%arg0: i32, %arg1: i32, %arg2: memref<10240x128xf32, #tpu.memory_space<hbm>>, %arg3: memref<40960xi32, #tpu.memory_space<hbm>>, %arg4: memref<40960x128xf32, #tpu.memory_space<hbm>>, %arg5: memref<1280xi32, #tpu.memory_space<vmem>>, %arg6: memref<128x128xf32, #tpu.memory_space<vmem>>, %arg7: memref<128x128xf32, #tpu.memory_space<vmem>>, %arg8: memref<10240x128xf32, #tpu.memory_space<vmem_shared>>, %arg9: memref<!tpu.dma_semaphore, #tpu.memory_space<semaphore_mem>>, %arg10: memref<!tpu.dma_semaphore, #tpu.memory_space<semaphore_mem>>, %arg11: memref<!tpu.dma_semaphore, #tpu.memory_space<semaphore_mem>>, %arg12: memref<!tpu.dma_semaphore, #tpu.memory_space<semaphore_mem>>) attributes {dimension_semantics = [#tpu.dimension_semantics<core_parallel>, #tpu.dimension_semantics<subcore_parallel>], iteration_bounds = array<i64: 2, 16>, scalar_prefetch = 0 : i64, scratch_operands = 8 : i64, tpu.core_type = #tpu.core_type<sc_vector_subcore>, window_params = [{transform_indices = #map}, {transform_indices = #map1}, {transform_indices = #map}]} {
    %mul3A = arith.constant 2 : i32
    %mul3A_0 = arith.muli %arg1, %mul3A : i32
    %add3A = arith.addi %mul3A_0, %arg0 : i32
    %mul3A_1 = arith.constant 1280 : i32
    %mul3A_2 = arith.muli %add3A, %mul3A_1 : i32
    %mul3A_3 = arith.constant 640 : i32
    %mul3A_4 = arith.muli %arg1, %mul3A_3 : i32
    %min3A = arith.constant 9600 : i32
    %min3A_5 = arith.minsi %mul3A_4, %min3A : i32
    "tpu.region"() ({
      %run_scoped3A = tpu.sem_alloc : memref<!tpu.dma_semaphore, #tpu.memory_space<semaphore_mem>>
      %dma_start3A_204 = arith.constant 0 : i32
      %dma_start3A_205 = tpu.memref_slice %arg8[%min3A_5, %dma_start3A_204] : memref<10240x128xf32, #tpu.memory_space<vmem_shared>> -> memref<640x128xf32, #tpu.memory_space<vmem_shared>>
      %dma_start3A_206 = arith.constant 0 : i32
      %dma_start3A_207 = tpu.memref_slice %arg2[%min3A_5, %dma_start3A_206] : memref<10240x128xf32, #tpu.memory_space<hbm>> -> memref<640x128xf32, #tpu.memory_space<hbm>>
      tpu.enqueue_dma source(%dma_start3A_207 : memref<640x128xf32, #tpu.memory_space<hbm>>) target(%dma_start3A_205 : memref<640x128xf32, #tpu.memory_space<vmem_shared>>) target_semaphore(%run_scoped3A : memref<!tpu.dma_semaphore, #tpu.memory_space<semaphore_mem>>)
      %dma_wait3A_208 = arith.constant 0 : i32
      %dma_wait3A_209 = tpu.memref_slice %arg8[%min3A_5, %dma_wait3A_208] : memref<10240x128xf32, #tpu.memory_space<vmem_shared>> -> memref<640x128xf32, #tpu.memory_space<vmem_shared>>
      %dma_wait3A_210 = arith.constant 0 : i32
      %dma_wait3A_211 = tpu.memref_slice %arg2[%min3A_5, %dma_wait3A_210] : memref<10240x128xf32, #tpu.memory_space<hbm>> -> memref<640x128xf32, #tpu.memory_space<hbm>>
      tpu.wait_dma2 semaphore(%run_scoped3A : memref<!tpu.dma_semaphore, #tpu.memory_space<semaphore_mem>>) src(%dma_wait3A_211 : memref<640x128xf32, #tpu.memory_space<hbm>>) dst(%dma_wait3A_209 : memref<640x128xf32, #tpu.memory_space<vmem_shared>>)
      tpu.yield
    }) : () -> ()
    "tpu.region"() ({
      %run_scoped3A = tpu.sem_alloc : memref<!tpu.dma_semaphore, #tpu.memory_space<semaphore_mem>>
      %dma_start3A_204 = tpu.memref_slice %arg3[%mul3A_2] : memref<40960xi32, #tpu.memory_space<hbm>> -> memref<1280xi32, #tpu.memory_space<hbm>>
      %dma_start3A_205 = tpu.memref_slice %arg3[%mul3A_2] : memref<40960xi32, #tpu.memory_space<hbm>> -> memref<1280xi32, #tpu.memory_space<hbm>>
      tpu.enqueue_dma source(%dma_start3A_205 : memref<1280xi32, #tpu.memory_space<hbm>>) target(%arg5 : memref<1280xi32, #tpu.memory_space<vmem>>) target_semaphore(%run_scoped3A : memref<!tpu.dma_semaphore, #tpu.memory_space<semaphore_mem>>)
      %dma_wait3A_206 = tpu.memref_slice %arg3[%mul3A_2] : memref<40960xi32, #tpu.memory_space<hbm>> -> memref<1280xi32, #tpu.memory_space<hbm>>
      %dma_wait3A_207 = tpu.memref_slice %arg3[%mul3A_2] : memref<40960xi32, #tpu.memory_space<hbm>> -> memref<1280xi32, #tpu.memory_space<hbm>>
      tpu.wait_dma2 semaphore(%run_scoped3A : memref<!tpu.dma_semaphore, #tpu.memory_space<semaphore_mem>>) src(%dma_wait3A_207 : memref<1280xi32, #tpu.memory_space<hbm>>) dst(%arg5 : memref<1280xi32, #tpu.memory_space<vmem>>)
      tpu.yield
    }) : () -> ()
    %barrier3A = arith.constant 0 : index
    tpu.barrier barrier_id(%barrier3A)
    %dma_start3A = arith.constant 0 : i32
    %dma_start3A_6 = tpu.memref_slice %arg5[%dma_start3A] : memref<1280xi32, #tpu.memory_space<vmem>> -> memref<128xi32, #tpu.memory_space<vmem>>
    %dma_start3A_7 = arith.constant 0 : i32
    %dma_start3A_8 = arith.constant 0 : i32
    %dma_start3A_9 = tpu.memref_slice %arg8[%dma_start3A_7, %dma_start3A_8] : memref<10240x128xf32, #tpu.memory_space<vmem_shared>> -> memref<10240x128xf32, #tpu.memory_space<vmem_shared>>
    tpu.enqueue_indirect_dma source(%dma_start3A_9 : memref<10240x128xf32, #tpu.memory_space<vmem_shared>>) target(%arg6 : memref<128x128xf32, #tpu.memory_space<vmem>>) offsets(%dma_start3A_6 : memref<128xi32, #tpu.memory_space<vmem>>) semaphore(%arg9 : memref<!tpu.dma_semaphore, #tpu.memory_space<semaphore_mem>>)
    %dma_start3A_10 = arith.constant 128 : i32
    %dma_start3A_11 = tpu.memref_slice %arg5[%dma_start3A_10] : memref<1280xi32, #tpu.memory_space<vmem>> -> memref<128xi32, #tpu.memory_space<vmem>>
    %dma_start3A_12 = arith.constant 0 : i32
    %dma_start3A_13 = arith.constant 0 : i32
    %dma_start3A_14 = tpu.memref_slice %arg8[%dma_start3A_12, %dma_start3A_13] : memref<10240x128xf32, #tpu.memory_space<vmem_shared>> -> memref<10240x128xf32, #tpu.memory_space<vmem_shared>>
    tpu.enqueue_indirect_dma source(%dma_start3A_14 : memref<10240x128xf32, #tpu.memory_space<vmem_shared>>) target(%arg7 : memref<128x128xf32, #tpu.memory_space<vmem>>) offsets(%dma_start3A_11 : memref<128xi32, #tpu.memory_space<vmem>>) semaphore(%arg10 : memref<!tpu.dma_semaphore, #tpu.memory_space<semaphore_mem>>)
    %dma_wait3A = arith.constant 0 : i32
    %dma_wait3A_15 = tpu.memref_slice %arg5[%dma_wait3A] : memref<1280xi32, #tpu.memory_space<vmem>> -> memref<128xi32, #tpu.memory_space<vmem>>
    %dma_wait3A_16 = arith.constant 0 : i32
    %dma_wait3A_17 = arith.constant 0 : i32
    %dma_wait3A_18 = tpu.memref_slice %arg8[%dma_wait3A_16, %dma_wait3A_17] : memref<10240x128xf32, #tpu.memory_space<vmem_shared>> -> memref<10240x128xf32, #tpu.memory_space<vmem_shared>>
    tpu.wait_indirect_dma semaphore(%arg9 : memref<!tpu.dma_semaphore, #tpu.memory_space<semaphore_mem>>) src(%dma_wait3A_18 : memref<10240x128xf32, #tpu.memory_space<vmem_shared>>) dst(%arg6 : memref<128x128xf32, #tpu.memory_space<vmem>>)
    %add3A_19 = arith.constant 0 : i32
    %add3A_20 = arith.addi %mul3A_2, %add3A_19 : i32
    %dma_start3A_21 = arith.constant 0 : i32
    %dma_start3A_22 = tpu.memref_slice %arg4[%add3A_20, %dma_start3A_21] : memref<40960x128xf32, #tpu.memory_space<hbm>> -> memref<128x128xf32, #tpu.memory_space<hbm>>
    %dma_start3A_23 = arith.constant 0 : i32
    %dma_start3A_24 = tpu.memref_slice %arg4[%add3A_20, %dma_start3A_23] : memref<40960x128xf32, #tpu.memory_space<hbm>> -> memref<128x128xf32, #tpu.memory_space<hbm>>
    tpu.enqueue_dma source(%arg6 : memref<128x128xf32, #tpu.memory_space<vmem>>) target(%dma_start3A_24 : memref<128x128xf32, #tpu.memory_space<hbm>>) target_semaphore(%arg11 : memref<!tpu.dma_semaphore, #tpu.memory_space<semaphore_mem>>)
    %dma_wait3A_25 = arith.constant 0 : i32
    %dma_wait3A_26 = tpu.memref_slice %arg4[%add3A_20, %dma_wait3A_25] : memref<40960x128xf32, #tpu.memory_space<hbm>> -> memref<128x128xf32, #tpu.memory_space<hbm>>
    %dma_wait3A_27 = arith.constant 0 : i32
    %dma_wait3A_28 = tpu.memref_slice %arg4[%add3A_20, %dma_wait3A_27] : memref<40960x128xf32, #tpu.memory_space<hbm>> -> memref<128x128xf32, #tpu.memory_space<hbm>>
    tpu.wait_dma2 semaphore(%arg11 : memref<!tpu.dma_semaphore, #tpu.memory_space<semaphore_mem>>) src(%arg6 : memref<128x128xf32, #tpu.memory_space<vmem>>) dst(%dma_wait3A_28 : memref<128x128xf32, #tpu.memory_space<hbm>>)
    %dma_start3A_29 = arith.constant 256 : i32
    %dma_start3A_30 = tpu.memref_slice %arg5[%dma_start3A_29] : memref<1280xi32, #tpu.memory_space<vmem>> -> memref<128xi32, #tpu.memory_space<vmem>>
    %dma_start3A_31 = arith.constant 0 : i32
    %dma_start3A_32 = arith.constant 0 : i32
    %dma_start3A_33 = tpu.memref_slice %arg8[%dma_start3A_31, %dma_start3A_32] : memref<10240x128xf32, #tpu.memory_space<vmem_shared>> -> memref<10240x128xf32, #tpu.memory_space<vmem_shared>>
    tpu.enqueue_indirect_dma source(%dma_start3A_33 : memref<10240x128xf32, #tpu.memory_space<vmem_shared>>) target(%arg6 : memref<128x128xf32, #tpu.memory_space<vmem>>) offsets(%dma_start3A_30 : memref<128xi32, #tpu.memory_space<vmem>>) semaphore(%arg9 : memref<!tpu.dma_semaphore, #tpu.memory_space<semaphore_mem>>)
    %dma_wait3A_34 = arith.constant 128 : i32
    %dma_wait3A_35 = tpu.memref_slice %arg5[%dma_wait3A_34] : memref<1280xi32, #tpu.memory_space<vmem>> -> memref<128xi32, #tpu.memory_space<vmem>>
    %dma_wait3A_36 = arith.constant 0 : i32
    %dma_wait3A_37 = arith.constant 0 : i32
    %dma_wait3A_38 = tpu.memref_slice %arg8[%dma_wait3A_36, %dma_wait3A_37] : memref<10240x128xf32, #tpu.memory_space<vmem_shared>> -> memref<10240x128xf32, #tpu.memory_space<vmem_shared>>
    tpu.wait_indirect_dma semaphore(%arg10 : memref<!tpu.dma_semaphore, #tpu.memory_space<semaphore_mem>>) src(%dma_wait3A_38 : memref<10240x128xf32, #tpu.memory_space<vmem_shared>>) dst(%arg7 : memref<128x128xf32, #tpu.memory_space<vmem>>)
    %add3A_39 = arith.constant 128 : i32
    %add3A_40 = arith.addi %mul3A_2, %add3A_39 : i32
    %dma_start3A_41 = arith.constant 0 : i32
    %dma_start3A_42 = tpu.memref_slice %arg4[%add3A_40, %dma_start3A_41] : memref<40960x128xf32, #tpu.memory_space<hbm>> -> memref<128x128xf32, #tpu.memory_space<hbm>>
    %dma_start3A_43 = arith.constant 0 : i32
    %dma_start3A_44 = tpu.memref_slice %arg4[%add3A_40, %dma_start3A_43] : memref<40960x128xf32, #tpu.memory_space<hbm>> -> memref<128x128xf32, #tpu.memory_space<hbm>>
    tpu.enqueue_dma source(%arg7 : memref<128x128xf32, #tpu.memory_space<vmem>>) target(%dma_start3A_44 : memref<128x128xf32, #tpu.memory_space<hbm>>) target_semaphore(%arg12 : memref<!tpu.dma_semaphore, #tpu.memory_space<semaphore_mem>>)
    %dma_wait3A_45 = arith.constant 0 : i32
    %dma_wait3A_46 = tpu.memref_slice %arg4[%add3A_40, %dma_wait3A_45] : memref<40960x128xf32, #tpu.memory_space<hbm>> -> memref<128x128xf32, #tpu.memory_space<hbm>>
    %dma_wait3A_47 = arith.constant 0 : i32
    %dma_wait3A_48 = tpu.memref_slice %arg4[%add3A_40, %dma_wait3A_47] : memref<40960x128xf32, #tpu.memory_space<hbm>> -> memref<128x128xf32, #tpu.memory_space<hbm>>
    tpu.wait_dma2 semaphore(%arg12 : memref<!tpu.dma_semaphore, #tpu.memory_space<semaphore_mem>>) src(%arg7 : memref<128x128xf32, #tpu.memory_space<vmem>>) dst(%dma_wait3A_48 : memref<128x128xf32, #tpu.memory_space<hbm>>)
    %dma_start3A_49 = arith.constant 384 : i32
    %dma_start3A_50 = tpu.memref_slice %arg5[%dma_start3A_49] : memref<1280xi32, #tpu.memory_space<vmem>> -> memref<128xi32, #tpu.memory_space<vmem>>
    %dma_start3A_51 = arith.constant 0 : i32
    %dma_start3A_52 = arith.constant 0 : i32
    %dma_start3A_53 = tpu.memref_slice %arg8[%dma_start3A_51, %dma_start3A_52] : memref<10240x128xf32, #tpu.memory_space<vmem_shared>> -> memref<10240x128xf32, #tpu.memory_space<vmem_shared>>
    tpu.enqueue_indirect_dma source(%dma_start3A_53 : memref<10240x128xf32, #tpu.memory_space<vmem_shared>>) target(%arg7 : memref<128x128xf32, #tpu.memory_space<vmem>>) offsets(%dma_start3A_50 : memref<128xi32, #tpu.memory_space<vmem>>) semaphore(%arg10 : memref<!tpu.dma_semaphore, #tpu.memory_space<semaphore_mem>>)
    %dma_wait3A_54 = arith.constant 256 : i32
    %dma_wait3A_55 = tpu.memref_slice %arg5[%dma_wait3A_54] : memref<1280xi32, #tpu.memory_space<vmem>> -> memref<128xi32, #tpu.memory_space<vmem>>
    %dma_wait3A_56 = arith.constant 0 : i32
    %dma_wait3A_57 = arith.constant 0 : i32
    %dma_wait3A_58 = tpu.memref_slice %arg8[%dma_wait3A_56, %dma_wait3A_57] : memref<10240x128xf32, #tpu.memory_space<vmem_shared>> -> memref<10240x128xf32, #tpu.memory_space<vmem_shared>>
    tpu.wait_indirect_dma semaphore(%arg9 : memref<!tpu.dma_semaphore, #tpu.memory_space<semaphore_mem>>) src(%dma_wait3A_58 : memref<10240x128xf32, #tpu.memory_space<vmem_shared>>) dst(%arg6 : memref<128x128xf32, #tpu.memory_space<vmem>>)
    %add3A_59 = arith.constant 256 : i32
    %add3A_60 = arith.addi %mul3A_2, %add3A_59 : i32
    %dma_start3A_61 = arith.constant 0 : i32
    %dma_start3A_62 = tpu.memref_slice %arg4[%add3A_60, %dma_start3A_61] : memref<40960x128xf32, #tpu.memory_space<hbm>> -> memref<128x128xf32, #tpu.memory_space<hbm>>
    %dma_start3A_63 = arith.constant 0 : i32
    %dma_start3A_64 = tpu.memref_slice %arg4[%add3A_60, %dma_start3A_63] : memref<40960x128xf32, #tpu.memory_space<hbm>> -> memref<128x128xf32, #tpu.memory_space<hbm>>
    tpu.enqueue_dma source(%arg6 : memref<128x128xf32, #tpu.memory_space<vmem>>) target(%dma_start3A_64 : memref<128x128xf32, #tpu.memory_space<hbm>>) target_semaphore(%arg11 : memref<!tpu.dma_semaphore, #tpu.memory_space<semaphore_mem>>)
    %dma_wait3A_65 = arith.constant 0 : i32
    %dma_wait3A_66 = tpu.memref_slice %arg4[%add3A_60, %dma_wait3A_65] : memref<40960x128xf32, #tpu.memory_space<hbm>> -> memref<128x128xf32, #tpu.memory_space<hbm>>
    %dma_wait3A_67 = arith.constant 0 : i32
    %dma_wait3A_68 = tpu.memref_slice %arg4[%add3A_60, %dma_wait3A_67] : memref<40960x128xf32, #tpu.memory_space<hbm>> -> memref<128x128xf32, #tpu.memory_space<hbm>>
    tpu.wait_dma2 semaphore(%arg11 : memref<!tpu.dma_semaphore, #tpu.memory_space<semaphore_mem>>) src(%arg6 : memref<128x128xf32, #tpu.memory_space<vmem>>) dst(%dma_wait3A_68 : memref<128x128xf32, #tpu.memory_space<hbm>>)
    %dma_start3A_69 = arith.constant 512 : i32
    %dma_start3A_70 = tpu.memref_slice %arg5[%dma_start3A_69] : memref<1280xi32, #tpu.memory_space<vmem>> -> memref<128xi32, #tpu.memory_space<vmem>>
    %dma_start3A_71 = arith.constant 0 : i32
    %dma_start3A_72 = arith.constant 0 : i32
    %dma_start3A_73 = tpu.memref_slice %arg8[%dma_start3A_71, %dma_start3A_72] : memref<10240x128xf32, #tpu.memory_space<vmem_shared>> -> memref<10240x128xf32, #tpu.memory_space<vmem_shared>>
    tpu.enqueue_indirect_dma source(%dma_start3A_73 : memref<10240x128xf32, #tpu.memory_space<vmem_shared>>) target(%arg6 : memref<128x128xf32, #tpu.memory_space<vmem>>) offsets(%dma_start3A_70 : memref<128xi32, #tpu.memory_space<vmem>>) semaphore(%arg9 : memref<!tpu.dma_semaphore, #tpu.memory_space<semaphore_mem>>)
    %dma_wait3A_74 = arith.constant 384 : i32
    %dma_wait3A_75 = tpu.memref_slice %arg5[%dma_wait3A_74] : memref<1280xi32, #tpu.memory_space<vmem>> -> memref<128xi32, #tpu.memory_space<vmem>>
    %dma_wait3A_76 = arith.constant 0 : i32
    %dma_wait3A_77 = arith.constant 0 : i32
    %dma_wait3A_78 = tpu.memref_slice %arg8[%dma_wait3A_76, %dma_wait3A_77] : memref<10240x128xf32, #tpu.memory_space<vmem_shared>> -> memref<10240x128xf32, #tpu.memory_space<vmem_shared>>
    tpu.wait_indirect_dma semaphore(%arg10 : memref<!tpu.dma_semaphore, #tpu.memory_space<semaphore_mem>>) src(%dma_wait3A_78 : memref<10240x128xf32, #tpu.memory_space<vmem_shared>>) dst(%arg7 : memref<128x128xf32, #tpu.memory_space<vmem>>)
    %add3A_79 = arith.constant 384 : i32
    %add3A_80 = arith.addi %mul3A_2, %add3A_79 : i32
    %dma_start3A_81 = arith.constant 0 : i32
    %dma_start3A_82 = tpu.memref_slice %arg4[%add3A_80, %dma_start3A_81] : memref<40960x128xf32, #tpu.memory_space<hbm>> -> memref<128x128xf32, #tpu.memory_space<hbm>>
    %dma_start3A_83 = arith.constant 0 : i32
    %dma_start3A_84 = tpu.memref_slice %arg4[%add3A_80, %dma_start3A_83] : memref<40960x128xf32, #tpu.memory_space<hbm>> -> memref<128x128xf32, #tpu.memory_space<hbm>>
    tpu.enqueue_dma source(%arg7 : memref<128x128xf32, #tpu.memory_space<vmem>>) target(%dma_start3A_84 : memref<128x128xf32, #tpu.memory_space<hbm>>) target_semaphore(%arg12 : memref<!tpu.dma_semaphore, #tpu.memory_space<semaphore_mem>>)
    %dma_wait3A_85 = arith.constant 0 : i32
    %dma_wait3A_86 = tpu.memref_slice %arg4[%add3A_80, %dma_wait3A_85] : memref<40960x128xf32, #tpu.memory_space<hbm>> -> memref<128x128xf32, #tpu.memory_space<hbm>>
    %dma_wait3A_87 = arith.constant 0 : i32
    %dma_wait3A_88 = tpu.memref_slice %arg4[%add3A_80, %dma_wait3A_87] : memref<40960x128xf32, #tpu.memory_space<hbm>> -> memref<128x128xf32, #tpu.memory_space<hbm>>
    tpu.wait_dma2 semaphore(%arg12 : memref<!tpu.dma_semaphore, #tpu.memory_space<semaphore_mem>>) src(%arg7 : memref<128x128xf32, #tpu.memory_space<vmem>>) dst(%dma_wait3A_88 : memref<128x128xf32, #tpu.memory_space<hbm>>)
    %dma_start3A_89 = arith.constant 640 : i32
    %dma_start3A_90 = tpu.memref_slice %arg5[%dma_start3A_89] : memref<1280xi32, #tpu.memory_space<vmem>> -> memref<128xi32, #tpu.memory_space<vmem>>
    %dma_start3A_91 = arith.constant 0 : i32
    %dma_start3A_92 = arith.constant 0 : i32
    %dma_start3A_93 = tpu.memref_slice %arg8[%dma_start3A_91, %dma_start3A_92] : memref<10240x128xf32, #tpu.memory_space<vmem_shared>> -> memref<10240x128xf32, #tpu.memory_space<vmem_shared>>
    tpu.enqueue_indirect_dma source(%dma_start3A_93 : memref<10240x128xf32, #tpu.memory_space<vmem_shared>>) target(%arg7 : memref<128x128xf32, #tpu.memory_space<vmem>>) offsets(%dma_start3A_90 : memref<128xi32, #tpu.memory_space<vmem>>) semaphore(%arg10 : memref<!tpu.dma_semaphore, #tpu.memory_space<semaphore_mem>>)
    %dma_wait3A_94 = arith.constant 512 : i32
    %dma_wait3A_95 = tpu.memref_slice %arg5[%dma_wait3A_94] : memref<1280xi32, #tpu.memory_space<vmem>> -> memref<128xi32, #tpu.memory_space<vmem>>
    %dma_wait3A_96 = arith.constant 0 : i32
    %dma_wait3A_97 = arith.constant 0 : i32
    %dma_wait3A_98 = tpu.memref_slice %arg8[%dma_wait3A_96, %dma_wait3A_97] : memref<10240x128xf32, #tpu.memory_space<vmem_shared>> -> memref<10240x128xf32, #tpu.memory_space<vmem_shared>>
    tpu.wait_indirect_dma semaphore(%arg9 : memref<!tpu.dma_semaphore, #tpu.memory_space<semaphore_mem>>) src(%dma_wait3A_98 : memref<10240x128xf32, #tpu.memory_space<vmem_shared>>) dst(%arg6 : memref<128x128xf32, #tpu.memory_space<vmem>>)
    %add3A_99 = arith.constant 512 : i32
    %add3A_100 = arith.addi %mul3A_2, %add3A_99 : i32
    %dma_start3A_101 = arith.constant 0 : i32
    %dma_start3A_102 = tpu.memref_slice %arg4[%add3A_100, %dma_start3A_101] : memref<40960x128xf32, #tpu.memory_space<hbm>> -> memref<128x128xf32, #tpu.memory_space<hbm>>
    %dma_start3A_103 = arith.constant 0 : i32
    %dma_start3A_104 = tpu.memref_slice %arg4[%add3A_100, %dma_start3A_103] : memref<40960x128xf32, #tpu.memory_space<hbm>> -> memref<128x128xf32, #tpu.memory_space<hbm>>
    tpu.enqueue_dma source(%arg6 : memref<128x128xf32, #tpu.memory_space<vmem>>) target(%dma_start3A_104 : memref<128x128xf32, #tpu.memory_space<hbm>>) target_semaphore(%arg11 : memref<!tpu.dma_semaphore, #tpu.memory_space<semaphore_mem>>)
    %dma_wait3A_105 = arith.constant 0 : i32
    %dma_wait3A_106 = tpu.memref_slice %arg4[%add3A_100, %dma_wait3A_105] : memref<40960x128xf32, #tpu.memory_space<hbm>> -> memref<128x128xf32, #tpu.memory_space<hbm>>
    %dma_wait3A_107 = arith.constant 0 : i32
    %dma_wait3A_108 = tpu.memref_slice %arg4[%add3A_100, %dma_wait3A_107] : memref<40960x128xf32, #tpu.memory_space<hbm>> -> memref<128x128xf32, #tpu.memory_space<hbm>>
    tpu.wait_dma2 semaphore(%arg11 : memref<!tpu.dma_semaphore, #tpu.memory_space<semaphore_mem>>) src(%arg6 : memref<128x128xf32, #tpu.memory_space<vmem>>) dst(%dma_wait3A_108 : memref<128x128xf32, #tpu.memory_space<hbm>>)
    %dma_start3A_109 = arith.constant 768 : i32
    %dma_start3A_110 = tpu.memref_slice %arg5[%dma_start3A_109] : memref<1280xi32, #tpu.memory_space<vmem>> -> memref<128xi32, #tpu.memory_space<vmem>>
    %dma_start3A_111 = arith.constant 0 : i32
    %dma_start3A_112 = arith.constant 0 : i32
    %dma_start3A_113 = tpu.memref_slice %arg8[%dma_start3A_111, %dma_start3A_112] : memref<10240x128xf32, #tpu.memory_space<vmem_shared>> -> memref<10240x128xf32, #tpu.memory_space<vmem_shared>>
    tpu.enqueue_indirect_dma source(%dma_start3A_113 : memref<10240x128xf32, #tpu.memory_space<vmem_shared>>) target(%arg6 : memref<128x128xf32, #tpu.memory_space<vmem>>) offsets(%dma_start3A_110 : memref<128xi32, #tpu.memory_space<vmem>>) semaphore(%arg9 : memref<!tpu.dma_semaphore, #tpu.memory_space<semaphore_mem>>)
    %dma_wait3A_114 = arith.constant 640 : i32
    %dma_wait3A_115 = tpu.memref_slice %arg5[%dma_wait3A_114] : memref<1280xi32, #tpu.memory_space<vmem>> -> memref<128xi32, #tpu.memory_space<vmem>>
    %dma_wait3A_116 = arith.constant 0 : i32
    %dma_wait3A_117 = arith.constant 0 : i32
    %dma_wait3A_118 = tpu.memref_slice %arg8[%dma_wait3A_116, %dma_wait3A_117] : memref<10240x128xf32, #tpu.memory_space<vmem_shared>> -> memref<10240x128xf32, #tpu.memory_space<vmem_shared>>
    tpu.wait_indirect_dma semaphore(%arg10 : memref<!tpu.dma_semaphore, #tpu.memory_space<semaphore_mem>>) src(%dma_wait3A_118 : memref<10240x128xf32, #tpu.memory_space<vmem_shared>>) dst(%arg7 : memref<128x128xf32, #tpu.memory_space<vmem>>)
    %add3A_119 = arith.constant 640 : i32
    %add3A_120 = arith.addi %mul3A_2, %add3A_119 : i32
    %dma_start3A_121 = arith.constant 0 : i32
    %dma_start3A_122 = tpu.memref_slice %arg4[%add3A_120, %dma_start3A_121] : memref<40960x128xf32, #tpu.memory_space<hbm>> -> memref<128x128xf32, #tpu.memory_space<hbm>>
    %dma_start3A_123 = arith.constant 0 : i32
    %dma_start3A_124 = tpu.memref_slice %arg4[%add3A_120, %dma_start3A_123] : memref<40960x128xf32, #tpu.memory_space<hbm>> -> memref<128x128xf32, #tpu.memory_space<hbm>>
    tpu.enqueue_dma source(%arg7 : memref<128x128xf32, #tpu.memory_space<vmem>>) target(%dma_start3A_124 : memref<128x128xf32, #tpu.memory_space<hbm>>) target_semaphore(%arg12 : memref<!tpu.dma_semaphore, #tpu.memory_space<semaphore_mem>>)
    %dma_wait3A_125 = arith.constant 0 : i32
    %dma_wait3A_126 = tpu.memref_slice %arg4[%add3A_120, %dma_wait3A_125] : memref<40960x128xf32, #tpu.memory_space<hbm>> -> memref<128x128xf32, #tpu.memory_space<hbm>>
    %dma_wait3A_127 = arith.constant 0 : i32
    %dma_wait3A_128 = tpu.memref_slice %arg4[%add3A_120, %dma_wait3A_127] : memref<40960x128xf32, #tpu.memory_space<hbm>> -> memref<128x128xf32, #tpu.memory_space<hbm>>
    tpu.wait_dma2 semaphore(%arg12 : memref<!tpu.dma_semaphore, #tpu.memory_space<semaphore_mem>>) src(%arg7 : memref<128x128xf32, #tpu.memory_space<vmem>>) dst(%dma_wait3A_128 : memref<128x128xf32, #tpu.memory_space<hbm>>)
    %dma_start3A_129 = arith.constant 896 : i32
    %dma_start3A_130 = tpu.memref_slice %arg5[%dma_start3A_129] : memref<1280xi32, #tpu.memory_space<vmem>> -> memref<128xi32, #tpu.memory_space<vmem>>
    %dma_start3A_131 = arith.constant 0 : i32
    %dma_start3A_132 = arith.constant 0 : i32
    %dma_start3A_133 = tpu.memref_slice %arg8[%dma_start3A_131, %dma_start3A_132] : memref<10240x128xf32, #tpu.memory_space<vmem_shared>> -> memref<10240x128xf32, #tpu.memory_space<vmem_shared>>
    tpu.enqueue_indirect_dma source(%dma_start3A_133 : memref<10240x128xf32, #tpu.memory_space<vmem_shared>>) target(%arg7 : memref<128x128xf32, #tpu.memory_space<vmem>>) offsets(%dma_start3A_130 : memref<128xi32, #tpu.memory_space<vmem>>) semaphore(%arg10 : memref<!tpu.dma_semaphore, #tpu.memory_space<semaphore_mem>>)
    %dma_wait3A_134 = arith.constant 768 : i32
    %dma_wait3A_135 = tpu.memref_slice %arg5[%dma_wait3A_134] : memref<1280xi32, #tpu.memory_space<vmem>> -> memref<128xi32, #tpu.memory_space<vmem>>
    %dma_wait3A_136 = arith.constant 0 : i32
    %dma_wait3A_137 = arith.constant 0 : i32
    %dma_wait3A_138 = tpu.memref_slice %arg8[%dma_wait3A_136, %dma_wait3A_137] : memref<10240x128xf32, #tpu.memory_space<vmem_shared>> -> memref<10240x128xf32, #tpu.memory_space<vmem_shared>>
    tpu.wait_indirect_dma semaphore(%arg9 : memref<!tpu.dma_semaphore, #tpu.memory_space<semaphore_mem>>) src(%dma_wait3A_138 : memref<10240x128xf32, #tpu.memory_space<vmem_shared>>) dst(%arg6 : memref<128x128xf32, #tpu.memory_space<vmem>>)
    %add3A_139 = arith.constant 768 : i32
    %add3A_140 = arith.addi %mul3A_2, %add3A_139 : i32
    %dma_start3A_141 = arith.constant 0 : i32
    %dma_start3A_142 = tpu.memref_slice %arg4[%add3A_140, %dma_start3A_141] : memref<40960x128xf32, #tpu.memory_space<hbm>> -> memref<128x128xf32, #tpu.memory_space<hbm>>
    %dma_start3A_143 = arith.constant 0 : i32
    %dma_start3A_144 = tpu.memref_slice %arg4[%add3A_140, %dma_start3A_143] : memref<40960x128xf32, #tpu.memory_space<hbm>> -> memref<128x128xf32, #tpu.memory_space<hbm>>
    tpu.enqueue_dma source(%arg6 : memref<128x128xf32, #tpu.memory_space<vmem>>) target(%dma_start3A_144 : memref<128x128xf32, #tpu.memory_space<hbm>>) target_semaphore(%arg11 : memref<!tpu.dma_semaphore, #tpu.memory_space<semaphore_mem>>)
    %dma_wait3A_145 = arith.constant 0 : i32
    %dma_wait3A_146 = tpu.memref_slice %arg4[%add3A_140, %dma_wait3A_145] : memref<40960x128xf32, #tpu.memory_space<hbm>> -> memref<128x128xf32, #tpu.memory_space<hbm>>
    %dma_wait3A_147 = arith.constant 0 : i32
    %dma_wait3A_148 = tpu.memref_slice %arg4[%add3A_140, %dma_wait3A_147] : memref<40960x128xf32, #tpu.memory_space<hbm>> -> memref<128x128xf32, #tpu.memory_space<hbm>>
    tpu.wait_dma2 semaphore(%arg11 : memref<!tpu.dma_semaphore, #tpu.memory_space<semaphore_mem>>) src(%arg6 : memref<128x128xf32, #tpu.memory_space<vmem>>) dst(%dma_wait3A_148 : memref<128x128xf32, #tpu.memory_space<hbm>>)
    %dma_start3A_149 = arith.constant 1024 : i32
    %dma_start3A_150 = tpu.memref_slice %arg5[%dma_start3A_149] : memref<1280xi32, #tpu.memory_space<vmem>> -> memref<128xi32, #tpu.memory_space<vmem>>
    %dma_start3A_151 = arith.constant 0 : i32
    %dma_start3A_152 = arith.constant 0 : i32
    %dma_start3A_153 = tpu.memref_slice %arg8[%dma_start3A_151, %dma_start3A_152] : memref<10240x128xf32, #tpu.memory_space<vmem_shared>> -> memref<10240x128xf32, #tpu.memory_space<vmem_shared>>
    tpu.enqueue_indirect_dma source(%dma_start3A_153 : memref<10240x128xf32, #tpu.memory_space<vmem_shared>>) target(%arg6 : memref<128x128xf32, #tpu.memory_space<vmem>>) offsets(%dma_start3A_150 : memref<128xi32, #tpu.memory_space<vmem>>) semaphore(%arg9 : memref<!tpu.dma_semaphore, #tpu.memory_space<semaphore_mem>>)
    %dma_wait3A_154 = arith.constant 896 : i32
    %dma_wait3A_155 = tpu.memref_slice %arg5[%dma_wait3A_154] : memref<1280xi32, #tpu.memory_space<vmem>> -> memref<128xi32, #tpu.memory_space<vmem>>
    %dma_wait3A_156 = arith.constant 0 : i32
    %dma_wait3A_157 = arith.constant 0 : i32
    %dma_wait3A_158 = tpu.memref_slice %arg8[%dma_wait3A_156, %dma_wait3A_157] : memref<10240x128xf32, #tpu.memory_space<vmem_shared>> -> memref<10240x128xf32, #tpu.memory_space<vmem_shared>>
    tpu.wait_indirect_dma semaphore(%arg10 : memref<!tpu.dma_semaphore, #tpu.memory_space<semaphore_mem>>) src(%dma_wait3A_158 : memref<10240x128xf32, #tpu.memory_space<vmem_shared>>) dst(%arg7 : memref<128x128xf32, #tpu.memory_space<vmem>>)
    %add3A_159 = arith.constant 896 : i32
    %add3A_160 = arith.addi %mul3A_2, %add3A_159 : i32
    %dma_start3A_161 = arith.constant 0 : i32
    %dma_start3A_162 = tpu.memref_slice %arg4[%add3A_160, %dma_start3A_161] : memref<40960x128xf32, #tpu.memory_space<hbm>> -> memref<128x128xf32, #tpu.memory_space<hbm>>
    %dma_start3A_163 = arith.constant 0 : i32
    %dma_start3A_164 = tpu.memref_slice %arg4[%add3A_160, %dma_start3A_163] : memref<40960x128xf32, #tpu.memory_space<hbm>> -> memref<128x128xf32, #tpu.memory_space<hbm>>
    tpu.enqueue_dma source(%arg7 : memref<128x128xf32, #tpu.memory_space<vmem>>) target(%dma_start3A_164 : memref<128x128xf32, #tpu.memory_space<hbm>>) target_semaphore(%arg12 : memref<!tpu.dma_semaphore, #tpu.memory_space<semaphore_mem>>)
    %dma_wait3A_165 = arith.constant 0 : i32
    %dma_wait3A_166 = tpu.memref_slice %arg4[%add3A_160, %dma_wait3A_165] : memref<40960x128xf32, #tpu.memory_space<hbm>> -> memref<128x128xf32, #tpu.memory_space<hbm>>
    %dma_wait3A_167 = arith.constant 0 : i32
    %dma_wait3A_168 = tpu.memref_slice %arg4[%add3A_160, %dma_wait3A_167] : memref<40960x128xf32, #tpu.memory_space<hbm>> -> memref<128x128xf32, #tpu.memory_space<hbm>>
    tpu.wait_dma2 semaphore(%arg12 : memref<!tpu.dma_semaphore, #tpu.memory_space<semaphore_mem>>) src(%arg7 : memref<128x128xf32, #tpu.memory_space<vmem>>) dst(%dma_wait3A_168 : memref<128x128xf32, #tpu.memory_space<hbm>>)
    %dma_start3A_169 = arith.constant 1152 : i32
    %dma_start3A_170 = tpu.memref_slice %arg5[%dma_start3A_169] : memref<1280xi32, #tpu.memory_space<vmem>> -> memref<128xi32, #tpu.memory_space<vmem>>
    %dma_start3A_171 = arith.constant 0 : i32
    %dma_start3A_172 = arith.constant 0 : i32
    %dma_start3A_173 = tpu.memref_slice %arg8[%dma_start3A_171, %dma_start3A_172] : memref<10240x128xf32, #tpu.memory_space<vmem_shared>> -> memref<10240x128xf32, #tpu.memory_space<vmem_shared>>
    tpu.enqueue_indirect_dma source(%dma_start3A_173 : memref<10240x128xf32, #tpu.memory_space<vmem_shared>>) target(%arg7 : memref<128x128xf32, #tpu.memory_space<vmem>>) offsets(%dma_start3A_170 : memref<128xi32, #tpu.memory_space<vmem>>) semaphore(%arg10 : memref<!tpu.dma_semaphore, #tpu.memory_space<semaphore_mem>>)
    %dma_wait3A_174 = arith.constant 1024 : i32
    %dma_wait3A_175 = tpu.memref_slice %arg5[%dma_wait3A_174] : memref<1280xi32, #tpu.memory_space<vmem>> -> memref<128xi32, #tpu.memory_space<vmem>>
    %dma_wait3A_176 = arith.constant 0 : i32
    %dma_wait3A_177 = arith.constant 0 : i32
    %dma_wait3A_178 = tpu.memref_slice %arg8[%dma_wait3A_176, %dma_wait3A_177] : memref<10240x128xf32, #tpu.memory_space<vmem_shared>> -> memref<10240x128xf32, #tpu.memory_space<vmem_shared>>
    tpu.wait_indirect_dma semaphore(%arg9 : memref<!tpu.dma_semaphore, #tpu.memory_space<semaphore_mem>>) src(%dma_wait3A_178 : memref<10240x128xf32, #tpu.memory_space<vmem_shared>>) dst(%arg6 : memref<128x128xf32, #tpu.memory_space<vmem>>)
    %add3A_179 = arith.constant 1024 : i32
    %add3A_180 = arith.addi %mul3A_2, %add3A_179 : i32
    %dma_start3A_181 = arith.constant 0 : i32
    %dma_start3A_182 = tpu.memref_slice %arg4[%add3A_180, %dma_start3A_181] : memref<40960x128xf32, #tpu.memory_space<hbm>> -> memref<128x128xf32, #tpu.memory_space<hbm>>
    %dma_start3A_183 = arith.constant 0 : i32
    %dma_start3A_184 = tpu.memref_slice %arg4[%add3A_180, %dma_start3A_183] : memref<40960x128xf32, #tpu.memory_space<hbm>> -> memref<128x128xf32, #tpu.memory_space<hbm>>
    tpu.enqueue_dma source(%arg6 : memref<128x128xf32, #tpu.memory_space<vmem>>) target(%dma_start3A_184 : memref<128x128xf32, #tpu.memory_space<hbm>>) target_semaphore(%arg11 : memref<!tpu.dma_semaphore, #tpu.memory_space<semaphore_mem>>)
    %dma_wait3A_185 = arith.constant 1152 : i32
    %dma_wait3A_186 = tpu.memref_slice %arg5[%dma_wait3A_185] : memref<1280xi32, #tpu.memory_space<vmem>> -> memref<128xi32, #tpu.memory_space<vmem>>
    %dma_wait3A_187 = arith.constant 0 : i32
    %dma_wait3A_188 = arith.constant 0 : i32
    %dma_wait3A_189 = tpu.memref_slice %arg8[%dma_wait3A_187, %dma_wait3A_188] : memref<10240x128xf32, #tpu.memory_space<vmem_shared>> -> memref<10240x128xf32, #tpu.memory_space<vmem_shared>>
    tpu.wait_indirect_dma semaphore(%arg10 : memref<!tpu.dma_semaphore, #tpu.memory_space<semaphore_mem>>) src(%dma_wait3A_189 : memref<10240x128xf32, #tpu.memory_space<vmem_shared>>) dst(%arg7 : memref<128x128xf32, #tpu.memory_space<vmem>>)
    %add3A_190 = arith.constant 1152 : i32
    %add3A_191 = arith.addi %mul3A_2, %add3A_190 : i32
    %dma_start3A_192 = arith.constant 0 : i32
    %dma_start3A_193 = tpu.memref_slice %arg4[%add3A_191, %dma_start3A_192] : memref<40960x128xf32, #tpu.memory_space<hbm>> -> memref<128x128xf32, #tpu.memory_space<hbm>>
    %dma_start3A_194 = arith.constant 0 : i32
    %dma_start3A_195 = tpu.memref_slice %arg4[%add3A_191, %dma_start3A_194] : memref<40960x128xf32, #tpu.memory_space<hbm>> -> memref<128x128xf32, #tpu.memory_space<hbm>>
    tpu.enqueue_dma source(%arg7 : memref<128x128xf32, #tpu.memory_space<vmem>>) target(%dma_start3A_195 : memref<128x128xf32, #tpu.memory_space<hbm>>) target_semaphore(%arg12 : memref<!tpu.dma_semaphore, #tpu.memory_space<semaphore_mem>>)
    %dma_wait3A_196 = arith.constant 0 : i32
    %dma_wait3A_197 = tpu.memref_slice %arg4[%add3A_180, %dma_wait3A_196] : memref<40960x128xf32, #tpu.memory_space<hbm>> -> memref<128x128xf32, #tpu.memory_space<hbm>>
    %dma_wait3A_198 = arith.constant 0 : i32
    %dma_wait3A_199 = tpu.memref_slice %arg4[%add3A_180, %dma_wait3A_198] : memref<40960x128xf32, #tpu.memory_space<hbm>> -> memref<128x128xf32, #tpu.memory_space<hbm>>
    tpu.wait_dma2 semaphore(%arg11 : memref<!tpu.dma_semaphore, #tpu.memory_space<semaphore_mem>>) src(%arg6 : memref<128x128xf32, #tpu.memory_space<vmem>>) dst(%dma_wait3A_199 : memref<128x128xf32, #tpu.memory_space<hbm>>)
    %dma_wait3A_200 = arith.constant 0 : i32
    %dma_wait3A_201 = tpu.memref_slice %arg4[%add3A_191, %dma_wait3A_200] : memref<40960x128xf32, #tpu.memory_space<hbm>> -> memref<128x128xf32, #tpu.memory_space<hbm>>
    %dma_wait3A_202 = arith.constant 0 : i32
    %dma_wait3A_203 = tpu.memref_slice %arg4[%add3A_191, %dma_wait3A_202] : memref<40960x128xf32, #tpu.memory_space<hbm>> -> memref<128x128xf32, #tpu.memory_space<hbm>>
    tpu.wait_dma2 semaphore(%arg12 : memref<!tpu.dma_semaphore, #tpu.memory_space<semaphore_mem>>) src(%arg7 : memref<128x128xf32, #tpu.memory_space<vmem>>) dst(%dma_wait3A_203 : memref<128x128xf32, #tpu.memory_space<hbm>>)
    return
  }
}

module attributes {stable_mosaic.version = 14 : i64} {
  func.func @_path_body(%arg0: i32, %arg1: memref<4x1024x128xf32, #tpu.memory_space<vmem>>, %arg2: memref<1024x128xf32, #tpu.memory_space<vmem>>, %arg3: memref<128x384xf32, #tpu.memory_space<vmem>>, %arg4: memref<128x384xf32, #tpu.memory_space<vmem>>, %arg5: memref<1x384xf32, #tpu.memory_space<vmem>>, %arg6: memref<1x384xf32, #tpu.memory_space<vmem>>, %arg7: memref<1024x128xf32, #tpu.memory_space<vmem>>) attributes {dimension_semantics = [#tpu.dimension_semantics<arbitrary>], iteration_bounds = array<i64: 10>, scalar_prefetch = 0 : i64, scratch_operands = 0 : i64, tpu.core_type = #tpu.core_type<tc>, window_params = [{transform_indices = @transform_0, window_bounds = array<i64: 4, 1024, 128>}, {transform_indices = @transform_1, window_bounds = array<i64: 1024, 128>}, {pipeline_mode = #tpu.pipeline_mode<synchronous>, transform_indices = @transform_2, window_bounds = array<i64: 128, 384>}, {pipeline_mode = #tpu.pipeline_mode<synchronous>, transform_indices = @transform_3, window_bounds = array<i64: 128, 384>}, {pipeline_mode = #tpu.pipeline_mode<synchronous>, transform_indices = @transform_4, window_bounds = array<i64: 1, 384>}, {pipeline_mode = #tpu.pipeline_mode<synchronous>, transform_indices = @transform_5, window_bounds = array<i64: 1, 384>}, {transform_indices = @transform_6, window_bounds = array<i64: 1024, 128>}]} {
    %get3A = arith.constant 0 : index
    %get3A_0 = arith.constant 0 : index
    %get3A_1 = vector.load %arg2[%get3A, %get3A_0] : memref<1024x128xf32, #tpu.memory_space<vmem>>, vector<1024x128xf32>
    %get3A_2 = arith.constant 0 : index
    %get3A_3 = arith.constant 0 : index
    %get3A_4 = vector.load %arg3[%get3A_2, %get3A_3] : memref<128x384xf32, #tpu.memory_space<vmem>>, vector<128x384xf32>
    %convert_element_type3A = arith.truncf %get3A_4 : vector<128x384xf32> to vector<128x384xbf16>
    %get3A_5 = arith.constant 0 : index
    %get3A_6 = arith.constant 0 : index
    %get3A_7 = vector.load %arg4[%get3A_5, %get3A_6] : memref<128x384xf32, #tpu.memory_space<vmem>>, vector<128x384xf32>
    %convert_element_type3A_8 = arith.truncf %get3A_7 : vector<128x384xf32> to vector<128x384xbf16>
    %get3A_9 = arith.constant 0 : index
    %get3A_10 = arith.constant 0 : index
    %get3A_11 = vector.load %arg5[%get3A_9, %get3A_10] : memref<1x384xf32, #tpu.memory_space<vmem>>, vector<1x384xf32>
    %get3A_12 = arith.constant 0 : index
    %get3A_13 = arith.constant 0 : index
    %get3A_14 = vector.load %arg6[%get3A_12, %get3A_13] : memref<1x384xf32, #tpu.memory_space<vmem>>, vector<1x384xf32>
    %get3A_15 = arith.constant 0 : index
    %get3A_16 = arith.constant 0 : index
    %get3A_17 = arith.constant 0 : index
    %get3A_18 = vector.load %arg1[%get3A_15, %get3A_16, %get3A_17] : memref<4x1024x128xf32, #tpu.memory_space<vmem>>, vector<1x1024x128xf32>
    %get3A_19 = vector.shape_cast %get3A_18 : vector<1x1024x128xf32> to vector<1024x128xf32>
    %convert_element_type3A_20 = arith.truncf %get3A_19 : vector<1024x128xf32> to vector<1024x128xbf16>
    %dot_general3A = arith.constant dense<0.000000e+00> : vector<1024x384xf32>
    %dot_general3A_21 = tpu.matmul %convert_element_type3A_20, %convert_element_type3A, %dot_general3A {dimension_numbers = #tpu.dot_dimension_numbers<[1], [0], [0], [1], [0, 0, 1, 1], [], []>, transpose_lhs_hint = false} : vector<1024x128xbf16>, vector<128x384xbf16>, vector<1024x384xf32> -> vector<1024x384xf32>
    %add3A = vector.broadcast %get3A_11 : vector<1x384xf32> to vector<1024x384xf32>
    %add3A_22 = arith.addf %dot_general3A_21, %add3A : vector<1024x384xf32>
    %convert_element_type3A_23 = arith.truncf %get3A_1 : vector<1024x128xf32> to vector<1024x128xbf16>
    %dot_general3A_24 = arith.constant dense<0.000000e+00> : vector<1024x384xf32>
    %dot_general3A_25 = tpu.matmul %convert_element_type3A_23, %convert_element_type3A_8, %dot_general3A_24 {dimension_numbers = #tpu.dot_dimension_numbers<[1], [0], [0], [1], [0, 0, 1, 1], [], []>, transpose_lhs_hint = false} : vector<1024x128xbf16>, vector<128x384xbf16>, vector<1024x384xf32> -> vector<1024x384xf32>
    %add3A_26 = vector.broadcast %get3A_14 : vector<1x384xf32> to vector<1024x384xf32>
    %add3A_27 = arith.addf %dot_general3A_25, %add3A_26 : vector<1024x384xf32>
    %slice3A = vector.extract_strided_slice %add3A_22 {offsets = [0, 0], sizes = [1024, 128], strides = [1, 1]} : vector<1024x384xf32> to vector<1024x128xf32>
    %slice3A_28 = vector.extract_strided_slice %add3A_27 {offsets = [0, 0], sizes = [1024, 128], strides = [1, 1]} : vector<1024x384xf32> to vector<1024x128xf32>
    %add3A_29 = arith.addf %slice3A, %slice3A_28 : vector<1024x128xf32>
    %logistic3A = arith.negf %add3A_29 : vector<1024x128xf32>
    %logistic3A_30 = math.exp %logistic3A : vector<1024x128xf32>
    %logistic3A_31 = arith.constant 1.000000e+00 : f32
    %logistic3A_32 = vector.broadcast %logistic3A_31 : f32 to vector<1024x128xf32>
    %logistic3A_33 = arith.addf %logistic3A_32, %logistic3A_30 : vector<1024x128xf32>
    %logistic3A_34 = arith.divf %logistic3A_32, %logistic3A_33 : vector<1024x128xf32>
    %slice3A_35 = vector.extract_strided_slice %add3A_22 {offsets = [0, 128], sizes = [1024, 128], strides = [1, 1]} : vector<1024x384xf32> to vector<1024x128xf32>
    %slice3A_36 = vector.extract_strided_slice %add3A_27 {offsets = [0, 128], sizes = [1024, 128], strides = [1, 1]} : vector<1024x384xf32> to vector<1024x128xf32>
    %add3A_37 = arith.addf %slice3A_35, %slice3A_36 : vector<1024x128xf32>
    %logistic3A_38 = arith.negf %add3A_37 : vector<1024x128xf32>
    %logistic3A_39 = math.exp %logistic3A_38 : vector<1024x128xf32>
    %logistic3A_40 = arith.constant 1.000000e+00 : f32
    %logistic3A_41 = vector.broadcast %logistic3A_40 : f32 to vector<1024x128xf32>
    %logistic3A_42 = arith.addf %logistic3A_41, %logistic3A_39 : vector<1024x128xf32>
    %logistic3A_43 = arith.divf %logistic3A_41, %logistic3A_42 : vector<1024x128xf32>
    %slice3A_44 = vector.extract_strided_slice %add3A_22 {offsets = [0, 256], sizes = [1024, 128], strides = [1, 1]} : vector<1024x384xf32> to vector<1024x128xf32>
    %slice3A_45 = vector.extract_strided_slice %add3A_27 {offsets = [0, 256], sizes = [1024, 128], strides = [1, 1]} : vector<1024x384xf32> to vector<1024x128xf32>
    %mul3A = arith.mulf %logistic3A_34, %slice3A_45 : vector<1024x128xf32>
    %add3A_46 = arith.addf %slice3A_44, %mul3A : vector<1024x128xf32>
    %tanh3A = math.tanh %add3A_46 : vector<1024x128xf32>
    %sub3A = arith.constant 1.000000e+00 : f32
    %sub3A_47 = vector.broadcast %sub3A : f32 to vector<1024x128xf32>
    %sub3A_48 = arith.subf %sub3A_47, %logistic3A_43 : vector<1024x128xf32>
    %mul3A_49 = arith.mulf %sub3A_48, %tanh3A : vector<1024x128xf32>
    %mul3A_50 = arith.mulf %logistic3A_43, %get3A_1 : vector<1024x128xf32>
    %add3A_51 = arith.addf %mul3A_49, %mul3A_50 : vector<1024x128xf32>
    %get3A_52 = arith.constant 1 : index
    %get3A_53 = arith.constant 0 : index
    %get3A_54 = arith.constant 0 : index
    %get3A_55 = vector.load %arg1[%get3A_52, %get3A_53, %get3A_54] : memref<4x1024x128xf32, #tpu.memory_space<vmem>>, vector<1x1024x128xf32>
    %get3A_56 = vector.shape_cast %get3A_55 : vector<1x1024x128xf32> to vector<1024x128xf32>
    %convert_element_type3A_57 = arith.truncf %get3A_56 : vector<1024x128xf32> to vector<1024x128xbf16>
    %dot_general3A_58 = arith.constant dense<0.000000e+00> : vector<1024x384xf32>
    %dot_general3A_59 = tpu.matmul %convert_element_type3A_57, %convert_element_type3A, %dot_general3A_58 {dimension_numbers = #tpu.dot_dimension_numbers<[1], [0], [0], [1], [0, 0, 1, 1], [], []>, transpose_lhs_hint = false} : vector<1024x128xbf16>, vector<128x384xbf16>, vector<1024x384xf32> -> vector<1024x384xf32>
    %add3A_60 = vector.broadcast %get3A_11 : vector<1x384xf32> to vector<1024x384xf32>
    %add3A_61 = arith.addf %dot_general3A_59, %add3A_60 : vector<1024x384xf32>
    %convert_element_type3A_62 = arith.truncf %add3A_51 : vector<1024x128xf32> to vector<1024x128xbf16>
    %dot_general3A_63 = arith.constant dense<0.000000e+00> : vector<1024x384xf32>
    %dot_general3A_64 = tpu.matmul %convert_element_type3A_62, %convert_element_type3A_8, %dot_general3A_63 {dimension_numbers = #tpu.dot_dimension_numbers<[1], [0], [0], [1], [0, 0, 1, 1], [], []>, transpose_lhs_hint = false} : vector<1024x128xbf16>, vector<128x384xbf16>, vector<1024x384xf32> -> vector<1024x384xf32>
    %add3A_65 = vector.broadcast %get3A_14 : vector<1x384xf32> to vector<1024x384xf32>
    %add3A_66 = arith.addf %dot_general3A_64, %add3A_65 : vector<1024x384xf32>
    %slice3A_67 = vector.extract_strided_slice %add3A_61 {offsets = [0, 0], sizes = [1024, 128], strides = [1, 1]} : vector<1024x384xf32> to vector<1024x128xf32>
    %slice3A_68 = vector.extract_strided_slice %add3A_66 {offsets = [0, 0], sizes = [1024, 128], strides = [1, 1]} : vector<1024x384xf32> to vector<1024x128xf32>
    %add3A_69 = arith.addf %slice3A_67, %slice3A_68 : vector<1024x128xf32>
    %logistic3A_70 = arith.negf %add3A_69 : vector<1024x128xf32>
    %logistic3A_71 = math.exp %logistic3A_70 : vector<1024x128xf32>
    %logistic3A_72 = arith.constant 1.000000e+00 : f32
    %logistic3A_73 = vector.broadcast %logistic3A_72 : f32 to vector<1024x128xf32>
    %logistic3A_74 = arith.addf %logistic3A_73, %logistic3A_71 : vector<1024x128xf32>
    %logistic3A_75 = arith.divf %logistic3A_73, %logistic3A_74 : vector<1024x128xf32>
    %slice3A_76 = vector.extract_strided_slice %add3A_61 {offsets = [0, 128], sizes = [1024, 128], strides = [1, 1]} : vector<1024x384xf32> to vector<1024x128xf32>
    %slice3A_77 = vector.extract_strided_slice %add3A_66 {offsets = [0, 128], sizes = [1024, 128], strides = [1, 1]} : vector<1024x384xf32> to vector<1024x128xf32>
    %add3A_78 = arith.addf %slice3A_76, %slice3A_77 : vector<1024x128xf32>
    %logistic3A_79 = arith.negf %add3A_78 : vector<1024x128xf32>
    %logistic3A_80 = math.exp %logistic3A_79 : vector<1024x128xf32>
    %logistic3A_81 = arith.constant 1.000000e+00 : f32
    %logistic3A_82 = vector.broadcast %logistic3A_81 : f32 to vector<1024x128xf32>
    %logistic3A_83 = arith.addf %logistic3A_82, %logistic3A_80 : vector<1024x128xf32>
    %logistic3A_84 = arith.divf %logistic3A_82, %logistic3A_83 : vector<1024x128xf32>
    %slice3A_85 = vector.extract_strided_slice %add3A_61 {offsets = [0, 256], sizes = [1024, 128], strides = [1, 1]} : vector<1024x384xf32> to vector<1024x128xf32>
    %slice3A_86 = vector.extract_strided_slice %add3A_66 {offsets = [0, 256], sizes = [1024, 128], strides = [1, 1]} : vector<1024x384xf32> to vector<1024x128xf32>
    %mul3A_87 = arith.mulf %logistic3A_75, %slice3A_86 : vector<1024x128xf32>
    %add3A_88 = arith.addf %slice3A_85, %mul3A_87 : vector<1024x128xf32>
    %tanh3A_89 = math.tanh %add3A_88 : vector<1024x128xf32>
    %sub3A_90 = arith.constant 1.000000e+00 : f32
    %sub3A_91 = vector.broadcast %sub3A_90 : f32 to vector<1024x128xf32>
    %sub3A_92 = arith.subf %sub3A_91, %logistic3A_84 : vector<1024x128xf32>
    %mul3A_93 = arith.mulf %sub3A_92, %tanh3A_89 : vector<1024x128xf32>
    %mul3A_94 = arith.mulf %logistic3A_84, %add3A_51 : vector<1024x128xf32>
    %add3A_95 = arith.addf %mul3A_93, %mul3A_94 : vector<1024x128xf32>
    %get3A_96 = arith.constant 2 : index
    %get3A_97 = arith.constant 0 : index
    %get3A_98 = arith.constant 0 : index
    %get3A_99 = vector.load %arg1[%get3A_96, %get3A_97, %get3A_98] : memref<4x1024x128xf32, #tpu.memory_space<vmem>>, vector<1x1024x128xf32>
    %get3A_100 = vector.shape_cast %get3A_99 : vector<1x1024x128xf32> to vector<1024x128xf32>
    %convert_element_type3A_101 = arith.truncf %get3A_100 : vector<1024x128xf32> to vector<1024x128xbf16>
    %dot_general3A_102 = arith.constant dense<0.000000e+00> : vector<1024x384xf32>
    %dot_general3A_103 = tpu.matmul %convert_element_type3A_101, %convert_element_type3A, %dot_general3A_102 {dimension_numbers = #tpu.dot_dimension_numbers<[1], [0], [0], [1], [0, 0, 1, 1], [], []>, transpose_lhs_hint = false} : vector<1024x128xbf16>, vector<128x384xbf16>, vector<1024x384xf32> -> vector<1024x384xf32>
    %add3A_104 = vector.broadcast %get3A_11 : vector<1x384xf32> to vector<1024x384xf32>
    %add3A_105 = arith.addf %dot_general3A_103, %add3A_104 : vector<1024x384xf32>
    %convert_element_type3A_106 = arith.truncf %add3A_95 : vector<1024x128xf32> to vector<1024x128xbf16>
    %dot_general3A_107 = arith.constant dense<0.000000e+00> : vector<1024x384xf32>
    %dot_general3A_108 = tpu.matmul %convert_element_type3A_106, %convert_element_type3A_8, %dot_general3A_107 {dimension_numbers = #tpu.dot_dimension_numbers<[1], [0], [0], [1], [0, 0, 1, 1], [], []>, transpose_lhs_hint = false} : vector<1024x128xbf16>, vector<128x384xbf16>, vector<1024x384xf32> -> vector<1024x384xf32>
    %add3A_109 = vector.broadcast %get3A_14 : vector<1x384xf32> to vector<1024x384xf32>
    %add3A_110 = arith.addf %dot_general3A_108, %add3A_109 : vector<1024x384xf32>
    %slice3A_111 = vector.extract_strided_slice %add3A_105 {offsets = [0, 0], sizes = [1024, 128], strides = [1, 1]} : vector<1024x384xf32> to vector<1024x128xf32>
    %slice3A_112 = vector.extract_strided_slice %add3A_110 {offsets = [0, 0], sizes = [1024, 128], strides = [1, 1]} : vector<1024x384xf32> to vector<1024x128xf32>
    %add3A_113 = arith.addf %slice3A_111, %slice3A_112 : vector<1024x128xf32>
    %logistic3A_114 = arith.negf %add3A_113 : vector<1024x128xf32>
    %logistic3A_115 = math.exp %logistic3A_114 : vector<1024x128xf32>
    %logistic3A_116 = arith.constant 1.000000e+00 : f32
    %logistic3A_117 = vector.broadcast %logistic3A_116 : f32 to vector<1024x128xf32>
    %logistic3A_118 = arith.addf %logistic3A_117, %logistic3A_115 : vector<1024x128xf32>
    %logistic3A_119 = arith.divf %logistic3A_117, %logistic3A_118 : vector<1024x128xf32>
    %slice3A_120 = vector.extract_strided_slice %add3A_105 {offsets = [0, 128], sizes = [1024, 128], strides = [1, 1]} : vector<1024x384xf32> to vector<1024x128xf32>
    %slice3A_121 = vector.extract_strided_slice %add3A_110 {offsets = [0, 128], sizes = [1024, 128], strides = [1, 1]} : vector<1024x384xf32> to vector<1024x128xf32>
    %add3A_122 = arith.addf %slice3A_120, %slice3A_121 : vector<1024x128xf32>
    %logistic3A_123 = arith.negf %add3A_122 : vector<1024x128xf32>
    %logistic3A_124 = math.exp %logistic3A_123 : vector<1024x128xf32>
    %logistic3A_125 = arith.constant 1.000000e+00 : f32
    %logistic3A_126 = vector.broadcast %logistic3A_125 : f32 to vector<1024x128xf32>
    %logistic3A_127 = arith.addf %logistic3A_126, %logistic3A_124 : vector<1024x128xf32>
    %logistic3A_128 = arith.divf %logistic3A_126, %logistic3A_127 : vector<1024x128xf32>
    %slice3A_129 = vector.extract_strided_slice %add3A_105 {offsets = [0, 256], sizes = [1024, 128], strides = [1, 1]} : vector<1024x384xf32> to vector<1024x128xf32>
    %slice3A_130 = vector.extract_strided_slice %add3A_110 {offsets = [0, 256], sizes = [1024, 128], strides = [1, 1]} : vector<1024x384xf32> to vector<1024x128xf32>
    %mul3A_131 = arith.mulf %logistic3A_119, %slice3A_130 : vector<1024x128xf32>
    %add3A_132 = arith.addf %slice3A_129, %mul3A_131 : vector<1024x128xf32>
    %tanh3A_133 = math.tanh %add3A_132 : vector<1024x128xf32>
    %sub3A_134 = arith.constant 1.000000e+00 : f32
    %sub3A_135 = vector.broadcast %sub3A_134 : f32 to vector<1024x128xf32>
    %sub3A_136 = arith.subf %sub3A_135, %logistic3A_128 : vector<1024x128xf32>
    %mul3A_137 = arith.mulf %sub3A_136, %tanh3A_133 : vector<1024x128xf32>
    %mul3A_138 = arith.mulf %logistic3A_128, %add3A_95 : vector<1024x128xf32>
    %add3A_139 = arith.addf %mul3A_137, %mul3A_138 : vector<1024x128xf32>
    %get3A_140 = arith.constant 3 : index
    %get3A_141 = arith.constant 0 : index
    %get3A_142 = arith.constant 0 : index
    %get3A_143 = vector.load %arg1[%get3A_140, %get3A_141, %get3A_142] : memref<4x1024x128xf32, #tpu.memory_space<vmem>>, vector<1x1024x128xf32>
    %get3A_144 = vector.shape_cast %get3A_143 : vector<1x1024x128xf32> to vector<1024x128xf32>
    %convert_element_type3A_145 = arith.truncf %get3A_144 : vector<1024x128xf32> to vector<1024x128xbf16>
    %dot_general3A_146 = arith.constant dense<0.000000e+00> : vector<1024x384xf32>
    %dot_general3A_147 = tpu.matmul %convert_element_type3A_145, %convert_element_type3A, %dot_general3A_146 {dimension_numbers = #tpu.dot_dimension_numbers<[1], [0], [0], [1], [0, 0, 1, 1], [], []>, transpose_lhs_hint = false} : vector<1024x128xbf16>, vector<128x384xbf16>, vector<1024x384xf32> -> vector<1024x384xf32>
    %add3A_148 = vector.broadcast %get3A_11 : vector<1x384xf32> to vector<1024x384xf32>
    %add3A_149 = arith.addf %dot_general3A_147, %add3A_148 : vector<1024x384xf32>
    %convert_element_type3A_150 = arith.truncf %add3A_139 : vector<1024x128xf32> to vector<1024x128xbf16>
    %dot_general3A_151 = arith.constant dense<0.000000e+00> : vector<1024x384xf32>
    %dot_general3A_152 = tpu.matmul %convert_element_type3A_150, %convert_element_type3A_8, %dot_general3A_151 {dimension_numbers = #tpu.dot_dimension_numbers<[1], [0], [0], [1], [0, 0, 1, 1], [], []>, transpose_lhs_hint = false} : vector<1024x128xbf16>, vector<128x384xbf16>, vector<1024x384xf32> -> vector<1024x384xf32>
    %add3A_153 = vector.broadcast %get3A_14 : vector<1x384xf32> to vector<1024x384xf32>
    %add3A_154 = arith.addf %dot_general3A_152, %add3A_153 : vector<1024x384xf32>
    %slice3A_155 = vector.extract_strided_slice %add3A_149 {offsets = [0, 0], sizes = [1024, 128], strides = [1, 1]} : vector<1024x384xf32> to vector<1024x128xf32>
    %slice3A_156 = vector.extract_strided_slice %add3A_154 {offsets = [0, 0], sizes = [1024, 128], strides = [1, 1]} : vector<1024x384xf32> to vector<1024x128xf32>
    %add3A_157 = arith.addf %slice3A_155, %slice3A_156 : vector<1024x128xf32>
    %logistic3A_158 = arith.negf %add3A_157 : vector<1024x128xf32>
    %logistic3A_159 = math.exp %logistic3A_158 : vector<1024x128xf32>
    %logistic3A_160 = arith.constant 1.000000e+00 : f32
    %logistic3A_161 = vector.broadcast %logistic3A_160 : f32 to vector<1024x128xf32>
    %logistic3A_162 = arith.addf %logistic3A_161, %logistic3A_159 : vector<1024x128xf32>
    %logistic3A_163 = arith.divf %logistic3A_161, %logistic3A_162 : vector<1024x128xf32>
    %slice3A_164 = vector.extract_strided_slice %add3A_149 {offsets = [0, 128], sizes = [1024, 128], strides = [1, 1]} : vector<1024x384xf32> to vector<1024x128xf32>
    %slice3A_165 = vector.extract_strided_slice %add3A_154 {offsets = [0, 128], sizes = [1024, 128], strides = [1, 1]} : vector<1024x384xf32> to vector<1024x128xf32>
    %add3A_166 = arith.addf %slice3A_164, %slice3A_165 : vector<1024x128xf32>
    %logistic3A_167 = arith.negf %add3A_166 : vector<1024x128xf32>
    %logistic3A_168 = math.exp %logistic3A_167 : vector<1024x128xf32>
    %logistic3A_169 = arith.constant 1.000000e+00 : f32
    %logistic3A_170 = vector.broadcast %logistic3A_169 : f32 to vector<1024x128xf32>
    %logistic3A_171 = arith.addf %logistic3A_170, %logistic3A_168 : vector<1024x128xf32>
    %logistic3A_172 = arith.divf %logistic3A_170, %logistic3A_171 : vector<1024x128xf32>
    %slice3A_173 = vector.extract_strided_slice %add3A_149 {offsets = [0, 256], sizes = [1024, 128], strides = [1, 1]} : vector<1024x384xf32> to vector<1024x128xf32>
    %slice3A_174 = vector.extract_strided_slice %add3A_154 {offsets = [0, 256], sizes = [1024, 128], strides = [1, 1]} : vector<1024x384xf32> to vector<1024x128xf32>
    %mul3A_175 = arith.mulf %logistic3A_163, %slice3A_174 : vector<1024x128xf32>
    %add3A_176 = arith.addf %slice3A_173, %mul3A_175 : vector<1024x128xf32>
    %tanh3A_177 = math.tanh %add3A_176 : vector<1024x128xf32>
    %sub3A_178 = arith.constant 1.000000e+00 : f32
    %sub3A_179 = vector.broadcast %sub3A_178 : f32 to vector<1024x128xf32>
    %sub3A_180 = arith.subf %sub3A_179, %logistic3A_172 : vector<1024x128xf32>
    %mul3A_181 = arith.mulf %sub3A_180, %tanh3A_177 : vector<1024x128xf32>
    %mul3A_182 = arith.mulf %logistic3A_172, %add3A_139 : vector<1024x128xf32>
    %add3A_183 = arith.addf %mul3A_181, %mul3A_182 : vector<1024x128xf32>
    %swap3A = arith.constant 0 : index
    %swap3A_184 = arith.constant 0 : index
    %swap3A_185 = vector.load %arg7[%swap3A, %swap3A_184] : memref<1024x128xf32, #tpu.memory_space<vmem>>, vector<1024x128xf32>
    tpu.vector_store %arg7[%swap3A, %swap3A_184], %add3A_183 {strides = array<i32>} : memref<1024x128xf32, #tpu.memory_space<vmem>>, vector<1024x128xf32>,
    return
  }
  func.func @transform_0(%arg0: i32) -> (i32, i32, i32) {
    %c0_i32 = arith.constant 0 : i32
    %c0_i32_0 = arith.constant 0 : i32
    %c0_i32_1 = arith.constant 0 : i32
    return %c0_i32, %arg0, %c0_i32_0 : i32, i32, i32
  }
  func.func @transform_1(%arg0: i32) -> (i32, i32) {
    %c0_i32 = arith.constant 0 : i32
    %c0_i32_0 = arith.constant 0 : i32
    return %arg0, %c0_i32 : i32, i32
  }
  func.func @transform_2(%arg0: i32) -> (i32, i32) {
    %c0_i32 = arith.constant 0 : i32
    %c0_i32_0 = arith.constant 0 : i32
    %c0_i32_1 = arith.constant 0 : i32
    return %c0_i32, %c0_i32_0 : i32, i32
  }
  func.func @transform_3(%arg0: i32) -> (i32, i32) {
    %c0_i32 = arith.constant 0 : i32
    %c0_i32_0 = arith.constant 0 : i32
    %c0_i32_1 = arith.constant 0 : i32
    return %c0_i32, %c0_i32_0 : i32, i32
  }
  func.func @transform_4(%arg0: i32) -> (i32, i32) {
    %c0_i32 = arith.constant 0 : i32
    %c0_i32_0 = arith.constant 0 : i32
    %c0_i32_1 = arith.constant 0 : i32
    return %c0_i32, %c0_i32_0 : i32, i32
  }
  func.func @transform_5(%arg0: i32) -> (i32, i32) {
    %c0_i32 = arith.constant 0 : i32
    %c0_i32_0 = arith.constant 0 : i32
    %c0_i32_1 = arith.constant 0 : i32
    return %c0_i32, %c0_i32_0 : i32, i32
  }
  func.func @transform_6(%arg0: i32) -> (i32, i32) {
    %c0_i32 = arith.constant 0 : i32
    %c0_i32_0 = arith.constant 0 : i32
    return %arg0, %c0_i32 : i32, i32
  }
}

module attributes {stable_mosaic.version = 14 : i64} {
  func.func @_chan_body(%arg0: i32, %arg1: memref<20x512x128xf32, #tpu.memory_space<vmem>>, %arg2: memref<512x128xf32, #tpu.memory_space<vmem>>, %arg3: memref<128x384xf32, #tpu.memory_space<vmem>>, %arg4: memref<128x384xf32, #tpu.memory_space<vmem>>, %arg5: memref<1x384xf32, #tpu.memory_space<vmem>>, %arg6: memref<1x384xf32, #tpu.memory_space<vmem>>, %arg7: memref<512x128xf32, #tpu.memory_space<vmem>>) attributes {dimension_semantics = [#tpu.dimension_semantics<arbitrary>], iteration_bounds = array<i64: 4>, scalar_prefetch = 0 : i64, scratch_operands = 0 : i64, tpu.core_type = #tpu.core_type<tc>, window_params = [{transform_indices = @transform_0, window_bounds = array<i64: 20, 512, 128>}, {transform_indices = @transform_1, window_bounds = array<i64: 512, 128>}, {pipeline_mode = #tpu.pipeline_mode<synchronous>, transform_indices = @transform_2, window_bounds = array<i64: 128, 384>}, {pipeline_mode = #tpu.pipeline_mode<synchronous>, transform_indices = @transform_3, window_bounds = array<i64: 128, 384>}, {pipeline_mode = #tpu.pipeline_mode<synchronous>, transform_indices = @transform_4, window_bounds = array<i64: 1, 384>}, {pipeline_mode = #tpu.pipeline_mode<synchronous>, transform_indices = @transform_5, window_bounds = array<i64: 1, 384>}, {transform_indices = @transform_6, window_bounds = array<i64: 512, 128>}]} {
    %get3A = arith.constant 0 : index
    %get3A_0 = arith.constant 0 : index
    %get3A_1 = arith.constant 0 : index
    %get3A_2 = vector.load %arg1[%get3A, %get3A_0, %get3A_1] : memref<20x512x128xf32, #tpu.memory_space<vmem>>, vector<1x512x128xf32>
    %get3A_3 = vector.shape_cast %get3A_2 : vector<1x512x128xf32> to vector<512x128xf32>
    %get3A_4 = arith.constant 1 : index
    %get3A_5 = arith.constant 0 : index
    %get3A_6 = arith.constant 0 : index
    %get3A_7 = vector.load %arg1[%get3A_4, %get3A_5, %get3A_6] : memref<20x512x128xf32, #tpu.memory_space<vmem>>, vector<1x512x128xf32>
    %get3A_8 = vector.shape_cast %get3A_7 : vector<1x512x128xf32> to vector<512x128xf32>
    %add3A = arith.addf %get3A_3, %get3A_8 : vector<512x128xf32>
    %get3A_9 = arith.constant 2 : index
    %get3A_10 = arith.constant 0 : index
    %get3A_11 = arith.constant 0 : index
    %get3A_12 = vector.load %arg1[%get3A_9, %get3A_10, %get3A_11] : memref<20x512x128xf32, #tpu.memory_space<vmem>>, vector<1x512x128xf32>
    %get3A_13 = vector.shape_cast %get3A_12 : vector<1x512x128xf32> to vector<512x128xf32>
    %add3A_14 = arith.addf %add3A, %get3A_13 : vector<512x128xf32>
    %get3A_15 = arith.constant 3 : index
    %get3A_16 = arith.constant 0 : index
    %get3A_17 = arith.constant 0 : index
    %get3A_18 = vector.load %arg1[%get3A_15, %get3A_16, %get3A_17] : memref<20x512x128xf32, #tpu.memory_space<vmem>>, vector<1x512x128xf32>
    %get3A_19 = vector.shape_cast %get3A_18 : vector<1x512x128xf32> to vector<512x128xf32>
    %add3A_20 = arith.addf %add3A_14, %get3A_19 : vector<512x128xf32>
    %get3A_21 = arith.constant 4 : index
    %get3A_22 = arith.constant 0 : index
    %get3A_23 = arith.constant 0 : index
    %get3A_24 = vector.load %arg1[%get3A_21, %get3A_22, %get3A_23] : memref<20x512x128xf32, #tpu.memory_space<vmem>>, vector<1x512x128xf32>
    %get3A_25 = vector.shape_cast %get3A_24 : vector<1x512x128xf32> to vector<512x128xf32>
    %add3A_26 = arith.addf %add3A_20, %get3A_25 : vector<512x128xf32>
    %get3A_27 = arith.constant 5 : index
    %get3A_28 = arith.constant 0 : index
    %get3A_29 = arith.constant 0 : index
    %get3A_30 = vector.load %arg1[%get3A_27, %get3A_28, %get3A_29] : memref<20x512x128xf32, #tpu.memory_space<vmem>>, vector<1x512x128xf32>
    %get3A_31 = vector.shape_cast %get3A_30 : vector<1x512x128xf32> to vector<512x128xf32>
    %add3A_32 = arith.addf %add3A_26, %get3A_31 : vector<512x128xf32>
    %get3A_33 = arith.constant 6 : index
    %get3A_34 = arith.constant 0 : index
    %get3A_35 = arith.constant 0 : index
    %get3A_36 = vector.load %arg1[%get3A_33, %get3A_34, %get3A_35] : memref<20x512x128xf32, #tpu.memory_space<vmem>>, vector<1x512x128xf32>
    %get3A_37 = vector.shape_cast %get3A_36 : vector<1x512x128xf32> to vector<512x128xf32>
    %add3A_38 = arith.addf %add3A_32, %get3A_37 : vector<512x128xf32>
    %get3A_39 = arith.constant 7 : index
    %get3A_40 = arith.constant 0 : index
    %get3A_41 = arith.constant 0 : index
    %get3A_42 = vector.load %arg1[%get3A_39, %get3A_40, %get3A_41] : memref<20x512x128xf32, #tpu.memory_space<vmem>>, vector<1x512x128xf32>
    %get3A_43 = vector.shape_cast %get3A_42 : vector<1x512x128xf32> to vector<512x128xf32>
    %add3A_44 = arith.addf %add3A_38, %get3A_43 : vector<512x128xf32>
    %get3A_45 = arith.constant 8 : index
    %get3A_46 = arith.constant 0 : index
    %get3A_47 = arith.constant 0 : index
    %get3A_48 = vector.load %arg1[%get3A_45, %get3A_46, %get3A_47] : memref<20x512x128xf32, #tpu.memory_space<vmem>>, vector<1x512x128xf32>
    %get3A_49 = vector.shape_cast %get3A_48 : vector<1x512x128xf32> to vector<512x128xf32>
    %add3A_50 = arith.addf %add3A_44, %get3A_49 : vector<512x128xf32>
    %get3A_51 = arith.constant 9 : index
    %get3A_52 = arith.constant 0 : index
    %get3A_53 = arith.constant 0 : index
    %get3A_54 = vector.load %arg1[%get3A_51, %get3A_52, %get3A_53] : memref<20x512x128xf32, #tpu.memory_space<vmem>>, vector<1x512x128xf32>
    %get3A_55 = vector.shape_cast %get3A_54 : vector<1x512x128xf32> to vector<512x128xf32>
    %add3A_56 = arith.addf %add3A_50, %get3A_55 : vector<512x128xf32>
    %get3A_57 = arith.constant 10 : index
    %get3A_58 = arith.constant 0 : index
    %get3A_59 = arith.constant 0 : index
    %get3A_60 = vector.load %arg1[%get3A_57, %get3A_58, %get3A_59] : memref<20x512x128xf32, #tpu.memory_space<vmem>>, vector<1x512x128xf32>
    %get3A_61 = vector.shape_cast %get3A_60 : vector<1x512x128xf32> to vector<512x128xf32>
    %add3A_62 = arith.addf %add3A_56, %get3A_61 : vector<512x128xf32>
    %get3A_63 = arith.constant 11 : index
    %get3A_64 = arith.constant 0 : index
    %get3A_65 = arith.constant 0 : index
    %get3A_66 = vector.load %arg1[%get3A_63, %get3A_64, %get3A_65] : memref<20x512x128xf32, #tpu.memory_space<vmem>>, vector<1x512x128xf32>
    %get3A_67 = vector.shape_cast %get3A_66 : vector<1x512x128xf32> to vector<512x128xf32>
    %add3A_68 = arith.addf %add3A_62, %get3A_67 : vector<512x128xf32>
    %get3A_69 = arith.constant 12 : index
    %get3A_70 = arith.constant 0 : index
    %get3A_71 = arith.constant 0 : index
    %get3A_72 = vector.load %arg1[%get3A_69, %get3A_70, %get3A_71] : memref<20x512x128xf32, #tpu.memory_space<vmem>>, vector<1x512x128xf32>
    %get3A_73 = vector.shape_cast %get3A_72 : vector<1x512x128xf32> to vector<512x128xf32>
    %add3A_74 = arith.addf %add3A_68, %get3A_73 : vector<512x128xf32>
    %get3A_75 = arith.constant 13 : index
    %get3A_76 = arith.constant 0 : index
    %get3A_77 = arith.constant 0 : index
    %get3A_78 = vector.load %arg1[%get3A_75, %get3A_76, %get3A_77] : memref<20x512x128xf32, #tpu.memory_space<vmem>>, vector<1x512x128xf32>
    %get3A_79 = vector.shape_cast %get3A_78 : vector<1x512x128xf32> to vector<512x128xf32>
    %add3A_80 = arith.addf %add3A_74, %get3A_79 : vector<512x128xf32>
    %get3A_81 = arith.constant 14 : index
    %get3A_82 = arith.constant 0 : index
    %get3A_83 = arith.constant 0 : index
    %get3A_84 = vector.load %arg1[%get3A_81, %get3A_82, %get3A_83] : memref<20x512x128xf32, #tpu.memory_space<vmem>>, vector<1x512x128xf32>
    %get3A_85 = vector.shape_cast %get3A_84 : vector<1x512x128xf32> to vector<512x128xf32>
    %add3A_86 = arith.addf %add3A_80, %get3A_85 : vector<512x128xf32>
    %get3A_87 = arith.constant 15 : index
    %get3A_88 = arith.constant 0 : index
    %get3A_89 = arith.constant 0 : index
    %get3A_90 = vector.load %arg1[%get3A_87, %get3A_88, %get3A_89] : memref<20x512x128xf32, #tpu.memory_space<vmem>>, vector<1x512x128xf32>
    %get3A_91 = vector.shape_cast %get3A_90 : vector<1x512x128xf32> to vector<512x128xf32>
    %add3A_92 = arith.addf %add3A_86, %get3A_91 : vector<512x128xf32>
    %get3A_93 = arith.constant 16 : index
    %get3A_94 = arith.constant 0 : index
    %get3A_95 = arith.constant 0 : index
    %get3A_96 = vector.load %arg1[%get3A_93, %get3A_94, %get3A_95] : memref<20x512x128xf32, #tpu.memory_space<vmem>>, vector<1x512x128xf32>
    %get3A_97 = vector.shape_cast %get3A_96 : vector<1x512x128xf32> to vector<512x128xf32>
    %add3A_98 = arith.addf %add3A_92, %get3A_97 : vector<512x128xf32>
    %get3A_99 = arith.constant 17 : index
    %get3A_100 = arith.constant 0 : index
    %get3A_101 = arith.constant 0 : index
    %get3A_102 = vector.load %arg1[%get3A_99, %get3A_100, %get3A_101] : memref<20x512x128xf32, #tpu.memory_space<vmem>>, vector<1x512x128xf32>
    %get3A_103 = vector.shape_cast %get3A_102 : vector<1x512x128xf32> to vector<512x128xf32>
    %add3A_104 = arith.addf %add3A_98, %get3A_103 : vector<512x128xf32>
    %get3A_105 = arith.constant 18 : index
    %get3A_106 = arith.constant 0 : index
    %get3A_107 = arith.constant 0 : index
    %get3A_108 = vector.load %arg1[%get3A_105, %get3A_106, %get3A_107] : memref<20x512x128xf32, #tpu.memory_space<vmem>>, vector<1x512x128xf32>
    %get3A_109 = vector.shape_cast %get3A_108 : vector<1x512x128xf32> to vector<512x128xf32>
    %add3A_110 = arith.addf %add3A_104, %get3A_109 : vector<512x128xf32>
    %get3A_111 = arith.constant 19 : index
    %get3A_112 = arith.constant 0 : index
    %get3A_113 = arith.constant 0 : index
    %get3A_114 = vector.load %arg1[%get3A_111, %get3A_112, %get3A_113] : memref<20x512x128xf32, #tpu.memory_space<vmem>>, vector<1x512x128xf32>
    %get3A_115 = vector.shape_cast %get3A_114 : vector<1x512x128xf32> to vector<512x128xf32>
    %add3A_116 = arith.addf %add3A_110, %get3A_115 : vector<512x128xf32>
    %get3A_117 = arith.constant 0 : index
    %get3A_118 = arith.constant 0 : index
    %get3A_119 = vector.load %arg2[%get3A_117, %get3A_118] : memref<512x128xf32, #tpu.memory_space<vmem>>, vector<512x128xf32>
    %convert_element_type3A = arith.truncf %add3A_116 : vector<512x128xf32> to vector<512x128xbf16>
    %get3A_120 = arith.constant 0 : index
    %get3A_121 = arith.constant 0 : index
    %get3A_122 = vector.load %arg3[%get3A_120, %get3A_121] : memref<128x384xf32, #tpu.memory_space<vmem>>, vector<128x384xf32>
    %convert_element_type3A_123 = arith.truncf %get3A_122 : vector<128x384xf32> to vector<128x384xbf16>
    %dot_general3A = arith.constant dense<0.000000e+00> : vector<512x384xf32>
    %dot_general3A_124 = tpu.matmul %convert_element_type3A, %convert_element_type3A_123, %dot_general3A {dimension_numbers = #tpu.dot_dimension_numbers<[1], [0], [0], [1], [0, 0, 1, 1], [], []>, transpose_lhs_hint = false} : vector<512x128xbf16>, vector<128x384xbf16>, vector<512x384xf32> -> vector<512x384xf32>
    %get3A_125 = arith.constant 0 : index
    %get3A_126 = arith.constant 0 : index
    %get3A_127 = vector.load %arg5[%get3A_125, %get3A_126] : memref<1x384xf32, #tpu.memory_space<vmem>>, vector<1x384xf32>
    %add3A_128 = vector.broadcast %get3A_127 : vector<1x384xf32> to vector<512x384xf32>
    %add3A_129 = arith.addf %dot_general3A_124, %add3A_128 : vector<512x384xf32>
    %convert_element_type3A_130 = arith.truncf %get3A_119 : vector<512x128xf32> to vector<512x128xbf16>
    %get3A_131 = arith.constant 0 : index
    %get3A_132 = arith.constant 0 : index
    %get3A_133 = vector.load %arg4[%get3A_131, %get3A_132] : memref<128x384xf32, #tpu.memory_space<vmem>>, vector<128x384xf32>
    %convert_element_type3A_134 = arith.truncf %get3A_133 : vector<128x384xf32> to vector<128x384xbf16>
    %dot_general3A_135 = arith.constant dense<0.000000e+00> : vector<512x384xf32>
    %dot_general3A_136 = tpu.matmul %convert_element_type3A_130, %convert_element_type3A_134, %dot_general3A_135 {dimension_numbers = #tpu.dot_dimension_numbers<[1], [0], [0], [1], [0, 0, 1, 1], [], []>, transpose_lhs_hint = false} : vector<512x128xbf16>, vector<128x384xbf16>, vector<512x384xf32> -> vector<512x384xf32>
    %get3A_137 = arith.constant 0 : index
    %get3A_138 = arith.constant 0 : index
    %get3A_139 = vector.load %arg6[%get3A_137, %get3A_138] : memref<1x384xf32, #tpu.memory_space<vmem>>, vector<1x384xf32>
    %add3A_140 = vector.broadcast %get3A_139 : vector<1x384xf32> to vector<512x384xf32>
    %add3A_141 = arith.addf %dot_general3A_136, %add3A_140 : vector<512x384xf32>
    %slice3A = vector.extract_strided_slice %add3A_129 {offsets = [0, 0], sizes = [512, 128], strides = [1, 1]} : vector<512x384xf32> to vector<512x128xf32>
    %slice3A_142 = vector.extract_strided_slice %add3A_141 {offsets = [0, 0], sizes = [512, 128], strides = [1, 1]} : vector<512x384xf32> to vector<512x128xf32>
    %add3A_143 = arith.addf %slice3A, %slice3A_142 : vector<512x128xf32>
    %logistic3A = arith.negf %add3A_143 : vector<512x128xf32>
    %logistic3A_144 = math.exp %logistic3A : vector<512x128xf32>
    %logistic3A_145 = arith.constant 1.000000e+00 : f32
    %logistic3A_146 = vector.broadcast %logistic3A_145 : f32 to vector<512x128xf32>
    %logistic3A_147 = arith.addf %logistic3A_146, %logistic3A_144 : vector<512x128xf32>
    %logistic3A_148 = arith.divf %logistic3A_146, %logistic3A_147 : vector<512x128xf32>
    %slice3A_149 = vector.extract_strided_slice %add3A_129 {offsets = [0, 128], sizes = [512, 128], strides = [1, 1]} : vector<512x384xf32> to vector<512x128xf32>
    %slice3A_150 = vector.extract_strided_slice %add3A_141 {offsets = [0, 128], sizes = [512, 128], strides = [1, 1]} : vector<512x384xf32> to vector<512x128xf32>
    %add3A_151 = arith.addf %slice3A_149, %slice3A_150 : vector<512x128xf32>
    %logistic3A_152 = arith.negf %add3A_151 : vector<512x128xf32>
    %logistic3A_153 = math.exp %logistic3A_152 : vector<512x128xf32>
    %logistic3A_154 = arith.constant 1.000000e+00 : f32
    %logistic3A_155 = vector.broadcast %logistic3A_154 : f32 to vector<512x128xf32>
    %logistic3A_156 = arith.addf %logistic3A_155, %logistic3A_153 : vector<512x128xf32>
    %logistic3A_157 = arith.divf %logistic3A_155, %logistic3A_156 : vector<512x128xf32>
    %slice3A_158 = vector.extract_strided_slice %add3A_129 {offsets = [0, 256], sizes = [512, 128], strides = [1, 1]} : vector<512x384xf32> to vector<512x128xf32>
    %slice3A_159 = vector.extract_strided_slice %add3A_141 {offsets = [0, 256], sizes = [512, 128], strides = [1, 1]} : vector<512x384xf32> to vector<512x128xf32>
    %mul3A = arith.mulf %logistic3A_148, %slice3A_159 : vector<512x128xf32>
    %add3A_160 = arith.addf %slice3A_158, %mul3A : vector<512x128xf32>
    %tanh3A = math.tanh %add3A_160 : vector<512x128xf32>
    %sub3A = arith.constant 1.000000e+00 : f32
    %sub3A_161 = vector.broadcast %sub3A : f32 to vector<512x128xf32>
    %sub3A_162 = arith.subf %sub3A_161, %logistic3A_157 : vector<512x128xf32>
    %mul3A_163 = arith.mulf %sub3A_162, %tanh3A : vector<512x128xf32>
    %mul3A_164 = arith.mulf %logistic3A_157, %get3A_119 : vector<512x128xf32>
    %add3A_165 = arith.addf %mul3A_163, %mul3A_164 : vector<512x128xf32>
    %swap3A = arith.constant 0 : index
    %swap3A_166 = arith.constant 0 : index
    %swap3A_167 = vector.load %arg7[%swap3A, %swap3A_166] : memref<512x128xf32, #tpu.memory_space<vmem>>, vector<512x128xf32>
    tpu.vector_store %arg7[%swap3A, %swap3A_166], %add3A_165 {strides = array<i32>} : memref<512x128xf32, #tpu.memory_space<vmem>>, vector<512x128xf32>,
    return
  }
  func.func @transform_0(%arg0: i32) -> (i32, i32, i32) {
    %c0_i32 = arith.constant 0 : i32
    %c0_i32_0 = arith.constant 0 : i32
    %c0_i32_1 = arith.constant 0 : i32
    return %c0_i32, %arg0, %c0_i32_0 : i32, i32, i32
  }
  func.func @transform_1(%arg0: i32) -> (i32, i32) {
    %c0_i32 = arith.constant 0 : i32
    %c0_i32_0 = arith.constant 0 : i32
    return %arg0, %c0_i32 : i32, i32
  }
  func.func @transform_2(%arg0: i32) -> (i32, i32) {
    %c0_i32 = arith.constant 0 : i32
    %c0_i32_0 = arith.constant 0 : i32
    %c0_i32_1 = arith.constant 0 : i32
    return %c0_i32, %c0_i32_0 : i32, i32
  }
  func.func @transform_3(%arg0: i32) -> (i32, i32) {
    %c0_i32 = arith.constant 0 : i32
    %c0_i32_0 = arith.constant 0 : i32
    %c0_i32_1 = arith.constant 0 : i32
    return %c0_i32, %c0_i32_0 : i32, i32
  }
  func.func @transform_4(%arg0: i32) -> (i32, i32) {
    %c0_i32 = arith.constant 0 : i32
    %c0_i32_0 = arith.constant 0 : i32
    %c0_i32_1 = arith.constant 0 : i32
    return %c0_i32, %c0_i32_0 : i32, i32
  }
  func.func @transform_5(%arg0: i32) -> (i32, i32) {
    %c0_i32 = arith.constant 0 : i32
    %c0_i32_0 = arith.constant 0 : i32
    %c0_i32_1 = arith.constant 0 : i32
    return %c0_i32, %c0_i32_0 : i32, i32
  }
  func.func @transform_6(%arg0: i32) -> (i32, i32) {
    %c0_i32 = arith.constant 0 : i32
    %c0_i32_0 = arith.constant 0 : i32
    return %arg0, %c0_i32 : i32, i32
  }
}

module attributes {stable_mosaic.version = 14 : i64} {
  func.func @_chan_body(%arg0: i32, %arg1: memref<20x400x128xf32, #tpu.memory_space<vmem>>, %arg2: memref<400x128xf32, #tpu.memory_space<vmem>>, %arg3: memref<128x384xf32, #tpu.memory_space<vmem>>, %arg4: memref<128x384xf32, #tpu.memory_space<vmem>>, %arg5: memref<1x384xf32, #tpu.memory_space<vmem>>, %arg6: memref<1x384xf32, #tpu.memory_space<vmem>>, %arg7: memref<400x128xf32, #tpu.memory_space<vmem>>) attributes {dimension_semantics = [#tpu.dimension_semantics<arbitrary>], iteration_bounds = array<i64: 5>, scalar_prefetch = 0 : i64, scratch_operands = 0 : i64, tpu.core_type = #tpu.core_type<tc>, window_params = [{transform_indices = @transform_0, window_bounds = array<i64: 20, 400, 128>}, {transform_indices = @transform_1, window_bounds = array<i64: 400, 128>}, {pipeline_mode = #tpu.pipeline_mode<synchronous>, transform_indices = @transform_2, window_bounds = array<i64: 128, 384>}, {pipeline_mode = #tpu.pipeline_mode<synchronous>, transform_indices = @transform_3, window_bounds = array<i64: 128, 384>}, {pipeline_mode = #tpu.pipeline_mode<synchronous>, transform_indices = @transform_4, window_bounds = array<i64: 1, 384>}, {pipeline_mode = #tpu.pipeline_mode<synchronous>, transform_indices = @transform_5, window_bounds = array<i64: 1, 384>}, {transform_indices = @transform_6, window_bounds = array<i64: 400, 128>}]} {
    %get3A = arith.constant 0 : index
    %get3A_0 = arith.constant 0 : index
    %get3A_1 = arith.constant 0 : index
    %get3A_2 = vector.load %arg1[%get3A, %get3A_0, %get3A_1] : memref<20x400x128xf32, #tpu.memory_space<vmem>>, vector<1x400x128xf32>
    %get3A_3 = vector.shape_cast %get3A_2 : vector<1x400x128xf32> to vector<400x128xf32>
    %get3A_4 = arith.constant 1 : index
    %get3A_5 = arith.constant 0 : index
    %get3A_6 = arith.constant 0 : index
    %get3A_7 = vector.load %arg1[%get3A_4, %get3A_5, %get3A_6] : memref<20x400x128xf32, #tpu.memory_space<vmem>>, vector<1x400x128xf32>
    %get3A_8 = vector.shape_cast %get3A_7 : vector<1x400x128xf32> to vector<400x128xf32>
    %add3A = arith.addf %get3A_3, %get3A_8 : vector<400x128xf32>
    %get3A_9 = arith.constant 2 : index
    %get3A_10 = arith.constant 0 : index
    %get3A_11 = arith.constant 0 : index
    %get3A_12 = vector.load %arg1[%get3A_9, %get3A_10, %get3A_11] : memref<20x400x128xf32, #tpu.memory_space<vmem>>, vector<1x400x128xf32>
    %get3A_13 = vector.shape_cast %get3A_12 : vector<1x400x128xf32> to vector<400x128xf32>
    %add3A_14 = arith.addf %add3A, %get3A_13 : vector<400x128xf32>
    %get3A_15 = arith.constant 3 : index
    %get3A_16 = arith.constant 0 : index
    %get3A_17 = arith.constant 0 : index
    %get3A_18 = vector.load %arg1[%get3A_15, %get3A_16, %get3A_17] : memref<20x400x128xf32, #tpu.memory_space<vmem>>, vector<1x400x128xf32>
    %get3A_19 = vector.shape_cast %get3A_18 : vector<1x400x128xf32> to vector<400x128xf32>
    %add3A_20 = arith.addf %add3A_14, %get3A_19 : vector<400x128xf32>
    %get3A_21 = arith.constant 4 : index
    %get3A_22 = arith.constant 0 : index
    %get3A_23 = arith.constant 0 : index
    %get3A_24 = vector.load %arg1[%get3A_21, %get3A_22, %get3A_23] : memref<20x400x128xf32, #tpu.memory_space<vmem>>, vector<1x400x128xf32>
    %get3A_25 = vector.shape_cast %get3A_24 : vector<1x400x128xf32> to vector<400x128xf32>
    %add3A_26 = arith.addf %add3A_20, %get3A_25 : vector<400x128xf32>
    %get3A_27 = arith.constant 5 : index
    %get3A_28 = arith.constant 0 : index
    %get3A_29 = arith.constant 0 : index
    %get3A_30 = vector.load %arg1[%get3A_27, %get3A_28, %get3A_29] : memref<20x400x128xf32, #tpu.memory_space<vmem>>, vector<1x400x128xf32>
    %get3A_31 = vector.shape_cast %get3A_30 : vector<1x400x128xf32> to vector<400x128xf32>
    %add3A_32 = arith.addf %add3A_26, %get3A_31 : vector<400x128xf32>
    %get3A_33 = arith.constant 6 : index
    %get3A_34 = arith.constant 0 : index
    %get3A_35 = arith.constant 0 : index
    %get3A_36 = vector.load %arg1[%get3A_33, %get3A_34, %get3A_35] : memref<20x400x128xf32, #tpu.memory_space<vmem>>, vector<1x400x128xf32>
    %get3A_37 = vector.shape_cast %get3A_36 : vector<1x400x128xf32> to vector<400x128xf32>
    %add3A_38 = arith.addf %add3A_32, %get3A_37 : vector<400x128xf32>
    %get3A_39 = arith.constant 7 : index
    %get3A_40 = arith.constant 0 : index
    %get3A_41 = arith.constant 0 : index
    %get3A_42 = vector.load %arg1[%get3A_39, %get3A_40, %get3A_41] : memref<20x400x128xf32, #tpu.memory_space<vmem>>, vector<1x400x128xf32>
    %get3A_43 = vector.shape_cast %get3A_42 : vector<1x400x128xf32> to vector<400x128xf32>
    %add3A_44 = arith.addf %add3A_38, %get3A_43 : vector<400x128xf32>
    %get3A_45 = arith.constant 8 : index
    %get3A_46 = arith.constant 0 : index
    %get3A_47 = arith.constant 0 : index
    %get3A_48 = vector.load %arg1[%get3A_45, %get3A_46, %get3A_47] : memref<20x400x128xf32, #tpu.memory_space<vmem>>, vector<1x400x128xf32>
    %get3A_49 = vector.shape_cast %get3A_48 : vector<1x400x128xf32> to vector<400x128xf32>
    %add3A_50 = arith.addf %add3A_44, %get3A_49 : vector<400x128xf32>
    %get3A_51 = arith.constant 9 : index
    %get3A_52 = arith.constant 0 : index
    %get3A_53 = arith.constant 0 : index
    %get3A_54 = vector.load %arg1[%get3A_51, %get3A_52, %get3A_53] : memref<20x400x128xf32, #tpu.memory_space<vmem>>, vector<1x400x128xf32>
    %get3A_55 = vector.shape_cast %get3A_54 : vector<1x400x128xf32> to vector<400x128xf32>
    %add3A_56 = arith.addf %add3A_50, %get3A_55 : vector<400x128xf32>
    %get3A_57 = arith.constant 10 : index
    %get3A_58 = arith.constant 0 : index
    %get3A_59 = arith.constant 0 : index
    %get3A_60 = vector.load %arg1[%get3A_57, %get3A_58, %get3A_59] : memref<20x400x128xf32, #tpu.memory_space<vmem>>, vector<1x400x128xf32>
    %get3A_61 = vector.shape_cast %get3A_60 : vector<1x400x128xf32> to vector<400x128xf32>
    %add3A_62 = arith.addf %add3A_56, %get3A_61 : vector<400x128xf32>
    %get3A_63 = arith.constant 11 : index
    %get3A_64 = arith.constant 0 : index
    %get3A_65 = arith.constant 0 : index
    %get3A_66 = vector.load %arg1[%get3A_63, %get3A_64, %get3A_65] : memref<20x400x128xf32, #tpu.memory_space<vmem>>, vector<1x400x128xf32>
    %get3A_67 = vector.shape_cast %get3A_66 : vector<1x400x128xf32> to vector<400x128xf32>
    %add3A_68 = arith.addf %add3A_62, %get3A_67 : vector<400x128xf32>
    %get3A_69 = arith.constant 12 : index
    %get3A_70 = arith.constant 0 : index
    %get3A_71 = arith.constant 0 : index
    %get3A_72 = vector.load %arg1[%get3A_69, %get3A_70, %get3A_71] : memref<20x400x128xf32, #tpu.memory_space<vmem>>, vector<1x400x128xf32>
    %get3A_73 = vector.shape_cast %get3A_72 : vector<1x400x128xf32> to vector<400x128xf32>
    %add3A_74 = arith.addf %add3A_68, %get3A_73 : vector<400x128xf32>
    %get3A_75 = arith.constant 13 : index
    %get3A_76 = arith.constant 0 : index
    %get3A_77 = arith.constant 0 : index
    %get3A_78 = vector.load %arg1[%get3A_75, %get3A_76, %get3A_77] : memref<20x400x128xf32, #tpu.memory_space<vmem>>, vector<1x400x128xf32>
    %get3A_79 = vector.shape_cast %get3A_78 : vector<1x400x128xf32> to vector<400x128xf32>
    %add3A_80 = arith.addf %add3A_74, %get3A_79 : vector<400x128xf32>
    %get3A_81 = arith.constant 14 : index
    %get3A_82 = arith.constant 0 : index
    %get3A_83 = arith.constant 0 : index
    %get3A_84 = vector.load %arg1[%get3A_81, %get3A_82, %get3A_83] : memref<20x400x128xf32, #tpu.memory_space<vmem>>, vector<1x400x128xf32>
    %get3A_85 = vector.shape_cast %get3A_84 : vector<1x400x128xf32> to vector<400x128xf32>
    %add3A_86 = arith.addf %add3A_80, %get3A_85 : vector<400x128xf32>
    %get3A_87 = arith.constant 15 : index
    %get3A_88 = arith.constant 0 : index
    %get3A_89 = arith.constant 0 : index
    %get3A_90 = vector.load %arg1[%get3A_87, %get3A_88, %get3A_89] : memref<20x400x128xf32, #tpu.memory_space<vmem>>, vector<1x400x128xf32>
    %get3A_91 = vector.shape_cast %get3A_90 : vector<1x400x128xf32> to vector<400x128xf32>
    %add3A_92 = arith.addf %add3A_86, %get3A_91 : vector<400x128xf32>
    %get3A_93 = arith.constant 16 : index
    %get3A_94 = arith.constant 0 : index
    %get3A_95 = arith.constant 0 : index
    %get3A_96 = vector.load %arg1[%get3A_93, %get3A_94, %get3A_95] : memref<20x400x128xf32, #tpu.memory_space<vmem>>, vector<1x400x128xf32>
    %get3A_97 = vector.shape_cast %get3A_96 : vector<1x400x128xf32> to vector<400x128xf32>
    %add3A_98 = arith.addf %add3A_92, %get3A_97 : vector<400x128xf32>
    %get3A_99 = arith.constant 17 : index
    %get3A_100 = arith.constant 0 : index
    %get3A_101 = arith.constant 0 : index
    %get3A_102 = vector.load %arg1[%get3A_99, %get3A_100, %get3A_101] : memref<20x400x128xf32, #tpu.memory_space<vmem>>, vector<1x400x128xf32>
    %get3A_103 = vector.shape_cast %get3A_102 : vector<1x400x128xf32> to vector<400x128xf32>
    %add3A_104 = arith.addf %add3A_98, %get3A_103 : vector<400x128xf32>
    %get3A_105 = arith.constant 18 : index
    %get3A_106 = arith.constant 0 : index
    %get3A_107 = arith.constant 0 : index
    %get3A_108 = vector.load %arg1[%get3A_105, %get3A_106, %get3A_107] : memref<20x400x128xf32, #tpu.memory_space<vmem>>, vector<1x400x128xf32>
    %get3A_109 = vector.shape_cast %get3A_108 : vector<1x400x128xf32> to vector<400x128xf32>
    %add3A_110 = arith.addf %add3A_104, %get3A_109 : vector<400x128xf32>
    %get3A_111 = arith.constant 19 : index
    %get3A_112 = arith.constant 0 : index
    %get3A_113 = arith.constant 0 : index
    %get3A_114 = vector.load %arg1[%get3A_111, %get3A_112, %get3A_113] : memref<20x400x128xf32, #tpu.memory_space<vmem>>, vector<1x400x128xf32>
    %get3A_115 = vector.shape_cast %get3A_114 : vector<1x400x128xf32> to vector<400x128xf32>
    %add3A_116 = arith.addf %add3A_110, %get3A_115 : vector<400x128xf32>
    %get3A_117 = arith.constant 0 : index
    %get3A_118 = arith.constant 0 : index
    %get3A_119 = vector.load %arg2[%get3A_117, %get3A_118] : memref<400x128xf32, #tpu.memory_space<vmem>>, vector<400x128xf32>
    %convert_element_type3A = arith.truncf %add3A_116 : vector<400x128xf32> to vector<400x128xbf16>
    %get3A_120 = arith.constant 0 : index
    %get3A_121 = arith.constant 0 : index
    %get3A_122 = vector.load %arg3[%get3A_120, %get3A_121] : memref<128x384xf32, #tpu.memory_space<vmem>>, vector<128x384xf32>
    %convert_element_type3A_123 = arith.truncf %get3A_122 : vector<128x384xf32> to vector<128x384xbf16>
    %dot_general3A = arith.constant dense<0.000000e+00> : vector<400x384xf32>
    %dot_general3A_124 = tpu.matmul %convert_element_type3A, %convert_element_type3A_123, %dot_general3A {dimension_numbers = #tpu.dot_dimension_numbers<[1], [0], [0], [1], [0, 0, 1, 1], [], []>, transpose_lhs_hint = false} : vector<400x128xbf16>, vector<128x384xbf16>, vector<400x384xf32> -> vector<400x384xf32>
    %get3A_125 = arith.constant 0 : index
    %get3A_126 = arith.constant 0 : index
    %get3A_127 = vector.load %arg5[%get3A_125, %get3A_126] : memref<1x384xf32, #tpu.memory_space<vmem>>, vector<1x384xf32>
    %add3A_128 = vector.broadcast %get3A_127 : vector<1x384xf32> to vector<400x384xf32>
    %add3A_129 = arith.addf %dot_general3A_124, %add3A_128 : vector<400x384xf32>
    %convert_element_type3A_130 = arith.truncf %get3A_119 : vector<400x128xf32> to vector<400x128xbf16>
    %get3A_131 = arith.constant 0 : index
    %get3A_132 = arith.constant 0 : index
    %get3A_133 = vector.load %arg4[%get3A_131, %get3A_132] : memref<128x384xf32, #tpu.memory_space<vmem>>, vector<128x384xf32>
    %convert_element_type3A_134 = arith.truncf %get3A_133 : vector<128x384xf32> to vector<128x384xbf16>
    %dot_general3A_135 = arith.constant dense<0.000000e+00> : vector<400x384xf32>
    %dot_general3A_136 = tpu.matmul %convert_element_type3A_130, %convert_element_type3A_134, %dot_general3A_135 {dimension_numbers = #tpu.dot_dimension_numbers<[1], [0], [0], [1], [0, 0, 1, 1], [], []>, transpose_lhs_hint = false} : vector<400x128xbf16>, vector<128x384xbf16>, vector<400x384xf32> -> vector<400x384xf32>
    %get3A_137 = arith.constant 0 : index
    %get3A_138 = arith.constant 0 : index
    %get3A_139 = vector.load %arg6[%get3A_137, %get3A_138] : memref<1x384xf32, #tpu.memory_space<vmem>>, vector<1x384xf32>
    %add3A_140 = vector.broadcast %get3A_139 : vector<1x384xf32> to vector<400x384xf32>
    %add3A_141 = arith.addf %dot_general3A_136, %add3A_140 : vector<400x384xf32>
    %slice3A = vector.extract_strided_slice %add3A_129 {offsets = [0, 0], sizes = [400, 128], strides = [1, 1]} : vector<400x384xf32> to vector<400x128xf32>
    %slice3A_142 = vector.extract_strided_slice %add3A_141 {offsets = [0, 0], sizes = [400, 128], strides = [1, 1]} : vector<400x384xf32> to vector<400x128xf32>
    %add3A_143 = arith.addf %slice3A, %slice3A_142 : vector<400x128xf32>
    %logistic3A = arith.negf %add3A_143 : vector<400x128xf32>
    %logistic3A_144 = math.exp %logistic3A : vector<400x128xf32>
    %logistic3A_145 = arith.constant 1.000000e+00 : f32
    %logistic3A_146 = vector.broadcast %logistic3A_145 : f32 to vector<400x128xf32>
    %logistic3A_147 = arith.addf %logistic3A_146, %logistic3A_144 : vector<400x128xf32>
    %logistic3A_148 = arith.divf %logistic3A_146, %logistic3A_147 : vector<400x128xf32>
    %slice3A_149 = vector.extract_strided_slice %add3A_129 {offsets = [0, 128], sizes = [400, 128], strides = [1, 1]} : vector<400x384xf32> to vector<400x128xf32>
    %slice3A_150 = vector.extract_strided_slice %add3A_141 {offsets = [0, 128], sizes = [400, 128], strides = [1, 1]} : vector<400x384xf32> to vector<400x128xf32>
    %add3A_151 = arith.addf %slice3A_149, %slice3A_150 : vector<400x128xf32>
    %logistic3A_152 = arith.negf %add3A_151 : vector<400x128xf32>
    %logistic3A_153 = math.exp %logistic3A_152 : vector<400x128xf32>
    %logistic3A_154 = arith.constant 1.000000e+00 : f32
    %logistic3A_155 = vector.broadcast %logistic3A_154 : f32 to vector<400x128xf32>
    %logistic3A_156 = arith.addf %logistic3A_155, %logistic3A_153 : vector<400x128xf32>
    %logistic3A_157 = arith.divf %logistic3A_155, %logistic3A_156 : vector<400x128xf32>
    %slice3A_158 = vector.extract_strided_slice %add3A_129 {offsets = [0, 256], sizes = [400, 128], strides = [1, 1]} : vector<400x384xf32> to vector<400x128xf32>
    %slice3A_159 = vector.extract_strided_slice %add3A_141 {offsets = [0, 256], sizes = [400, 128], strides = [1, 1]} : vector<400x384xf32> to vector<400x128xf32>
    %mul3A = arith.mulf %logistic3A_148, %slice3A_159 : vector<400x128xf32>
    %add3A_160 = arith.addf %slice3A_158, %mul3A : vector<400x128xf32>
    %tanh3A = math.tanh %add3A_160 : vector<400x128xf32>
    %sub3A = arith.constant 1.000000e+00 : f32
    %sub3A_161 = vector.broadcast %sub3A : f32 to vector<400x128xf32>
    %sub3A_162 = arith.subf %sub3A_161, %logistic3A_157 : vector<400x128xf32>
    %mul3A_163 = arith.mulf %sub3A_162, %tanh3A : vector<400x128xf32>
    %mul3A_164 = arith.mulf %logistic3A_157, %get3A_119 : vector<400x128xf32>
    %add3A_165 = arith.addf %mul3A_163, %mul3A_164 : vector<400x128xf32>
    %swap3A = arith.constant 0 : index
    %swap3A_166 = arith.constant 0 : index
    %swap3A_167 = vector.load %arg7[%swap3A, %swap3A_166] : memref<400x128xf32, #tpu.memory_space<vmem>>, vector<400x128xf32>
    tpu.vector_store %arg7[%swap3A, %swap3A_166], %add3A_165 {strides = array<i32>} : memref<400x128xf32, #tpu.memory_space<vmem>>, vector<400x128xf32>,
    return
  }
  func.func @transform_0(%arg0: i32) -> (i32, i32, i32) {
    %c0_i32 = arith.constant 0 : i32
    %c0_i32_0 = arith.constant 0 : i32
    %c0_i32_1 = arith.constant 0 : i32
    return %c0_i32, %arg0, %c0_i32_0 : i32, i32, i32
  }
  func.func @transform_1(%arg0: i32) -> (i32, i32) {
    %c0_i32 = arith.constant 0 : i32
    %c0_i32_0 = arith.constant 0 : i32
    return %arg0, %c0_i32 : i32, i32
  }
  func.func @transform_2(%arg0: i32) -> (i32, i32) {
    %c0_i32 = arith.constant 0 : i32
    %c0_i32_0 = arith.constant 0 : i32
    %c0_i32_1 = arith.constant 0 : i32
    return %c0_i32, %c0_i32_0 : i32, i32
  }
  func.func @transform_3(%arg0: i32) -> (i32, i32) {
    %c0_i32 = arith.constant 0 : i32
    %c0_i32_0 = arith.constant 0 : i32
    %c0_i32_1 = arith.constant 0 : i32
    return %c0_i32, %c0_i32_0 : i32, i32
  }
  func.func @transform_4(%arg0: i32) -> (i32, i32) {
    %c0_i32 = arith.constant 0 : i32
    %c0_i32_0 = arith.constant 0 : i32
    %c0_i32_1 = arith.constant 0 : i32
    return %c0_i32, %c0_i32_0 : i32, i32
  }
  func.func @transform_5(%arg0: i32) -> (i32, i32) {
    %c0_i32 = arith.constant 0 : i32
    %c0_i32_0 = arith.constant 0 : i32
    %c0_i32_1 = arith.constant 0 : i32
    return %c0_i32, %c0_i32_0 : i32, i32
  }
  func.func @transform_6(%arg0: i32) -> (i32, i32) {
    %c0_i32 = arith.constant 0 : i32
    %c0_i32_0 = arith.constant 0 : i32
    return %arg0, %c0_i32 : i32, i32
  }
}

</mosaic_0001>

<sc_bundles>
// kernel: kernel.10.cloned.1.call-start
scs
__scs_entry_jumppad:
0x0: {  	(pc) =	sbr.rel $0x88, $3  }
0x1: {  	(tag) =	ssettag $0x0;
	lr =	simm.s32 $0x1  }
0x2: {  	[smem:$0x3F95] =	sst lr;
	_ =	strace $0xD0000000  }
0x3: {  	_ = 	snop  }
0x4: {  	_ = 	snop  }
0x5: {  	_ = 	snop  }
0x6: {  	_ = 	snop  }
0x7: {  	_ = 	snop  }
__scs_overlays_trampoline_lowered:
0x8: {  	[smem:$0x3FA4] =	sst s0  }
0x9: {  	[smem:$0x3FA5] =	sst s1  }
0xa: {  	[smem:$0x3FA6] =	sst s2  }
0xb: {  	[smem:$0x3FA7] =	sst s3  }
0xc: {  	[smem:$0x3FA8] =	sst s4  }
0xd: {  	[smem:$0x3FA9] =	sst s5  }
0xe: {  	[smem:$0x3FAA] =	sst s6  }
0xf: {  	[smem:$0x3FAB] =	sst s7  }
0x10: {  	[smem:$0x3FAC] =	sst s8  }
0x11: {  	[smem:$0x3FAD] =	sst s9;
	s0 =	simm.s32 @!p0 $0x0  }
0x12: {  	s1 =	sld [smem:$0x3F93];
	s0 =	simm.s32 @p0 $0x1  }
0x13: {  	[smem:$0x3FAE] =	sst s0;
	s0 =	simm.s32 @!p1 $0x0  }
0x14: {  	s2 =	sld [smem:$0x3F92];
	s0 =	simm.s32 @p1 $0x1  }
0x15: {  	[smem:$0x3FAF] =	sst s0;
	s0 =	simm.s32 @!p2 $0x0  }
0x16: {  	s3 =	sld [smem:$0x3FDB];
	s0 =	simm.s32 @p2 $0x1  }
0x17: {  	s4 =	simm.s32 $0x1BF5;
	[smem:$0x3FB1] =	sst s0  }
0x18: {  	s0 =	sld [smem:$0x3F94];
	_ =	swait.ge [sflag:s4], $0x0  }
0x19: {  	s7 =	sld [smem:$0x3F95]  }
0x1a: {  	s8 =	sadd.s32 $0xFFFFE003, lr  }
0x1b: {  	s9 =	sadd.s32 $0xFFFFFEF7, lr;
	s5 =	simm.s32 $0xFFFFFFFF;
	p2 =	slt.u32 s8, $0xFFFFF086  }
0x1c: {  	p1 =	slt.u32 s9, $0xF7A;
	s5 =	simm.s32 @!p2 $0x0  }
0x1d: {  	s5 =	simm.s32 @p1 $0x1;
	p0 =	seq.s32 s7, s2  }
0x1e: {  	s7 =	smul.u32 @!p0 $0xF7A, s2;
	p2 =	seq.s32 @!p0 s5, $0x0  }
0x1f: {  	s9 =	smul.u32 $0xF7A, s1;
	s8 =	simm.s32 @!p0 $0x1BF5;
	p2 =	por !p2, p0  }
0x20: {  	[sflag:s8] =	ssyncset.s32 @!p0 $0xFFFFF086;
	s6 =	sadd.s32 @!p0 s3, s7;
	s7 =	simm.s32 @!p0 $0x108  }
0x21: {  	s3 =	sadd.s32 s3, s9;
	s6 =	sadd.s32 @!p0 $0x88, s6;
	s7 =	simm.s32 @p2 $0x1082  }
0x22: {  	[simem:s7], [sflag:s8] =	dma.local @!p0 [hbm:s6], $0xF7A  }
0x23: {  	s9 =	sor.u32 $0xD0000000, s2;
	s6 =	simm.s32 $0x108;
	_ =	swait.ge @!p0 [sflag:s8], $0x0  }
0x24: {  	s3 =	sadd.s32 $0x88, s3;
	s6 =	simm.s32 @!p1 $0x1082;
	[sflag:s4] =	ssyncset.s32 $0xFFFFF086  }
0x25: {  	[simem:s6], [sflag:s4] =	dma.local [hbm:s3], $0xF7A  }
0x26: {  	[smem:$0x3F95] =	sst s1;
	(tag) =	ssettag s2;
	_ =	strace s9  }
0x27: {  	s1 =	sld [smem:$0x3FA5]  }
0x28: {  	s2 =	sld [smem:$0x3FA6]  }
0x29: {  	s4 =	sld [smem:$0x3FA8]  }
0x2a: {  	p0 =	seq.s32 s5, $0x0;
	s5 =	sld [smem:$0x3FA9]  }
0x2b: {  	s6 =	sld [smem:$0x3FAA]  }
0x2c: {  	s7 =	sld [smem:$0x3FAB]  }
0x2d: {  	s3 =	simm.s32 $0x108;
	s8 =	sld [smem:$0x3FAC]  }
0x2e: {  	s3 =	simm.s32 @!p0 $0x1082;
	s9 =	sld [smem:$0x3FAD]  }
0x2f: {  	lr =	sadd.s32 s0, s3;
	s0 =	sld [smem:$0x3FA4]  }
0x30: {  	s3 =	sld [smem:$0x3FA7]  }
0x31: {  	[smem:$0x3FB0] =	sst s10  }
0x32: {  	s10 =	sld [smem:$0x3FAE];
	_ =	sdelay $0x3  }
0x33: {  	p0 =	seq.s32 s10, $0x1;
	s10 =	sld [smem:$0x3FB0];
	_ =	sdelay $0x3  }
0x34: {  	[smem:$0x3FB0] =	sst s10  }
0x35: {  	s10 =	sld [smem:$0x3FAF];
	_ =	sdelay $0x3  }
0x36: {  	p1 =	seq.s32 s10, $0x1;
	s10 =	sld [smem:$0x3FB0];
	_ =	sdelay $0x3  }
0x37: {  	[smem:$0x3FB0] =	sst s10  }
0x38: {  	s10 =	sld [smem:$0x3FB1]  }
0x39: {  	_ = 	snop;
	(pc) =	sbr.ind lr, $3  }
0x3a: {  	_ = 	snop  }
0x3b: {  	_ = 	snop  }
0x3c: {  	p2 =	seq.s32 s10, $0x1;
	s10 =	sld [smem:$0x3FB0]  }
0x3d: {  	_ =	shalt  }
0x3e: {  	_ =	shalt  }
0x3f: {  	_ =	shalt  }
0x40: {  	_ =	shalt  }
0x41: {  	_ =	shalt  }
0x42: {  	_ =	shalt  }
0x43: {  	_ =	shalt  }
0x44: {  	_ =	shalt  }
0x45: {  	_ =	shalt  }
0x46: {  	_ =	shalt  }
0x47: {  	_ =	shalt  }
0x48: {  	_ =	shalt  }
0x49: {  	_ =	shalt  }
0x4a: {  	_ =	shalt  }
0x4b: {  	_ =	shalt  }
0x4c: {  	_ =	shalt  }
0x4d: {  	_ =	shalt  }
0x4e: {  	_ =	shalt  }
0x4f: {  	_ =	shalt  }
0x50: {  	_ =	shalt  }
0x51: {  	_ =	shalt  }
0x52: {  	_ =	shalt  }
0x53: {  	_ =	shalt  }
0x54: {  	_ =	shalt  }
0x55: {  	_ =	shalt  }
0x56: {  	_ =	shalt  }
0x57: {  	_ =	shalt  }
0x58: {  	_ =	shalt  }
0x59: {  	_ =	shalt  }
0x5a: {  	_ =	shalt  }
0x5b: {  	_ =	shalt  }
0x5c: {  	_ =	shalt  }
0x5d: {  	_ =	shalt  }
0x5e: {  	_ =	shalt  }
0x5f: {  	_ =	shalt  }
0x60: {  	_ =	shalt  }
0x61: {  	_ =	shalt  }
0x62: {  	_ =	shalt  }
0x63: {  	_ =	shalt  }
0x64: {  	_ =	shalt  }
0x65: {  	_ =	shalt  }
0x66: {  	_ =	shalt  }
0x67: {  	_ =	shalt  }
0x68: {  	_ =	shalt  }
0x69: {  	_ =	shalt  }
0x6a: {  	_ =	shalt  }
0x6b: {  	_ =	shalt  }
0x6c: {  	_ =	shalt  }
0x6d: {  	_ =	shalt  }
0x6e: {  	_ =	shalt  }
0x6f: {  	_ =	shalt  }
0x70: {  	_ =	shalt  }
0x71: {  	_ =	shalt  }
0x72: {  	_ =	shalt  }
0x73: {  	_ =	shalt  }
0x74: {  	_ =	shalt  }
0x75: {  	_ =	shalt  }
0x76: {  	_ =	shalt  }
0x77: {  	_ =	shalt  }
0x78: {  	_ =	shalt  }
0x79: {  	_ =	shalt  }
0x7a: {  	_ =	shalt  }
0x7b: {  	_ =	shalt  }
0x7c: {  	_ =	shalt  }
0x7d: {  	_ =	shalt  }
0x7e: {  	_ =	shalt  }
0x7f: {  	_ =	shalt  }
0x80: {  	_ =	shalt  }
0x81: {  	_ =	shalt  }
0x82: {  	_ =	shalt  }
0x83: {  	_ =	shalt  }
0x84: {  	_ =	shalt  }
0x85: {  	_ =	shalt  }
0x86: {  	_ =	shalt  }
0x87: {  	_ =	shalt  }
.Lfunc_end0:
.L_simem_size_0:
called_computation_lowered:
.L_overlay_start_0:
0x88: {  	s2 =	sld [smem:$0x3FD9]  }
0x89: {  	s3 =	sld [smem:$0x3FFE];
	_ =	sdelay $0x1  }
0x8a: {  	s1 =	srdreg.scid  }
0x8b: {  	s0 =	sand.u32 $0x1, s1  }
0x8c: {  	s14 =	sshll.u32 s0, $0xA;
	s2 =	sadd.s32 s3, s2  }
0x8d: {  	s2 =	sadd.s32 s2, s14  }
0x8e: {  	[smem:$0x3FBC] =	sst s2  }
0x8f: {  	_ = 	snop  }
0x90: {  	s2 =	sld [smem:$0x3FD0];
	_ =	sdelay $0x2  }
0x91: {  	s15 =	simm.s32 $0xA;
	s4 =	simm.s32 $0x10  }
0x92: {  	[smem:s4], [sflag:s15] =	dma.local [hbm:s2], $0x1  }
0x93: {  	_ =	swait.eq [sflag:s15], $0x1  }
0x94: {  	[sflag:s15] =	ssyncset.done $0x0  }
0x95: {  	s16 =	sld [smem:$0x10];
	[sflag:s15] =	ssyncadd.s32 $0xFFFFFFFF  }
0x96: {  	s17 =	sld [smem:$0x11];
	(tm) =	ssettm $0x1  }
0x97: {  	s18 =	sld [smem:$0x3FFB];
	_ =	sdelay $0x3  }
0x98: {  	_ =	strace s18  }
0x99: {  	s4 =	sld [smem:$0x3FFC];
	_ =	sdelay $0x3  }
0x9a: {  	_ =	strace s4  }
0x9b: {  	s4 =	sld [smem:$0x3FFD];
	_ =	sdelay $0x3  }
0x9c: {  	_ =	strace s4  }
0x9d: {  	_ =	strace $0x8FFFFFFF  }
0x9e: {  	s19 =	sld [smem:$0x3FDB];
	_ =	sdelay $0x1  }
0x9f: {  	s5 =	simm.s32 $_scs_section_size  }
0xa0: {  	s6 =	simm.s32 $_size__tile_overlayer_lowered;
	s7 =	simm.s32 $_tile_overlayer_lowered  }
0xa1: {  	s22 =	simm.s32 $0x1BFF;
	s21 =	sshll.u32 s7, $0x1;
	s4 =	sadd.s32 s5, s19  }
0xa2: {  	s8 =	simm.s32 $0x0;
	s20 =	sshll.u32 s6, $0x1;
	s6 =	sadd.s32 s21, s4  }
0xa3: {  	[timem:s8], [sflag:s22] =	dma.local [hbm:s6], s20  }
0xa4: {  	_ =	swait.ge [sflag:s22], s20  }
0xa5: {  	s5 =	ssub.s32 $0x0, s20;
	[sflag:s22] =	ssyncset.done $0x0  }
0xa6: {  	[sflag:s22] =	ssyncadd.s32 s5;
	_ =	sdelay $0x1  }
0xa7: {  	s23 =	simm.s32 $0x1B8B  }
0xa8: {  	_ =	swait.ge [sflag:s23], $0x1  }
0xa9: {  	[sflag:s23] =	ssyncset.done $0x0  }
0xaa: {  	s25 =	simm.s32 $0x1B8E;
	s24 =	sld [smem:$0x3FFE];
	[sflag:s23] =	ssyncadd.s32 $0xFFFFFFFF  }
0xab: {  	s26 =	simm.s32 $execute0_lowered;
	[smem:$0x3FD2] =	sst s25  }
0xac: {  	s6 =	sshll.u32 s26, $0x1;
	_ =	strace $0x80000046;
	[dreg:$0x1] =	wrdreg $0xFFFFFFFF  }
0xad: {  	s28 =	simm.s32 $_size_execute0_lowered;
	s4 =	sadd.s32 s4, s6;
	[dreg:$0x0] =	wrdreg $0x0  }
0xae: {  	s6 =	sshll.u32 s28, $0x1;
	[dreg:$0x2] =	wrdreg s4  }
0xaf: {  	[dreg:$0x3] =	wrdreg s6  }
0xb0: {  	[dreg:$0x4] =	wrdreg $0xC0  }
0xb1: {  	_ =	task [dreg:s8], $0x5FFFF  }
0xb2: {  	[dreg:$0x1] =	wrdreg $0xFFFFFFFF  }
0xb3: {  	[dreg:$0x0] =	wrdreg $0x60  }
0xb4: {  	[dreg:$0x2] =	wrdreg s16  }
0xb5: {  	[dreg:$0x3] =	wrdreg s17  }
0xb6: {  	[dreg:$0x4] =	wrdreg s24  }
0xb7: {  	[dreg:$0x5] =	wrdreg $0x185000  }
0xb8: {  	[dreg:$0x6] =	wrdreg $0x9  }
0xb9: {  	_ =	task.clear_ibuf [dreg:s8], $0x7FFFF;
	_ =	strace $0x90000046  }
0xba: {  	s29 =	simm.s32 $0x9;
	_ =	strace $0x80000048  }
0xbb: {  	_ =	swait.ge [sflag:s29], $0x1  }
0xbc: {  	[sflag:s29] =	ssyncadd.s32 $0xFFFFFFFF  }
0xbd: {  	_ =	strace $0x90000048  }
0xbe: {  	_ =	sfence  }
0xbf: {  	s30 =	sld [smem:$0x0];
	_ =	sdelay $0x2  }
0xc0: {  	s31 =	sshll.u32 s1, $0xD;
	s1 =	sshrl.u32 s1, $0x2  }
0xc1: {  	s3 =	sand.u32 $0x4000, s31;
	s1 =	sadd.s32 s1, s30  }
0xc2: {  	s0 =	sor.u32 s3, s0;
	s1 =	sshll.u32 s1, $0x11  }
0xc3: {  	s0 =	sor.u32 s1, s0  }
0xc4: {  	s0 =	sadd.s32 $0x8F2B, s0  }
0xc5: {  	[sflag:s0] =	ssyncadd.remote.s32 $0x1  }
0xc6: {  	_ =	sfence.sel $0xFFFF  }
0xc7: {  	[dreg:$0x0] =	wrdreg $0xFFFFFFFF;
	(pc) =	sbr.abs _section_cstart, $3  }
0xc8: {  	[dreg:$0x1] =	wrdreg $0xFFFFFFFF  }
0xc9: {  	_ =	task.clear_ibuf [dreg:s8], $0x2FFFF;
	_ =	strace $0x9FFFFFFF  }
0xca: {  	(tm) =	ssettm $0x7FFFFFFF  }
0xcb: {  	_ =	shalt  }
tec
execute0_lowered:
.L_overlay_start_1:
0x0: {  	(tag) =	ssettag $0x1  }
0x1: {  	s4 =	rddreg [dreg:$0x0]  }
0x2: {  	s5 =	rddreg [dreg:$0x1]  }
0x3: {  	s6 =	rddreg [dreg:$0x2]  }
0x4: {  	s2 =	rddreg [dreg:$0x3]  }
0x5: {  	s0 =	srdreg.scid;
	s1 =	stileid.u32;
	s3 =	simm.s32 $0x0  }
0x6: {  	s21 =	simm.s32 $0x100;
	s23 =	simm.s32 $0x180;
	s0 =	sand.u32 $0x1, s0  }
0x7: {  	s7 =	sshll.u32 s1, $0x1;
	[smem:$0x7FF] =	sst s3;
	s8 =	sshll.u32 s1, $0xB  }
0x8: {  	s25 =	sshll.u32 s1, $0x6;
	_ =	strace $0x80000047;
	[dreg:$0x12] =	wrdreg s21  }
0x9: {  	s7 =	sor.u32 s0, s7;
	s4 =	sadd.s32 s4, s8;
	[dreg:$0x13] =	wrdreg s23  }
0xa: {  	s26 =	sor.u32 $0x1C0D, s25;
	s9 =	smul.u32 $0xA0, s7;
	[dreg:$0x5] =	wrdreg s4  }
0xb: {  	s10 =	smul.u32 $0x5000, s7;
	[dreg:$0x6] =	wrdreg s26  }
0xc: {  	s7 =	smul.u32 $0x28000, s7;
	s20 =	rddreg [dreg:$0x6]  }
0xd: {  	s6 =	sadd.s32 $0x4000, s6;
	s22 =	rddreg [dreg:$0x5]  }
0xe: {  	s5 =	sadd.s32 s5, s9;
	s4 =	sadd.s32 s6, s10;
	s7 =	sshrl.u32 s7, $0x3  }
0xf: {  	[dreg:$0x7] =	wrdreg s5;
	s8 =	sadd.s32 $0x800, s4;
	s6 =	sadd.s32 s6, s7  }
0x10: {  	[dreg:$0x8] =	wrdreg s8;
	s9 =	sadd.s32 $0x1000, s6  }
0x11: {  	s10 =	sadd.s32 $0x1800, s6;
	[dreg:$0x9] =	wrdreg s9  }
0x12: {  	s11 =	sadd.s32 $0x2000, s6;
	[dreg:$0xa] =	wrdreg s10  }
0x13: {  	s12 =	sadd.s32 $0x2800, s6;
	[dreg:$0xb] =	wrdreg s11  }
0x14: {  	s13 =	sadd.s32 $0x3000, s6;
	[dreg:$0xc] =	wrdreg s12  }
0x15: {  	s14 =	sadd.s32 $0x3800, s6;
	[dreg:$0xd] =	wrdreg s13  }
0x16: {  	s15 =	sshll.u32 s1, $0xE;
	s16 =	sadd.s32 $0x4000, s6;
	[dreg:$0xe] =	wrdreg s14  }
0x17: {  	s7 =	sadd.s32 s15, s2;
	s17 =	sadd.s32 $0x4800, s6;
	[dreg:$0xf] =	wrdreg s16  }
0x18: {  	s18 =	sshrl.u32 s7, $0x3;
	[dreg:$0x10] =	wrdreg s17  }
0x19: {  	[dreg:$0x11] =	wrdreg s18  }
0x1a: {  	s5 =	simm.s32 $0xD;
	s19 =	rddreg [dreg:$0x11]  }
0x1b: {  	[spmem:s19], [sflag:s20] =	dma.local [hbm:s22], $0x800  }
0x1c: {  	_ =	swait.ge [sflag:s5], $0x800  }
0x1d: {  	[sflag:s5] =	ssyncset.done $0x0  }
0x1e: {  	s24 =	rddreg [dreg:$0x7];
	[sflag:s5] =	ssyncadd.s32 $0xFFFFF800  }
0x1f: {  	[tilespmem:s3], [sflag:$0xD] =	stream.linear.gather [hbm4b:s24+s3], $0x500, $0x38;
	[tilespmem:$0x1C500] =	vst v63  }
0x20: {  	_ =	swait.ge [sflag:s5], $0x500  }
0x21: {  	[sflag:s5] =	ssyncset.done $0x0  }
0x22: {  	[sflag:s5] =	ssyncadd.s32 $0xFFFFFB00  }
0x23: {  	s6 =	simm.s32 $0x80;
	s7 =	simm.s32 $0x500;
	[bflag:$0x0] =	sbarrier.arrive $0xFFFF  }
0x24: {  	[tilespmem:s7], [sflag:$0x1] =	stream.indirect.gather [spmem:s2], $0x80, s3, s6, $0xb8;
	[tilespmem:$0x1C500] =	vst v63  }
0x25: {  	s8 =	simm.s32 $0x4500  }
0x26: {  	[tilespmem:s8], [sflag:$0x2] =	stream.indirect.gather [spmem:s2], $0x80, s6, s6, $0xb8;
	[tilespmem:$0x1C500] =	vst v63  }
0x27: {  	s9 =	simm.s32 $0x8500;
	s25 =	rddreg [dreg:$0x12]  }
0x28: {  	[tilespmem:s9], [sflag:$0x3] =	stream.indirect.gather [spmem:s2], $0x80, s25, s6, $0xb8;
	[tilespmem:$0x1C500] =	vst v63  }
0x29: {  	s10 =	simm.s32 $0xC500;
	s11 =	simm.s32 $0x1;
	s12 =	rddreg [dreg:$0x13]  }
0x2a: {  	[tilespmem:s10], [sflag:$0x4] =	stream.indirect.gather [spmem:s2], $0x80, s12, s6, $0xb8;
	[tilespmem:$0x1C500] =	vst v63  }
0x2b: {  	_ =	swait.ge [sflag:s11], $0x4000  }
0x2c: {  	[sflag:s11] =	ssyncset.done $0x0  }
0x2d: {  	[sflag:s11] =	ssyncadd.s32 $0xFFFFC000  }
0x2e: {  	[hbm4b:s4+s3] =	stream.linear.scatter [tilespmem:s7], [sflag:$0x7], $0x4000, $0x38;
	[tilespmem:$0x1C500] =	vst v63  }
0x2f: {  	s26 =	simm.s32 $0x200;
	s13 =	simm.s32 $0x10500;
	s14 =	simm.s32 $0x2  }
0x30: {  	[tilespmem:s13], [sflag:$0x5] =	stream.indirect.gather [spmem:s2], $0x80, s26, s6, $0xb8;
	[tilespmem:$0x1C500] =	vst v63  }
0x31: {  	_ =	swait.ge [sflag:s14], $0x4000  }
0x32: {  	[sflag:s14] =	ssyncset.done $0x0  }
0x33: {  	s15 =	rddreg [dreg:$0x8];
	[sflag:s14] =	ssyncadd.s32 $0xFFFFC000  }
0x34: {  	[hbm4b:s15+s3] =	stream.linear.scatter [tilespmem:s8], [sflag:$0x8], $0x4000, $0x38;
	[tilespmem:$0x1C500] =	vst v63  }
0x35: {  	s16 =	simm.s32 $0x14500;
	s17 =	simm.s32 $0x3;
	s12 =	simm.s32 $0x280  }
0x36: {  	[tilespmem:s16], [sflag:$0x6] =	stream.indirect.gather [spmem:s2], $0x80, s12, s6, $0xb8;
	[tilespmem:$0x1C500] =	vst v63  }
0x37: {  	_ =	swait.ge [sflag:s17], $0x4000  }
0x38: {  	[sflag:s17] =	ssyncset.done $0x0  }
0x39: {  	s18 =	simm.s32 $0x7;
	s19 =	rddreg [dreg:$0x9];
	[sflag:s17] =	ssyncadd.s32 $0xFFFFC000  }
0x3a: {  	[hbm4b:s19+s3] =	stream.linear.scatter [tilespmem:s9], [sflag:$0x9], $0x4000, $0x38;
	[tilespmem:$0x1C500] =	vst v63  }
0x3b: {  	_ =	swait.ge [sflag:s18], $0x4000  }
0x3c: {  	[sflag:s18] =	ssyncset.done $0x0  }
0x3d: {  	s20 =	simm.s32 $0x4;
	s19 =	simm.s32 $0x300;
	[sflag:s18] =	ssyncadd.s32 $0xFFFFC000  }
0x3e: {  	[tilespmem:s7], [sflag:$0x1] =	stream.indirect.gather [spmem:s2], $0x80, s19, s6, $0xb8;
	[tilespmem:$0x1C500] =	vst v63  }
0x3f: {  	_ =	swait.ge [sflag:s20], $0x4000  }
0x40: {  	[sflag:s20] =	ssyncset.done $0x0  }
0x41: {  	s21 =	simm.s32 $0x8;
	s22 =	rddreg [dreg:$0xa];
	[sflag:s20] =	ssyncadd.s32 $0xFFFFC000  }
0x42: {  	[hbm4b:s22+s3] =	stream.linear.scatter [tilespmem:s10], [sflag:$0xA], $0x4000, $0x38;
	[tilespmem:$0x1C500] =	vst v63  }
0x43: {  	_ =	swait.ge [sflag:s21], $0x4000  }
0x44: {  	[sflag:s21] =	ssyncset.done $0x0  }
0x45: {  	s23 =	simm.s32 $0x5;
	s22 =	simm.s32 $0x380;
	[sflag:s21] =	ssyncadd.s32 $0xFFFFC000  }
0x46: {  	[tilespmem:s8], [sflag:$0x2] =	stream.indirect.gather [spmem:s2], $0x80, s22, s6, $0xb8;
	[tilespmem:$0x1C500] =	vst v63  }
0x47: {  	_ =	swait.ge [sflag:s23], $0x4000  }
0x48: {  	[sflag:s23] =	ssyncset.done $0x0  }
0x49: {  	s24 =	rddreg [dreg:$0xb];
	[sflag:s23] =	ssyncadd.s32 $0xFFFFC000  }
0x4a: {  	[hbm4b:s24+s3] =	stream.linear.scatter [tilespmem:s13], [sflag:$0xB], $0x4000, $0x38;
	[tilespmem:$0x1C500] =	vst v63  }
0x4b: {  	s24 =	simm.s32 $0x9  }
0x4c: {  	_ =	swait.ge [sflag:s24], $0x4000  }
0x4d: {  	[sflag:s24] =	ssyncset.done $0x0  }
0x4e: {  	s25 =	simm.s32 $0x400;
	s26 =	simm.s32 $0x6;
	[sflag:s24] =	ssyncadd.s32 $0xFFFFC000  }
0x4f: {  	[tilespmem:s9], [sflag:$0x3] =	stream.indirect.gather [spmem:s2], $0x80, s25, s6, $0xb8;
	[tilespmem:$0x1C500] =	vst v63  }
0x50: {  	_ =	swait.ge [sflag:s26], $0x4000  }
0x51: {  	[sflag:s26] =	ssyncset.done $0x0  }
0x52: {  	s28 =	rddreg [dreg:$0xc];
	[sflag:s26] =	ssyncadd.s32 $0xFFFFC000  }
0x53: {  	[hbm4b:s28+s3] =	stream.linear.scatter [tilespmem:s16], [sflag:$0xC], $0x4000, $0x38;
	[tilespmem:$0x1C500] =	vst v63  }
0x54: {  	s28 =	simm.s32 $0xA  }
0x55: {  	_ =	swait.ge [sflag:s28], $0x4000  }
0x56: {  	[sflag:s28] =	ssyncset.done $0x0  }
0x57: {  	s29 =	simm.s32 $0x480;
	[sflag:s28] =	ssyncadd.s32 $0xFFFFC000  }
0x58: {  	[tilespmem:s10], [sflag:$0x4] =	stream.indirect.gather [spmem:s2], $0x80, s29, s6, $0xb8;
	[tilespmem:$0x1C500] =	vst v63  }
0x59: {  	_ =	swait.ge [sflag:s11], $0x4000  }
0x5a: {  	[sflag:s11] =	ssyncset.done $0x0  }
0x5b: {  	s30 =	rddreg [dreg:$0xd];
	[sflag:s11] =	ssyncadd.s32 $0xFFFFC000  }
0x5c: {  	[hbm4b:s30+s3] =	stream.linear.scatter [tilespmem:s7], [sflag:$0x7], $0x4000, $0x38;
	[tilespmem:$0x1C500] =	vst v63  }
0x5d: {  	_ =	swait.ge [sflag:s14], $0x4000  }
0x5e: {  	[sflag:s14] =	ssyncset.done $0x0  }
0x5f: {  	s30 =	rddreg [dreg:$0xe];
	[sflag:s14] =	ssyncadd.s32 $0xFFFFC000  }
0x60: {  	[hbm4b:s30+s3] =	stream.linear.scatter [tilespmem:s8], [sflag:$0x8], $0x4000, $0x38;
	[tilespmem:$0x1C500] =	vst v63  }
0x61: {  	_ =	swait.ge [sflag:s17], $0x4000  }
0x62: {  	[sflag:s17] =	ssyncset.done $0x0  }
0x63: {  	s30 =	rddreg [dreg:$0xf];
	[sflag:s17] =	ssyncadd.s32 $0xFFFFC000  }
0x64: {  	[hbm4b:s30+s3] =	stream.linear.scatter [tilespmem:s9], [sflag:$0x9], $0x4000, $0x38;
	[tilespmem:$0x1C500] =	vst v63  }
0x65: {  	_ =	swait.ge [sflag:s20], $0x4000  }
0x66: {  	[sflag:s20] =	ssyncset.done $0x0  }
0x67: {  	s30 =	rddreg [dreg:$0x10];
	[sflag:s20] =	ssyncadd.s32 $0xFFFFC000  }
0x68: {  	[hbm4b:s30+s3] =	stream.linear.scatter [tilespmem:s10], [sflag:$0xA], $0x4000, $0x38;
	[tilespmem:$0x1C500] =	vst v63  }
0x69: {  	s30 =	simm.s32 $0xB  }
0x6a: {  	_ =	swait.ge [sflag:s30], $0x4000  }
0x6b: {  	[sflag:s30] =	ssyncset.done $0x0  }
0x6c: {  	s31 =	simm.s32 $0xC;
	[sflag:s30] =	ssyncadd.s32 $0xFFFFC000  }
0x6d: {  	_ =	swait.ge [sflag:s31], $0x4000  }
0x6e: {  	[sflag:s31] =	ssyncset.done $0x0  }
0x6f: {  	s0 =	ssub.s32 $0x2, s0;
	[sflag:s31] =	ssyncadd.s32 $0xFFFFC000  }
0x70: {  	s15 =	sshrl.u32 s0, $0x1;
	_ =	swait.ge [sflag:s18], $0x4000  }
0x71: {  	s0 =	ssub.s32 s0, s15;
	[sflag:s18] =	ssyncset.done $0x0  }
0x72: {  	s0 =	smax.u32 s0, $0x1;
	[sflag:s18] =	ssyncadd.s32 $0xFFFFC000  }
0x73: {  	p0 =	sne.s32 s0, $0x1;
	_ =	swait.ge [sflag:s21], $0x4000  }
.Ltmp0:
0x74: {  	[sflag:s21] =	ssyncset.done $0x0;
	(pc) =	sbr.rel @!p0 .LBB2_2-.Ltmp0, $4  }
0x75: {  	[sflag:s21] =	ssyncadd.s32 $0xFFFFC000  }
0x76: {  	_ =	swait.ge [sflag:s24], $0x4000  }
0x77: {  	[sflag:s24] =	ssyncset.done $0x0  }
0x78: {  	s0 =	sadd.s32 $0xFFFFFFFF, s0;
	[sflag:s24] =	ssyncadd.s32 $0xFFFFC000  }
.LBB2_1:
0x79: {  	_ =	swait.ge [sflag:s28], $0x4000  }
0x7a: {  	s1 =	rddreg [dreg:$0x11]  }
0x7b: {  	[sflag:s28] =	ssyncset.done $0x0;
	s12 =	rddreg [dreg:$0x6]  }
0x7c: {  	s15 =	rddreg [dreg:$0x5];
	[sflag:s28] =	ssyncadd.s32 $0xFFFFC000  }
0x7d: {  	[spmem:s1], [sflag:s12] =	dma.local [hbm:s15], $0x800  }
0x7e: {  	_ =	swait.ge [sflag:s5], $0x800  }
0x7f: {  	[sflag:s5] =	ssyncset.done $0x0  }
0x80: {  	s15 =	rddreg [dreg:$0x7];
	[sflag:s5] =	ssyncadd.s32 $0xFFFFF800  }
0x81: {  	[tilespmem:s3], [sflag:$0xD] =	stream.linear.gather [hbm4b:s15+s3], $0x500, $0x38;
	[tilespmem:$0x1C500] =	vst v63  }
0x82: {  	_ =	swait.ge [sflag:s5], $0x500  }
0x83: {  	[sflag:s5] =	ssyncset.done $0x0  }
0x84: {  	[sflag:s5] =	ssyncadd.s32 $0xFFFFFB00  }
0x85: {  	[bflag:$0x0] =	sbarrier.arrive $0xFFFF  }
0x86: {  	[tilespmem:s7], [sflag:$0x1] =	stream.indirect.gather [spmem:s2], $0x80, s3, s6, $0xb8;
	[tilespmem:$0x1C500] =	vst v63  }
0x87: {  	_ = 	snop  }
0x88: {  	[tilespmem:s8], [sflag:$0x2] =	stream.indirect.gather [spmem:s2], $0x80, s6, s6, $0xb8;
	[tilespmem:$0x1C500] =	vst v63  }
0x89: {  	s12 =	rddreg [dreg:$0x12]  }
0x8a: {  	[tilespmem:s9], [sflag:$0x3] =	stream.indirect.gather [spmem:s2], $0x80, s12, s6, $0xb8;
	[tilespmem:$0x1C500] =	vst v63  }
0x8b: {  	s15 =	rddreg [dreg:$0x13]  }
0x8c: {  	[tilespmem:s10], [sflag:$0x4] =	stream.indirect.gather [spmem:s2], $0x80, s15, s6, $0xb8;
	[tilespmem:$0x1C500] =	vst v63  }
0x8d: {  	_ =	swait.ge [sflag:s11], $0x4000  }
0x8e: {  	[sflag:s11] =	ssyncset.done $0x0  }
0x8f: {  	[sflag:s11] =	ssyncadd.s32 $0xFFFFC000  }
0x90: {  	[hbm4b:s4+s3] =	stream.linear.scatter [tilespmem:s7], [sflag:$0x7], $0x4000, $0x38;
	[tilespmem:$0x1C500] =	vst v63  }
0x91: {  	s15 =	simm.s32 $0x200  }
0x92: {  	[tilespmem:s13], [sflag:$0x5] =	stream.indirect.gather [spmem:s2], $0x80, s15, s6, $0xb8;
	[tilespmem:$0x1C500] =	vst v63  }
0x93: {  	_ =	swait.ge [sflag:s14], $0x4000  }
0x94: {  	[sflag:s14] =	ssyncset.done $0x0  }
0x95: {  	s12 =	rddreg [dreg:$0x8];
	[sflag:s14] =	ssyncadd.s32 $0xFFFFC000  }
0x96: {  	[hbm4b:s12+s3] =	stream.linear.scatter [tilespmem:s8], [sflag:$0x8], $0x4000, $0x38;
	[tilespmem:$0x1C500] =	vst v63  }
0x97: {  	s15 =	simm.s32 $0x280  }
0x98: {  	[tilespmem:s16], [sflag:$0x6] =	stream.indirect.gather [spmem:s2], $0x80, s15, s6, $0xb8;
	[tilespmem:$0x1C500] =	vst v63  }
0x99: {  	_ =	swait.ge [sflag:s17], $0x4000  }
0x9a: {  	[sflag:s17] =	ssyncset.done $0x0  }
0x9b: {  	s12 =	rddreg [dreg:$0x9];
	[sflag:s17] =	ssyncadd.s32 $0xFFFFC000  }
0x9c: {  	[hbm4b:s12+s3] =	stream.linear.scatter [tilespmem:s9], [sflag:$0x9], $0x4000, $0x38;
	[tilespmem:$0x1C500] =	vst v63  }
0x9d: {  	_ =	swait.ge [sflag:s18], $0x4000  }
0x9e: {  	[sflag:s18] =	ssyncset.done $0x0  }
0x9f: {  	[sflag:s18] =	ssyncadd.s32 $0xFFFFC000  }
0xa0: {  	[tilespmem:s7], [sflag:$0x1] =	stream.indirect.gather [spmem:s2], $0x80, s19, s6, $0xb8;
	[tilespmem:$0x1C500] =	vst v63  }
0xa1: {  	_ =	swait.ge [sflag:s20], $0x4000  }
0xa2: {  	[sflag:s20] =	ssyncset.done $0x0  }
0xa3: {  	s15 =	rddreg [dreg:$0xa];
	[sflag:s20] =	ssyncadd.s32 $0xFFFFC000  }
0xa4: {  	[hbm4b:s15+s3] =	stream.linear.scatter [tilespmem:s10], [sflag:$0xA], $0x4000, $0x38;
	[tilespmem:$0x1C500] =	vst v63  }
0xa5: {  	_ =	swait.ge [sflag:s21], $0x4000  }
0xa6: {  	[sflag:s21] =	ssyncset.done $0x0  }
0xa7: {  	[sflag:s21] =	ssyncadd.s32 $0xFFFFC000  }
0xa8: {  	[tilespmem:s8], [sflag:$0x2] =	stream.indirect.gather [spmem:s2], $0x80, s22, s6, $0xb8;
	[tilespmem:$0x1C500] =	vst v63  }
0xa9: {  	_ =	swait.ge [sflag:s23], $0x4000  }
0xaa: {  	[sflag:s23] =	ssyncset.done $0x0  }
0xab: {  	s12 =	rddreg [dreg:$0xb];
	[sflag:s23] =	ssyncadd.s32 $0xFFFFC000  }
0xac: {  	[hbm4b:s12+s3] =	stream.linear.scatter [tilespmem:s13], [sflag:$0xB], $0x4000, $0x38;
	[tilespmem:$0x1C500] =	vst v63  }
0xad: {  	_ =	swait.ge [sflag:s24], $0x4000  }
0xae: {  	[sflag:s24] =	ssyncset.done $0x0  }
0xaf: {  	[sflag:s24] =	ssyncadd.s32 $0xFFFFC000  }
0xb0: {  	[tilespmem:s9], [sflag:$0x3] =	stream.indirect.gather [spmem:s2], $0x80, s25, s6, $0xb8;
	[tilespmem:$0x1C500] =	vst v63  }
0xb1: {  	_ =	swait.ge [sflag:s26], $0x4000  }
0xb2: {  	[sflag:s26] =	ssyncset.done $0x0  }
0xb3: {  	s15 =	rddreg [dreg:$0xc];
	[sflag:s26] =	ssyncadd.s32 $0xFFFFC000  }
0xb4: {  	[hbm4b:s15+s3] =	stream.linear.scatter [tilespmem:s16], [sflag:$0xC], $0x4000, $0x38;
	[tilespmem:$0x1C500] =	vst v63  }
0xb5: {  	_ =	swait.ge [sflag:s28], $0x4000  }
0xb6: {  	[sflag:s28] =	ssyncset.done $0x0  }
0xb7: {  	[sflag:s28] =	ssyncadd.s32 $0xFFFFC000  }
0xb8: {  	[tilespmem:s10], [sflag:$0x4] =	stream.indirect.gather [spmem:s2], $0x80, s29, s6, $0xb8;
	[tilespmem:$0x1C500] =	vst v63  }
0xb9: {  	_ =	swait.ge [sflag:s11], $0x4000  }
0xba: {  	[sflag:s11] =	ssyncset.done $0x0  }
0xbb: {  	s12 =	rddreg [dreg:$0xd];
	[sflag:s11] =	ssyncadd.s32 $0xFFFFC000  }
0xbc: {  	[hbm4b:s12+s3] =	stream.linear.scatter [tilespmem:s7], [sflag:$0x7], $0x4000, $0x38;
	[tilespmem:$0x1C500] =	vst v63  }
0xbd: {  	_ =	swait.ge [sflag:s14], $0x4000  }
0xbe: {  	[sflag:s14] =	ssyncset.done $0x0  }
0xbf: {  	s15 =	rddreg [dreg:$0xe];
	[sflag:s14] =	ssyncadd.s32 $0xFFFFC000  }
0xc0: {  	[hbm4b:s15+s3] =	stream.linear.scatter [tilespmem:s8], [sflag:$0x8], $0x4000, $0x38;
	[tilespmem:$0x1C500] =	vst v63  }
0xc1: {  	_ =	swait.ge [sflag:s17], $0x4000  }
0xc2: {  	[sflag:s17] =	ssyncset.done $0x0  }
0xc3: {  	s12 =	rddreg [dreg:$0xf];
	[sflag:s17] =	ssyncadd.s32 $0xFFFFC000  }
0xc4: {  	[hbm4b:s12+s3] =	stream.linear.scatter [tilespmem:s9], [sflag:$0x9], $0x4000, $0x38;
	[tilespmem:$0x1C500] =	vst v63  }
0xc5: {  	_ =	swait.ge [sflag:s20], $0x4000  }
0xc6: {  	[sflag:s20] =	ssyncset.done $0x0  }
0xc7: {  	s15 =	rddreg [dreg:$0x10];
	[sflag:s20] =	ssyncadd.s32 $0xFFFFC000  }
0xc8: {  	[hbm4b:s15+s3] =	stream.linear.scatter [tilespmem:s10], [sflag:$0xA], $0x4000, $0x38;
	[tilespmem:$0x1C500] =	vst v63  }
0xc9: {  	_ =	swait.ge [sflag:s30], $0x4000  }
0xca: {  	[sflag:s30] =	ssyncset.done $0x0  }
0xcb: {  	[sflag:s30] =	ssyncadd.s32 $0xFFFFC000  }
0xcc: {  	_ =	swait.ge [sflag:s31], $0x4000  }
0xcd: {  	[sflag:s31] =	ssyncset.done $0x0  }
0xce: {  	[sflag:s31] =	ssyncadd.s32 $0xFFFFC000  }
0xcf: {  	_ =	swait.ge [sflag:s18], $0x4000  }
0xd0: {  	[sflag:s18] =	ssyncset.done $0x0  }
0xd1: {  	[sflag:s18] =	ssyncadd.s32 $0xFFFFC000  }
0xd2: {  	p0 =	sne.s32 s0, $0x1;
	_ =	swait.ge [sflag:s21], $0x4000  }
.Ltmp1:
0xd3: {  	[sflag:s21] =	ssyncset.done $0x0;
	(pc) =	sbr.rel @p0 .LBB2_1-.Ltmp1, $4  }
0xd4: {  	[sflag:s21] =	ssyncadd.s32 $0xFFFFC000  }
0xd5: {  	_ =	swait.ge [sflag:s24], $0x4000  }
0xd6: {  	[sflag:s24] =	ssyncset.done $0x0  }
0xd7: {  	s0 =	sadd.s32 $0xFFFFFFFF, s0;
	[sflag:s24] =	ssyncadd.s32 $0xFFFFC000  }
.LBB2_2:
0xd8: {  	_ =	swait.ge [sflag:s28], $0x4000  }
0xd9: {  	[sflag:s28] =	ssyncset.done $0x0  }
0xda: {  	[sflag:s28] =	ssyncadd.s32 $0xFFFFC000  }
0xdb: {  	_ =	sfence.sel $0x180000  }
0xdc: {  	[bflag:$0x0] =	sbarrier.arrive $0xFFFF  }
0xdd: {  	_ =	strace $0x90000047  }
0xde: {  	s0 =	stileid.u32;
	[bflag:$0x2] =	sbarrier.arrive $0xFFFF  }
0xdf: {  	p0 =	sne.s32 s0, $0x0;
	s0 =	rddreg [dreg:$0x4]  }
0xe0: {  	s0 =	sadd.s32 @!p0 $0x100000, s0  }
0xe1: {  	[sflag:s0] =	ssyncadd.tile.s32 @!p0 $0x1;
	_ =	shalt  }
.Lfunc_end2:
_tile_overlayer_lowered:
.L_overlay_start_2:
0xe2: {  	(tag) =	ssettag $0x2  }
0xe3: {  	s0 =	rddreg [dreg:$0x0];
	s2 =	stileid.u32  }
0xe4: {  	s1 =	rddreg [dreg:$0x1];
	p0 =	sne.s32 s2, $0x0  }
0xe5: {  	s3 =	rddreg [dreg:$0x2];
	[bflag:$0x3] =	sbarrier.arrive $0xFFFF;
	s2 =	simm.s32 @!p0 $0x1C0D  }
0xe6: {  	[timem:s3], [sflag:s2] =	dma.local @!p0 [hbm:s0], s1  }
0xe7: {  	s0 =	simm.s32 @!p0 $0xD  }
0xe8: {  	_ =	swait.ge @!p0 [sflag:s0], s1  }
0xe9: {  	s1 =	ssub.s32 @!p0 $0x0, s1;
	[sflag:s0] =	ssyncset.done @!p0 $0x0  }
0xea: {  	[sflag:s0] =	ssyncadd.s32 @!p0 s1  }
0xeb: {  	[bflag:$0x3] =	sbarrier.arrive $0xFFFF  }
0xec: {  	_ =	shalt  }

// kernel: kernel.13.cloned.1.call-start
scs
__scs_entry_jumppad:
0x0: {  	(pc) =	sbr.rel $0x88, $3  }
0x1: {  	(tag) =	ssettag $0x0;
	lr =	simm.s32 $0x1  }
0x2: {  	[smem:$0x3F95] =	sst lr;
	_ =	strace $0xD0000000  }
0x3: {  	_ = 	snop  }
0x4: {  	_ = 	snop  }
0x5: {  	_ = 	snop  }
0x6: {  	_ = 	snop  }
0x7: {  	_ = 	snop  }
__scs_overlays_trampoline_lowered:
0x8: {  	[smem:$0x3FA4] =	sst s0  }
0x9: {  	[smem:$0x3FA5] =	sst s1  }
0xa: {  	[smem:$0x3FA6] =	sst s2  }
0xb: {  	[smem:$0x3FA7] =	sst s3  }
0xc: {  	[smem:$0x3FA8] =	sst s4  }
0xd: {  	[smem:$0x3FA9] =	sst s5  }
0xe: {  	[smem:$0x3FAA] =	sst s6  }
0xf: {  	[smem:$0x3FAB] =	sst s7  }
0x10: {  	[smem:$0x3FAC] =	sst s8  }
0x11: {  	[smem:$0x3FAD] =	sst s9;
	s0 =	simm.s32 @!p0 $0x0  }
0x12: {  	s1 =	sld [smem:$0x3F93];
	s0 =	simm.s32 @p0 $0x1  }
0x13: {  	[smem:$0x3FAE] =	sst s0;
	s0 =	simm.s32 @!p1 $0x0  }
0x14: {  	s2 =	sld [smem:$0x3F92];
	s0 =	simm.s32 @p1 $0x1  }
0x15: {  	[smem:$0x3FAF] =	sst s0;
	s0 =	simm.s32 @!p2 $0x0  }
0x16: {  	s3 =	sld [smem:$0x3FDB];
	s0 =	simm.s32 @p2 $0x1  }
0x17: {  	s4 =	simm.s32 $0x1BF5;
	[smem:$0x3FB1] =	sst s0  }
0x18: {  	s0 =	sld [smem:$0x3F94];
	_ =	swait.ge [sflag:s4], $0x0  }
0x19: {  	s7 =	sld [smem:$0x3F95]  }
0x1a: {  	s8 =	sadd.s32 $0xFFFFE003, lr  }
0x1b: {  	s9 =	sadd.s32 $0xFFFFFEF7, lr;
	s5 =	simm.s32 $0xFFFFFFFF;
	p2 =	slt.u32 s8, $0xFFFFF086  }
0x1c: {  	p1 =	slt.u32 s9, $0xF7A;
	s5 =	simm.s32 @!p2 $0x0  }
0x1d: {  	s5 =	simm.s32 @p1 $0x1;
	p0 =	seq.s32 s7, s2  }
0x1e: {  	s7 =	smul.u32 @!p0 $0xF7A, s2;
	p2 =	seq.s32 @!p0 s5, $0x0  }
0x1f: {  	s9 =	smul.u32 $0xF7A, s1;
	s8 =	simm.s32 @!p0 $0x1BF5;
	p2 =	por !p2, p0  }
0x20: {  	[sflag:s8] =	ssyncset.s32 @!p0 $0xFFFFF086;
	s6 =	sadd.s32 @!p0 s3, s7;
	s7 =	simm.s32 @!p0 $0x108  }
0x21: {  	s3 =	sadd.s32 s3, s9;
	s6 =	sadd.s32 @!p0 $0x88, s6;
	s7 =	simm.s32 @p2 $0x1082  }
0x22: {  	[simem:s7], [sflag:s8] =	dma.local @!p0 [hbm:s6], $0xF7A  }
0x23: {  	s9 =	sor.u32 $0xD0000000, s2;
	s6 =	simm.s32 $0x108;
	_ =	swait.ge @!p0 [sflag:s8], $0x0  }
0x24: {  	s3 =	sadd.s32 $0x88, s3;
	s6 =	simm.s32 @!p1 $0x1082;
	[sflag:s4] =	ssyncset.s32 $0xFFFFF086  }
0x25: {  	[simem:s6], [sflag:s4] =	dma.local [hbm:s3], $0xF7A  }
0x26: {  	[smem:$0x3F95] =	sst s1;
	(tag) =	ssettag s2;
	_ =	strace s9  }
0x27: {  	s1 =	sld [smem:$0x3FA5]  }
0x28: {  	s2 =	sld [smem:$0x3FA6]  }
0x29: {  	s4 =	sld [smem:$0x3FA8]  }
0x2a: {  	p0 =	seq.s32 s5, $0x0;
	s5 =	sld [smem:$0x3FA9]  }
0x2b: {  	s6 =	sld [smem:$0x3FAA]  }
0x2c: {  	s7 =	sld [smem:$0x3FAB]  }
0x2d: {  	s3 =	simm.s32 $0x108;
	s8 =	sld [smem:$0x3FAC]  }
0x2e: {  	s3 =	simm.s32 @!p0 $0x1082;
	s9 =	sld [smem:$0x3FAD]  }
0x2f: {  	lr =	sadd.s32 s0, s3;
	s0 =	sld [smem:$0x3FA4]  }
0x30: {  	s3 =	sld [smem:$0x3FA7]  }
0x31: {  	[smem:$0x3FB0] =	sst s10  }
0x32: {  	s10 =	sld [smem:$0x3FAE];
	_ =	sdelay $0x3  }
0x33: {  	p0 =	seq.s32 s10, $0x1;
	s10 =	sld [smem:$0x3FB0];
	_ =	sdelay $0x3  }
0x34: {  	[smem:$0x3FB0] =	sst s10  }
0x35: {  	s10 =	sld [smem:$0x3FAF];
	_ =	sdelay $0x3  }
0x36: {  	p1 =	seq.s32 s10, $0x1;
	s10 =	sld [smem:$0x3FB0];
	_ =	sdelay $0x3  }
0x37: {  	[smem:$0x3FB0] =	sst s10  }
0x38: {  	s10 =	sld [smem:$0x3FB1]  }
0x39: {  	_ = 	snop;
	(pc) =	sbr.ind lr, $3  }
0x3a: {  	_ = 	snop  }
0x3b: {  	_ = 	snop  }
0x3c: {  	p2 =	seq.s32 s10, $0x1;
	s10 =	sld [smem:$0x3FB0]  }
0x3d: {  	_ =	shalt  }
0x3e: {  	_ =	shalt  }
0x3f: {  	_ =	shalt  }
0x40: {  	_ =	shalt  }
0x41: {  	_ =	shalt  }
0x42: {  	_ =	shalt  }
0x43: {  	_ =	shalt  }
0x44: {  	_ =	shalt  }
0x45: {  	_ =	shalt  }
0x46: {  	_ =	shalt  }
0x47: {  	_ =	shalt  }
0x48: {  	_ =	shalt  }
0x49: {  	_ =	shalt  }
0x4a: {  	_ =	shalt  }
0x4b: {  	_ =	shalt  }
0x4c: {  	_ =	shalt  }
0x4d: {  	_ =	shalt  }
0x4e: {  	_ =	shalt  }
0x4f: {  	_ =	shalt  }
0x50: {  	_ =	shalt  }
0x51: {  	_ =	shalt  }
0x52: {  	_ =	shalt  }
0x53: {  	_ =	shalt  }
0x54: {  	_ =	shalt  }
0x55: {  	_ =	shalt  }
0x56: {  	_ =	shalt  }
0x57: {  	_ =	shalt  }
0x58: {  	_ =	shalt  }
0x59: {  	_ =	shalt  }
0x5a: {  	_ =	shalt  }
0x5b: {  	_ =	shalt  }
0x5c: {  	_ =	shalt  }
0x5d: {  	_ =	shalt  }
0x5e: {  	_ =	shalt  }
0x5f: {  	_ =	shalt  }
0x60: {  	_ =	shalt  }
0x61: {  	_ =	shalt  }
0x62: {  	_ =	shalt  }
0x63: {  	_ =	shalt  }
0x64: {  	_ =	shalt  }
0x65: {  	_ =	shalt  }
0x66: {  	_ =	shalt  }
0x67: {  	_ =	shalt  }
0x68: {  	_ =	shalt  }
0x69: {  	_ =	shalt  }
0x6a: {  	_ =	shalt  }
0x6b: {  	_ =	shalt  }
0x6c: {  	_ =	shalt  }
0x6d: {  	_ =	shalt  }
0x6e: {  	_ =	shalt  }
0x6f: {  	_ =	shalt  }
0x70: {  	_ =	shalt  }
0x71: {  	_ =	shalt  }
0x72: {  	_ =	shalt  }
0x73: {  	_ =	shalt  }
0x74: {  	_ =	shalt  }
0x75: {  	_ =	shalt  }
0x76: {  	_ =	shalt  }
0x77: {  	_ =	shalt  }
0x78: {  	_ =	shalt  }
0x79: {  	_ =	shalt  }
0x7a: {  	_ =	shalt  }
0x7b: {  	_ =	shalt  }
0x7c: {  	_ =	shalt  }
0x7d: {  	_ =	shalt  }
0x7e: {  	_ =	shalt  }
0x7f: {  	_ =	shalt  }
0x80: {  	_ =	shalt  }
0x81: {  	_ =	shalt  }
0x82: {  	_ =	shalt  }
0x83: {  	_ =	shalt  }
0x84: {  	_ =	shalt  }
0x85: {  	_ =	shalt  }
0x86: {  	_ =	shalt  }
0x87: {  	_ =	shalt  }
.Lfunc_end0:
.L_simem_size_0:
called_computation.1_lowered:
.L_overlay_start_0:
0x88: {  	s2 =	sld [smem:$0x3FD9]  }
0x89: {  	s3 =	sld [smem:$0x3FFE];
	_ =	sdelay $0x1  }
0x8a: {  	s1 =	srdreg.scid  }
0x8b: {  	s0 =	sand.u32 $0x1, s1  }
0x8c: {  	s16 =	sshll.u32 s0, $0xA;
	s2 =	sadd.s32 s3, s2  }
0x8d: {  	s2 =	sadd.s32 s2, s16  }
0x8e: {  	[smem:$0x3FBC] =	sst s2  }
0x8f: {  	_ = 	snop  }
0x90: {  	(tm) =	ssettm $0x1  }
0x91: {  	s17 =	sld [smem:$0x3FFB];
	_ =	sdelay $0x3  }
0x92: {  	_ =	strace s17  }
0x93: {  	s2 =	sld [smem:$0x3FFC];
	_ =	sdelay $0x3  }
0x94: {  	_ =	strace s2  }
0x95: {  	s2 =	sld [smem:$0x3FFD];
	_ =	sdelay $0x3  }
0x96: {  	_ =	strace s2  }
0x97: {  	_ =	strace $0x8FFFFFFF  }
0x98: {  	s18 =	sld [smem:$0x3FDB];
	_ =	sdelay $0x1  }
0x99: {  	s19 =	simm.s32 $_scs_section_size  }
0x9a: {  	s4 =	simm.s32 $_size__tile_overlayer_lowered;
	s5 =	simm.s32 $_tile_overlayer_lowered  }
0x9b: {  	s22 =	simm.s32 $0x1BFF;
	s21 =	sshll.u32 s5, $0x1;
	s2 =	sadd.s32 s19, s18  }
0x9c: {  	s6 =	simm.s32 $0x0;
	s20 =	sshll.u32 s4, $0x1;
	s4 =	sadd.s32 s21, s2  }
0x9d: {  	[timem:s6], [sflag:s22] =	dma.local [hbm:s4], s20  }
0x9e: {  	_ =	swait.ge [sflag:s22], s20  }
0x9f: {  	s3 =	ssub.s32 $0x0, s20;
	[sflag:s22] =	ssyncset.done $0x0  }
0xa0: {  	[sflag:s22] =	ssyncadd.s32 s3;
	_ =	sdelay $0x1  }
0xa1: {  	s23 =	simm.s32 $0x1B8B  }
0xa2: {  	_ =	swait.ge [sflag:s23], $0x1  }
0xa3: {  	[sflag:s23] =	ssyncset.done $0x0  }
0xa4: {  	s25 =	simm.s32 $0x1B8E;
	s24 =	sld [smem:$0x3FFE];
	[sflag:s23] =	ssyncadd.s32 $0xFFFFFFFF  }
0xa5: {  	s26 =	simm.s32 $execute0_lowered;
	[smem:$0x3FD2] =	sst s25  }
0xa6: {  	s4 =	sshll.u32 s26, $0x1;
	_ =	strace $0x80000049;
	[dreg:$0x1] =	wrdreg $0xFFFFFFFF  }
0xa7: {  	s28 =	simm.s32 $_size_execute0_lowered;
	s2 =	sadd.s32 s2, s4;
	[dreg:$0x0] =	wrdreg $0x0  }
0xa8: {  	s4 =	sshll.u32 s28, $0x1;
	[dreg:$0x2] =	wrdreg s2  }
0xa9: {  	[dreg:$0x3] =	wrdreg s4  }
0xaa: {  	[dreg:$0x4] =	wrdreg $0xC0  }
0xab: {  	_ =	task [dreg:s6], $0x5FFFF  }
0xac: {  	[dreg:$0x1] =	wrdreg $0xFFFFFFFF  }
0xad: {  	[dreg:$0x0] =	wrdreg $0x60  }
0xae: {  	[dreg:$0x2] =	wrdreg s24  }
0xaf: {  	[dreg:$0x3] =	wrdreg $0x85000  }
0xb0: {  	[dreg:$0x4] =	wrdreg $0x9  }
0xb1: {  	_ =	task.clear_ibuf [dreg:s6], $0x5FFFF;
	_ =	strace $0x90000049  }
0xb2: {  	s29 =	simm.s32 $0x9;
	_ =	strace $0x8000004B  }
0xb3: {  	_ =	swait.ge [sflag:s29], $0x1  }
0xb4: {  	[sflag:s29] =	ssyncadd.s32 $0xFFFFFFFF  }
0xb5: {  	_ =	strace $0x9000004B  }
0xb6: {  	_ =	sfence  }
0xb7: {  	s30 =	sld [smem:$0x0];
	_ =	sdelay $0x2  }
0xb8: {  	s31 =	sshll.u32 s1, $0xD;
	s1 =	sshrl.u32 s1, $0x2  }
0xb9: {  	s3 =	sand.u32 $0x4000, s31;
	s1 =	sadd.s32 s1, s30  }
0xba: {  	s0 =	sor.u32 s3, s0;
	s1 =	sshll.u32 s1, $0x11  }
0xbb: {  	s0 =	sor.u32 s1, s0  }
0xbc: {  	s0 =	sadd.s32 $0x8F2B, s0  }
0xbd: {  	[sflag:s0] =	ssyncadd.remote.s32 $0x1  }
0xbe: {  	_ =	sfence.sel $0xFFFF  }
0xbf: {  	[dreg:$0x0] =	wrdreg $0xFFFFFFFF;
	(pc) =	sbr.abs _section_cstart, $3  }
0xc0: {  	[dreg:$0x1] =	wrdreg $0xFFFFFFFF  }
0xc1: {  	_ =	task.clear_ibuf [dreg:s6], $0x2FFFF;
	_ =	strace $0x9FFFFFFF  }
0xc2: {  	(tm) =	ssettm $0x7FFFFFFF  }
0xc3: {  	_ =	shalt  }
tec
execute0_lowered:
.L_overlay_start_1:
0x0: {  	(tag) =	ssettag $0x1  }
0x1: {  	s10 =	rddreg [dreg:$0x0]  }
0x2: {  	s2 =	rddreg [dreg:$0x1]  }
0x3: {  	s3 =	simm.s32 $0x0;
	s1 =	stileid.u32;
	s4 =	srdreg.scid  }
0x4: {  	[smem:$0x7FF] =	sst s3;
	s0 =	smul.u32 $0x2800, s1;
	s12 =	sand.u32 $0x1, s4  }
0x5: {  	s18 =	sshll.u32 s1, $0x1;
	s20 =	sshll.u32 s1, $0x6;
	s22 =	smul.u32 $0x50000, s1  }
0x6: {  	_ =	strace $0x8000004A;
	s16 =	sor.u32 s12, s18;
	s21 =	sor.u32 $0x1C05, s20  }
0x7: {  	s5 =	sadd.s32 s0, s10;
	s6 =	smul.u32 $0xA0, s16;
	[dreg:$0x4] =	wrdreg s21  }
0x8: {  	s19 =	sadd.s32 $0x4000, s5;
	s7 =	rddreg [dreg:$0x4]  }
0x9: {  	s5 =	sshrl.u32 s22, $0x2;
	[dreg:$0x3] =	wrdreg s19;
	s23 =	sadd.s32 s6, s10  }
0xa: {  	s5 =	sadd.s32 s5, s2;
	s24 =	rddreg [dreg:$0x3];
	s4 =	sadd.s32 $0xA4000, s23  }
0xb: {  	[dreg:$0x5] =	wrdreg s4;
	s4 =	sshrl.u32 s5, $0x3;
	s5 =	simm.s32 $0x5  }
0xc: {  	[spmem:s4], [sflag:s7] =	dma.local [hbm:s24], $0x2800  }
0xd: {  	_ =	swait.ge [sflag:s5], $0x2800  }
0xe: {  	[sflag:s5] =	ssyncset.done $0x0  }
0xf: {  	s25 =	rddreg [dreg:$0x5];
	[sflag:s5] =	ssyncadd.s32 $0xFFFFD800  }
0x10: {  	[tilespmem:s3], [sflag:$0x5] =	stream.linear.gather [hbm4b:s25+s3], $0x500, $0x38;
	[tilespmem:$0x1C500] =	vst v63  }
0x11: {  	_ =	swait.ge [sflag:s5], $0x500  }
0x12: {  	[sflag:s5] =	ssyncset.done $0x0  }
0x13: {  	[sflag:s5] =	ssyncadd.s32 $0xFFFFFB00  }
0x14: {  	s6 =	simm.s32 $0x80;
	s7 =	simm.s32 $0x500;
	[bflag:$0x0] =	sbarrier.arrive $0xFFFF  }
0x15: {  	[tilespmem:s7], [sflag:$0x1] =	stream.indirect.gather [spmem:s2], $0x80, s3, s6, $0xb8;
	[tilespmem:$0x1C500] =	vst v63  }
0x16: {  	s8 =	simm.s32 $0x4500;
	s9 =	simm.s32 $0x1  }
0x17: {  	[tilespmem:s8], [sflag:$0x2] =	stream.indirect.gather [spmem:s2], $0x80, s6, s6, $0xb8;
	[tilespmem:$0x1C500] =	vst v63  }
0x18: {  	s11 =	smul.u32 $0x5000, s16;
	_ =	swait.ge [sflag:s9], $0x4000  }
0x19: {  	s17 =	sadd.s32 $0xA5400, s10;
	[sflag:s9] =	ssyncset.done $0x0  }
0x1a: {  	s10 =	sadd.s32 s17, s11;
	s11 =	simm.s32 $0x3;
	[sflag:s9] =	ssyncadd.s32 $0xFFFFC000  }
0x1b: {  	[hbm4b:s10+s3] =	stream.linear.scatter [tilespmem:s7], [sflag:$0x3], $0x4000, $0x38;
	[tilespmem:$0x1C500] =	vst v63  }
0x1c: {  	_ =	swait.ge [sflag:s11], $0x4000  }
0x1d: {  	[sflag:s11] =	ssyncset.done $0x0  }
0x1e: {  	s26 =	simm.s32 $0x100;
	s13 =	simm.s32 $0x2;
	[sflag:s11] =	ssyncadd.s32 $0xFFFFC000  }
0x1f: {  	[tilespmem:s7], [sflag:$0x1] =	stream.indirect.gather [spmem:s2], $0x80, s26, s6, $0xb8;
	[tilespmem:$0x1C500] =	vst v63  }
0x20: {  	_ =	swait.ge [sflag:s13], $0x4000  }
0x21: {  	[sflag:s13] =	ssyncset.done $0x0  }
0x22: {  	s14 =	simm.s32 $0x4;
	s15 =	sadd.s32 $0x800, s10;
	[sflag:s13] =	ssyncadd.s32 $0xFFFFC000  }
0x23: {  	[hbm4b:s15+s3] =	stream.linear.scatter [tilespmem:s8], [sflag:$0x4], $0x4000, $0x38;
	[tilespmem:$0x1C500] =	vst v63  }
0x24: {  	_ =	swait.ge [sflag:s14], $0x4000  }
0x25: {  	[sflag:s14] =	ssyncset.done $0x0  }
0x26: {  	s18 =	smul.u32 $0x28000, s16;
	s16 =	simm.s32 $0x180;
	[sflag:s14] =	ssyncadd.s32 $0xFFFFC000  }
0x27: {  	[tilespmem:s8], [sflag:$0x2] =	stream.indirect.gather [spmem:s2], $0x80, s16, s6, $0xb8;
	[tilespmem:$0x1C500] =	vst v63  }
0x28: {  	s18 =	sshrl.u32 s18, $0x3;
	_ =	swait.ge [sflag:s9], $0x4000  }
0x29: {  	s31 =	sadd.s32 s17, s18;
	[sflag:s9] =	ssyncset.done $0x0  }
0x2a: {  	s17 =	sadd.s32 $0x1000, s31;
	[sflag:s9] =	ssyncadd.s32 $0xFFFFC000  }
0x2b: {  	[hbm4b:s17+s3] =	stream.linear.scatter [tilespmem:s7], [sflag:$0x3], $0x4000, $0x38;
	[tilespmem:$0x1C500] =	vst v63  }
0x2c: {  	_ =	swait.ge [sflag:s11], $0x4000  }
0x2d: {  	[sflag:s11] =	ssyncset.done $0x0  }
0x2e: {  	s18 =	simm.s32 $0x200;
	[sflag:s11] =	ssyncadd.s32 $0xFFFFC000  }
0x2f: {  	[tilespmem:s7], [sflag:$0x1] =	stream.indirect.gather [spmem:s2], $0x80, s18, s6, $0xb8;
	[tilespmem:$0x1C500] =	vst v63  }
0x30: {  	_ =	swait.ge [sflag:s13], $0x4000  }
0x31: {  	[sflag:s13] =	ssyncset.done $0x0  }
0x32: {  	s19 =	sadd.s32 $0x1800, s31;
	[sflag:s13] =	ssyncadd.s32 $0xFFFFC000  }
0x33: {  	[hbm4b:s19+s3] =	stream.linear.scatter [tilespmem:s8], [sflag:$0x4], $0x4000, $0x38;
	[tilespmem:$0x1C500] =	vst v63  }
0x34: {  	_ =	swait.ge [sflag:s14], $0x4000  }
0x35: {  	[sflag:s14] =	ssyncset.done $0x0  }
0x36: {  	s20 =	simm.s32 $0x280;
	[sflag:s14] =	ssyncadd.s32 $0xFFFFC000  }
0x37: {  	[tilespmem:s8], [sflag:$0x2] =	stream.indirect.gather [spmem:s2], $0x80, s20, s6, $0xb8;
	[tilespmem:$0x1C500] =	vst v63  }
0x38: {  	_ =	swait.ge [sflag:s9], $0x4000  }
0x39: {  	[sflag:s9] =	ssyncset.done $0x0  }
0x3a: {  	s21 =	sadd.s32 $0x2000, s31;
	[sflag:s9] =	ssyncadd.s32 $0xFFFFC000  }
0x3b: {  	[hbm4b:s21+s3] =	stream.linear.scatter [tilespmem:s7], [sflag:$0x3], $0x4000, $0x38;
	[tilespmem:$0x1C500] =	vst v63  }
0x3c: {  	_ =	swait.ge [sflag:s11], $0x4000  }
0x3d: {  	[sflag:s11] =	ssyncset.done $0x0  }
0x3e: {  	s22 =	simm.s32 $0x300;
	[sflag:s11] =	ssyncadd.s32 $0xFFFFC000  }
0x3f: {  	[tilespmem:s7], [sflag:$0x1] =	stream.indirect.gather [spmem:s2], $0x80, s22, s6, $0xb8;
	[tilespmem:$0x1C500] =	vst v63  }
0x40: {  	_ =	swait.ge [sflag:s13], $0x4000  }
0x41: {  	[sflag:s13] =	ssyncset.done $0x0  }
0x42: {  	s23 =	sadd.s32 $0x2800, s31;
	[sflag:s13] =	ssyncadd.s32 $0xFFFFC000  }
0x43: {  	[hbm4b:s23+s3] =	stream.linear.scatter [tilespmem:s8], [sflag:$0x4], $0x4000, $0x38;
	[tilespmem:$0x1C500] =	vst v63  }
0x44: {  	_ =	swait.ge [sflag:s14], $0x4000  }
0x45: {  	[sflag:s14] =	ssyncset.done $0x0  }
0x46: {  	s24 =	simm.s32 $0x380;
	[sflag:s14] =	ssyncadd.s32 $0xFFFFC000  }
0x47: {  	[tilespmem:s8], [sflag:$0x2] =	stream.indirect.gather [spmem:s2], $0x80, s24, s6, $0xb8;
	[tilespmem:$0x1C500] =	vst v63  }
0x48: {  	_ =	swait.ge [sflag:s9], $0x4000  }
0x49: {  	[sflag:s9] =	ssyncset.done $0x0  }
0x4a: {  	s25 =	sadd.s32 $0x3000, s31;
	[sflag:s9] =	ssyncadd.s32 $0xFFFFC000  }
0x4b: {  	[hbm4b:s25+s3] =	stream.linear.scatter [tilespmem:s7], [sflag:$0x3], $0x4000, $0x38;
	[tilespmem:$0x1C500] =	vst v63  }
0x4c: {  	_ =	swait.ge [sflag:s11], $0x4000  }
0x4d: {  	[sflag:s11] =	ssyncset.done $0x0  }
0x4e: {  	s26 =	simm.s32 $0x400;
	[sflag:s11] =	ssyncadd.s32 $0xFFFFC000  }
0x4f: {  	[tilespmem:s7], [sflag:$0x1] =	stream.indirect.gather [spmem:s2], $0x80, s26, s6, $0xb8;
	[tilespmem:$0x1C500] =	vst v63  }
0x50: {  	_ =	swait.ge [sflag:s13], $0x4000  }
0x51: {  	[sflag:s13] =	ssyncset.done $0x0  }
0x52: {  	s28 =	sadd.s32 $0x3800, s31;
	[sflag:s13] =	ssyncadd.s32 $0xFFFFC000  }
0x53: {  	[hbm4b:s28+s3] =	stream.linear.scatter [tilespmem:s8], [sflag:$0x4], $0x4000, $0x38;
	[tilespmem:$0x1C500] =	vst v63  }
0x54: {  	_ =	swait.ge [sflag:s14], $0x4000  }
0x55: {  	[sflag:s14] =	ssyncset.done $0x0  }
0x56: {  	s29 =	simm.s32 $0x480;
	[sflag:s14] =	ssyncadd.s32 $0xFFFFC000  }
0x57: {  	[tilespmem:s8], [sflag:$0x2] =	stream.indirect.gather [spmem:s2], $0x80, s29, s6, $0xb8;
	[tilespmem:$0x1C500] =	vst v63  }
0x58: {  	_ =	swait.ge [sflag:s9], $0x4000  }
0x59: {  	s0 =	ssub.s32 $0x2, s12;
	[sflag:s9] =	ssyncset.done $0x0  }
0x5a: {  	s12 =	sshrl.u32 s0, $0x1;
	s30 =	sadd.s32 $0x4000, s31;
	[sflag:s9] =	ssyncadd.s32 $0xFFFFC000  }
0x5b: {  	[hbm4b:s30+s3] =	stream.linear.scatter [tilespmem:s7], [sflag:$0x3], $0x4000, $0x38;
	[tilespmem:$0x1C500] =	vst v63  }
0x5c: {  	s0 =	ssub.s32 s0, s12;
	_ =	swait.ge [sflag:s13], $0x4000  }
0x5d: {  	s0 =	smax.u32 s0, $0x1;
	[sflag:s13] =	ssyncset.done $0x0  }
0x5e: {  	p0 =	sne.s32 s0, $0x1;
	s31 =	sadd.s32 $0x4800, s31;
	[sflag:s13] =	ssyncadd.s32 $0xFFFFC000  }
0x5f: {  	[hbm4b:s31+s3] =	stream.linear.scatter [tilespmem:s8], [sflag:$0x4], $0x4000, $0x38;
	[tilespmem:$0x1C500] =	vst v63  }
.Ltmp0:
0x60: {  	_ =	swait.ge [sflag:s11], $0x4000;
	(pc) =	sbr.rel @!p0 .LBB2_2-.Ltmp0, $4  }
0x61: {  	[sflag:s11] =	ssyncset.done $0x0  }
0x62: {  	[sflag:s11] =	ssyncadd.s32 $0xFFFFC000  }
0x63: {  	_ =	swait.ge [sflag:s14], $0x4000  }
0x64: {  	s0 =	sadd.s32 $0xFFFFFFFF, s0;
	[sflag:s14] =	ssyncset.done $0x0  }
.LBB2_1:
0x65: {  	s1 =	rddreg [dreg:$0x4]  }
0x66: {  	[sflag:s14] =	ssyncadd.s32 $0xFFFFC000;
	s12 =	rddreg [dreg:$0x3]  }
0x67: {  	[spmem:s4], [sflag:s1] =	dma.local [hbm:s12], $0x2800  }
0x68: {  	_ =	swait.ge [sflag:s5], $0x2800  }
0x69: {  	[sflag:s5] =	ssyncset.done $0x0  }
0x6a: {  	s12 =	rddreg [dreg:$0x5];
	[sflag:s5] =	ssyncadd.s32 $0xFFFFD800  }
0x6b: {  	[tilespmem:s3], [sflag:$0x5] =	stream.linear.gather [hbm4b:s12+s3], $0x500, $0x38;
	[tilespmem:$0x1C500] =	vst v63  }
0x6c: {  	_ =	swait.ge [sflag:s5], $0x500  }
0x6d: {  	[sflag:s5] =	ssyncset.done $0x0  }
0x6e: {  	[sflag:s5] =	ssyncadd.s32 $0xFFFFFB00  }
0x6f: {  	[bflag:$0x0] =	sbarrier.arrive $0xFFFF  }
0x70: {  	[tilespmem:s7], [sflag:$0x1] =	stream.indirect.gather [spmem:s2], $0x80, s3, s6, $0xb8;
	[tilespmem:$0x1C500] =	vst v63  }
0x71: {  	_ = 	snop  }
0x72: {  	[tilespmem:s8], [sflag:$0x2] =	stream.indirect.gather [spmem:s2], $0x80, s6, s6, $0xb8;
	[tilespmem:$0x1C500] =	vst v63  }
0x73: {  	_ =	swait.ge [sflag:s9], $0x4000  }
0x74: {  	[sflag:s9] =	ssyncset.done $0x0  }
0x75: {  	[sflag:s9] =	ssyncadd.s32 $0xFFFFC000  }
0x76: {  	[hbm4b:s10+s3] =	stream.linear.scatter [tilespmem:s7], [sflag:$0x3], $0x4000, $0x38;
	[tilespmem:$0x1C500] =	vst v63  }
0x77: {  	_ =	swait.ge [sflag:s11], $0x4000  }
0x78: {  	[sflag:s11] =	ssyncset.done $0x0  }
0x79: {  	s12 =	simm.s32 $0x100;
	[sflag:s11] =	ssyncadd.s32 $0xFFFFC000  }
0x7a: {  	[tilespmem:s7], [sflag:$0x1] =	stream.indirect.gather [spmem:s2], $0x80, s12, s6, $0xb8;
	[tilespmem:$0x1C500] =	vst v63  }
0x7b: {  	_ =	swait.ge [sflag:s13], $0x4000  }
0x7c: {  	[sflag:s13] =	ssyncset.done $0x0  }
0x7d: {  	[sflag:s13] =	ssyncadd.s32 $0xFFFFC000  }
0x7e: {  	[hbm4b:s15+s3] =	stream.linear.scatter [tilespmem:s8], [sflag:$0x4], $0x4000, $0x38;
	[tilespmem:$0x1C500] =	vst v63  }
0x7f: {  	_ =	swait.ge [sflag:s14], $0x4000  }
0x80: {  	[sflag:s14] =	ssyncset.done $0x0  }
0x81: {  	[sflag:s14] =	ssyncadd.s32 $0xFFFFC000  }
0x82: {  	[tilespmem:s8], [sflag:$0x2] =	stream.indirect.gather [spmem:s2], $0x80, s16, s6, $0xb8;
	[tilespmem:$0x1C500] =	vst v63  }
0x83: {  	_ =	swait.ge [sflag:s9], $0x4000  }
0x84: {  	[sflag:s9] =	ssyncset.done $0x0  }
0x85: {  	[sflag:s9] =	ssyncadd.s32 $0xFFFFC000  }
0x86: {  	[hbm4b:s17+s3] =	stream.linear.scatter [tilespmem:s7], [sflag:$0x3], $0x4000, $0x38;
	[tilespmem:$0x1C500] =	vst v63  }
0x87: {  	_ =	swait.ge [sflag:s11], $0x4000  }
0x88: {  	[sflag:s11] =	ssyncset.done $0x0  }
0x89: {  	[sflag:s11] =	ssyncadd.s32 $0xFFFFC000  }
0x8a: {  	[tilespmem:s7], [sflag:$0x1] =	stream.indirect.gather [spmem:s2], $0x80, s18, s6, $0xb8;
	[tilespmem:$0x1C500] =	vst v63  }
0x8b: {  	_ =	swait.ge [sflag:s13], $0x4000  }
0x8c: {  	[sflag:s13] =	ssyncset.done $0x0  }
0x8d: {  	[sflag:s13] =	ssyncadd.s32 $0xFFFFC000  }
0x8e: {  	[hbm4b:s19+s3] =	stream.linear.scatter [tilespmem:s8], [sflag:$0x4], $0x4000, $0x38;
	[tilespmem:$0x1C500] =	vst v63  }
0x8f: {  	_ =	swait.ge [sflag:s14], $0x4000  }
0x90: {  	[sflag:s14] =	ssyncset.done $0x0  }
0x91: {  	[sflag:s14] =	ssyncadd.s32 $0xFFFFC000  }
0x92: {  	[tilespmem:s8], [sflag:$0x2] =	stream.indirect.gather [spmem:s2], $0x80, s20, s6, $0xb8;
	[tilespmem:$0x1C500] =	vst v63  }
0x93: {  	_ =	swait.ge [sflag:s9], $0x4000  }
0x94: {  	[sflag:s9] =	ssyncset.done $0x0  }
0x95: {  	[sflag:s9] =	ssyncadd.s32 $0xFFFFC000  }
0x96: {  	[hbm4b:s21+s3] =	stream.linear.scatter [tilespmem:s7], [sflag:$0x3], $0x4000, $0x38;
	[tilespmem:$0x1C500] =	vst v63  }
0x97: {  	_ =	swait.ge [sflag:s11], $0x4000  }
0x98: {  	[sflag:s11] =	ssyncset.done $0x0  }
0x99: {  	[sflag:s11] =	ssyncadd.s32 $0xFFFFC000  }
0x9a: {  	[tilespmem:s7], [sflag:$0x1] =	stream.indirect.gather [spmem:s2], $0x80, s22, s6, $0xb8;
	[tilespmem:$0x1C500] =	vst v63  }
0x9b: {  	_ =	swait.ge [sflag:s13], $0x4000  }
0x9c: {  	[sflag:s13] =	ssyncset.done $0x0  }
0x9d: {  	[sflag:s13] =	ssyncadd.s32 $0xFFFFC000  }
0x9e: {  	[hbm4b:s23+s3] =	stream.linear.scatter [tilespmem:s8], [sflag:$0x4], $0x4000, $0x38;
	[tilespmem:$0x1C500] =	vst v63  }
0x9f: {  	_ =	swait.ge [sflag:s14], $0x4000  }
0xa0: {  	[sflag:s14] =	ssyncset.done $0x0  }
0xa1: {  	[sflag:s14] =	ssyncadd.s32 $0xFFFFC000  }
0xa2: {  	[tilespmem:s8], [sflag:$0x2] =	stream.indirect.gather [spmem:s2], $0x80, s24, s6, $0xb8;
	[tilespmem:$0x1C500] =	vst v63  }
0xa3: {  	_ =	swait.ge [sflag:s9], $0x4000  }
0xa4: {  	[sflag:s9] =	ssyncset.done $0x0  }
0xa5: {  	[sflag:s9] =	ssyncadd.s32 $0xFFFFC000  }
0xa6: {  	[hbm4b:s25+s3] =	stream.linear.scatter [tilespmem:s7], [sflag:$0x3], $0x4000, $0x38;
	[tilespmem:$0x1C500] =	vst v63  }
0xa7: {  	_ =	swait.ge [sflag:s11], $0x4000  }
0xa8: {  	[sflag:s11] =	ssyncset.done $0x0  }
0xa9: {  	[sflag:s11] =	ssyncadd.s32 $0xFFFFC000  }
0xaa: {  	[tilespmem:s7], [sflag:$0x1] =	stream.indirect.gather [spmem:s2], $0x80, s26, s6, $0xb8;
	[tilespmem:$0x1C500] =	vst v63  }
0xab: {  	_ =	swait.ge [sflag:s13], $0x4000  }
0xac: {  	[sflag:s13] =	ssyncset.done $0x0  }
0xad: {  	[sflag:s13] =	ssyncadd.s32 $0xFFFFC000  }
0xae: {  	[hbm4b:s28+s3] =	stream.linear.scatter [tilespmem:s8], [sflag:$0x4], $0x4000, $0x38;
	[tilespmem:$0x1C500] =	vst v63  }
0xaf: {  	_ =	swait.ge [sflag:s14], $0x4000  }
0xb0: {  	[sflag:s14] =	ssyncset.done $0x0  }
0xb1: {  	[sflag:s14] =	ssyncadd.s32 $0xFFFFC000  }
0xb2: {  	[tilespmem:s8], [sflag:$0x2] =	stream.indirect.gather [spmem:s2], $0x80, s29, s6, $0xb8;
	[tilespmem:$0x1C500] =	vst v63  }
0xb3: {  	_ =	swait.ge [sflag:s9], $0x4000  }
0xb4: {  	[sflag:s9] =	ssyncset.done $0x0  }
0xb5: {  	[sflag:s9] =	ssyncadd.s32 $0xFFFFC000  }
0xb6: {  	[hbm4b:s30+s3] =	stream.linear.scatter [tilespmem:s7], [sflag:$0x3], $0x4000, $0x38;
	[tilespmem:$0x1C500] =	vst v63  }
0xb7: {  	_ =	swait.ge [sflag:s13], $0x4000  }
0xb8: {  	[sflag:s13] =	ssyncset.done $0x0  }
0xb9: {  	p0 =	sne.s32 s0, $0x1;
	[sflag:s13] =	ssyncadd.s32 $0xFFFFC000  }
0xba: {  	[hbm4b:s31+s3] =	stream.linear.scatter [tilespmem:s8], [sflag:$0x4], $0x4000, $0x38;
	[tilespmem:$0x1C500] =	vst v63  }
.Ltmp1:
0xbb: {  	_ =	swait.ge [sflag:s11], $0x4000;
	(pc) =	sbr.rel @p0 .LBB2_1-.Ltmp1, $4  }
0xbc: {  	[sflag:s11] =	ssyncset.done $0x0  }
0xbd: {  	[sflag:s11] =	ssyncadd.s32 $0xFFFFC000  }
0xbe: {  	_ =	swait.ge [sflag:s14], $0x4000  }
0xbf: {  	s0 =	sadd.s32 $0xFFFFFFFF, s0;
	[sflag:s14] =	ssyncset.done $0x0  }
.LBB2_2:
0xc0: {  	[sflag:s14] =	ssyncadd.s32 $0xFFFFC000  }
0xc1: {  	_ =	sfence.sel $0x180000  }
0xc2: {  	[bflag:$0x0] =	sbarrier.arrive $0xFFFF  }
0xc3: {  	_ =	strace $0x9000004A  }
0xc4: {  	s0 =	stileid.u32;
	[bflag:$0x2] =	sbarrier.arrive $0xFFFF  }
0xc5: {  	p0 =	sne.s32 s0, $0x0;
	s0 =	rddreg [dreg:$0x2]  }
0xc6: {  	s0 =	sadd.s32 @!p0 $0x100000, s0  }
0xc7: {  	[sflag:s0] =	ssyncadd.tile.s32 @!p0 $0x1;
	_ =	shalt  }
.Lfunc_end2:
_tile_overlayer_lowered:
.L_overlay_start_2:
0xc8: {  	(tag) =	ssettag $0x2  }
0xc9: {  	s0 =	rddreg [dreg:$0x0];
	s2 =	stileid.u32  }
0xca: {  	s1 =	rddreg [dreg:$0x1];
	p0 =	sne.s32 s2, $0x0  }
0xcb: {  	s3 =	rddreg [dreg:$0x2];
	[bflag:$0x3] =	sbarrier.arrive $0xFFFF;
	s2 =	simm.s32 @!p0 $0x1C05  }
0xcc: {  	[timem:s3], [sflag:s2] =	dma.local @!p0 [hbm:s0], s1  }
0xcd: {  	s0 =	simm.s32 @!p0 $0x5  }
0xce: {  	_ =	swait.ge @!p0 [sflag:s0], s1  }
0xcf: {  	s1 =	ssub.s32 @!p0 $0x0, s1;
	[sflag:s0] =	ssyncset.done @!p0 $0x0  }
0xd0: {  	[sflag:s0] =	ssyncadd.s32 @!p0 s1  }
0xd1: {  	[bflag:$0x3] =	sbarrier.arrive $0xFFFF  }
0xd2: {  	_ =	shalt  }

// kernel: kernel.16.cloned.1.call-start
scs
__scs_entry_jumppad:
0x0: {  	(pc) =	sbr.rel $0x88, $3  }
0x1: {  	(tag) =	ssettag $0x0;
	lr =	simm.s32 $0x1  }
0x2: {  	[smem:$0x3F95] =	sst lr;
	_ =	strace $0xD0000000  }
0x3: {  	_ = 	snop  }
0x4: {  	_ = 	snop  }
0x5: {  	_ = 	snop  }
0x6: {  	_ = 	snop  }
0x7: {  	_ = 	snop  }
__scs_overlays_trampoline_lowered:
0x8: {  	[smem:$0x3FA4] =	sst s0  }
0x9: {  	[smem:$0x3FA5] =	sst s1  }
0xa: {  	[smem:$0x3FA6] =	sst s2  }
0xb: {  	[smem:$0x3FA7] =	sst s3  }
0xc: {  	[smem:$0x3FA8] =	sst s4  }
0xd: {  	[smem:$0x3FA9] =	sst s5  }
0xe: {  	[smem:$0x3FAA] =	sst s6  }
0xf: {  	[smem:$0x3FAB] =	sst s7  }
0x10: {  	[smem:$0x3FAC] =	sst s8  }
0x11: {  	[smem:$0x3FAD] =	sst s9;
	s0 =	simm.s32 @!p0 $0x0  }
0x12: {  	s1 =	sld [smem:$0x3F93];
	s0 =	simm.s32 @p0 $0x1  }
0x13: {  	[smem:$0x3FAE] =	sst s0;
	s0 =	simm.s32 @!p1 $0x0  }
0x14: {  	s2 =	sld [smem:$0x3F92];
	s0 =	simm.s32 @p1 $0x1  }
0x15: {  	[smem:$0x3FAF] =	sst s0;
	s0 =	simm.s32 @!p2 $0x0  }
0x16: {  	s3 =	sld [smem:$0x3FDB];
	s0 =	simm.s32 @p2 $0x1  }
0x17: {  	s4 =	simm.s32 $0x1BF5;
	[smem:$0x3FB1] =	sst s0  }
0x18: {  	s0 =	sld [smem:$0x3F94];
	_ =	swait.ge [sflag:s4], $0x0  }
0x19: {  	s7 =	sld [smem:$0x3F95]  }
0x1a: {  	s8 =	sadd.s32 $0xFFFFE003, lr  }
0x1b: {  	s9 =	sadd.s32 $0xFFFFFEF7, lr;
	s5 =	simm.s32 $0xFFFFFFFF;
	p2 =	slt.u32 s8, $0xFFFFF086  }
0x1c: {  	p1 =	slt.u32 s9, $0xF7A;
	s5 =	simm.s32 @!p2 $0x0  }
0x1d: {  	s5 =	simm.s32 @p1 $0x1;
	p0 =	seq.s32 s7, s2  }
0x1e: {  	s7 =	smul.u32 @!p0 $0xF7A, s2;
	p2 =	seq.s32 @!p0 s5, $0x0  }
0x1f: {  	s9 =	smul.u32 $0xF7A, s1;
	s8 =	simm.s32 @!p0 $0x1BF5;
	p2 =	por !p2, p0  }
0x20: {  	[sflag:s8] =	ssyncset.s32 @!p0 $0xFFFFF086;
	s6 =	sadd.s32 @!p0 s3, s7;
	s7 =	simm.s32 @!p0 $0x108  }
0x21: {  	s3 =	sadd.s32 s3, s9;
	s6 =	sadd.s32 @!p0 $0x88, s6;
	s7 =	simm.s32 @p2 $0x1082  }
0x22: {  	[simem:s7], [sflag:s8] =	dma.local @!p0 [hbm:s6], $0xF7A  }
0x23: {  	s9 =	sor.u32 $0xD0000000, s2;
	s6 =	simm.s32 $0x108;
	_ =	swait.ge @!p0 [sflag:s8], $0x0  }
0x24: {  	s3 =	sadd.s32 $0x88, s3;
	s6 =	simm.s32 @!p1 $0x1082;
	[sflag:s4] =	ssyncset.s32 $0xFFFFF086  }
0x25: {  	[simem:s6], [sflag:s4] =	dma.local [hbm:s3], $0xF7A  }
0x26: {  	[smem:$0x3F95] =	sst s1;
	(tag) =	ssettag s2;
	_ =	strace s9  }
0x27: {  	s1 =	sld [smem:$0x3FA5]  }
0x28: {  	s2 =	sld [smem:$0x3FA6]  }
0x29: {  	s4 =	sld [smem:$0x3FA8]  }
0x2a: {  	p0 =	seq.s32 s5, $0x0;
	s5 =	sld [smem:$0x3FA9]  }
0x2b: {  	s6 =	sld [smem:$0x3FAA]  }
0x2c: {  	s7 =	sld [smem:$0x3FAB]  }
0x2d: {  	s3 =	simm.s32 $0x108;
	s8 =	sld [smem:$0x3FAC]  }
0x2e: {  	s3 =	simm.s32 @!p0 $0x1082;
	s9 =	sld [smem:$0x3FAD]  }
0x2f: {  	lr =	sadd.s32 s0, s3;
	s0 =	sld [smem:$0x3FA4]  }
0x30: {  	s3 =	sld [smem:$0x3FA7]  }
0x31: {  	[smem:$0x3FB0] =	sst s10  }
0x32: {  	s10 =	sld [smem:$0x3FAE];
	_ =	sdelay $0x3  }
0x33: {  	p0 =	seq.s32 s10, $0x1;
	s10 =	sld [smem:$0x3FB0];
	_ =	sdelay $0x3  }
0x34: {  	[smem:$0x3FB0] =	sst s10  }
0x35: {  	s10 =	sld [smem:$0x3FAF];
	_ =	sdelay $0x3  }
0x36: {  	p1 =	seq.s32 s10, $0x1;
	s10 =	sld [smem:$0x3FB0];
	_ =	sdelay $0x3  }
0x37: {  	[smem:$0x3FB0] =	sst s10  }
0x38: {  	s10 =	sld [smem:$0x3FB1]  }
0x39: {  	_ = 	snop;
	(pc) =	sbr.ind lr, $3  }
0x3a: {  	_ = 	snop  }
0x3b: {  	_ = 	snop  }
0x3c: {  	p2 =	seq.s32 s10, $0x1;
	s10 =	sld [smem:$0x3FB0]  }
0x3d: {  	_ =	shalt  }
0x3e: {  	_ =	shalt  }
0x3f: {  	_ =	shalt  }
0x40: {  	_ =	shalt  }
0x41: {  	_ =	shalt  }
0x42: {  	_ =	shalt  }
0x43: {  	_ =	shalt  }
0x44: {  	_ =	shalt  }
0x45: {  	_ =	shalt  }
0x46: {  	_ =	shalt  }
0x47: {  	_ =	shalt  }
0x48: {  	_ =	shalt  }
0x49: {  	_ =	shalt  }
0x4a: {  	_ =	shalt  }
0x4b: {  	_ =	shalt  }
0x4c: {  	_ =	shalt  }
0x4d: {  	_ =	shalt  }
0x4e: {  	_ =	shalt  }
0x4f: {  	_ =	shalt  }
0x50: {  	_ =	shalt  }
0x51: {  	_ =	shalt  }
0x52: {  	_ =	shalt  }
0x53: {  	_ =	shalt  }
0x54: {  	_ =	shalt  }
0x55: {  	_ =	shalt  }
0x56: {  	_ =	shalt  }
0x57: {  	_ =	shalt  }
0x58: {  	_ =	shalt  }
0x59: {  	_ =	shalt  }
0x5a: {  	_ =	shalt  }
0x5b: {  	_ =	shalt  }
0x5c: {  	_ =	shalt  }
0x5d: {  	_ =	shalt  }
0x5e: {  	_ =	shalt  }
0x5f: {  	_ =	shalt  }
0x60: {  	_ =	shalt  }
0x61: {  	_ =	shalt  }
0x62: {  	_ =	shalt  }
0x63: {  	_ =	shalt  }
0x64: {  	_ =	shalt  }
0x65: {  	_ =	shalt  }
0x66: {  	_ =	shalt  }
0x67: {  	_ =	shalt  }
0x68: {  	_ =	shalt  }
0x69: {  	_ =	shalt  }
0x6a: {  	_ =	shalt  }
0x6b: {  	_ =	shalt  }
0x6c: {  	_ =	shalt  }
0x6d: {  	_ =	shalt  }
0x6e: {  	_ =	shalt  }
0x6f: {  	_ =	shalt  }
0x70: {  	_ =	shalt  }
0x71: {  	_ =	shalt  }
0x72: {  	_ =	shalt  }
0x73: {  	_ =	shalt  }
0x74: {  	_ =	shalt  }
0x75: {  	_ =	shalt  }
0x76: {  	_ =	shalt  }
0x77: {  	_ =	shalt  }
0x78: {  	_ =	shalt  }
0x79: {  	_ =	shalt  }
0x7a: {  	_ =	shalt  }
0x7b: {  	_ =	shalt  }
0x7c: {  	_ =	shalt  }
0x7d: {  	_ =	shalt  }
0x7e: {  	_ =	shalt  }
0x7f: {  	_ =	shalt  }
0x80: {  	_ =	shalt  }
0x81: {  	_ =	shalt  }
0x82: {  	_ =	shalt  }
0x83: {  	_ =	shalt  }
0x84: {  	_ =	shalt  }
0x85: {  	_ =	shalt  }
0x86: {  	_ =	shalt  }
0x87: {  	_ =	shalt  }
.Lfunc_end0:
.L_simem_size_0:
called_computation.2_lowered:
.L_overlay_start_0:
0x88: {  	s2 =	sld [smem:$0x3FD9]  }
0x89: {  	s3 =	sld [smem:$0x3FFE];
	_ =	sdelay $0x1  }
0x8a: {  	s1 =	srdreg.scid  }
0x8b: {  	s0 =	sand.u32 $0x1, s1  }
0x8c: {  	s14 =	sshll.u32 s0, $0xA;
	s2 =	sadd.s32 s3, s2  }
0x8d: {  	s2 =	sadd.s32 s2, s14  }
0x8e: {  	[smem:$0x3FBC] =	sst s2  }
0x8f: {  	_ = 	snop  }
0x90: {  	s2 =	sld [smem:$0x3FD0];
	_ =	sdelay $0x2  }
0x91: {  	s15 =	simm.s32 $0xA;
	s4 =	simm.s32 $0x10  }
0x92: {  	[smem:s4], [sflag:s15] =	dma.local [hbm:s2], $0x1  }
0x93: {  	_ =	swait.eq [sflag:s15], $0x1  }
0x94: {  	[sflag:s15] =	ssyncset.done $0x0  }
0x95: {  	[sflag:s15] =	ssyncadd.s32 $0xFFFFFFFF  }
0x96: {  	s16 =	sld [smem:$0x11];
	(tm) =	ssettm $0x1  }
0x97: {  	s17 =	sld [smem:$0x3FFB];
	_ =	sdelay $0x3  }
0x98: {  	_ =	strace s17  }
0x99: {  	s3 =	sld [smem:$0x3FFC];
	_ =	sdelay $0x3  }
0x9a: {  	_ =	strace s3  }
0x9b: {  	s3 =	sld [smem:$0x3FFD];
	_ =	sdelay $0x3  }
0x9c: {  	_ =	strace s3  }
0x9d: {  	_ =	strace $0x8FFFFFFF  }
0x9e: {  	s18 =	sld [smem:$0x3FDB];
	_ =	sdelay $0x1  }
0x9f: {  	s19 =	simm.s32 $_scs_section_size  }
0xa0: {  	s5 =	simm.s32 $_size__tile_overlayer_lowered;
	s6 =	simm.s32 $_tile_overlayer_lowered  }
0xa1: {  	s22 =	simm.s32 $0x1BFF;
	s21 =	sshll.u32 s6, $0x1;
	s3 =	sadd.s32 s19, s18  }
0xa2: {  	s7 =	simm.s32 $0x0;
	s20 =	sshll.u32 s5, $0x1;
	s5 =	sadd.s32 s21, s3  }
0xa3: {  	[timem:s7], [sflag:s22] =	dma.local [hbm:s5], s20  }
0xa4: {  	_ =	swait.ge [sflag:s22], s20  }
0xa5: {  	s4 =	ssub.s32 $0x0, s20;
	[sflag:s22] =	ssyncset.done $0x0  }
0xa6: {  	[sflag:s22] =	ssyncadd.s32 s4;
	_ =	sdelay $0x1  }
0xa7: {  	s23 =	simm.s32 $0x1B8B  }
0xa8: {  	_ =	swait.ge [sflag:s23], $0x1  }
0xa9: {  	[sflag:s23] =	ssyncset.done $0x0  }
0xaa: {  	s25 =	simm.s32 $0x1B8E;
	s24 =	sld [smem:$0x3FFE];
	[sflag:s23] =	ssyncadd.s32 $0xFFFFFFFF  }
0xab: {  	s26 =	simm.s32 $execute0_lowered;
	[smem:$0x3FD2] =	sst s25  }
0xac: {  	s5 =	sshll.u32 s26, $0x1;
	_ =	strace $0x8000004C;
	[dreg:$0x1] =	wrdreg $0xFFFFFFFF  }
0xad: {  	s28 =	simm.s32 $_size_execute0_lowered;
	s3 =	sadd.s32 s3, s5;
	[dreg:$0x0] =	wrdreg $0x0  }
0xae: {  	s5 =	sshll.u32 s28, $0x1;
	[dreg:$0x2] =	wrdreg s3  }
0xaf: {  	[dreg:$0x3] =	wrdreg s5  }
0xb0: {  	[dreg:$0x4] =	wrdreg $0xC0  }
0xb1: {  	_ =	task [dreg:s7], $0x5FFFF  }
0xb2: {  	[dreg:$0x1] =	wrdreg $0xFFFFFFFF  }
0xb3: {  	[dreg:$0x0] =	wrdreg $0x60  }
0xb4: {  	[dreg:$0x2] =	wrdreg s24  }
0xb5: {  	[dreg:$0x3] =	wrdreg s16  }
0xb6: {  	[dreg:$0x4] =	wrdreg $0x185000  }
0xb7: {  	[dreg:$0x5] =	wrdreg $0x9  }
0xb8: {  	_ =	task.clear_ibuf [dreg:s7], $0x6FFFF;
	_ =	strace $0x9000004C  }
0xb9: {  	s29 =	simm.s32 $0x9;
	_ =	strace $0x8000004E  }
0xba: {  	_ =	swait.ge [sflag:s29], $0x1  }
0xbb: {  	[sflag:s29] =	ssyncadd.s32 $0xFFFFFFFF  }
0xbc: {  	_ =	strace $0x9000004E  }
0xbd: {  	_ =	sfence  }
0xbe: {  	s30 =	sld [smem:$0x0];
	_ =	sdelay $0x2  }
0xbf: {  	s31 =	sshll.u32 s1, $0xD;
	s1 =	sshrl.u32 s1, $0x2  }
0xc0: {  	s3 =	sand.u32 $0x4000, s31;
	s1 =	sadd.s32 s1, s30  }
0xc1: {  	s0 =	sor.u32 s3, s0;
	s1 =	sshll.u32 s1, $0x11  }
0xc2: {  	s0 =	sor.u32 s1, s0  }
0xc3: {  	s0 =	sadd.s32 $0x8F2B, s0  }
0xc4: {  	[sflag:s0] =	ssyncadd.remote.s32 $0x1  }
0xc5: {  	_ =	sfence.sel $0xFFFF  }
0xc6: {  	[dreg:$0x0] =	wrdreg $0xFFFFFFFF;
	(pc) =	sbr.abs _section_cstart, $3  }
0xc7: {  	[dreg:$0x1] =	wrdreg $0xFFFFFFFF  }
0xc8: {  	_ =	task.clear_ibuf [dreg:s7], $0x2FFFF;
	_ =	strace $0x9FFFFFFF  }
0xc9: {  	(tm) =	ssettm $0x7FFFFFFF  }
tec
execute0_lowered:
.L_overlay_start_1:
0x0: {  	(tag) =	ssettag $0x1  }
0x1: {  	s4 =	rddreg [dreg:$0x0]  }
0x2: {  	s5 =	rddreg [dreg:$0x1]  }
0x3: {  	s2 =	rddreg [dreg:$0x2];
	s1 =	stileid.u32  }
0x4: {  	s0 =	srdreg.scid;
	s3 =	simm.s32 $0x0;
	s21 =	simm.s32 $0x100  }
0x5: {  	s23 =	simm.s32 $0x180;
	s0 =	sand.u32 $0x1, s0;
	s6 =	sshll.u32 s1, $0x1  }
0x6: {  	[smem:$0x7FF] =	sst s3;
	s7 =	sshll.u32 s1, $0xB;
	s9 =	sshll.u32 s1, $0x6  }
0x7: {  	s6 =	sor.u32 s0, s6;
	_ =	strace $0x8000004D;
	[dreg:$0x11] =	wrdreg s21  }
0x8: {  	s7 =	sadd.s32 s7, s4;
	s25 =	sor.u32 $0x1C0D, s9;
	[dreg:$0x12] =	wrdreg s23  }
0x9: {  	s8 =	smul.u32 $0xA0, s6;
	s7 =	sadd.s32 $0x2C000, s7;
	[dreg:$0x5] =	wrdreg s25  }
0xa: {  	s26 =	sadd.s32 $0xA5400, s4;
	s10 =	smul.u32 $0x5000, s6;
	[dreg:$0x4] =	wrdreg s7  }
0xb: {  	s15 =	sshll.u32 s1, $0xE;
	s6 =	smul.u32 $0x28000, s6;
	s20 =	rddreg [dreg:$0x5]  }
0xc: {  	s7 =	sadd.s32 s15, s2;
	s5 =	sadd.s32 s5, s8;
	s22 =	rddreg [dreg:$0x4]  }
0xd: {  	s4 =	sadd.s32 s26, s10;
	s18 =	sshrl.u32 s7, $0x3;
	[dreg:$0x6] =	wrdreg s5  }
0xe: {  	s6 =	sshrl.u32 s6, $0x3;
	s8 =	sadd.s32 $0x800, s4;
	[dreg:$0x10] =	wrdreg s18  }
0xf: {  	s6 =	sadd.s32 s26, s6;
	[dreg:$0x7] =	wrdreg s8  }
0x10: {  	s9 =	sadd.s32 $0x1000, s6;
	s19 =	rddreg [dreg:$0x10]  }
0x11: {  	s10 =	sadd.s32 $0x1800, s6;
	[dreg:$0x8] =	wrdreg s9  }
0x12: {  	s11 =	sadd.s32 $0x2000, s6;
	[dreg:$0x9] =	wrdreg s10  }
0x13: {  	s12 =	sadd.s32 $0x2800, s6;
	[dreg:$0xa] =	wrdreg s11  }
0x14: {  	s13 =	sadd.s32 $0x3000, s6;
	[dreg:$0xb] =	wrdreg s12  }
0x15: {  	s14 =	sadd.s32 $0x3800, s6;
	[dreg:$0xc] =	wrdreg s13  }
0x16: {  	s16 =	sadd.s32 $0x4000, s6;
	[dreg:$0xd] =	wrdreg s14  }
0x17: {  	s17 =	sadd.s32 $0x4800, s6;
	[dreg:$0xe] =	wrdreg s16  }
0x18: {  	s5 =	simm.s32 $0xD;
	[dreg:$0xf] =	wrdreg s17  }
0x19: {  	[spmem:s19], [sflag:s20] =	dma.local [hbm:s22], $0x800  }
0x1a: {  	_ =	swait.ge [sflag:s5], $0x800  }
0x1b: {  	[sflag:s5] =	ssyncset.done $0x0  }
0x1c: {  	s24 =	rddreg [dreg:$0x6];
	[sflag:s5] =	ssyncadd.s32 $0xFFFFF800  }
0x1d: {  	[tilespmem:s3], [sflag:$0xD] =	stream.linear.gather [hbm4b:s24+s3], $0x500, $0x38;
	[tilespmem:$0x1C500] =	vst v63  }
0x1e: {  	_ =	swait.ge [sflag:s5], $0x500  }
0x1f: {  	[sflag:s5] =	ssyncset.done $0x0  }
0x20: {  	[sflag:s5] =	ssyncadd.s32 $0xFFFFFB00  }
0x21: {  	s7 =	simm.s32 $0x500;
	s6 =	simm.s32 $0x80;
	[bflag:$0x0] =	sbarrier.arrive $0xFFFF  }
0x22: {  	[tilespmem:s7], [sflag:$0x1] =	stream.indirect.gather [spmem:s2], $0x80, s3, s6, $0xb8;
	[tilespmem:$0x1C500] =	vst v63  }
0x23: {  	s8 =	simm.s32 $0x4500  }
0x24: {  	[tilespmem:s8], [sflag:$0x2] =	stream.indirect.gather [spmem:s2], $0x80, s6, s6, $0xb8;
	[tilespmem:$0x1C500] =	vst v63  }
0x25: {  	s9 =	simm.s32 $0x8500;
	s25 =	rddreg [dreg:$0x11]  }
0x26: {  	[tilespmem:s9], [sflag:$0x3] =	stream.indirect.gather [spmem:s2], $0x80, s25, s6, $0xb8;
	[tilespmem:$0x1C500] =	vst v63  }
0x27: {  	s10 =	simm.s32 $0xC500;
	s11 =	simm.s32 $0x1;
	s12 =	rddreg [dreg:$0x12]  }
0x28: {  	[tilespmem:s10], [sflag:$0x4] =	stream.indirect.gather [spmem:s2], $0x80, s12, s6, $0xb8;
	[tilespmem:$0x1C500] =	vst v63  }
0x29: {  	_ =	swait.ge [sflag:s11], $0x4000  }
0x2a: {  	[sflag:s11] =	ssyncset.done $0x0  }
0x2b: {  	[sflag:s11] =	ssyncadd.s32 $0xFFFFC000  }
0x2c: {  	[hbm4b:s4+s3] =	stream.linear.scatter [tilespmem:s7], [sflag:$0x7], $0x4000, $0x38;
	[tilespmem:$0x1C500] =	vst v63  }
0x2d: {  	s26 =	simm.s32 $0x200;
	s13 =	simm.s32 $0x10500;
	s14 =	simm.s32 $0x2  }
0x2e: {  	[tilespmem:s13], [sflag:$0x5] =	stream.indirect.gather [spmem:s2], $0x80, s26, s6, $0xb8;
	[tilespmem:$0x1C500] =	vst v63  }
0x2f: {  	_ =	swait.ge [sflag:s14], $0x4000  }
0x30: {  	[sflag:s14] =	ssyncset.done $0x0  }
0x31: {  	s15 =	rddreg [dreg:$0x7];
	[sflag:s14] =	ssyncadd.s32 $0xFFFFC000  }
0x32: {  	[hbm4b:s15+s3] =	stream.linear.scatter [tilespmem:s8], [sflag:$0x8], $0x4000, $0x38;
	[tilespmem:$0x1C500] =	vst v63  }
0x33: {  	s16 =	simm.s32 $0x14500;
	s17 =	simm.s32 $0x3;
	s12 =	simm.s32 $0x280  }
0x34: {  	[tilespmem:s16], [sflag:$0x6] =	stream.indirect.gather [spmem:s2], $0x80, s12, s6, $0xb8;
	[tilespmem:$0x1C500] =	vst v63  }
0x35: {  	_ =	swait.ge [sflag:s17], $0x4000  }
0x36: {  	[sflag:s17] =	ssyncset.done $0x0  }
0x37: {  	s18 =	simm.s32 $0x7;
	s19 =	rddreg [dreg:$0x8];
	[sflag:s17] =	ssyncadd.s32 $0xFFFFC000  }
0x38: {  	[hbm4b:s19+s3] =	stream.linear.scatter [tilespmem:s9], [sflag:$0x9], $0x4000, $0x38;
	[tilespmem:$0x1C500] =	vst v63  }
0x39: {  	_ =	swait.ge [sflag:s18], $0x4000  }
0x3a: {  	[sflag:s18] =	ssyncset.done $0x0  }
0x3b: {  	s20 =	simm.s32 $0x4;
	s19 =	simm.s32 $0x300;
	[sflag:s18] =	ssyncadd.s32 $0xFFFFC000  }
0x3c: {  	[tilespmem:s7], [sflag:$0x1] =	stream.indirect.gather [spmem:s2], $0x80, s19, s6, $0xb8;
	[tilespmem:$0x1C500] =	vst v63  }
0x3d: {  	_ =	swait.ge [sflag:s20], $0x4000  }
0x3e: {  	[sflag:s20] =	ssyncset.done $0x0  }
0x3f: {  	s21 =	simm.s32 $0x8;
	s22 =	rddreg [dreg:$0x9];
	[sflag:s20] =	ssyncadd.s32 $0xFFFFC000  }
0x40: {  	[hbm4b:s22+s3] =	stream.linear.scatter [tilespmem:s10], [sflag:$0xA], $0x4000, $0x38;
	[tilespmem:$0x1C500] =	vst v63  }
0x41: {  	_ =	swait.ge [sflag:s21], $0x4000  }
0x42: {  	[sflag:s21] =	ssyncset.done $0x0  }
0x43: {  	s23 =	simm.s32 $0x5;
	s22 =	simm.s32 $0x380;
	[sflag:s21] =	ssyncadd.s32 $0xFFFFC000  }
0x44: {  	[tilespmem:s8], [sflag:$0x2] =	stream.indirect.gather [spmem:s2], $0x80, s22, s6, $0xb8;
	[tilespmem:$0x1C500] =	vst v63  }
0x45: {  	_ =	swait.ge [sflag:s23], $0x4000  }
0x46: {  	[sflag:s23] =	ssyncset.done $0x0  }
0x47: {  	s24 =	rddreg [dreg:$0xa];
	[sflag:s23] =	ssyncadd.s32 $0xFFFFC000  }
0x48: {  	[hbm4b:s24+s3] =	stream.linear.scatter [tilespmem:s13], [sflag:$0xB], $0x4000, $0x38;
	[tilespmem:$0x1C500] =	vst v63  }
0x49: {  	s24 =	simm.s32 $0x9  }
0x4a: {  	_ =	swait.ge [sflag:s24], $0x4000  }
0x4b: {  	[sflag:s24] =	ssyncset.done $0x0  }
0x4c: {  	s25 =	simm.s32 $0x400;
	s26 =	simm.s32 $0x6;
	[sflag:s24] =	ssyncadd.s32 $0xFFFFC000  }
0x4d: {  	[tilespmem:s9], [sflag:$0x3] =	stream.indirect.gather [spmem:s2], $0x80, s25, s6, $0xb8;
	[tilespmem:$0x1C500] =	vst v63  }
0x4e: {  	_ =	swait.ge [sflag:s26], $0x4000  }
0x4f: {  	[sflag:s26] =	ssyncset.done $0x0  }
0x50: {  	s28 =	rddreg [dreg:$0xb];
	[sflag:s26] =	ssyncadd.s32 $0xFFFFC000  }
0x51: {  	[hbm4b:s28+s3] =	stream.linear.scatter [tilespmem:s16], [sflag:$0xC], $0x4000, $0x38;
	[tilespmem:$0x1C500] =	vst v63  }
0x52: {  	s28 =	simm.s32 $0xA  }
0x53: {  	_ =	swait.ge [sflag:s28], $0x4000  }
0x54: {  	[sflag:s28] =	ssyncset.done $0x0  }
0x55: {  	s29 =	simm.s32 $0x480;
	[sflag:s28] =	ssyncadd.s32 $0xFFFFC000  }
0x56: {  	[tilespmem:s10], [sflag:$0x4] =	stream.indirect.gather [spmem:s2], $0x80, s29, s6, $0xb8;
	[tilespmem:$0x1C500] =	vst v63  }
0x57: {  	_ =	swait.ge [sflag:s11], $0x4000  }
0x58: {  	[sflag:s11] =	ssyncset.done $0x0  }
0x59: {  	s30 =	rddreg [dreg:$0xc];
	[sflag:s11] =	ssyncadd.s32 $0xFFFFC000  }
0x5a: {  	[hbm4b:s30+s3] =	stream.linear.scatter [tilespmem:s7], [sflag:$0x7], $0x4000, $0x38;
	[tilespmem:$0x1C500] =	vst v63  }
0x5b: {  	_ =	swait.ge [sflag:s14], $0x4000  }
0x5c: {  	[sflag:s14] =	ssyncset.done $0x0  }
0x5d: {  	s30 =	rddreg [dreg:$0xd];
	[sflag:s14] =	ssyncadd.s32 $0xFFFFC000  }
0x5e: {  	[hbm4b:s30+s3] =	stream.linear.scatter [tilespmem:s8], [sflag:$0x8], $0x4000, $0x38;
	[tilespmem:$0x1C500] =	vst v63  }
0x5f: {  	_ =	swait.ge [sflag:s17], $0x4000  }
0x60: {  	[sflag:s17] =	ssyncset.done $0x0  }
0x61: {  	s30 =	rddreg [dreg:$0xe];
	[sflag:s17] =	ssyncadd.s32 $0xFFFFC000  }
0x62: {  	[hbm4b:s30+s3] =	stream.linear.scatter [tilespmem:s9], [sflag:$0x9], $0x4000, $0x38;
	[tilespmem:$0x1C500] =	vst v63  }
0x63: {  	_ =	swait.ge [sflag:s20], $0x4000  }
0x64: {  	[sflag:s20] =	ssyncset.done $0x0  }
0x65: {  	s30 =	rddreg [dreg:$0xf];
	[sflag:s20] =	ssyncadd.s32 $0xFFFFC000  }
0x66: {  	[hbm4b:s30+s3] =	stream.linear.scatter [tilespmem:s10], [sflag:$0xA], $0x4000, $0x38;
	[tilespmem:$0x1C500] =	vst v63  }
0x67: {  	s30 =	simm.s32 $0xB  }
0x68: {  	_ =	swait.ge [sflag:s30], $0x4000  }
0x69: {  	[sflag:s30] =	ssyncset.done $0x0  }
0x6a: {  	s31 =	simm.s32 $0xC;
	[sflag:s30] =	ssyncadd.s32 $0xFFFFC000  }
0x6b: {  	_ =	swait.ge [sflag:s31], $0x4000  }
0x6c: {  	[sflag:s31] =	ssyncset.done $0x0  }
0x6d: {  	s0 =	ssub.s32 $0x2, s0;
	[sflag:s31] =	ssyncadd.s32 $0xFFFFC000  }
0x6e: {  	s15 =	sshrl.u32 s0, $0x1;
	_ =	swait.ge [sflag:s18], $0x4000  }
0x6f: {  	s0 =	ssub.s32 s0, s15;
	[sflag:s18] =	ssyncset.done $0x0  }
0x70: {  	s0 =	smax.u32 s0, $0x1;
	[sflag:s18] =	ssyncadd.s32 $0xFFFFC000  }
0x71: {  	p0 =	sne.s32 s0, $0x1;
	_ =	swait.ge [sflag:s21], $0x4000  }
.Ltmp0:
0x72: {  	[sflag:s21] =	ssyncset.done $0x0;
	(pc) =	sbr.rel @!p0 .LBB2_2-.Ltmp0, $4  }
0x73: {  	[sflag:s21] =	ssyncadd.s32 $0xFFFFC000  }
0x74: {  	_ =	swait.ge [sflag:s24], $0x4000  }
0x75: {  	[sflag:s24] =	ssyncset.done $0x0  }
0x76: {  	s0 =	sadd.s32 $0xFFFFFFFF, s0;
	[sflag:s24] =	ssyncadd.s32 $0xFFFFC000  }
.LBB2_1:
0x77: {  	_ =	swait.ge [sflag:s28], $0x4000  }
0x78: {  	s1 =	rddreg [dreg:$0x10]  }
0x79: {  	[sflag:s28] =	ssyncset.done $0x0;
	s12 =	rddreg [dreg:$0x5]  }
0x7a: {  	s15 =	rddreg [dreg:$0x4];
	[sflag:s28] =	ssyncadd.s32 $0xFFFFC000  }
0x7b: {  	[spmem:s1], [sflag:s12] =	dma.local [hbm:s15], $0x800  }
0x7c: {  	_ =	swait.ge [sflag:s5], $0x800  }
0x7d: {  	[sflag:s5] =	ssyncset.done $0x0  }
0x7e: {  	s15 =	rddreg [dreg:$0x6];
	[sflag:s5] =	ssyncadd.s32 $0xFFFFF800  }
0x7f: {  	[tilespmem:s3], [sflag:$0xD] =	stream.linear.gather [hbm4b:s15+s3], $0x500, $0x38;
	[tilespmem:$0x1C500] =	vst v63  }
0x80: {  	_ =	swait.ge [sflag:s5], $0x500  }
0x81: {  	[sflag:s5] =	ssyncset.done $0x0  }
0x82: {  	[sflag:s5] =	ssyncadd.s32 $0xFFFFFB00  }
0x83: {  	[bflag:$0x0] =	sbarrier.arrive $0xFFFF  }
0x84: {  	[tilespmem:s7], [sflag:$0x1] =	stream.indirect.gather [spmem:s2], $0x80, s3, s6, $0xb8;
	[tilespmem:$0x1C500] =	vst v63  }
0x85: {  	_ = 	snop  }
0x86: {  	[tilespmem:s8], [sflag:$0x2] =	stream.indirect.gather [spmem:s2], $0x80, s6, s6, $0xb8;
	[tilespmem:$0x1C500] =	vst v63  }
0x87: {  	s12 =	rddreg [dreg:$0x11]  }
0x88: {  	[tilespmem:s9], [sflag:$0x3] =	stream.indirect.gather [spmem:s2], $0x80, s12, s6, $0xb8;
	[tilespmem:$0x1C500] =	vst v63  }
0x89: {  	s15 =	rddreg [dreg:$0x12]  }
0x8a: {  	[tilespmem:s10], [sflag:$0x4] =	stream.indirect.gather [spmem:s2], $0x80, s15, s6, $0xb8;
	[tilespmem:$0x1C500] =	vst v63  }
0x8b: {  	_ =	swait.ge [sflag:s11], $0x4000  }
0x8c: {  	[sflag:s11] =	ssyncset.done $0x0  }
0x8d: {  	[sflag:s11] =	ssyncadd.s32 $0xFFFFC000  }
0x8e: {  	[hbm4b:s4+s3] =	stream.linear.scatter [tilespmem:s7], [sflag:$0x7], $0x4000, $0x38;
	[tilespmem:$0x1C500] =	vst v63  }
0x8f: {  	s15 =	simm.s32 $0x200  }
0x90: {  	[tilespmem:s13], [sflag:$0x5] =	stream.indirect.gather [spmem:s2], $0x80, s15, s6, $0xb8;
	[tilespmem:$0x1C500] =	vst v63  }
0x91: {  	_ =	swait.ge [sflag:s14], $0x4000  }
0x92: {  	[sflag:s14] =	ssyncset.done $0x0  }
0x93: {  	s12 =	rddreg [dreg:$0x7];
	[sflag:s14] =	ssyncadd.s32 $0xFFFFC000  }
0x94: {  	[hbm4b:s12+s3] =	stream.linear.scatter [tilespmem:s8], [sflag:$0x8], $0x4000, $0x38;
	[tilespmem:$0x1C500] =	vst v63  }
0x95: {  	s15 =	simm.s32 $0x280  }
0x96: {  	[tilespmem:s16], [sflag:$0x6] =	stream.indirect.gather [spmem:s2], $0x80, s15, s6, $0xb8;
	[tilespmem:$0x1C500] =	vst v63  }
0x97: {  	_ =	swait.ge [sflag:s17], $0x4000  }
0x98: {  	[sflag:s17] =	ssyncset.done $0x0  }
0x99: {  	s12 =	rddreg [dreg:$0x8];
	[sflag:s17] =	ssyncadd.s32 $0xFFFFC000  }
0x9a: {  	[hbm4b:s12+s3] =	stream.linear.scatter [tilespmem:s9], [sflag:$0x9], $0x4000, $0x38;
	[tilespmem:$0x1C500] =	vst v63  }
0x9b: {  	_ =	swait.ge [sflag:s18], $0x4000  }
0x9c: {  	[sflag:s18] =	ssyncset.done $0x0  }
0x9d: {  	[sflag:s18] =	ssyncadd.s32 $0xFFFFC000  }
0x9e: {  	[tilespmem:s7], [sflag:$0x1] =	stream.indirect.gather [spmem:s2], $0x80, s19, s6, $0xb8;
	[tilespmem:$0x1C500] =	vst v63  }
0x9f: {  	_ =	swait.ge [sflag:s20], $0x4000  }
0xa0: {  	[sflag:s20] =	ssyncset.done $0x0  }
0xa1: {  	s15 =	rddreg [dreg:$0x9];
	[sflag:s20] =	ssyncadd.s32 $0xFFFFC000  }
0xa2: {  	[hbm4b:s15+s3] =	stream.linear.scatter [tilespmem:s10], [sflag:$0xA], $0x4000, $0x38;
	[tilespmem:$0x1C500] =	vst v63  }
0xa3: {  	_ =	swait.ge [sflag:s21], $0x4000  }
0xa4: {  	[sflag:s21] =	ssyncset.done $0x0  }
0xa5: {  	[sflag:s21] =	ssyncadd.s32 $0xFFFFC000  }
0xa6: {  	[tilespmem:s8], [sflag:$0x2] =	stream.indirect.gather [spmem:s2], $0x80, s22, s6, $0xb8;
	[tilespmem:$0x1C500] =	vst v63  }
0xa7: {  	_ =	swait.ge [sflag:s23], $0x4000  }
0xa8: {  	[sflag:s23] =	ssyncset.done $0x0  }
0xa9: {  	s12 =	rddreg [dreg:$0xa];
	[sflag:s23] =	ssyncadd.s32 $0xFFFFC000  }
0xaa: {  	[hbm4b:s12+s3] =	stream.linear.scatter [tilespmem:s13], [sflag:$0xB], $0x4000, $0x38;
	[tilespmem:$0x1C500] =	vst v63  }
0xab: {  	_ =	swait.ge [sflag:s24], $0x4000  }
0xac: {  	[sflag:s24] =	ssyncset.done $0x0  }
0xad: {  	[sflag:s24] =	ssyncadd.s32 $0xFFFFC000  }
0xae: {  	[tilespmem:s9], [sflag:$0x3] =	stream.indirect.gather [spmem:s2], $0x80, s25, s6, $0xb8;
	[tilespmem:$0x1C500] =	vst v63  }
0xaf: {  	_ =	swait.ge [sflag:s26], $0x4000  }
0xb0: {  	[sflag:s26] =	ssyncset.done $0x0  }
0xb1: {  	s15 =	rddreg [dreg:$0xb];
	[sflag:s26] =	ssyncadd.s32 $0xFFFFC000  }
0xb2: {  	[hbm4b:s15+s3] =	stream.linear.scatter [tilespmem:s16], [sflag:$0xC], $0x4000, $0x38;
	[tilespmem:$0x1C500] =	vst v63  }
0xb3: {  	_ =	swait.ge [sflag:s28], $0x4000  }
0xb4: {  	[sflag:s28] =	ssyncset.done $0x0  }
0xb5: {  	[sflag:s28] =	ssyncadd.s32 $0xFFFFC000  }
0xb6: {  	[tilespmem:s10], [sflag:$0x4] =	stream.indirect.gather [spmem:s2], $0x80, s29, s6, $0xb8;
	[tilespmem:$0x1C500] =	vst v63  }
0xb7: {  	_ =	swait.ge [sflag:s11], $0x4000  }
0xb8: {  	[sflag:s11] =	ssyncset.done $0x0  }
0xb9: {  	s12 =	rddreg [dreg:$0xc];
	[sflag:s11] =	ssyncadd.s32 $0xFFFFC000  }
0xba: {  	[hbm4b:s12+s3] =	stream.linear.scatter [tilespmem:s7], [sflag:$0x7], $0x4000, $0x38;
	[tilespmem:$0x1C500] =	vst v63  }
0xbb: {  	_ =	swait.ge [sflag:s14], $0x4000  }
0xbc: {  	[sflag:s14] =	ssyncset.done $0x0  }
0xbd: {  	s15 =	rddreg [dreg:$0xd];
	[sflag:s14] =	ssyncadd.s32 $0xFFFFC000  }
0xbe: {  	[hbm4b:s15+s3] =	stream.linear.scatter [tilespmem:s8], [sflag:$0x8], $0x4000, $0x38;
	[tilespmem:$0x1C500] =	vst v63  }
0xbf: {  	_ =	swait.ge [sflag:s17], $0x4000  }
0xc0: {  	[sflag:s17] =	ssyncset.done $0x0  }
0xc1: {  	s12 =	rddreg [dreg:$0xe];
	[sflag:s17] =	ssyncadd.s32 $0xFFFFC000  }
0xc2: {  	[hbm4b:s12+s3] =	stream.linear.scatter [tilespmem:s9], [sflag:$0x9], $0x4000, $0x38;
	[tilespmem:$0x1C500] =	vst v63  }
0xc3: {  	_ =	swait.ge [sflag:s20], $0x4000  }
0xc4: {  	[sflag:s20] =	ssyncset.done $0x0  }
0xc5: {  	s15 =	rddreg [dreg:$0xf];
	[sflag:s20] =	ssyncadd.s32 $0xFFFFC000  }
0xc6: {  	[hbm4b:s15+s3] =	stream.linear.scatter [tilespmem:s10], [sflag:$0xA], $0x4000, $0x38;
	[tilespmem:$0x1C500] =	vst v63  }
0xc7: {  	_ =	swait.ge [sflag:s30], $0x4000  }
0xc8: {  	[sflag:s30] =	ssyncset.done $0x0  }
0xc9: {  	[sflag:s30] =	ssyncadd.s32 $0xFFFFC000  }
0xca: {  	_ =	swait.ge [sflag:s31], $0x4000  }
0xcb: {  	[sflag:s31] =	ssyncset.done $0x0  }
0xcc: {  	[sflag:s31] =	ssyncadd.s32 $0xFFFFC000  }
0xcd: {  	_ =	swait.ge [sflag:s18], $0x4000  }
0xce: {  	[sflag:s18] =	ssyncset.done $0x0  }
0xcf: {  	[sflag:s18] =	ssyncadd.s32 $0xFFFFC000  }
0xd0: {  	p0 =	sne.s32 s0, $0x1;
	_ =	swait.ge [sflag:s21], $0x4000  }
.Ltmp1:
0xd1: {  	[sflag:s21] =	ssyncset.done $0x0;
	(pc) =	sbr.rel @p0 .LBB2_1-.Ltmp1, $4  }
0xd2: {  	[sflag:s21] =	ssyncadd.s32 $0xFFFFC000  }
0xd3: {  	_ =	swait.ge [sflag:s24], $0x4000  }
0xd4: {  	[sflag:s24] =	ssyncset.done $0x0  }
0xd5: {  	s0 =	sadd.s32 $0xFFFFFFFF, s0;
	[sflag:s24] =	ssyncadd.s32 $0xFFFFC000  }
.LBB2_2:
0xd6: {  	_ =	swait.ge [sflag:s28], $0x4000  }
0xd7: {  	[sflag:s28] =	ssyncset.done $0x0  }
0xd8: {  	[sflag:s28] =	ssyncadd.s32 $0xFFFFC000  }
0xd9: {  	_ =	sfence.sel $0x180000  }
0xda: {  	[bflag:$0x0] =	sbarrier.arrive $0xFFFF  }
0xdb: {  	_ =	strace $0x9000004D  }
0xdc: {  	s0 =	stileid.u32;
	[bflag:$0x2] =	sbarrier.arrive $0xFFFF  }
0xdd: {  	p0 =	sne.s32 s0, $0x0;
	s0 =	rddreg [dreg:$0x3]  }
0xde: {  	s0 =	sadd.s32 @!p0 $0x100000, s0  }
0xdf: {  	[sflag:s0] =	ssyncadd.tile.s32 @!p0 $0x1;
	_ =	shalt  }
.Lfunc_end2:
_tile_overlayer_lowered:
.L_overlay_start_2:
0xe0: {  	(tag) =	ssettag $0x2  }
0xe1: {  	s0 =	rddreg [dreg:$0x0];
	s2 =	stileid.u32  }
0xe2: {  	s1 =	rddreg [dreg:$0x1];
	p0 =	sne.s32 s2, $0x0  }
0xe3: {  	s3 =	rddreg [dreg:$0x2];
	[bflag:$0x3] =	sbarrier.arrive $0xFFFF;
	s2 =	simm.s32 @!p0 $0x1C0D  }
0xe4: {  	[timem:s3], [sflag:s2] =	dma.local @!p0 [hbm:s0], s1  }
0xe5: {  	s0 =	simm.s32 @!p0 $0xD  }
0xe6: {  	_ =	swait.ge @!p0 [sflag:s0], s1  }
0xe7: {  	s1 =	ssub.s32 @!p0 $0x0, s1;
	[sflag:s0] =	ssyncset.done @!p0 $0x0  }
0xe8: {  	[sflag:s0] =	ssyncadd.s32 @!p0 s1  }
0xe9: {  	[bflag:$0x3] =	sbarrier.arrive $0xFFFF  }
0xea: {  	_ =	shalt  }

// kernel: kernel.19.cloned.1.call-start
scs
__scs_entry_jumppad:
0x0: {  	(pc) =	sbr.rel $0x88, $3  }
0x1: {  	(tag) =	ssettag $0x0;
	lr =	simm.s32 $0x1  }
0x2: {  	[smem:$0x3F95] =	sst lr;
	_ =	strace $0xD0000000  }
0x3: {  	_ = 	snop  }
0x4: {  	_ = 	snop  }
0x5: {  	_ = 	snop  }
0x6: {  	_ = 	snop  }
0x7: {  	_ = 	snop  }
__scs_overlays_trampoline_lowered:
0x8: {  	[smem:$0x3FA4] =	sst s0  }
0x9: {  	[smem:$0x3FA5] =	sst s1  }
0xa: {  	[smem:$0x3FA6] =	sst s2  }
0xb: {  	[smem:$0x3FA7] =	sst s3  }
0xc: {  	[smem:$0x3FA8] =	sst s4  }
0xd: {  	[smem:$0x3FA9] =	sst s5  }
0xe: {  	[smem:$0x3FAA] =	sst s6  }
0xf: {  	[smem:$0x3FAB] =	sst s7  }
0x10: {  	[smem:$0x3FAC] =	sst s8  }
0x11: {  	[smem:$0x3FAD] =	sst s9;
	s0 =	simm.s32 @!p0 $0x0  }
0x12: {  	s1 =	sld [smem:$0x3F93];
	s0 =	simm.s32 @p0 $0x1  }
0x13: {  	[smem:$0x3FAE] =	sst s0;
	s0 =	simm.s32 @!p1 $0x0  }
0x14: {  	s2 =	sld [smem:$0x3F92];
	s0 =	simm.s32 @p1 $0x1  }
0x15: {  	[smem:$0x3FAF] =	sst s0;
	s0 =	simm.s32 @!p2 $0x0  }
0x16: {  	s3 =	sld [smem:$0x3FDB];
	s0 =	simm.s32 @p2 $0x1  }
0x17: {  	s4 =	simm.s32 $0x1BF5;
	[smem:$0x3FB1] =	sst s0  }
0x18: {  	s0 =	sld [smem:$0x3F94];
	_ =	swait.ge [sflag:s4], $0x0  }
0x19: {  	s7 =	sld [smem:$0x3F95]  }
0x1a: {  	s8 =	sadd.s32 $0xFFFFE003, lr  }
0x1b: {  	s9 =	sadd.s32 $0xFFFFFEF7, lr;
	s5 =	simm.s32 $0xFFFFFFFF;
	p2 =	slt.u32 s8, $0xFFFFF086  }
0x1c: {  	p1 =	slt.u32 s9, $0xF7A;
	s5 =	simm.s32 @!p2 $0x0  }
0x1d: {  	s5 =	simm.s32 @p1 $0x1;
	p0 =	seq.s32 s7, s2  }
0x1e: {  	s7 =	smul.u32 @!p0 $0xF7A, s2;
	p2 =	seq.s32 @!p0 s5, $0x0  }
0x1f: {  	s9 =	smul.u32 $0xF7A, s1;
	s8 =	simm.s32 @!p0 $0x1BF5;
	p2 =	por !p2, p0  }
0x20: {  	[sflag:s8] =	ssyncset.s32 @!p0 $0xFFFFF086;
	s6 =	sadd.s32 @!p0 s3, s7;
	s7 =	simm.s32 @!p0 $0x108  }
0x21: {  	s3 =	sadd.s32 s3, s9;
	s6 =	sadd.s32 @!p0 $0x88, s6;
	s7 =	simm.s32 @p2 $0x1082  }
0x22: {  	[simem:s7], [sflag:s8] =	dma.local @!p0 [hbm:s6], $0xF7A  }
0x23: {  	s9 =	sor.u32 $0xD0000000, s2;
	s6 =	simm.s32 $0x108;
	_ =	swait.ge @!p0 [sflag:s8], $0x0  }
0x24: {  	s3 =	sadd.s32 $0x88, s3;
	s6 =	simm.s32 @!p1 $0x1082;
	[sflag:s4] =	ssyncset.s32 $0xFFFFF086  }
0x25: {  	[simem:s6], [sflag:s4] =	dma.local [hbm:s3], $0xF7A  }
0x26: {  	[smem:$0x3F95] =	sst s1;
	(tag) =	ssettag s2;
	_ =	strace s9  }
0x27: {  	s1 =	sld [smem:$0x3FA5]  }
0x28: {  	s2 =	sld [smem:$0x3FA6]  }
0x29: {  	s4 =	sld [smem:$0x3FA8]  }
0x2a: {  	p0 =	seq.s32 s5, $0x0;
	s5 =	sld [smem:$0x3FA9]  }
0x2b: {  	s6 =	sld [smem:$0x3FAA]  }
0x2c: {  	s7 =	sld [smem:$0x3FAB]  }
0x2d: {  	s3 =	simm.s32 $0x108;
	s8 =	sld [smem:$0x3FAC]  }
0x2e: {  	s3 =	simm.s32 @!p0 $0x1082;
	s9 =	sld [smem:$0x3FAD]  }
0x2f: {  	lr =	sadd.s32 s0, s3;
	s0 =	sld [smem:$0x3FA4]  }
0x30: {  	s3 =	sld [smem:$0x3FA7]  }
0x31: {  	[smem:$0x3FB0] =	sst s10  }
0x32: {  	s10 =	sld [smem:$0x3FAE];
	_ =	sdelay $0x3  }
0x33: {  	p0 =	seq.s32 s10, $0x1;
	s10 =	sld [smem:$0x3FB0];
	_ =	sdelay $0x3  }
0x34: {  	[smem:$0x3FB0] =	sst s10  }
0x35: {  	s10 =	sld [smem:$0x3FAF];
	_ =	sdelay $0x3  }
0x36: {  	p1 =	seq.s32 s10, $0x1;
	s10 =	sld [smem:$0x3FB0];
	_ =	sdelay $0x3  }
0x37: {  	[smem:$0x3FB0] =	sst s10  }
0x38: {  	s10 =	sld [smem:$0x3FB1]  }
0x39: {  	_ = 	snop;
	(pc) =	sbr.ind lr, $3  }
0x3a: {  	_ = 	snop  }
0x3b: {  	_ = 	snop  }
0x3c: {  	p2 =	seq.s32 s10, $0x1;
	s10 =	sld [smem:$0x3FB0]  }
0x3d: {  	_ =	shalt  }
0x3e: {  	_ =	shalt  }
0x3f: {  	_ =	shalt  }
0x40: {  	_ =	shalt  }
0x41: {  	_ =	shalt  }
0x42: {  	_ =	shalt  }
0x43: {  	_ =	shalt  }
0x44: {  	_ =	shalt  }
0x45: {  	_ =	shalt  }
0x46: {  	_ =	shalt  }
0x47: {  	_ =	shalt  }
0x48: {  	_ =	shalt  }
0x49: {  	_ =	shalt  }
0x4a: {  	_ =	shalt  }
0x4b: {  	_ =	shalt  }
0x4c: {  	_ =	shalt  }
0x4d: {  	_ =	shalt  }
0x4e: {  	_ =	shalt  }
0x4f: {  	_ =	shalt  }
0x50: {  	_ =	shalt  }
0x51: {  	_ =	shalt  }
0x52: {  	_ =	shalt  }
0x53: {  	_ =	shalt  }
0x54: {  	_ =	shalt  }
0x55: {  	_ =	shalt  }
0x56: {  	_ =	shalt  }
0x57: {  	_ =	shalt  }
0x58: {  	_ =	shalt  }
0x59: {  	_ =	shalt  }
0x5a: {  	_ =	shalt  }
0x5b: {  	_ =	shalt  }
0x5c: {  	_ =	shalt  }
0x5d: {  	_ =	shalt  }
0x5e: {  	_ =	shalt  }
0x5f: {  	_ =	shalt  }
0x60: {  	_ =	shalt  }
0x61: {  	_ =	shalt  }
0x62: {  	_ =	shalt  }
0x63: {  	_ =	shalt  }
0x64: {  	_ =	shalt  }
0x65: {  	_ =	shalt  }
0x66: {  	_ =	shalt  }
0x67: {  	_ =	shalt  }
0x68: {  	_ =	shalt  }
0x69: {  	_ =	shalt  }
0x6a: {  	_ =	shalt  }
0x6b: {  	_ =	shalt  }
0x6c: {  	_ =	shalt  }
0x6d: {  	_ =	shalt  }
0x6e: {  	_ =	shalt  }
0x6f: {  	_ =	shalt  }
0x70: {  	_ =	shalt  }
0x71: {  	_ =	shalt  }
0x72: {  	_ =	shalt  }
0x73: {  	_ =	shalt  }
0x74: {  	_ =	shalt  }
0x75: {  	_ =	shalt  }
0x76: {  	_ =	shalt  }
0x77: {  	_ =	shalt  }
0x78: {  	_ =	shalt  }
0x79: {  	_ =	shalt  }
0x7a: {  	_ =	shalt  }
0x7b: {  	_ =	shalt  }
0x7c: {  	_ =	shalt  }
0x7d: {  	_ =	shalt  }
0x7e: {  	_ =	shalt  }
0x7f: {  	_ =	shalt  }
0x80: {  	_ =	shalt  }
0x81: {  	_ =	shalt  }
0x82: {  	_ =	shalt  }
0x83: {  	_ =	shalt  }
0x84: {  	_ =	shalt  }
0x85: {  	_ =	shalt  }
0x86: {  	_ =	shalt  }
0x87: {  	_ =	shalt  }
.Lfunc_end0:
.L_simem_size_0:
called_computation.3_lowered:
.L_overlay_start_0:
0x88: {  	s2 =	sld [smem:$0x3FD9]  }
0x89: {  	s3 =	sld [smem:$0x3FFE];
	_ =	sdelay $0x1  }
0x8a: {  	s1 =	srdreg.scid  }
0x8b: {  	s0 =	sand.u32 $0x1, s1  }
0x8c: {  	s16 =	sshll.u32 s0, $0xA;
	s2 =	sadd.s32 s3, s2  }
0x8d: {  	s2 =	sadd.s32 s2, s16  }
0x8e: {  	[smem:$0x3FBC] =	sst s2  }
0x8f: {  	_ = 	snop  }
0x90: {  	(tm) =	ssettm $0x1  }
0x91: {  	s17 =	sld [smem:$0x3FFB];
	_ =	sdelay $0x3  }
0x92: {  	_ =	strace s17  }
0x93: {  	s2 =	sld [smem:$0x3FFC];
	_ =	sdelay $0x3  }
0x94: {  	_ =	strace s2  }
0x95: {  	s2 =	sld [smem:$0x3FFD];
	_ =	sdelay $0x3  }
0x96: {  	_ =	strace s2  }
0x97: {  	_ =	strace $0x8FFFFFFF  }
0x98: {  	s18 =	sld [smem:$0x3FDB];
	_ =	sdelay $0x1  }
0x99: {  	s19 =	simm.s32 $_scs_section_size  }
0x9a: {  	s4 =	simm.s32 $_size__tile_overlayer_lowered;
	s5 =	simm.s32 $_tile_overlayer_lowered  }
0x9b: {  	s22 =	simm.s32 $0x1BFF;
	s21 =	sshll.u32 s5, $0x1;
	s2 =	sadd.s32 s19, s18  }
0x9c: {  	s6 =	simm.s32 $0x0;
	s20 =	sshll.u32 s4, $0x1;
	s4 =	sadd.s32 s21, s2  }
0x9d: {  	[timem:s6], [sflag:s22] =	dma.local [hbm:s4], s20  }
0x9e: {  	_ =	swait.ge [sflag:s22], s20  }
0x9f: {  	s3 =	ssub.s32 $0x0, s20;
	[sflag:s22] =	ssyncset.done $0x0  }
0xa0: {  	[sflag:s22] =	ssyncadd.s32 s3;
	_ =	sdelay $0x1  }
0xa1: {  	s23 =	simm.s32 $0x1B8B  }
0xa2: {  	_ =	swait.ge [sflag:s23], $0x1  }
0xa3: {  	[sflag:s23] =	ssyncset.done $0x0  }
0xa4: {  	s25 =	simm.s32 $0x1B8E;
	s24 =	sld [smem:$0x3FFE];
	[sflag:s23] =	ssyncadd.s32 $0xFFFFFFFF  }
0xa5: {  	s26 =	simm.s32 $execute0_lowered;
	[smem:$0x3FD2] =	sst s25  }
0xa6: {  	s4 =	sshll.u32 s26, $0x1;
	_ =	strace $0x8000004F;
	[dreg:$0x1] =	wrdreg $0xFFFFFFFF  }
0xa7: {  	s28 =	simm.s32 $_size_execute0_lowered;
	s2 =	sadd.s32 s2, s4;
	[dreg:$0x0] =	wrdreg $0x0  }
0xa8: {  	s4 =	sshll.u32 s28, $0x1;
	[dreg:$0x2] =	wrdreg s2  }
0xa9: {  	[dreg:$0x3] =	wrdreg s4  }
0xaa: {  	[dreg:$0x4] =	wrdreg $0xC0  }
0xab: {  	_ =	task [dreg:s6], $0x5FFFF  }
0xac: {  	[dreg:$0x1] =	wrdreg $0xFFFFFFFF  }
0xad: {  	[dreg:$0x0] =	wrdreg $0x60  }
0xae: {  	[dreg:$0x2] =	wrdreg s24  }
0xaf: {  	[dreg:$0x3] =	wrdreg $0x85000  }
0xb0: {  	[dreg:$0x4] =	wrdreg $0x9  }
0xb1: {  	_ =	task.clear_ibuf [dreg:s6], $0x5FFFF;
	_ =	strace $0x9000004F  }
0xb2: {  	s29 =	simm.s32 $0x9;
	_ =	strace $0x80000051  }
0xb3: {  	_ =	swait.ge [sflag:s29], $0x1  }
0xb4: {  	[sflag:s29] =	ssyncadd.s32 $0xFFFFFFFF  }
0xb5: {  	_ =	strace $0x90000051  }
0xb6: {  	_ =	sfence  }
0xb7: {  	s30 =	sld [smem:$0x0];
	_ =	sdelay $0x2  }
0xb8: {  	s31 =	sshll.u32 s1, $0xD;
	s1 =	sshrl.u32 s1, $0x2  }
0xb9: {  	s3 =	sand.u32 $0x4000, s31;
	s1 =	sadd.s32 s1, s30  }
0xba: {  	s0 =	sor.u32 s3, s0;
	s1 =	sshll.u32 s1, $0x11  }
0xbb: {  	s0 =	sor.u32 s1, s0  }
0xbc: {  	s0 =	sadd.s32 $0x8F2B, s0  }
0xbd: {  	[sflag:s0] =	ssyncadd.remote.s32 $0x1  }
0xbe: {  	_ =	sfence.sel $0xFFFF  }
0xbf: {  	[dreg:$0x0] =	wrdreg $0xFFFFFFFF;
	(pc) =	sbr.abs _section_cstart, $3  }
0xc0: {  	[dreg:$0x1] =	wrdreg $0xFFFFFFFF  }
0xc1: {  	_ =	task.clear_ibuf [dreg:s6], $0x2FFFF;
	_ =	strace $0x9FFFFFFF  }
0xc2: {  	(tm) =	ssettm $0x7FFFFFFF  }
0xc3: {  	_ =	shalt  }
tec
execute0_lowered:
.L_overlay_start_1:
0x0: {  	(tag) =	ssettag $0x1  }
0x1: {  	s10 =	rddreg [dreg:$0x0]  }
0x2: {  	s2 =	rddreg [dreg:$0x1]  }
0x3: {  	s3 =	simm.s32 $0x0;
	s1 =	stileid.u32;
	s4 =	srdreg.scid  }
0x4: {  	[smem:$0x7FF] =	sst s3;
	s0 =	smul.u32 $0x2800, s1;
	s12 =	sand.u32 $0x1, s4  }
0x5: {  	s18 =	sshll.u32 s1, $0x1;
	s20 =	sshll.u32 s1, $0x6;
	s22 =	smul.u32 $0x50000, s1  }
0x6: {  	_ =	strace $0x80000050;
	s16 =	sor.u32 s12, s18;
	s21 =	sor.u32 $0x1C05, s20  }
0x7: {  	s5 =	sadd.s32 s0, s10;
	s6 =	smul.u32 $0xA0, s16;
	[dreg:$0x4] =	wrdreg s21  }
0x8: {  	s19 =	sadd.s32 $0x4000, s5;
	s7 =	rddreg [dreg:$0x4]  }
0x9: {  	s5 =	sshrl.u32 s22, $0x2;
	[dreg:$0x3] =	wrdreg s19;
	s23 =	sadd.s32 s6, s10  }
0xa: {  	s5 =	sadd.s32 s5, s2;
	s24 =	rddreg [dreg:$0x3];
	s4 =	sadd.s32 $0xA4000, s23  }
0xb: {  	[dreg:$0x5] =	wrdreg s4;
	s4 =	sshrl.u32 s5, $0x3;
	s5 =	simm.s32 $0x5  }
0xc: {  	[spmem:s4], [sflag:s7] =	dma.local [hbm:s24], $0x2800  }
0xd: {  	_ =	swait.ge [sflag:s5], $0x2800  }
0xe: {  	[sflag:s5] =	ssyncset.done $0x0  }
0xf: {  	s25 =	rddreg [dreg:$0x5];
	[sflag:s5] =	ssyncadd.s32 $0xFFFFD800  }
0x10: {  	[tilespmem:s3], [sflag:$0x5] =	stream.linear.gather [hbm4b:s25+s3], $0x500, $0x38;
	[tilespmem:$0x1C500] =	vst v63  }
0x11: {  	_ =	swait.ge [sflag:s5], $0x500  }
0x12: {  	[sflag:s5] =	ssyncset.done $0x0  }
0x13: {  	[sflag:s5] =	ssyncadd.s32 $0xFFFFFB00  }
0x14: {  	s6 =	simm.s32 $0x80;
	s7 =	simm.s32 $0x500;
	[bflag:$0x0] =	sbarrier.arrive $0xFFFF  }
0x15: {  	[tilespmem:s7], [sflag:$0x1] =	stream.indirect.gather [spmem:s2], $0x80, s3, s6, $0xb8;
	[tilespmem:$0x1C500] =	vst v63  }
0x16: {  	s8 =	simm.s32 $0x4500;
	s9 =	simm.s32 $0x1  }
0x17: {  	[tilespmem:s8], [sflag:$0x2] =	stream.indirect.gather [spmem:s2], $0x80, s6, s6, $0xb8;
	[tilespmem:$0x1C500] =	vst v63  }
0x18: {  	s11 =	smul.u32 $0x5000, s16;
	_ =	swait.ge [sflag:s9], $0x4000  }
0x19: {  	s17 =	sadd.s32 $0xA5400, s10;
	[sflag:s9] =	ssyncset.done $0x0  }
0x1a: {  	s10 =	sadd.s32 s17, s11;
	s11 =	simm.s32 $0x3;
	[sflag:s9] =	ssyncadd.s32 $0xFFFFC000  }
0x1b: {  	[hbm4b:s10+s3] =	stream.linear.scatter [tilespmem:s7], [sflag:$0x3], $0x4000, $0x38;
	[tilespmem:$0x1C500] =	vst v63  }
0x1c: {  	_ =	swait.ge [sflag:s11], $0x4000  }
0x1d: {  	[sflag:s11] =	ssyncset.done $0x0  }
0x1e: {  	s26 =	simm.s32 $0x100;
	s13 =	simm.s32 $0x2;
	[sflag:s11] =	ssyncadd.s32 $0xFFFFC000  }
0x1f: {  	[tilespmem:s7], [sflag:$0x1] =	stream.indirect.gather [spmem:s2], $0x80, s26, s6, $0xb8;
	[tilespmem:$0x1C500] =	vst v63  }
0x20: {  	_ =	swait.ge [sflag:s13], $0x4000  }
0x21: {  	[sflag:s13] =	ssyncset.done $0x0  }
0x22: {  	s14 =	simm.s32 $0x4;
	s15 =	sadd.s32 $0x800, s10;
	[sflag:s13] =	ssyncadd.s32 $0xFFFFC000  }
0x23: {  	[hbm4b:s15+s3] =	stream.linear.scatter [tilespmem:s8], [sflag:$0x4], $0x4000, $0x38;
	[tilespmem:$0x1C500] =	vst v63  }
0x24: {  	_ =	swait.ge [sflag:s14], $0x4000  }
0x25: {  	[sflag:s14] =	ssyncset.done $0x0  }
0x26: {  	s18 =	smul.u32 $0x28000, s16;
	s16 =	simm.s32 $0x180;
	[sflag:s14] =	ssyncadd.s32 $0xFFFFC000  }
0x27: {  	[tilespmem:s8], [sflag:$0x2] =	stream.indirect.gather [spmem:s2], $0x80, s16, s6, $0xb8;
	[tilespmem:$0x1C500] =	vst v63  }
0x28: {  	s18 =	sshrl.u32 s18, $0x3;
	_ =	swait.ge [sflag:s9], $0x4000  }
0x29: {  	s31 =	sadd.s32 s17, s18;
	[sflag:s9] =	ssyncset.done $0x0  }
0x2a: {  	s17 =	sadd.s32 $0x1000, s31;
	[sflag:s9] =	ssyncadd.s32 $0xFFFFC000  }
0x2b: {  	[hbm4b:s17+s3] =	stream.linear.scatter [tilespmem:s7], [sflag:$0x3], $0x4000, $0x38;
	[tilespmem:$0x1C500] =	vst v63  }
0x2c: {  	_ =	swait.ge [sflag:s11], $0x4000  }
0x2d: {  	[sflag:s11] =	ssyncset.done $0x0  }
0x2e: {  	s18 =	simm.s32 $0x200;
	[sflag:s11] =	ssyncadd.s32 $0xFFFFC000  }
0x2f: {  	[tilespmem:s7], [sflag:$0x1] =	stream.indirect.gather [spmem:s2], $0x80, s18, s6, $0xb8;
	[tilespmem:$0x1C500] =	vst v63  }
0x30: {  	_ =	swait.ge [sflag:s13], $0x4000  }
0x31: {  	[sflag:s13] =	ssyncset.done $0x0  }
0x32: {  	s19 =	sadd.s32 $0x1800, s31;
	[sflag:s13] =	ssyncadd.s32 $0xFFFFC000  }
0x33: {  	[hbm4b:s19+s3] =	stream.linear.scatter [tilespmem:s8], [sflag:$0x4], $0x4000, $0x38;
	[tilespmem:$0x1C500] =	vst v63  }
0x34: {  	_ =	swait.ge [sflag:s14], $0x4000  }
0x35: {  	[sflag:s14] =	ssyncset.done $0x0  }
0x36: {  	s20 =	simm.s32 $0x280;
	[sflag:s14] =	ssyncadd.s32 $0xFFFFC000  }
0x37: {  	[tilespmem:s8], [sflag:$0x2] =	stream.indirect.gather [spmem:s2], $0x80, s20, s6, $0xb8;
	[tilespmem:$0x1C500] =	vst v63  }
0x38: {  	_ =	swait.ge [sflag:s9], $0x4000  }
0x39: {  	[sflag:s9] =	ssyncset.done $0x0  }
0x3a: {  	s21 =	sadd.s32 $0x2000, s31;
	[sflag:s9] =	ssyncadd.s32 $0xFFFFC000  }
0x3b: {  	[hbm4b:s21+s3] =	stream.linear.scatter [tilespmem:s7], [sflag:$0x3], $0x4000, $0x38;
	[tilespmem:$0x1C500] =	vst v63  }
0x3c: {  	_ =	swait.ge [sflag:s11], $0x4000  }
0x3d: {  	[sflag:s11] =	ssyncset.done $0x0  }
0x3e: {  	s22 =	simm.s32 $0x300;
	[sflag:s11] =	ssyncadd.s32 $0xFFFFC000  }
0x3f: {  	[tilespmem:s7], [sflag:$0x1] =	stream.indirect.gather [spmem:s2], $0x80, s22, s6, $0xb8;
	[tilespmem:$0x1C500] =	vst v63  }
0x40: {  	_ =	swait.ge [sflag:s13], $0x4000  }
0x41: {  	[sflag:s13] =	ssyncset.done $0x0  }
0x42: {  	s23 =	sadd.s32 $0x2800, s31;
	[sflag:s13] =	ssyncadd.s32 $0xFFFFC000  }
0x43: {  	[hbm4b:s23+s3] =	stream.linear.scatter [tilespmem:s8], [sflag:$0x4], $0x4000, $0x38;
	[tilespmem:$0x1C500] =	vst v63  }
0x44: {  	_ =	swait.ge [sflag:s14], $0x4000  }
0x45: {  	[sflag:s14] =	ssyncset.done $0x0  }
0x46: {  	s24 =	simm.s32 $0x380;
	[sflag:s14] =	ssyncadd.s32 $0xFFFFC000  }
0x47: {  	[tilespmem:s8], [sflag:$0x2] =	stream.indirect.gather [spmem:s2], $0x80, s24, s6, $0xb8;
	[tilespmem:$0x1C500] =	vst v63  }
0x48: {  	_ =	swait.ge [sflag:s9], $0x4000  }
0x49: {  	[sflag:s9] =	ssyncset.done $0x0  }
0x4a: {  	s25 =	sadd.s32 $0x3000, s31;
	[sflag:s9] =	ssyncadd.s32 $0xFFFFC000  }
0x4b: {  	[hbm4b:s25+s3] =	stream.linear.scatter [tilespmem:s7], [sflag:$0x3], $0x4000, $0x38;
	[tilespmem:$0x1C500] =	vst v63  }
0x4c: {  	_ =	swait.ge [sflag:s11], $0x4000  }
0x4d: {  	[sflag:s11] =	ssyncset.done $0x0  }
0x4e: {  	s26 =	simm.s32 $0x400;
	[sflag:s11] =	ssyncadd.s32 $0xFFFFC000  }
0x4f: {  	[tilespmem:s7], [sflag:$0x1] =	stream.indirect.gather [spmem:s2], $0x80, s26, s6, $0xb8;
	[tilespmem:$0x1C500] =	vst v63  }
0x50: {  	_ =	swait.ge [sflag:s13], $0x4000  }
0x51: {  	[sflag:s13] =	ssyncset.done $0x0  }
0x52: {  	s28 =	sadd.s32 $0x3800, s31;
	[sflag:s13] =	ssyncadd.s32 $0xFFFFC000  }
0x53: {  	[hbm4b:s28+s3] =	stream.linear.scatter [tilespmem:s8], [sflag:$0x4], $0x4000, $0x38;
	[tilespmem:$0x1C500] =	vst v63  }
0x54: {  	_ =	swait.ge [sflag:s14], $0x4000  }
0x55: {  	[sflag:s14] =	ssyncset.done $0x0  }
0x56: {  	s29 =	simm.s32 $0x480;
	[sflag:s14] =	ssyncadd.s32 $0xFFFFC000  }
0x57: {  	[tilespmem:s8], [sflag:$0x2] =	stream.indirect.gather [spmem:s2], $0x80, s29, s6, $0xb8;
	[tilespmem:$0x1C500] =	vst v63  }
0x58: {  	_ =	swait.ge [sflag:s9], $0x4000  }
0x59: {  	s0 =	ssub.s32 $0x2, s12;
	[sflag:s9] =	ssyncset.done $0x0  }
0x5a: {  	s12 =	sshrl.u32 s0, $0x1;
	s30 =	sadd.s32 $0x4000, s31;
	[sflag:s9] =	ssyncadd.s32 $0xFFFFC000  }
0x5b: {  	[hbm4b:s30+s3] =	stream.linear.scatter [tilespmem:s7], [sflag:$0x3], $0x4000, $0x38;
	[tilespmem:$0x1C500] =	vst v63  }
0x5c: {  	s0 =	ssub.s32 s0, s12;
	_ =	swait.ge [sflag:s13], $0x4000  }
0x5d: {  	s0 =	smax.u32 s0, $0x1;
	[sflag:s13] =	ssyncset.done $0x0  }
0x5e: {  	p0 =	sne.s32 s0, $0x1;
	s31 =	sadd.s32 $0x4800, s31;
	[sflag:s13] =	ssyncadd.s32 $0xFFFFC000  }
0x5f: {  	[hbm4b:s31+s3] =	stream.linear.scatter [tilespmem:s8], [sflag:$0x4], $0x4000, $0x38;
	[tilespmem:$0x1C500] =	vst v63  }
.Ltmp0:
0x60: {  	_ =	swait.ge [sflag:s11], $0x4000;
	(pc) =	sbr.rel @!p0 .LBB2_2-.Ltmp0, $4  }
0x61: {  	[sflag:s11] =	ssyncset.done $0x0  }
0x62: {  	[sflag:s11] =	ssyncadd.s32 $0xFFFFC000  }
0x63: {  	_ =	swait.ge [sflag:s14], $0x4000  }
0x64: {  	s0 =	sadd.s32 $0xFFFFFFFF, s0;
	[sflag:s14] =	ssyncset.done $0x0  }
.LBB2_1:
0x65: {  	s1 =	rddreg [dreg:$0x4]  }
0x66: {  	[sflag:s14] =	ssyncadd.s32 $0xFFFFC000;
	s12 =	rddreg [dreg:$0x3]  }
0x67: {  	[spmem:s4], [sflag:s1] =	dma.local [hbm:s12], $0x2800  }
0x68: {  	_ =	swait.ge [sflag:s5], $0x2800  }
0x69: {  	[sflag:s5] =	ssyncset.done $0x0  }
0x6a: {  	s12 =	rddreg [dreg:$0x5];
	[sflag:s5] =	ssyncadd.s32 $0xFFFFD800  }
0x6b: {  	[tilespmem:s3], [sflag:$0x5] =	stream.linear.gather [hbm4b:s12+s3], $0x500, $0x38;
	[tilespmem:$0x1C500] =	vst v63  }
0x6c: {  	_ =	swait.ge [sflag:s5], $0x500  }
0x6d: {  	[sflag:s5] =	ssyncset.done $0x0  }
0x6e: {  	[sflag:s5] =	ssyncadd.s32 $0xFFFFFB00  }
0x6f: {  	[bflag:$0x0] =	sbarrier.arrive $0xFFFF  }
0x70: {  	[tilespmem:s7], [sflag:$0x1] =	stream.indirect.gather [spmem:s2], $0x80, s3, s6, $0xb8;
	[tilespmem:$0x1C500] =	vst v63  }
0x71: {  	_ = 	snop  }
0x72: {  	[tilespmem:s8], [sflag:$0x2] =	stream.indirect.gather [spmem:s2], $0x80, s6, s6, $0xb8;
	[tilespmem:$0x1C500] =	vst v63  }
0x73: {  	_ =	swait.ge [sflag:s9], $0x4000  }
0x74: {  	[sflag:s9] =	ssyncset.done $0x0  }
0x75: {  	[sflag:s9] =	ssyncadd.s32 $0xFFFFC000  }
0x76: {  	[hbm4b:s10+s3] =	stream.linear.scatter [tilespmem:s7], [sflag:$0x3], $0x4000, $0x38;
	[tilespmem:$0x1C500] =	vst v63  }
0x77: {  	_ =	swait.ge [sflag:s11], $0x4000  }
0x78: {  	[sflag:s11] =	ssyncset.done $0x0  }
0x79: {  	s12 =	simm.s32 $0x100;
	[sflag:s11] =	ssyncadd.s32 $0xFFFFC000  }
0x7a: {  	[tilespmem:s7], [sflag:$0x1] =	stream.indirect.gather [spmem:s2], $0x80, s12, s6, $0xb8;
	[tilespmem:$0x1C500] =	vst v63  }
0x7b: {  	_ =	swait.ge [sflag:s13], $0x4000  }
0x7c: {  	[sflag:s13] =	ssyncset.done $0x0  }
0x7d: {  	[sflag:s13] =	ssyncadd.s32 $0xFFFFC000  }
0x7e: {  	[hbm4b:s15+s3] =	stream.linear.scatter [tilespmem:s8], [sflag:$0x4], $0x4000, $0x38;
	[tilespmem:$0x1C500] =	vst v63  }
0x7f: {  	_ =	swait.ge [sflag:s14], $0x4000  }
0x80: {  	[sflag:s14] =	ssyncset.done $0x0  }
0x81: {  	[sflag:s14] =	ssyncadd.s32 $0xFFFFC000  }
0x82: {  	[tilespmem:s8], [sflag:$0x2] =	stream.indirect.gather [spmem:s2], $0x80, s16, s6, $0xb8;
	[tilespmem:$0x1C500] =	vst v63  }
0x83: {  	_ =	swait.ge [sflag:s9], $0x4000  }
0x84: {  	[sflag:s9] =	ssyncset.done $0x0  }
0x85: {  	[sflag:s9] =	ssyncadd.s32 $0xFFFFC000  }
0x86: {  	[hbm4b:s17+s3] =	stream.linear.scatter [tilespmem:s7], [sflag:$0x3], $0x4000, $0x38;
	[tilespmem:$0x1C500] =	vst v63  }
0x87: {  	_ =	swait.ge [sflag:s11], $0x4000  }
0x88: {  	[sflag:s11] =	ssyncset.done $0x0  }
0x89: {  	[sflag:s11] =	ssyncadd.s32 $0xFFFFC000  }
0x8a: {  	[tilespmem:s7], [sflag:$0x1] =	stream.indirect.gather [spmem:s2], $0x80, s18, s6, $0xb8;
	[tilespmem:$0x1C500] =	vst v63  }
0x8b: {  	_ =	swait.ge [sflag:s13], $0x4000  }
0x8c: {  	[sflag:s13] =	ssyncset.done $0x0  }
0x8d: {  	[sflag:s13] =	ssyncadd.s32 $0xFFFFC000  }
0x8e: {  	[hbm4b:s19+s3] =	stream.linear.scatter [tilespmem:s8], [sflag:$0x4], $0x4000, $0x38;
	[tilespmem:$0x1C500] =	vst v63  }
0x8f: {  	_ =	swait.ge [sflag:s14], $0x4000  }
0x90: {  	[sflag:s14] =	ssyncset.done $0x0  }
0x91: {  	[sflag:s14] =	ssyncadd.s32 $0xFFFFC000  }
0x92: {  	[tilespmem:s8], [sflag:$0x2] =	stream.indirect.gather [spmem:s2], $0x80, s20, s6, $0xb8;
	[tilespmem:$0x1C500] =	vst v63  }
0x93: {  	_ =	swait.ge [sflag:s9], $0x4000  }
0x94: {  	[sflag:s9] =	ssyncset.done $0x0  }
0x95: {  	[sflag:s9] =	ssyncadd.s32 $0xFFFFC000  }
0x96: {  	[hbm4b:s21+s3] =	stream.linear.scatter [tilespmem:s7], [sflag:$0x3], $0x4000, $0x38;
	[tilespmem:$0x1C500] =	vst v63  }
0x97: {  	_ =	swait.ge [sflag:s11], $0x4000  }
0x98: {  	[sflag:s11] =	ssyncset.done $0x0  }
0x99: {  	[sflag:s11] =	ssyncadd.s32 $0xFFFFC000  }
0x9a: {  	[tilespmem:s7], [sflag:$0x1] =	stream.indirect.gather [spmem:s2], $0x80, s22, s6, $0xb8;
	[tilespmem:$0x1C500] =	vst v63  }
0x9b: {  	_ =	swait.ge [sflag:s13], $0x4000  }
0x9c: {  	[sflag:s13] =	ssyncset.done $0x0  }
0x9d: {  	[sflag:s13] =	ssyncadd.s32 $0xFFFFC000  }
0x9e: {  	[hbm4b:s23+s3] =	stream.linear.scatter [tilespmem:s8], [sflag:$0x4], $0x4000, $0x38;
	[tilespmem:$0x1C500] =	vst v63  }
0x9f: {  	_ =	swait.ge [sflag:s14], $0x4000  }
0xa0: {  	[sflag:s14] =	ssyncset.done $0x0  }
0xa1: {  	[sflag:s14] =	ssyncadd.s32 $0xFFFFC000  }
0xa2: {  	[tilespmem:s8], [sflag:$0x2] =	stream.indirect.gather [spmem:s2], $0x80, s24, s6, $0xb8;
	[tilespmem:$0x1C500] =	vst v63  }
0xa3: {  	_ =	swait.ge [sflag:s9], $0x4000  }
0xa4: {  	[sflag:s9] =	ssyncset.done $0x0  }
0xa5: {  	[sflag:s9] =	ssyncadd.s32 $0xFFFFC000  }
0xa6: {  	[hbm4b:s25+s3] =	stream.linear.scatter [tilespmem:s7], [sflag:$0x3], $0x4000, $0x38;
	[tilespmem:$0x1C500] =	vst v63  }
0xa7: {  	_ =	swait.ge [sflag:s11], $0x4000  }
0xa8: {  	[sflag:s11] =	ssyncset.done $0x0  }
0xa9: {  	[sflag:s11] =	ssyncadd.s32 $0xFFFFC000  }
0xaa: {  	[tilespmem:s7], [sflag:$0x1] =	stream.indirect.gather [spmem:s2], $0x80, s26, s6, $0xb8;
	[tilespmem:$0x1C500] =	vst v63  }
0xab: {  	_ =	swait.ge [sflag:s13], $0x4000  }
0xac: {  	[sflag:s13] =	ssyncset.done $0x0  }
0xad: {  	[sflag:s13] =	ssyncadd.s32 $0xFFFFC000  }
0xae: {  	[hbm4b:s28+s3] =	stream.linear.scatter [tilespmem:s8], [sflag:$0x4], $0x4000, $0x38;
	[tilespmem:$0x1C500] =	vst v63  }
0xaf: {  	_ =	swait.ge [sflag:s14], $0x4000  }
0xb0: {  	[sflag:s14] =	ssyncset.done $0x0  }
0xb1: {  	[sflag:s14] =	ssyncadd.s32 $0xFFFFC000  }
0xb2: {  	[tilespmem:s8], [sflag:$0x2] =	stream.indirect.gather [spmem:s2], $0x80, s29, s6, $0xb8;
	[tilespmem:$0x1C500] =	vst v63  }
0xb3: {  	_ =	swait.ge [sflag:s9], $0x4000  }
0xb4: {  	[sflag:s9] =	ssyncset.done $0x0  }
0xb5: {  	[sflag:s9] =	ssyncadd.s32 $0xFFFFC000  }
0xb6: {  	[hbm4b:s30+s3] =	stream.linear.scatter [tilespmem:s7], [sflag:$0x3], $0x4000, $0x38;
	[tilespmem:$0x1C500] =	vst v63  }
0xb7: {  	_ =	swait.ge [sflag:s13], $0x4000  }
0xb8: {  	[sflag:s13] =	ssyncset.done $0x0  }
0xb9: {  	p0 =	sne.s32 s0, $0x1;
	[sflag:s13] =	ssyncadd.s32 $0xFFFFC000  }
0xba: {  	[hbm4b:s31+s3] =	stream.linear.scatter [tilespmem:s8], [sflag:$0x4], $0x4000, $0x38;
	[tilespmem:$0x1C500] =	vst v63  }
.Ltmp1:
0xbb: {  	_ =	swait.ge [sflag:s11], $0x4000;
	(pc) =	sbr.rel @p0 .LBB2_1-.Ltmp1, $4  }
0xbc: {  	[sflag:s11] =	ssyncset.done $0x0  }
0xbd: {  	[sflag:s11] =	ssyncadd.s32 $0xFFFFC000  }
0xbe: {  	_ =	swait.ge [sflag:s14], $0x4000  }
0xbf: {  	s0 =	sadd.s32 $0xFFFFFFFF, s0;
	[sflag:s14] =	ssyncset.done $0x0  }
.LBB2_2:
0xc0: {  	[sflag:s14] =	ssyncadd.s32 $0xFFFFC000  }
0xc1: {  	_ =	sfence.sel $0x180000  }
0xc2: {  	[bflag:$0x0] =	sbarrier.arrive $0xFFFF  }
0xc3: {  	_ =	strace $0x90000050  }
0xc4: {  	s0 =	stileid.u32;
	[bflag:$0x2] =	sbarrier.arrive $0xFFFF  }
0xc5: {  	p0 =	sne.s32 s0, $0x0;
	s0 =	rddreg [dreg:$0x2]  }
0xc6: {  	s0 =	sadd.s32 @!p0 $0x100000, s0  }
0xc7: {  	[sflag:s0] =	ssyncadd.tile.s32 @!p0 $0x1;
	_ =	shalt  }
.Lfunc_end2:
_tile_overlayer_lowered:
.L_overlay_start_2:
0xc8: {  	(tag) =	ssettag $0x2  }
0xc9: {  	s0 =	rddreg [dreg:$0x0];
	s2 =	stileid.u32  }
0xca: {  	s1 =	rddreg [dreg:$0x1];
	p0 =	sne.s32 s2, $0x0  }
0xcb: {  	s3 =	rddreg [dreg:$0x2];
	[bflag:$0x3] =	sbarrier.arrive $0xFFFF;
	s2 =	simm.s32 @!p0 $0x1C05  }
0xcc: {  	[timem:s3], [sflag:s2] =	dma.local @!p0 [hbm:s0], s1  }
0xcd: {  	s0 =	simm.s32 @!p0 $0x5  }
0xce: {  	_ =	swait.ge @!p0 [sflag:s0], s1  }
0xcf: {  	s1 =	ssub.s32 @!p0 $0x0, s1;
	[sflag:s0] =	ssyncset.done @!p0 $0x0  }
0xd0: {  	[sflag:s0] =	ssyncadd.s32 @!p0 s1  }
0xd1: {  	[bflag:$0x3] =	sbarrier.arrive $0xFFFF  }
0xd2: {  	_ =	shalt  }

</sc_bundles>
